<compile_context>
chip_gen: v7x
topology: tpu7x:2x2x1
jax: 0.10.2.dev20260603
libtpu: 0.0.44.dev20260713+nightly
codegen_flags: <defaults>
</compile_context>

<pallas_src>
import functools

import numpy as np
import jax
import jax.numpy as jnp
from jax import lax
from jax.experimental import pallas as pl
from jax.experimental.pallas import tpu as pltpu
from jax.experimental.pallas import tpu_sc as plsc

_NUM_RBF = 128
_CUTOFF = 5.0
_DELTA = _CUTOFF / (_NUM_RBF - 1)
_COEFF = -0.5 / (2.0 * _DELTA) ** 2
_S2 = float(1.0 / np.sqrt(2.0))
_S6 = float(1.0 / np.sqrt(6.0))

_B2_NZ = (
    (((0, 1), _S2), ((1, 0), _S2)),
    (((1, 2), _S2), ((2, 1), _S2)),
    (((0, 0), -_S6), ((1, 1), -_S6), ((2, 2), 2.0 * _S6)),
    (((0, 2), _S2), ((2, 0), _S2)),
    (((0, 0), _S2), ((1, 1), -_S2)),
)


def _silu(x):
    return x * jax.nn.sigmoid(x)


def _wig_entries(vx, vy, vz):
    n = jnp.sqrt(vx * vx + vy * vy + vz * vz)
    inv = 1.0 / (n + 1e-12)
    hx, hy, hz = vx * inv, vy * inv, vz * inv
    near = jnp.abs(hz) > 0.99
    rx = jnp.where(near, 1.0, 0.0)
    rz = jnp.where(near, 0.0, 1.0)
    ax_ = hy * rz
    ay_ = hz * rx - hx * rz
    az_ = -hy * rx
    an = jnp.sqrt(ax_ * ax_ + ay_ * ay_ + az_ * az_)
    ainv = 1.0 / (an + 1e-12)
    ax, ay, az = ax_ * ainv, ay_ * ainv, az_ * ainv
    cx = ay * hz - az * hy
    cy = az * hx - ax * hz
    cz = ax * hy - ay * hx
    R = ((ax, ay, az), (hx, hy, hz), (cx, cy, cz))
    p = (1, 2, 0)
    D1 = [R[p[i]][p[l]] for i in range(3) for l in range(3)]
    prod = {}

    def rr(a_, b_, d_, c_):
        key = (a_, b_, d_, c_)
        if key not in prod:
            prod[key] = R[a_][b_] * R[d_][c_]
        return prod[key]

    D2 = []
    for nn in range(5):
        for mm in range(5):
            acc = None
            for (aa, dd), bv in _B2_NZ[nn]:
                for (bb, cc), bv2 in _B2_NZ[mm]:
                    term = (bv * bv2) * rr(aa, bb, dd, cc)
                    acc = term if acc is None else acc + term
            D2.append(acc)
    d = jnp.sqrt(n * n + 1e-24)
    xq = d * (1.0 / _CUTOFF)
    x5 = xq * xq * xq * xq * xq
    env = jnp.where(xq < 1.0, 1.0 - 21.0 * x5 + 35.0 * x5 * xq - 15.0 * x5 * xq * xq, 0.0)
    return D1 + D2 + [env, d]


def _edge_a_kernel(evt_ref, se_ref, re_ref, Wed0_ref, bed0_ref, Wed1_ref,
                   bed1_ref, Wed2_ref, radW0_ref, radb0_ref, radW1_ref,
                   radb1_ref, xg_ref, wig_ref, rad_ref):
    B = se_ref.shape[0]
    vx = evt_ref[0:1, :]
    vy = evt_ref[1:2, :]
    vz = evt_ref[2:3, :]
    rows = _wig_entries(vx, vy, vz)
    rows.extend([jnp.zeros((1, B), jnp.float32)] * 4)
    wig_t = jnp.concatenate(rows, axis=0)
    wig_ref[...] = wig_t
    wig_bt = wig_t.T
    d_b1 = wig_bt[:, 35:36]
    env_b1 = wig_bt[:, 34:35]
    offs = jax.lax.broadcasted_iota(jnp.int32, (1, _NUM_RBF), 1).astype(jnp.float32) * _DELTA
    rbf = jnp.exp(_COEFF * (d_b1 - offs) ** 2)
    ee = jnp.concatenate([rbf, se_ref[:, :64], re_ref[:, 64:128]], axis=1)
    h = _silu(jnp.dot(ee, Wed0_ref[...], preferred_element_type=jnp.float32) + bed0_ref[...])
    h = _silu(jnp.dot(h, Wed1_ref[...], preferred_element_type=jnp.float32) + bed1_ref[...])
    h3 = jnp.dot(h, Wed2_ref[...], preferred_element_type=jnp.float32)
    rad = jnp.dot(_silu(jnp.dot(ee, radW0_ref[...], preferred_element_type=jnp.float32) + radb0_ref[...]),
                  radW1_ref[...], preferred_element_type=jnp.float32) + radb1_ref[...]
    rad_ref[...] = rad.T
    ha = h3[:, 0:64]
    hb = h3[:, 64:128]
    hc = h3[:, 128:192]
    envb = jnp.broadcast_to(env_b1, (B, 64))
    pieces = [ha * envb]
    for l in range(3):
        wbk = jnp.broadcast_to(wig_bt[:, 3 + l:4 + l], (B, 64))
        pieces.append(wbk * envb * hb)
    for m in range(5):
        wbk = jnp.broadcast_to(wig_bt[:, 19 + m:20 + m], (B, 64))
        pieces.append(wbk * envb * hc)
    xg = jnp.concatenate(pieces, axis=1)
    xg_ref[...] = jnp.concatenate([xg, jnp.zeros((B, 64), jnp.float32)], axis=1)


def _sh_ln_flat(nf, g_ref, b_ref, eps=1e-5):
    x0 = nf[:, :64]
    mu = jnp.mean(x0, axis=1, keepdims=True)
    var = jnp.mean((x0 - mu) ** 2, axis=1, keepdims=True)
    y0 = (x0 - mu) * jax.lax.rsqrt(var + eps) * g_ref[0:1, :] + b_ref[...]
    x1 = nf[:, 64:256]
    r1 = jax.lax.rsqrt(jnp.mean(x1 * x1, axis=1, keepdims=True) + eps)
    y1 = x1 * r1 * jnp.tile(g_ref[1:2, :], (1, 3))
    x2 = nf[:, 256:576]
    r2 = jax.lax.rsqrt(jnp.mean(x2 * x2, axis=1, keepdims=True) + eps)
    y2 = x2 * r2 * jnp.tile(g_ref[2:3, :], (1, 5))
    return jnp.concatenate([y0, y1, y2], axis=1)


def _node_b_kernel(nf0_ref, s1_ref, g_ref, b_ref, res_ref, x_ref):
    s = s1_ref[:, :576] * 0.2
    nf = jnp.concatenate([nf0_ref[...] + s[:, :64], s[:, 64:]], axis=1)
    res_ref[...] = nf
    xln = _sh_ln_flat(nf, g_ref, b_ref)
    xr16 = xln.astype(jnp.bfloat16).astype(jnp.float32)
    u = jax.lax.bitcast_convert_type(xr16, jnp.uint32)
    hi = u[:, 0:288]
    lo = u[:, 288:576]
    packed = hi | (lo >> 16)
    packed = jnp.concatenate(
        [packed, jnp.zeros((xln.shape[0], 96), jnp.uint32)], axis=1)
    x_ref[...] = jax.lax.bitcast_convert_type(packed, jnp.float32)


def _apply_wig_t(wigt, x9, inv):
    out = [x9[0]]
    for i in range(3):
        acc = None
        for j in range(3):
            k = (3 * j + i) if inv else (3 * i + j)
            t = wigt[k:k + 1, :] * x9[1 + j]
            acc = t if acc is None else acc + t
        out.append(acc)
    for nn in range(5):
        acc = None
        for mm in range(5):
            k = 9 + (5 * mm + nn if inv else 5 * nn + mm)
            t = wigt[k:k + 1, :] * x9[4 + mm]
            acc = t if acc is None else acc + t
        out.append(acc)
    return out


def _edge_c_kernel(xs_ref, xr_ref, wig_ref, rad_ref, W1t_ref, Wgt_ref,
                   W2t_ref, out_ref):
    B = xs_ref.shape[0]
    wigt = wig_ref[...]
    def unpack(ref):
        u = jax.lax.bitcast_convert_type(ref[:, 0:288], jnp.uint32)
        hi = jax.lax.bitcast_convert_type(u & jnp.uint32(0xFFFF0000),
                                          jnp.float32)
        lo = jax.lax.bitcast_convert_type(u << 16, jnp.float32)
        return jnp.concatenate([hi, lo], axis=1)

    xsT = unpack(xs_ref).T
    xrT = unpack(xr_ref).T
    xs9 = [xsT[64 * i:64 * (i + 1), :] for i in range(9)]
    xr9 = [xrT[64 * i:64 * (i + 1), :] for i in range(9)]
    xs = _apply_wig_t(wigt, xs9, inv=False)
    xr = _apply_wig_t(wigt, xr9, inv=False)
    radt = rad_ref[...]
    cols = [jnp.concatenate([xs[i], xr[i]], axis=0) * radt for i in range(9)]
    msg = jnp.concatenate(cols, axis=1)
    m1 = jnp.dot(W1t_ref[...], msg, preferred_element_type=jnp.float32)
    s = m1[:, 0:B]
    g = jax.nn.sigmoid(jnp.dot(Wgt_ref[...], s, preferred_element_type=jnp.float32))
    m2 = jnp.concatenate([_silu(s), m1[:, B:] * jnp.tile(g, (1, 8))], axis=1)
    m3 = jnp.dot(W2t_ref[...], m2, preferred_element_type=jnp.float32)
    m9 = [m3[:, i * B:(i + 1) * B] for i in range(9)]
    outp = _apply_wig_t(wigt, m9, inv=True)
    env = wigt[34:35, :]
    mgT = jnp.concatenate([o * env for o in outp], axis=0)
    mg = mgT.T
    out_ref[...] = jnp.concatenate([mg, jnp.zeros((B, 64), jnp.float32)], axis=1)


def _node_d_kernel(res_ref, s2_ref, ln2g_ref, ln2b_ref, A1_ref, bA1_ref,
                   Ag_ref, A2_ref, bA2_ref, lnfg_ref, lnfb_ref, out_ref):
    Bn = res_ref.shape[0]
    nf = res_ref[...] + s2_ref[:, :576]
    x = _sh_ln_flat(nf, ln2g_ref, ln2b_ref)
    xs = jnp.concatenate([x[:, 64 * i:64 * (i + 1)] for i in range(9)], axis=0)
    hh = jnp.dot(xs, A1_ref[...], preferred_element_type=jnp.float32) + bA1_ref[...]
    s = hh[0:Bn]
    g = jax.nn.sigmoid(jnp.dot(s, Ag_ref[...], preferred_element_type=jnp.float32))
    hh2 = jnp.concatenate([_silu(s), hh[Bn:] * jnp.tile(g, (8, 1))], axis=0)
    hh3 = jnp.dot(hh2, A2_ref[...], preferred_element_type=jnp.float32) + bA2_ref[...]
    nf2 = nf + jnp.concatenate([hh3[i * Bn:(i + 1) * Bn] for i in range(9)], axis=1)
    out_ref[...] = _sh_ln_flat(nf2, lnfg_ref, lnfb_ref)



_W = 128
_NP = 10240
_NS = 5
_SPC = 3


def _sc_segsum(rows, idx2d, zeros, n_pad):
    E = rows.shape[0]
    n_win = E // _W
    kmax = (n_win + 15) // 16
    mesh = plsc.VectorSubcoreMesh(core_axis_name="c", subcore_axis_name="s")

    @functools.partial(
        pl.kernel,
        out_type=jax.ShapeDtypeStruct((n_pad, _NS * _W), jnp.float32),
        mesh=mesh,
        scratch_types=[
            pltpu.VMEM((_W,), jnp.int32),
            pltpu.VMEM((_W,), jnp.int32),
            pltpu.VMEM((_W, _W), jnp.float32),
            pltpu.VMEM((_W, _W), jnp.float32),
            pltpu.VMEM_SHARED((n_pad, _W), jnp.float32),
            pltpu.SemaphoreType.DMA,
            pltpu.SemaphoreType.DMA,
        ],
    )
    def seg(rows_hbm, idx_hbm, zeros_hbm, out_hbm, idx_v0, idx_v1, rows_v0,
            rows_v1, acc, sem0, sem1):
        cid = lax.axis_index("c")
        sid = lax.axis_index("s")
        stripe = n_pad // 16
        idx_b = (idx_v0, idx_v1)
        row_b = (rows_v0, rows_v1)
        sems = (sem0, sem1)
        for j in range(_SPC):
            strip = cid * _SPC + j

            @pl.when(strip < _NS)
            def _(strip=strip):
                pltpu.sync_copy(zeros_hbm,
                                acc.at[pl.ds(sid * stripe, stripe)])
                plsc.subcore_barrier()

                def cps(k, slot):
                    w = sid + 16 * k
                    return (
                        pltpu.make_async_copy(idx_hbm.at[w], idx_b[slot],
                                              sems[slot]),
                        pltpu.make_async_copy(
                            rows_hbm.at[pl.ds(w * _W, _W),
                                        pl.ds(strip * _W, _W)],
                            row_b[slot], sems[slot]),
                    )

                for s0 in range(2):
                    @pl.when(sid + 16 * s0 < n_win)
                    def _(s0=s0):
                        a, b = cps(s0, s0)
                        a.start()
                        b.start()

                @pl.loop(0, (kmax + 1) // 2)
                def _(kk):
                    for slot in range(2):
                        k = 2 * kk + slot
                        w = sid + 16 * k

                        @pl.when(w < n_win)
                        def _(k=k, slot=slot, w=w):
                            a, b = cps(k, slot)
                            a.wait()
                            b.wait()
                            pltpu.sync_copy(row_b[slot], acc.at[idx_b[slot]],
                                            add=True)

                            @pl.when(w + 32 < n_win)
                            def _():
                                a2, b2 = cps(k + 2, slot)
                                a2.start()
                                b2.start()

                plsc.subcore_barrier()
                pltpu.sync_copy(
                    acc.at[pl.ds(sid * stripe, stripe)],
                    out_hbm.at[pl.ds(sid * stripe, stripe),
                               pl.ds(strip * _W, _W)])
                plsc.subcore_barrier()

    return seg(rows, idx2d, zeros)


def _sc_gather2(table, idx_a2d, idx_b2d):
    D = table.shape[1]
    dt = table.dtype
    n_win = idx_a2d.shape[0]
    E = n_win * _W
    kmax = (n_win + 31) // 32
    mesh = plsc.VectorSubcoreMesh(core_axis_name="c", subcore_axis_name="s")

    @functools.partial(
        pl.kernel,
        out_type=[jax.ShapeDtypeStruct((E, D), dt),
                  jax.ShapeDtypeStruct((E, D), dt)],
        mesh=mesh,
        scratch_types=[
            pltpu.VMEM((_W,), jnp.int32),
            pltpu.VMEM((_W,), jnp.int32),
            pltpu.VMEM((_W, D), dt),
            pltpu.VMEM((_W, D), dt),
            pltpu.SemaphoreType.DMA,
            pltpu.SemaphoreType.DMA,
            pltpu.SemaphoreType.DMA,
            pltpu.SemaphoreType.DMA,
        ],
    )
    def gat(tab_hbm, ia_hbm, ib_hbm, oa_hbm, ob_hbm, ia_v, ib_v, ra_v, rb_v,
            sia, sib, sga, sgb):
        cid = lax.axis_index("c")
        sid = lax.axis_index("s")
        wid = cid * 16 + sid

        @pl.when(wid < n_win)
        def _():
            pltpu.make_async_copy(ia_hbm.at[wid], ia_v, sia).start()
            pltpu.make_async_copy(ib_hbm.at[wid], ib_v, sib).start()

        @pl.loop(0, kmax)
        def _(k):
            w = wid + 32 * k

            @pl.when(w < n_win)
            def _():
                pltpu.make_async_copy(ia_hbm.at[w], ia_v, sia).wait()
                pltpu.make_async_copy(ib_hbm.at[w], ib_v, sib).wait()
                ga = pltpu.make_async_copy(tab_hbm.at[ia_v], ra_v, sga)
                gb = pltpu.make_async_copy(tab_hbm.at[ib_v], rb_v, sgb)
                ga.start()
                gb.start()
                ga.wait()
                pltpu.sync_copy(ra_v, oa_hbm.at[pl.ds(w * _W, _W)])
                gb.wait()
                pltpu.sync_copy(rb_v, ob_hbm.at[pl.ds(w * _W, _W)])

                @pl.when(w + 32 < n_win)
                def _():
                    pltpu.make_async_copy(ia_hbm.at[w + 32], ia_v, sia).start()
                    pltpu.make_async_copy(ib_hbm.at[w + 32], ib_v, sib).start()

    return gat(table, idx_a2d, idx_b2d)


def _species_kernel(sp_ref, tab_ref, csd_ref, nf0_ref, t1_ref):
    Bn = sp_ref.shape[2]
    sp = sp_ref[0].T
    lanes = jax.lax.broadcasted_iota(jnp.int32, (Bn, 128), 1)
    oh = jnp.where(lanes == sp, 1.0, 0.0)
    emb = jnp.dot(oh, tab_ref[...], preferred_element_type=jnp.float32)
    i = pl.program_id(0)
    per_sys = (pl.num_programs(0) * Bn) // 4
    row = jax.lax.broadcasted_iota(jnp.int32, (Bn, 4), 0) + i * Bn
    sysid = jax.lax.broadcasted_iota(jnp.int32, (1, 4), 1)
    ohsys = jnp.where(row // per_sys == sysid, 1.0, 0.0)
    csd = jnp.dot(ohsys, csd_ref[...], preferred_element_type=jnp.float32)
    nf0_ref[...] = emb[:, 0:64] + csd
    t1_ref[...] = emb[:, 64:192]


def _full(shape):
    return pl.BlockSpec(shape, lambda i: tuple(0 for _ in shape))


def kernel(edge_vectors, csd_mixed_emb, sphere_emb, senders_emb, receivers_emb,
           W_ed0, b_ed0, W_ed1, b_ed1, W_ed2, ln1_g, ln1_b, rad_W0, rad_b0,
           rad_W1, rad_b1, W1, Wg, W2, ln2_g, ln2_b, A1, bA1, Ag, A2, bA2,
           lnf_g, lnf_b, node_species, senders, receivers, n_node):
    N = node_species.shape[0]
    E = senders.shape[0]
    C = csd_mixed_emb.shape[1]
    f32 = jnp.float32

    Bn0 = 1000 if N % 1000 == 0 else N
    sp_tab = jnp.zeros((128, 192), f32)
    sp_tab = sp_tab.at[:sphere_emb.shape[0], 0:64].set(sphere_emb)
    sp_tab = sp_tab.at[:sphere_emb.shape[0], 64:128].set(senders_emb)
    sp_tab = sp_tab.at[:sphere_emb.shape[0], 128:192].set(receivers_emb)
    nf0, T1 = pl.pallas_call(
        _species_kernel,
        grid=(N // Bn0,),
        in_specs=[
            pl.BlockSpec((1, 1, Bn0), lambda i: (i, 0, 0)),
            _full((128, 192)),
            _full(csd_mixed_emb.shape),
        ],
        out_specs=[
            pl.BlockSpec((Bn0, 64), lambda i: (i, 0)),
            pl.BlockSpec((Bn0, 128), lambda i: (i, 0)),
        ],
        out_shape=[
            jax.ShapeDtypeStruct((N, 64), f32),
            jax.ShapeDtypeStruct((N, 128), f32),
        ],
    )(node_species.astype(jnp.int32).reshape(N // Bn0, 1, Bn0), sp_tab,
      csd_mixed_emb)

    B = 640 if E % 640 == 0 else E
    Bn = 1000 if N % 1000 == 0 else N
    n_win = E // _W
    senders2d = senders.astype(jnp.int32).reshape(n_win, _W)
    receivers2d = receivers.astype(jnp.int32).reshape(n_win, _W)
    se, re = _sc_gather2(T1, senders2d, receivers2d)
    evt = edge_vectors.T
    b_ed0_2 = b_ed0.reshape(1, -1)
    b_ed1_2 = b_ed1.reshape(1, -1)
    rad_b0_2 = rad_b0.reshape(1, -1)
    rad_b1_2 = rad_b1.reshape(1, -1)

    xglob, wigc, rad = pl.pallas_call(
        _edge_a_kernel,
        grid=(E // B,),
        in_specs=[
            pl.BlockSpec((3, B), lambda i: (0, i)),
            pl.BlockSpec((B, 128), lambda i: (i, 0)),
            pl.BlockSpec((B, 128), lambda i: (i, 0)),
            _full(W_ed0.shape), _full((1, 64)),
            _full(W_ed1.shape), _full((1, 64)),
            _full(W_ed2.shape),
            _full(rad_W0.shape), _full((1, 64)),
            _full(rad_W1.shape), _full((1, 128)),
        ],
        out_specs=[
            pl.BlockSpec((B, 640), lambda i: (i, 0)),
            pl.BlockSpec((40, B), lambda i: (0, i)),
            pl.BlockSpec((128, B), lambda i: (0, i)),
        ],
        out_shape=[
            jax.ShapeDtypeStruct((E, 640), f32),
            jax.ShapeDtypeStruct((40, E), f32),
            jax.ShapeDtypeStruct((128, E), f32),
        ],
    )(evt, se, re, W_ed0, b_ed0_2, W_ed1, b_ed1_2, W_ed2, rad_W0, rad_b0_2,
      rad_W1, rad_b1_2)

    idx2d = receivers2d
    sc_zeros = jnp.zeros((_NP // 16, _W), jnp.float32)

    s1 = _sc_segsum(xglob, idx2d, sc_zeros, _NP)[:N]

    lnb1 = ln1_b.reshape(1, -1)
    res, x = pl.pallas_call(
        _node_b_kernel,
        grid=(N // Bn,),
        in_specs=[
            pl.BlockSpec((Bn, 64), lambda i: (i, 0)),
            pl.BlockSpec((Bn, 640), lambda i: (i, 0)),
            _full(ln1_g.shape), _full((1, 64)),
        ],
        out_specs=[
            pl.BlockSpec((Bn, 576), lambda i: (i, 0)),
            pl.BlockSpec((Bn, 384), lambda i: (i, 0)),
        ],
        out_shape=[
            jax.ShapeDtypeStruct((N, 576), f32),
            jax.ShapeDtypeStruct((N, 384), f32),
        ],
    )(nf0, s1, ln1_g, lnb1)

    xs_raw, xr_raw = _sc_gather2(x, senders2d, receivers2d)

    msgglob = pl.pallas_call(
        _edge_c_kernel,
        grid=(E // B,),
        in_specs=[
            pl.BlockSpec((B, 384), lambda i: (i, 0)),
            pl.BlockSpec((B, 384), lambda i: (i, 0)),
            pl.BlockSpec((40, B), lambda i: (0, i)),
            pl.BlockSpec((128, B), lambda i: (0, i)),
            _full((64, 128)), _full(Wg.shape), _full(W2.shape),
        ],
        out_specs=pl.BlockSpec((B, 640), lambda i: (i, 0)),
        out_shape=jax.ShapeDtypeStruct((E, 640), f32),
    )(xs_raw, xr_raw, wigc, rad, W1.T, Wg.T, W2.T)

    s2 = _sc_segsum(msgglob, idx2d, sc_zeros, _NP)[:N]

    out = pl.pallas_call(
        _node_d_kernel,
        grid=(N // Bn,),
        in_specs=[
            pl.BlockSpec((Bn, 576), lambda i: (i, 0)),
            pl.BlockSpec((Bn, 640), lambda i: (i, 0)),
            _full(ln2_g.shape), _full((1, 64)),
            _full(A1.shape), _full((1, 64)),
            _full(Ag.shape),
            _full(A2.shape), _full((1, 64)),
            _full(lnf_g.shape), _full((1, 64)),
        ],
        out_specs=pl.BlockSpec((Bn, 576), lambda i: (i, 0)),
        out_shape=jax.ShapeDtypeStruct((N, 576), f32),
    )(res, s2, ln2_g, ln2_b.reshape(1, -1), A1, bA1.reshape(1, -1), Ag, A2,
      bA2.reshape(1, -1), lnf_g, lnf_b.reshape(1, -1))

    return out.reshape(N, 9, C)

# --- scband reference (transcript-rebuilt; emitter-appended) ---
"""Pipeline reference for scband-umablock-30176440222433 (READ-ONLY COPY).

The authoritative reference and input builder live on the scoring server;
editing this copy changes nothing except your own understanding.
"""

import jax, jax.numpy as jnp
import numpy as np

N_NODES = 10000
N_EDGES = 160000
C = 64
H = 64
EC = 64
NUM_RBF = 128
CUTOFF = 5.0
NSYS = 4
NSPECIES = 100
EIN = NUM_RBF + 2 * EC

_B2 = np.zeros((5, 3, 3), dtype=np.float32)
_s2 = 1.0 / np.sqrt(2.0)
_s6 = 1.0 / np.sqrt(6.0)
_B2[0, 0, 1] = _B2[0, 1, 0] = _s2
_B2[1, 1, 2] = _B2[1, 2, 1] = _s2
_B2[2, 0, 0] = -_s6; _B2[2, 1, 1] = -_s6; _B2[2, 2, 2] = 2.0 * _s6
_B2[3, 0, 2] = _B2[3, 2, 0] = _s2
_B2[4, 0, 0] = _s2; _B2[4, 1, 1] = -_s2
_P1 = np.array([[0., 1., 0.], [0., 0., 1.], [1., 0., 0.]], dtype=np.float32)


def _envelope(d):
    x = d / CUTOFF
    env = 1.0 - 21.0 * x**5 + 35.0 * x**6 - 15.0 * x**7
    return jnp.where(x < 1.0, env, 0.0)


def _rbf(d):
    offsets = jnp.linspace(0.0, CUTOFF, NUM_RBF)
    delta = offsets[1] - offsets[0]
    coeff = -0.5 / (delta * 2.0) ** 2
    return jnp.exp(coeff * (d[:, None] - offsets[None, :]) ** 2)


def _wigner(v):
    n = jnp.linalg.norm(v, axis=-1, keepdims=True)
    vhat = v / (n + 1e-12)
    ez = jnp.array([0.0, 0.0, 1.0], v.dtype)
    ex = jnp.array([1.0, 0.0, 0.0], v.dtype)
    near = jnp.abs(vhat[:, 2:3]) > 0.99
    ref = jnp.where(near, ex[None, :], ez[None, :])
    a = jnp.cross(vhat, ref)
    a = a / (jnp.linalg.norm(a, axis=-1, keepdims=True) + 1e-12)
    c = jnp.cross(a, vhat)
    R = jnp.stack([a, vhat, c], axis=1)
    B = jnp.asarray(_B2)
    P = jnp.asarray(_P1)
    D1 = jnp.einsum('ij,ejk,lk->eil', P, R, P)
    RB = jnp.einsum('eab,mbc->emac', R, B)
    RBR = jnp.einsum('emac,edc->emad', RB, R)
    D2 = jnp.einsum('nad,emad->enm', B, RBR)
    E = v.shape[0]
    W = jnp.zeros((E, 9, 9), v.dtype)
    W = W.at[:, 0, 0].set(1.0)
    W = W.at[:, 1:4, 1:4].set(D1)
    W = W.at[:, 4:9, 4:9].set(D2)
    return W


def _sh_ln(x, g, b, eps=1e-5):
    x0 = x[:, 0, :]
    mu = jnp.mean(x0, axis=-1, keepdims=True)
    var = jnp.var(x0, axis=-1, keepdims=True)
    y0 = (x0 - mu) / jnp.sqrt(var + eps) * g[0] + b
    x1 = x[:, 1:4, :]
    r1 = jnp.sqrt(jnp.mean(x1**2, axis=(1, 2), keepdims=True) + eps)
    y1 = x1 / r1 * g[1]
    x2 = x[:, 4:9, :]
    r2 = jnp.sqrt(jnp.mean(x2**2, axis=(1, 2), keepdims=True) + eps)
    y2 = x2 / r2 * g[2]
    return jnp.concatenate([y0[:, None, :], y1, y2], axis=1)


def _gate(x, Wg):
    s = x[:, 0, :]
    g = jax.nn.sigmoid(s @ Wg)
    return jnp.concatenate([jax.nn.silu(s)[:, None, :], x[:, 1:, :] * g[:, None, :]], axis=1)


def _forward(edge_vectors, csd_mixed_emb, sphere_emb, senders_emb, receivers_emb, W_ed0, b_ed0, W_ed1, b_ed1, W_ed2, ln1_g, ln1_b, rad_W0, rad_b0, rad_W1, rad_b1, W1, Wg, W2, ln2_g, ln2_b, A1, bA1, Ag, A2, bA2, lnf_g, lnf_b, node_species, senders, receivers, n_node):
    N = node_species.shape[0]
    wig = _wigner(edge_vectors)
    wig_inv = jnp.swapaxes(wig, 1, 2)
    nf_scalar = sphere_emb[node_species]
    batch = jnp.repeat(jnp.arange(n_node.shape[0]), n_node, total_repeat_length=N)
    nf_scalar = nf_scalar + csd_mixed_emb[batch]
    nf = jnp.concatenate([nf_scalar[:, None, :], jnp.zeros((N, 8, C), nf_scalar.dtype)], axis=1)
    d = jnp.sqrt(jnp.sum(edge_vectors**2, axis=-1) + 1e-24)
    env = _envelope(d)[:, None, None]
    rbf = _rbf(d)
    se = senders_emb[node_species[senders]]
    re = receivers_emb[node_species[receivers]]
    edge_embeds = jnp.concatenate([rbf, se, re], axis=1)
    h = jax.nn.silu(edge_embeds @ W_ed0 + b_ed0)
    h = jax.nn.silu(h @ W_ed1 + b_ed1)
    h = (h @ W_ed2).reshape(-1, 3, C)
    x_edge = jnp.zeros((edge_vectors.shape[0], 9, C), h.dtype)
    x_edge = x_edge.at[:, jnp.array([0, 2, 6]), :].set(h)
    x_glob = jnp.einsum('eij,ejc->eic', wig_inv, x_edge) * env
    nf = nf + jax.ops.segment_sum(x_glob, receivers, num_segments=N) / 5.0
    res = nf
    x = _sh_ln(nf, ln1_g, ln1_b)
    xs = jnp.einsum('eij,ejc->eic', wig, x[senders])
    xr = jnp.einsum('eij,ejc->eic', wig, x[receivers])
    msg = jnp.concatenate([xs, xr], axis=-1)
    rad = jax.nn.silu(edge_embeds @ rad_W0 + rad_b0) @ rad_W1 + rad_b1
    msg = msg * rad[:, None, :]
    msg = msg @ W1
    msg = _gate(msg, Wg)
    msg = msg @ W2
    msg = jnp.einsum('eij,ejc->eic', wig_inv, msg) * env
    nf = res + jax.ops.segment_sum(msg, receivers, num_segments=N)
    res = nf
    x = _sh_ln(nf, ln2_g, ln2_b)
    hh = x @ A1 + bA1
    hh = _gate(hh, Ag)
    hh = hh @ A2 + bA2
    nf = res + hh
    return _sh_ln(nf, lnf_g, lnf_b)


def setup_inputs(seed=0):
    key = jax.random.key(seed)
    ks = jax.random.split(key, 30)
    inp = {}
    inp['edge_vectors'] = jax.random.normal(ks[0], (N_EDGES, 3), jnp.float32) * 1.5
    inp['csd_mixed_emb'] = jax.random.normal(ks[1], (NSYS, C), jnp.float32) * 0.1
    inp['sphere_emb'] = jax.random.normal(ks[2], (NSPECIES, C), jnp.float32) * 0.1
    inp['senders_emb'] = jax.random.uniform(ks[3], (NSPECIES, EC), jnp.float32, -0.001, 0.001)
    inp['receivers_emb'] = jax.random.uniform(ks[4], (NSPECIES, EC), jnp.float32, -0.001, 0.001)
    inp['W_ed0'] = jax.random.normal(ks[5], (EIN, EC), jnp.float32) / np.sqrt(EIN)
    inp['b_ed0'] = jnp.zeros((EC,), jnp.float32)
    inp['W_ed1'] = jax.random.normal(ks[6], (EC, EC), jnp.float32) / np.sqrt(EC)
    inp['b_ed1'] = jnp.zeros((EC,), jnp.float32)
    inp['W_ed2'] = jax.random.normal(ks[7], (EC, 3 * C), jnp.float32) / np.sqrt(EC)
    inp['ln1_g'] = jnp.ones((3, C), jnp.float32)
    inp['ln1_b'] = jnp.zeros((C,), jnp.float32)
    inp['rad_W0'] = jax.random.normal(ks[8], (EIN, EC), jnp.float32) / np.sqrt(EIN)
    inp['rad_b0'] = jnp.zeros((EC,), jnp.float32)
    inp['rad_W1'] = jax.random.normal(ks[9], (EC, 2 * C), jnp.float32) / np.sqrt(EC)
    inp['rad_b1'] = jnp.ones((2 * C,), jnp.float32)
    inp['W1'] = jax.random.normal(ks[10], (2 * C, H), jnp.float32) / np.sqrt(2 * C)
    inp['Wg'] = jax.random.normal(ks[11], (H, H), jnp.float32) / np.sqrt(H)
    inp['W2'] = jax.random.normal(ks[12], (H, C), jnp.float32) / np.sqrt(H)
    inp['ln2_g'] = jnp.ones((3, C), jnp.float32)
    inp['ln2_b'] = jnp.zeros((C,), jnp.float32)
    inp['A1'] = jax.random.normal(ks[13], (C, H), jnp.float32) / np.sqrt(C)
    inp['bA1'] = jnp.zeros((H,), jnp.float32)
    inp['Ag'] = jax.random.normal(ks[14], (H, H), jnp.float32) / np.sqrt(H)
    inp['A2'] = jax.random.normal(ks[15], (H, C), jnp.float32) / np.sqrt(H)
    inp['bA2'] = jnp.zeros((C,), jnp.float32)
    inp['lnf_g'] = jnp.ones((3, C), jnp.float32)
    inp['lnf_b'] = jnp.zeros((C,), jnp.float32)
    inp['node_species'] = jax.random.randint(ks[16], (N_NODES,), 0, NSPECIES)
    inp['senders'] = jax.random.randint(ks[17], (N_EDGES,), 0, N_NODES)
    inp['receivers'] = jax.random.randint(ks[18], (N_EDGES,), 0, N_NODES)
    inp['n_node'] = jnp.full((NSYS,), N_NODES // NSYS, dtype=jnp.int32)
    return inp


def reference(edge_vectors, csd_mixed_emb, sphere_emb, senders_emb, receivers_emb, W_ed0, b_ed0, W_ed1, b_ed1, W_ed2, ln1_g, ln1_b, rad_W0, rad_b0, rad_W1, rad_b1, W1, Wg, W2, ln2_g, ln2_b, A1, bA1, Ag, A2, bA2, lnf_g, lnf_b, node_species, senders, receivers, n_node):
    return _forward(edge_vectors, csd_mixed_emb, sphere_emb, senders_emb, receivers_emb, W_ed0, b_ed0, W_ed1, b_ed1, W_ed2, ln1_g, ln1_b, rad_W0, rad_b0, rad_W1, rad_b1, W1, Wg, W2, ln2_g, ln2_b, A1, bA1, Ag, A2, bA2, lnf_g, lnf_b, node_species, senders, receivers, n_node)

if __name__ == "__main__":
    import jax
    _d = setup_inputs()
    print(jax.jit(kernel)(*tuple(_d.values())))

</pallas_src>

<mosaic_0001>
#map = affine_map<(d0, d1) -> (0, 0)>
module attributes {stable_mosaic.version = 14 : i64} {
  func.func @gat(%arg0: i32, %arg1: i32, %arg2: memref<10000x384xf32, #tpu.memory_space<hbm>>, %arg3: memref<1250x128xi32, #tpu.memory_space<hbm>>, %arg4: memref<1250x128xi32, #tpu.memory_space<hbm>>, %arg5: memref<160000x384xf32, #tpu.memory_space<hbm>>, %arg6: memref<160000x384xf32, #tpu.memory_space<hbm>>, %arg7: memref<128xi32, #tpu.memory_space<vmem>>, %arg8: memref<128xi32, #tpu.memory_space<vmem>>, %arg9: memref<128x384xf32, #tpu.memory_space<vmem>>, %arg10: memref<128x384xf32, #tpu.memory_space<vmem>>, %arg11: memref<!tpu.dma_semaphore, #tpu.memory_space<semaphore_mem>>, %arg12: memref<!tpu.dma_semaphore, #tpu.memory_space<semaphore_mem>>, %arg13: memref<!tpu.dma_semaphore, #tpu.memory_space<semaphore_mem>>, %arg14: memref<!tpu.dma_semaphore, #tpu.memory_space<semaphore_mem>>) attributes {dimension_semantics = [#tpu.dimension_semantics<core_parallel>, #tpu.dimension_semantics<subcore_parallel>], iteration_bounds = array<i64: 2, 16>, scalar_prefetch = 0 : i64, scratch_operands = 8 : i64, tpu.core_type = #tpu.core_type<sc_vector_subcore>, window_params = [{transform_indices = #map}, {transform_indices = #map}, {transform_indices = #map}, {transform_indices = #map}, {transform_indices = #map}]} {
    %mul3A = arith.constant 16 : i32
    %mul3A_0 = arith.muli %arg0, %mul3A : i32
    %add3A = arith.addi %mul3A_0, %arg1 : i32
    %lt3A = arith.constant 1250 : i32
    %lt3A_1 = arith.cmpi slt, %add3A, %lt3A : i32
    %convert_element_type3A = arith.extui %lt3A_1 : i1 to i32
    %cond3A = arith.constant 0 : i32
    %cond3A_2 = arith.cmpi ne, %convert_element_type3A, %cond3A : i32
    scf.if %cond3A_2 {
      %dma_start3A = arith.constant 0 : i32
      %dma_start3A_7 = tpu.memref_slice %arg3[%add3A, %dma_start3A] : memref<1250x128xi32, #tpu.memory_space<hbm>> -> memref<1x128xi32, #tpu.memory_space<hbm>>
      %dma_start3A_8 = tpu.memref_squeeze %dma_start3A_7 : memref<1x128xi32, #tpu.memory_space<hbm>> -> memref<128xi32, #tpu.memory_space<hbm>>
      %dma_start3A_9 = arith.constant 0 : i32
      %dma_start3A_10 = tpu.memref_slice %arg3[%add3A, %dma_start3A_9] : memref<1250x128xi32, #tpu.memory_space<hbm>> -> memref<1x128xi32, #tpu.memory_space<hbm>>
      %dma_start3A_11 = tpu.memref_squeeze %dma_start3A_10 : memref<1x128xi32, #tpu.memory_space<hbm>> -> memref<128xi32, #tpu.memory_space<hbm>>
      tpu.enqueue_dma source(%dma_start3A_11 : memref<128xi32, #tpu.memory_space<hbm>>) target(%arg7 : memref<128xi32, #tpu.memory_space<vmem>>) target_semaphore(%arg11 : memref<!tpu.dma_semaphore, #tpu.memory_space<semaphore_mem>>)
      %dma_start3A_12 = arith.constant 0 : i32
      %dma_start3A_13 = tpu.memref_slice %arg4[%add3A, %dma_start3A_12] : memref<1250x128xi32, #tpu.memory_space<hbm>> -> memref<1x128xi32, #tpu.memory_space<hbm>>
      %dma_start3A_14 = tpu.memref_squeeze %dma_start3A_13 : memref<1x128xi32, #tpu.memory_space<hbm>> -> memref<128xi32, #tpu.memory_space<hbm>>
      %dma_start3A_15 = arith.constant 0 : i32
      %dma_start3A_16 = tpu.memref_slice %arg4[%add3A, %dma_start3A_15] : memref<1250x128xi32, #tpu.memory_space<hbm>> -> memref<1x128xi32, #tpu.memory_space<hbm>>
      %dma_start3A_17 = tpu.memref_squeeze %dma_start3A_16 : memref<1x128xi32, #tpu.memory_space<hbm>> -> memref<128xi32, #tpu.memory_space<hbm>>
      tpu.enqueue_dma source(%dma_start3A_17 : memref<128xi32, #tpu.memory_space<hbm>>) target(%arg8 : memref<128xi32, #tpu.memory_space<vmem>>) target_semaphore(%arg12 : memref<!tpu.dma_semaphore, #tpu.memory_space<semaphore_mem>>)
    } else {
    }
    %scan3A = arith.constant 0 : i32
    %scan3A_3 = arith.constant 40 : i32
    %scan3A_4 = arith.addi %scan3A, %scan3A_3 : i32
    %scan3A_5 = arith.constant 1 : i32
    scf.for %scan3A_7 = %scan3A to %scan3A_4 step %scan3A_5  : i32 {
      %mul3A_8 = arith.constant 1 : i32
      %mul3A_9 = arith.muli %scan3A_7, %mul3A_8 : i32
      %add3A_10 = arith.constant 0 : i32
      %add3A_11 = arith.addi %add3A_10, %mul3A_9 : i32
      %mul3A_12 = arith.constant 32 : i32
      %mul3A_13 = arith.muli %mul3A_12, %add3A_11 : i32
      %add3A_14 = arith.addi %add3A, %mul3A_13 : i32
      %lt3A_15 = arith.constant 1250 : i32
      %lt3A_16 = arith.cmpi slt, %add3A_14, %lt3A_15 : i32
      %convert_element_type3A_17 = arith.extui %lt3A_16 : i1 to i32
      %cond3A_18 = arith.constant 0 : i32
      %cond3A_19 = arith.cmpi ne, %convert_element_type3A_17, %cond3A_18 : i32
      scf.if %cond3A_19 {
        %dma_wait3A = arith.constant 0 : i32
        %dma_wait3A_20 = tpu.memref_slice %arg3[%add3A_14, %dma_wait3A] : memref<1250x128xi32, #tpu.memory_space<hbm>> -> memref<1x128xi32, #tpu.memory_space<hbm>>
        %dma_wait3A_21 = tpu.memref_squeeze %dma_wait3A_20 : memref<1x128xi32, #tpu.memory_space<hbm>> -> memref<128xi32, #tpu.memory_space<hbm>>
        %dma_wait3A_22 = arith.constant 0 : i32
        %dma_wait3A_23 = tpu.memref_slice %arg3[%add3A_14, %dma_wait3A_22] : memref<1250x128xi32, #tpu.memory_space<hbm>> -> memref<1x128xi32, #tpu.memory_space<hbm>>
        %dma_wait3A_24 = tpu.memref_squeeze %dma_wait3A_23 : memref<1x128xi32, #tpu.memory_space<hbm>> -> memref<128xi32, #tpu.memory_space<hbm>>
        tpu.wait_dma2 semaphore(%arg11 : memref<!tpu.dma_semaphore, #tpu.memory_space<semaphore_mem>>) src(%dma_wait3A_24 : memref<128xi32, #tpu.memory_space<hbm>>) dst(%arg7 : memref<128xi32, #tpu.memory_space<vmem>>)
        %dma_wait3A_25 = arith.constant 0 : i32
        %dma_wait3A_26 = tpu.memref_slice %arg4[%add3A_14, %dma_wait3A_25] : memref<1250x128xi32, #tpu.memory_space<hbm>> -> memref<1x128xi32, #tpu.memory_space<hbm>>
        %dma_wait3A_27 = tpu.memref_squeeze %dma_wait3A_26 : memref<1x128xi32, #tpu.memory_space<hbm>> -> memref<128xi32, #tpu.memory_space<hbm>>
        %dma_wait3A_28 = arith.constant 0 : i32
        %dma_wait3A_29 = tpu.memref_slice %arg4[%add3A_14, %dma_wait3A_28] : memref<1250x128xi32, #tpu.memory_space<hbm>> -> memref<1x128xi32, #tpu.memory_space<hbm>>
        %dma_wait3A_30 = tpu.memref_squeeze %dma_wait3A_29 : memref<1x128xi32, #tpu.memory_space<hbm>> -> memref<128xi32, #tpu.memory_space<hbm>>
        tpu.wait_dma2 semaphore(%arg12 : memref<!tpu.dma_semaphore, #tpu.memory_space<semaphore_mem>>) src(%dma_wait3A_30 : memref<128xi32, #tpu.memory_space<hbm>>) dst(%arg8 : memref<128xi32, #tpu.memory_space<vmem>>)
        %dma_start3A = arith.constant 0 : i32
        %dma_start3A_31 = arith.constant 0 : i32
        %dma_start3A_32 = tpu.memref_slice %arg2[%dma_start3A, %dma_start3A_31] : memref<10000x384xf32, #tpu.memory_space<hbm>> -> memref<10000x384xf32, #tpu.memory_space<hbm>>
        tpu.enqueue_indirect_dma source(%dma_start3A_32 : memref<10000x384xf32, #tpu.memory_space<hbm>>) target(%arg9 : memref<128x384xf32, #tpu.memory_space<vmem>>) offsets(%arg7 : memref<128xi32, #tpu.memory_space<vmem>>) semaphore(%arg13 : memref<!tpu.dma_semaphore, #tpu.memory_space<semaphore_mem>>)
        %dma_start3A_33 = arith.constant 0 : i32
        %dma_start3A_34 = arith.constant 0 : i32
        %dma_start3A_35 = tpu.memref_slice %arg2[%dma_start3A_33, %dma_start3A_34] : memref<10000x384xf32, #tpu.memory_space<hbm>> -> memref<10000x384xf32, #tpu.memory_space<hbm>>
        tpu.enqueue_indirect_dma source(%dma_start3A_35 : memref<10000x384xf32, #tpu.memory_space<hbm>>) target(%arg10 : memref<128x384xf32, #tpu.memory_space<vmem>>) offsets(%arg8 : memref<128xi32, #tpu.memory_space<vmem>>) semaphore(%arg14 : memref<!tpu.dma_semaphore, #tpu.memory_space<semaphore_mem>>)
        %dma_wait3A_36 = arith.constant 0 : i32
        %dma_wait3A_37 = arith.constant 0 : i32
        %dma_wait3A_38 = tpu.memref_slice %arg2[%dma_wait3A_36, %dma_wait3A_37] : memref<10000x384xf32, #tpu.memory_space<hbm>> -> memref<10000x384xf32, #tpu.memory_space<hbm>>
        tpu.wait_indirect_dma semaphore(%arg13 : memref<!tpu.dma_semaphore, #tpu.memory_space<semaphore_mem>>) src(%dma_wait3A_38 : memref<10000x384xf32, #tpu.memory_space<hbm>>) dst(%arg9 : memref<128x384xf32, #tpu.memory_space<vmem>>)
        %mul3A_39 = arith.constant 128 : i32
        %mul3A_40 = arith.muli %add3A_14, %mul3A_39 : i32
        "tpu.region"() ({
          %run_scoped3A = tpu.sem_alloc : memref<!tpu.dma_semaphore, #tpu.memory_space<semaphore_mem>>
          %dma_start3A_53 = arith.constant 0 : i32
          %dma_start3A_54 = tpu.memref_slice %arg5[%mul3A_40, %dma_start3A_53] : memref<160000x384xf32, #tpu.memory_space<hbm>> -> memref<128x384xf32, #tpu.memory_space<hbm>>
          %dma_start3A_55 = arith.constant 0 : i32
          %dma_start3A_56 = tpu.memref_slice %arg5[%mul3A_40, %dma_start3A_55] : memref<160000x384xf32, #tpu.memory_space<hbm>> -> memref<128x384xf32, #tpu.memory_space<hbm>>
          tpu.enqueue_dma source(%arg9 : memref<128x384xf32, #tpu.memory_space<vmem>>) target(%dma_start3A_56 : memref<128x384xf32, #tpu.memory_space<hbm>>) target_semaphore(%run_scoped3A : memref<!tpu.dma_semaphore, #tpu.memory_space<semaphore_mem>>)
          %dma_wait3A_57 = arith.constant 0 : i32
          %dma_wait3A_58 = tpu.memref_slice %arg5[%mul3A_40, %dma_wait3A_57] : memref<160000x384xf32, #tpu.memory_space<hbm>> -> memref<128x384xf32, #tpu.memory_space<hbm>>
          %dma_wait3A_59 = arith.constant 0 : i32
          %dma_wait3A_60 = tpu.memref_slice %arg5[%mul3A_40, %dma_wait3A_59] : memref<160000x384xf32, #tpu.memory_space<hbm>> -> memref<128x384xf32, #tpu.memory_space<hbm>>
          tpu.wait_dma2 semaphore(%run_scoped3A : memref<!tpu.dma_semaphore, #tpu.memory_space<semaphore_mem>>) src(%arg9 : memref<128x384xf32, #tpu.memory_space<vmem>>) dst(%dma_wait3A_60 : memref<128x384xf32, #tpu.memory_space<hbm>>)
          tpu.yield
        }) : () -> ()
        %dma_wait3A_41 = arith.constant 0 : i32
        %dma_wait3A_42 = arith.constant 0 : i32
        %dma_wait3A_43 = tpu.memref_slice %arg2[%dma_wait3A_41, %dma_wait3A_42] : memref<10000x384xf32, #tpu.memory_space<hbm>> -> memref<10000x384xf32, #tpu.memory_space<hbm>>
        tpu.wait_indirect_dma semaphore(%arg14 : memref<!tpu.dma_semaphore, #tpu.memory_space<semaphore_mem>>) src(%dma_wait3A_43 : memref<10000x384xf32, #tpu.memory_space<hbm>>) dst(%arg10 : memref<128x384xf32, #tpu.memory_space<vmem>>)
        %mul3A_44 = arith.constant 128 : i32
        %mul3A_45 = arith.muli %add3A_14, %mul3A_44 : i32
        "tpu.region"() ({
          %run_scoped3A = tpu.sem_alloc : memref<!tpu.dma_semaphore, #tpu.memory_space<semaphore_mem>>
          %dma_start3A_53 = arith.constant 0 : i32
          %dma_start3A_54 = tpu.memref_slice %arg6[%mul3A_45, %dma_start3A_53] : memref<160000x384xf32, #tpu.memory_space<hbm>> -> memref<128x384xf32, #tpu.memory_space<hbm>>
          %dma_start3A_55 = arith.constant 0 : i32
          %dma_start3A_56 = tpu.memref_slice %arg6[%mul3A_45, %dma_start3A_55] : memref<160000x384xf32, #tpu.memory_space<hbm>> -> memref<128x384xf32, #tpu.memory_space<hbm>>
          tpu.enqueue_dma source(%arg10 : memref<128x384xf32, #tpu.memory_space<vmem>>) target(%dma_start3A_56 : memref<128x384xf32, #tpu.memory_space<hbm>>) target_semaphore(%run_scoped3A : memref<!tpu.dma_semaphore, #tpu.memory_space<semaphore_mem>>)
          %dma_wait3A_57 = arith.constant 0 : i32
          %dma_wait3A_58 = tpu.memref_slice %arg6[%mul3A_45, %dma_wait3A_57] : memref<160000x384xf32, #tpu.memory_space<hbm>> -> memref<128x384xf32, #tpu.memory_space<hbm>>
          %dma_wait3A_59 = arith.constant 0 : i32
          %dma_wait3A_60 = tpu.memref_slice %arg6[%mul3A_45, %dma_wait3A_59] : memref<160000x384xf32, #tpu.memory_space<hbm>> -> memref<128x384xf32, #tpu.memory_space<hbm>>
          tpu.wait_dma2 semaphore(%run_scoped3A : memref<!tpu.dma_semaphore, #tpu.memory_space<semaphore_mem>>) src(%arg10 : memref<128x384xf32, #tpu.memory_space<vmem>>) dst(%dma_wait3A_60 : memref<128x384xf32, #tpu.memory_space<hbm>>)
          tpu.yield
        }) : () -> ()
        %add3A_46 = arith.constant 32 : i32
        %add3A_47 = arith.addi %add3A_14, %add3A_46 : i32
        %lt3A_48 = arith.constant 1250 : i32
        %lt3A_49 = arith.cmpi slt, %add3A_47, %lt3A_48 : i32
        %convert_element_type3A_50 = arith.extui %lt3A_49 : i1 to i32
        %cond3A_51 = arith.constant 0 : i32
        %cond3A_52 = arith.cmpi ne, %convert_element_type3A_50, %cond3A_51 : i32
        scf.if %cond3A_52 {
          %add3A_53 = arith.constant 32 : i32
          %add3A_54 = arith.addi %add3A_14, %add3A_53 : i32
          %dma_start3A_55 = arith.constant 0 : i32
          %dma_start3A_56 = tpu.memref_slice %arg3[%add3A_54, %dma_start3A_55] : memref<1250x128xi32, #tpu.memory_space<hbm>> -> memref<1x128xi32, #tpu.memory_space<hbm>>
          %dma_start3A_57 = tpu.memref_squeeze %dma_start3A_56 : memref<1x128xi32, #tpu.memory_space<hbm>> -> memref<128xi32, #tpu.memory_space<hbm>>
          %dma_start3A_58 = arith.constant 0 : i32
          %dma_start3A_59 = tpu.memref_slice %arg3[%add3A_54, %dma_start3A_58] : memref<1250x128xi32, #tpu.memory_space<hbm>> -> memref<1x128xi32, #tpu.memory_space<hbm>>
          %dma_start3A_60 = tpu.memref_squeeze %dma_start3A_59 : memref<1x128xi32, #tpu.memory_space<hbm>> -> memref<128xi32, #tpu.memory_space<hbm>>
          tpu.enqueue_dma source(%dma_start3A_60 : memref<128xi32, #tpu.memory_space<hbm>>) target(%arg7 : memref<128xi32, #tpu.memory_space<vmem>>) target_semaphore(%arg11 : memref<!tpu.dma_semaphore, #tpu.memory_space<semaphore_mem>>)
          %add3A_61 = arith.constant 32 : i32
          %add3A_62 = arith.addi %add3A_14, %add3A_61 : i32
          %dma_start3A_63 = arith.constant 0 : i32
          %dma_start3A_64 = tpu.memref_slice %arg4[%add3A_62, %dma_start3A_63] : memref<1250x128xi32, #tpu.memory_space<hbm>> -> memref<1x128xi32, #tpu.memory_space<hbm>>
          %dma_start3A_65 = tpu.memref_squeeze %dma_start3A_64 : memref<1x128xi32, #tpu.memory_space<hbm>> -> memref<128xi32, #tpu.memory_space<hbm>>
          %dma_start3A_66 = arith.constant 0 : i32
          %dma_start3A_67 = tpu.memref_slice %arg4[%add3A_62, %dma_start3A_66] : memref<1250x128xi32, #tpu.memory_space<hbm>> -> memref<1x128xi32, #tpu.memory_space<hbm>>
          %dma_start3A_68 = tpu.memref_squeeze %dma_start3A_67 : memref<1x128xi32, #tpu.memory_space<hbm>> -> memref<128xi32, #tpu.memory_space<hbm>>
          tpu.enqueue_dma source(%dma_start3A_68 : memref<128xi32, #tpu.memory_space<hbm>>) target(%arg8 : memref<128xi32, #tpu.memory_space<vmem>>) target_semaphore(%arg12 : memref<!tpu.dma_semaphore, #tpu.memory_space<semaphore_mem>>)
        } else {
        }
      } else {
      }
    }
    %scan3A_6 = arith.constant 40 : i32
    return
  }
}

#map = affine_map<(d0, d1) -> (0, 0)>
module attributes {stable_mosaic.version = 14 : i64} {
  func.func @gat(%arg0: i32, %arg1: i32, %arg2: memref<10000x128xf32, #tpu.memory_space<hbm>>, %arg3: memref<1250x128xi32, #tpu.memory_space<hbm>>, %arg4: memref<1250x128xi32, #tpu.memory_space<hbm>>, %arg5: memref<160000x128xf32, #tpu.memory_space<hbm>>, %arg6: memref<160000x128xf32, #tpu.memory_space<hbm>>, %arg7: memref<128xi32, #tpu.memory_space<vmem>>, %arg8: memref<128xi32, #tpu.memory_space<vmem>>, %arg9: memref<128x128xf32, #tpu.memory_space<vmem>>, %arg10: memref<128x128xf32, #tpu.memory_space<vmem>>, %arg11: memref<!tpu.dma_semaphore, #tpu.memory_space<semaphore_mem>>, %arg12: memref<!tpu.dma_semaphore, #tpu.memory_space<semaphore_mem>>, %arg13: memref<!tpu.dma_semaphore, #tpu.memory_space<semaphore_mem>>, %arg14: memref<!tpu.dma_semaphore, #tpu.memory_space<semaphore_mem>>) attributes {dimension_semantics = [#tpu.dimension_semantics<core_parallel>, #tpu.dimension_semantics<subcore_parallel>], iteration_bounds = array<i64: 2, 16>, scalar_prefetch = 0 : i64, scratch_operands = 8 : i64, tpu.core_type = #tpu.core_type<sc_vector_subcore>, window_params = [{transform_indices = #map}, {transform_indices = #map}, {transform_indices = #map}, {transform_indices = #map}, {transform_indices = #map}]} {
    %mul3A = arith.constant 16 : i32
    %mul3A_0 = arith.muli %arg0, %mul3A : i32
    %add3A = arith.addi %mul3A_0, %arg1 : i32
    %lt3A = arith.constant 1250 : i32
    %lt3A_1 = arith.cmpi slt, %add3A, %lt3A : i32
    %convert_element_type3A = arith.extui %lt3A_1 : i1 to i32
    %cond3A = arith.constant 0 : i32
    %cond3A_2 = arith.cmpi ne, %convert_element_type3A, %cond3A : i32
    scf.if %cond3A_2 {
      %dma_start3A = arith.constant 0 : i32
      %dma_start3A_7 = tpu.memref_slice %arg3[%add3A, %dma_start3A] : memref<1250x128xi32, #tpu.memory_space<hbm>> -> memref<1x128xi32, #tpu.memory_space<hbm>>
      %dma_start3A_8 = tpu.memref_squeeze %dma_start3A_7 : memref<1x128xi32, #tpu.memory_space<hbm>> -> memref<128xi32, #tpu.memory_space<hbm>>
      %dma_start3A_9 = arith.constant 0 : i32
      %dma_start3A_10 = tpu.memref_slice %arg3[%add3A, %dma_start3A_9] : memref<1250x128xi32, #tpu.memory_space<hbm>> -> memref<1x128xi32, #tpu.memory_space<hbm>>
      %dma_start3A_11 = tpu.memref_squeeze %dma_start3A_10 : memref<1x128xi32, #tpu.memory_space<hbm>> -> memref<128xi32, #tpu.memory_space<hbm>>
      tpu.enqueue_dma source(%dma_start3A_11 : memref<128xi32, #tpu.memory_space<hbm>>) target(%arg7 : memref<128xi32, #tpu.memory_space<vmem>>) target_semaphore(%arg11 : memref<!tpu.dma_semaphore, #tpu.memory_space<semaphore_mem>>)
      %dma_start3A_12 = arith.constant 0 : i32
      %dma_start3A_13 = tpu.memref_slice %arg4[%add3A, %dma_start3A_12] : memref<1250x128xi32, #tpu.memory_space<hbm>> -> memref<1x128xi32, #tpu.memory_space<hbm>>
      %dma_start3A_14 = tpu.memref_squeeze %dma_start3A_13 : memref<1x128xi32, #tpu.memory_space<hbm>> -> memref<128xi32, #tpu.memory_space<hbm>>
      %dma_start3A_15 = arith.constant 0 : i32
      %dma_start3A_16 = tpu.memref_slice %arg4[%add3A, %dma_start3A_15] : memref<1250x128xi32, #tpu.memory_space<hbm>> -> memref<1x128xi32, #tpu.memory_space<hbm>>
      %dma_start3A_17 = tpu.memref_squeeze %dma_start3A_16 : memref<1x128xi32, #tpu.memory_space<hbm>> -> memref<128xi32, #tpu.memory_space<hbm>>
      tpu.enqueue_dma source(%dma_start3A_17 : memref<128xi32, #tpu.memory_space<hbm>>) target(%arg8 : memref<128xi32, #tpu.memory_space<vmem>>) target_semaphore(%arg12 : memref<!tpu.dma_semaphore, #tpu.memory_space<semaphore_mem>>)
    } else {
    }
    %scan3A = arith.constant 0 : i32
    %scan3A_3 = arith.constant 40 : i32
    %scan3A_4 = arith.addi %scan3A, %scan3A_3 : i32
    %scan3A_5 = arith.constant 1 : i32
    scf.for %scan3A_7 = %scan3A to %scan3A_4 step %scan3A_5  : i32 {
      %mul3A_8 = arith.constant 1 : i32
      %mul3A_9 = arith.muli %scan3A_7, %mul3A_8 : i32
      %add3A_10 = arith.constant 0 : i32
      %add3A_11 = arith.addi %add3A_10, %mul3A_9 : i32
      %mul3A_12 = arith.constant 32 : i32
      %mul3A_13 = arith.muli %mul3A_12, %add3A_11 : i32
      %add3A_14 = arith.addi %add3A, %mul3A_13 : i32
      %lt3A_15 = arith.constant 1250 : i32
      %lt3A_16 = arith.cmpi slt, %add3A_14, %lt3A_15 : i32
      %convert_element_type3A_17 = arith.extui %lt3A_16 : i1 to i32
      %cond3A_18 = arith.constant 0 : i32
      %cond3A_19 = arith.cmpi ne, %convert_element_type3A_17, %cond3A_18 : i32
      scf.if %cond3A_19 {
        %dma_wait3A = arith.constant 0 : i32
        %dma_wait3A_20 = tpu.memref_slice %arg3[%add3A_14, %dma_wait3A] : memref<1250x128xi32, #tpu.memory_space<hbm>> -> memref<1x128xi32, #tpu.memory_space<hbm>>
        %dma_wait3A_21 = tpu.memref_squeeze %dma_wait3A_20 : memref<1x128xi32, #tpu.memory_space<hbm>> -> memref<128xi32, #tpu.memory_space<hbm>>
        %dma_wait3A_22 = arith.constant 0 : i32
        %dma_wait3A_23 = tpu.memref_slice %arg3[%add3A_14, %dma_wait3A_22] : memref<1250x128xi32, #tpu.memory_space<hbm>> -> memref<1x128xi32, #tpu.memory_space<hbm>>
        %dma_wait3A_24 = tpu.memref_squeeze %dma_wait3A_23 : memref<1x128xi32, #tpu.memory_space<hbm>> -> memref<128xi32, #tpu.memory_space<hbm>>
        tpu.wait_dma2 semaphore(%arg11 : memref<!tpu.dma_semaphore, #tpu.memory_space<semaphore_mem>>) src(%dma_wait3A_24 : memref<128xi32, #tpu.memory_space<hbm>>) dst(%arg7 : memref<128xi32, #tpu.memory_space<vmem>>)
        %dma_wait3A_25 = arith.constant 0 : i32
        %dma_wait3A_26 = tpu.memref_slice %arg4[%add3A_14, %dma_wait3A_25] : memref<1250x128xi32, #tpu.memory_space<hbm>> -> memref<1x128xi32, #tpu.memory_space<hbm>>
        %dma_wait3A_27 = tpu.memref_squeeze %dma_wait3A_26 : memref<1x128xi32, #tpu.memory_space<hbm>> -> memref<128xi32, #tpu.memory_space<hbm>>
        %dma_wait3A_28 = arith.constant 0 : i32
        %dma_wait3A_29 = tpu.memref_slice %arg4[%add3A_14, %dma_wait3A_28] : memref<1250x128xi32, #tpu.memory_space<hbm>> -> memref<1x128xi32, #tpu.memory_space<hbm>>
        %dma_wait3A_30 = tpu.memref_squeeze %dma_wait3A_29 : memref<1x128xi32, #tpu.memory_space<hbm>> -> memref<128xi32, #tpu.memory_space<hbm>>
        tpu.wait_dma2 semaphore(%arg12 : memref<!tpu.dma_semaphore, #tpu.memory_space<semaphore_mem>>) src(%dma_wait3A_30 : memref<128xi32, #tpu.memory_space<hbm>>) dst(%arg8 : memref<128xi32, #tpu.memory_space<vmem>>)
        %dma_start3A = arith.constant 0 : i32
        %dma_start3A_31 = arith.constant 0 : i32
        %dma_start3A_32 = tpu.memref_slice %arg2[%dma_start3A, %dma_start3A_31] : memref<10000x128xf32, #tpu.memory_space<hbm>> -> memref<10000x128xf32, #tpu.memory_space<hbm>>
        tpu.enqueue_indirect_dma source(%dma_start3A_32 : memref<10000x128xf32, #tpu.memory_space<hbm>>) target(%arg9 : memref<128x128xf32, #tpu.memory_space<vmem>>) offsets(%arg7 : memref<128xi32, #tpu.memory_space<vmem>>) semaphore(%arg13 : memref<!tpu.dma_semaphore, #tpu.memory_space<semaphore_mem>>)
        %dma_start3A_33 = arith.constant 0 : i32
        %dma_start3A_34 = arith.constant 0 : i32
        %dma_start3A_35 = tpu.memref_slice %arg2[%dma_start3A_33, %dma_start3A_34] : memref<10000x128xf32, #tpu.memory_space<hbm>> -> memref<10000x128xf32, #tpu.memory_space<hbm>>
        tpu.enqueue_indirect_dma source(%dma_start3A_35 : memref<10000x128xf32, #tpu.memory_space<hbm>>) target(%arg10 : memref<128x128xf32, #tpu.memory_space<vmem>>) offsets(%arg8 : memref<128xi32, #tpu.memory_space<vmem>>) semaphore(%arg14 : memref<!tpu.dma_semaphore, #tpu.memory_space<semaphore_mem>>)
        %dma_wait3A_36 = arith.constant 0 : i32
        %dma_wait3A_37 = arith.constant 0 : i32
        %dma_wait3A_38 = tpu.memref_slice %arg2[%dma_wait3A_36, %dma_wait3A_37] : memref<10000x128xf32, #tpu.memory_space<hbm>> -> memref<10000x128xf32, #tpu.memory_space<hbm>>
        tpu.wait_indirect_dma semaphore(%arg13 : memref<!tpu.dma_semaphore, #tpu.memory_space<semaphore_mem>>) src(%dma_wait3A_38 : memref<10000x128xf32, #tpu.memory_space<hbm>>) dst(%arg9 : memref<128x128xf32, #tpu.memory_space<vmem>>)
        %mul3A_39 = arith.constant 128 : i32
        %mul3A_40 = arith.muli %add3A_14, %mul3A_39 : i32
        "tpu.region"() ({
          %run_scoped3A = tpu.sem_alloc : memref<!tpu.dma_semaphore, #tpu.memory_space<semaphore_mem>>
          %dma_start3A_53 = arith.constant 0 : i32
          %dma_start3A_54 = tpu.memref_slice %arg5[%mul3A_40, %dma_start3A_53] : memref<160000x128xf32, #tpu.memory_space<hbm>> -> memref<128x128xf32, #tpu.memory_space<hbm>>
          %dma_start3A_55 = arith.constant 0 : i32
          %dma_start3A_56 = tpu.memref_slice %arg5[%mul3A_40, %dma_start3A_55] : memref<160000x128xf32, #tpu.memory_space<hbm>> -> memref<128x128xf32, #tpu.memory_space<hbm>>
          tpu.enqueue_dma source(%arg9 : memref<128x128xf32, #tpu.memory_space<vmem>>) target(%dma_start3A_56 : memref<128x128xf32, #tpu.memory_space<hbm>>) target_semaphore(%run_scoped3A : memref<!tpu.dma_semaphore, #tpu.memory_space<semaphore_mem>>)
          %dma_wait3A_57 = arith.constant 0 : i32
          %dma_wait3A_58 = tpu.memref_slice %arg5[%mul3A_40, %dma_wait3A_57] : memref<160000x128xf32, #tpu.memory_space<hbm>> -> memref<128x128xf32, #tpu.memory_space<hbm>>
          %dma_wait3A_59 = arith.constant 0 : i32
          %dma_wait3A_60 = tpu.memref_slice %arg5[%mul3A_40, %dma_wait3A_59] : memref<160000x128xf32, #tpu.memory_space<hbm>> -> memref<128x128xf32, #tpu.memory_space<hbm>>
          tpu.wait_dma2 semaphore(%run_scoped3A : memref<!tpu.dma_semaphore, #tpu.memory_space<semaphore_mem>>) src(%arg9 : memref<128x128xf32, #tpu.memory_space<vmem>>) dst(%dma_wait3A_60 : memref<128x128xf32, #tpu.memory_space<hbm>>)
          tpu.yield
        }) : () -> ()
        %dma_wait3A_41 = arith.constant 0 : i32
        %dma_wait3A_42 = arith.constant 0 : i32
        %dma_wait3A_43 = tpu.memref_slice %arg2[%dma_wait3A_41, %dma_wait3A_42] : memref<10000x128xf32, #tpu.memory_space<hbm>> -> memref<10000x128xf32, #tpu.memory_space<hbm>>
        tpu.wait_indirect_dma semaphore(%arg14 : memref<!tpu.dma_semaphore, #tpu.memory_space<semaphore_mem>>) src(%dma_wait3A_43 : memref<10000x128xf32, #tpu.memory_space<hbm>>) dst(%arg10 : memref<128x128xf32, #tpu.memory_space<vmem>>)
        %mul3A_44 = arith.constant 128 : i32
        %mul3A_45 = arith.muli %add3A_14, %mul3A_44 : i32
        "tpu.region"() ({
          %run_scoped3A = tpu.sem_alloc : memref<!tpu.dma_semaphore, #tpu.memory_space<semaphore_mem>>
          %dma_start3A_53 = arith.constant 0 : i32
          %dma_start3A_54 = tpu.memref_slice %arg6[%mul3A_45, %dma_start3A_53] : memref<160000x128xf32, #tpu.memory_space<hbm>> -> memref<128x128xf32, #tpu.memory_space<hbm>>
          %dma_start3A_55 = arith.constant 0 : i32
          %dma_start3A_56 = tpu.memref_slice %arg6[%mul3A_45, %dma_start3A_55] : memref<160000x128xf32, #tpu.memory_space<hbm>> -> memref<128x128xf32, #tpu.memory_space<hbm>>
          tpu.enqueue_dma source(%arg10 : memref<128x128xf32, #tpu.memory_space<vmem>>) target(%dma_start3A_56 : memref<128x128xf32, #tpu.memory_space<hbm>>) target_semaphore(%run_scoped3A : memref<!tpu.dma_semaphore, #tpu.memory_space<semaphore_mem>>)
          %dma_wait3A_57 = arith.constant 0 : i32
          %dma_wait3A_58 = tpu.memref_slice %arg6[%mul3A_45, %dma_wait3A_57] : memref<160000x128xf32, #tpu.memory_space<hbm>> -> memref<128x128xf32, #tpu.memory_space<hbm>>
          %dma_wait3A_59 = arith.constant 0 : i32
          %dma_wait3A_60 = tpu.memref_slice %arg6[%mul3A_45, %dma_wait3A_59] : memref<160000x128xf32, #tpu.memory_space<hbm>> -> memref<128x128xf32, #tpu.memory_space<hbm>>
          tpu.wait_dma2 semaphore(%run_scoped3A : memref<!tpu.dma_semaphore, #tpu.memory_space<semaphore_mem>>) src(%arg10 : memref<128x128xf32, #tpu.memory_space<vmem>>) dst(%dma_wait3A_60 : memref<128x128xf32, #tpu.memory_space<hbm>>)
          tpu.yield
        }) : () -> ()
        %add3A_46 = arith.constant 32 : i32
        %add3A_47 = arith.addi %add3A_14, %add3A_46 : i32
        %lt3A_48 = arith.constant 1250 : i32
        %lt3A_49 = arith.cmpi slt, %add3A_47, %lt3A_48 : i32
        %convert_element_type3A_50 = arith.extui %lt3A_49 : i1 to i32
        %cond3A_51 = arith.constant 0 : i32
        %cond3A_52 = arith.cmpi ne, %convert_element_type3A_50, %cond3A_51 : i32
        scf.if %cond3A_52 {
          %add3A_53 = arith.constant 32 : i32
          %add3A_54 = arith.addi %add3A_14, %add3A_53 : i32
          %dma_start3A_55 = arith.constant 0 : i32
          %dma_start3A_56 = tpu.memref_slice %arg3[%add3A_54, %dma_start3A_55] : memref<1250x128xi32, #tpu.memory_space<hbm>> -> memref<1x128xi32, #tpu.memory_space<hbm>>
          %dma_start3A_57 = tpu.memref_squeeze %dma_start3A_56 : memref<1x128xi32, #tpu.memory_space<hbm>> -> memref<128xi32, #tpu.memory_space<hbm>>
          %dma_start3A_58 = arith.constant 0 : i32
          %dma_start3A_59 = tpu.memref_slice %arg3[%add3A_54, %dma_start3A_58] : memref<1250x128xi32, #tpu.memory_space<hbm>> -> memref<1x128xi32, #tpu.memory_space<hbm>>
          %dma_start3A_60 = tpu.memref_squeeze %dma_start3A_59 : memref<1x128xi32, #tpu.memory_space<hbm>> -> memref<128xi32, #tpu.memory_space<hbm>>
          tpu.enqueue_dma source(%dma_start3A_60 : memref<128xi32, #tpu.memory_space<hbm>>) target(%arg7 : memref<128xi32, #tpu.memory_space<vmem>>) target_semaphore(%arg11 : memref<!tpu.dma_semaphore, #tpu.memory_space<semaphore_mem>>)
          %add3A_61 = arith.constant 32 : i32
          %add3A_62 = arith.addi %add3A_14, %add3A_61 : i32
          %dma_start3A_63 = arith.constant 0 : i32
          %dma_start3A_64 = tpu.memref_slice %arg4[%add3A_62, %dma_start3A_63] : memref<1250x128xi32, #tpu.memory_space<hbm>> -> memref<1x128xi32, #tpu.memory_space<hbm>>
          %dma_start3A_65 = tpu.memref_squeeze %dma_start3A_64 : memref<1x128xi32, #tpu.memory_space<hbm>> -> memref<128xi32, #tpu.memory_space<hbm>>
          %dma_start3A_66 = arith.constant 0 : i32
          %dma_start3A_67 = tpu.memref_slice %arg4[%add3A_62, %dma_start3A_66] : memref<1250x128xi32, #tpu.memory_space<hbm>> -> memref<1x128xi32, #tpu.memory_space<hbm>>
          %dma_start3A_68 = tpu.memref_squeeze %dma_start3A_67 : memref<1x128xi32, #tpu.memory_space<hbm>> -> memref<128xi32, #tpu.memory_space<hbm>>
          tpu.enqueue_dma source(%dma_start3A_68 : memref<128xi32, #tpu.memory_space<hbm>>) target(%arg8 : memref<128xi32, #tpu.memory_space<vmem>>) target_semaphore(%arg12 : memref<!tpu.dma_semaphore, #tpu.memory_space<semaphore_mem>>)
        } else {
        }
      } else {
      }
    }
    %scan3A_6 = arith.constant 40 : i32
    return
  }
}

#map = affine_map<(d0, d1) -> (0, 0)>
module attributes {stable_mosaic.version = 14 : i64} {
  func.func @seg(%arg0: i32, %arg1: i32, %arg2: memref<160000x640xf32, #tpu.memory_space<hbm>>, %arg3: memref<1250x128xi32, #tpu.memory_space<hbm>>, %arg4: memref<640x128xf32, #tpu.memory_space<hbm>>, %arg5: memref<10240x640xf32, #tpu.memory_space<hbm>>, %arg6: memref<128xi32, #tpu.memory_space<vmem>>, %arg7: memref<128xi32, #tpu.memory_space<vmem>>, %arg8: memref<128x128xf32, #tpu.memory_space<vmem>>, %arg9: memref<128x128xf32, #tpu.memory_space<vmem>>, %arg10: memref<10240x128xf32, #tpu.memory_space<vmem_shared>>, %arg11: memref<!tpu.dma_semaphore, #tpu.memory_space<semaphore_mem>>, %arg12: memref<!tpu.dma_semaphore, #tpu.memory_space<semaphore_mem>>) attributes {dimension_semantics = [#tpu.dimension_semantics<core_parallel>, #tpu.dimension_semantics<subcore_parallel>], iteration_bounds = array<i64: 2, 16>, scalar_prefetch = 0 : i64, scratch_operands = 7 : i64, tpu.core_type = #tpu.core_type<sc_vector_subcore>, window_params = [{transform_indices = #map}, {transform_indices = #map}, {transform_indices = #map}, {transform_indices = #map}]} {
    %mul3A = arith.constant 3 : i32
    %mul3A_0 = arith.muli %arg0, %mul3A : i32
    %add3A = arith.constant 0 : i32
    %add3A_1 = arith.addi %mul3A_0, %add3A : i32
    %lt3A = arith.constant 5 : i32
    %lt3A_2 = arith.cmpi slt, %add3A_1, %lt3A : i32
    %convert_element_type3A = arith.extui %lt3A_2 : i1 to i32
    %cond3A = arith.constant 0 : i32
    %cond3A_3 = arith.cmpi ne, %convert_element_type3A, %cond3A : i32
    scf.if %cond3A_3 {
      %mul3A_22 = arith.constant 640 : i32
      %mul3A_23 = arith.muli %arg1, %mul3A_22 : i32
      "tpu.region"() ({
        %run_scoped3A = tpu.sem_alloc : memref<!tpu.dma_semaphore, #tpu.memory_space<semaphore_mem>>
        %dma_start3A = arith.constant 0 : i32
        %dma_start3A_50 = tpu.memref_slice %arg10[%mul3A_23, %dma_start3A] : memref<10240x128xf32, #tpu.memory_space<vmem_shared>> -> memref<640x128xf32, #tpu.memory_space<vmem_shared>>
        tpu.enqueue_dma source(%arg4 : memref<640x128xf32, #tpu.memory_space<hbm>>) target(%dma_start3A_50 : memref<640x128xf32, #tpu.memory_space<vmem_shared>>) target_semaphore(%run_scoped3A : memref<!tpu.dma_semaphore, #tpu.memory_space<semaphore_mem>>)
        %dma_wait3A = arith.constant 0 : i32
        %dma_wait3A_51 = tpu.memref_slice %arg10[%mul3A_23, %dma_wait3A] : memref<10240x128xf32, #tpu.memory_space<vmem_shared>> -> memref<640x128xf32, #tpu.memory_space<vmem_shared>>
        tpu.wait_dma2 semaphore(%run_scoped3A : memref<!tpu.dma_semaphore, #tpu.memory_space<semaphore_mem>>) src(%arg4 : memref<640x128xf32, #tpu.memory_space<hbm>>) dst(%dma_wait3A_51 : memref<640x128xf32, #tpu.memory_space<vmem_shared>>)
        tpu.yield
      }) : () -> ()
      %barrier3A = arith.constant 0 : index
      tpu.barrier barrier_id(%barrier3A)
      %add3A_24 = arith.constant 0 : i32
      %add3A_25 = arith.addi %arg1, %add3A_24 : i32
      %lt3A_26 = arith.constant 1250 : i32
      %lt3A_27 = arith.cmpi slt, %add3A_25, %lt3A_26 : i32
      %convert_element_type3A_28 = arith.extui %lt3A_27 : i1 to i32
      %cond3A_29 = arith.constant 0 : i32
      %cond3A_30 = arith.cmpi ne, %convert_element_type3A_28, %cond3A_29 : i32
      scf.if %cond3A_30 {
        %add3A_50 = arith.constant 0 : i32
        %add3A_51 = arith.addi %arg1, %add3A_50 : i32
        %mul3A_52 = arith.constant 128 : i32
        %mul3A_53 = arith.muli %add3A_51, %mul3A_52 : i32
        %mul3A_54 = arith.constant 128 : i32
        %mul3A_55 = arith.muli %add3A_1, %mul3A_54 : i32
        %dma_start3A = arith.constant 0 : i32
        %dma_start3A_56 = tpu.memref_slice %arg3[%add3A_51, %dma_start3A] : memref<1250x128xi32, #tpu.memory_space<hbm>> -> memref<1x128xi32, #tpu.memory_space<hbm>>
        %dma_start3A_57 = tpu.memref_squeeze %dma_start3A_56 : memref<1x128xi32, #tpu.memory_space<hbm>> -> memref<128xi32, #tpu.memory_space<hbm>>
        %dma_start3A_58 = arith.constant 0 : i32
        %dma_start3A_59 = tpu.memref_slice %arg3[%add3A_51, %dma_start3A_58] : memref<1250x128xi32, #tpu.memory_space<hbm>> -> memref<1x128xi32, #tpu.memory_space<hbm>>
        %dma_start3A_60 = tpu.memref_squeeze %dma_start3A_59 : memref<1x128xi32, #tpu.memory_space<hbm>> -> memref<128xi32, #tpu.memory_space<hbm>>
        tpu.enqueue_dma source(%dma_start3A_60 : memref<128xi32, #tpu.memory_space<hbm>>) target(%arg6 : memref<128xi32, #tpu.memory_space<vmem>>) target_semaphore(%arg11 : memref<!tpu.dma_semaphore, #tpu.memory_space<semaphore_mem>>)
        %dma_start3A_61 = tpu.memref_slice %arg2[%mul3A_53, %mul3A_55] : memref<160000x640xf32, #tpu.memory_space<hbm>> -> memref<128x128xf32, #tpu.memory_space<hbm>>
        %dma_start3A_62 = tpu.memref_slice %arg2[%mul3A_53, %mul3A_55] : memref<160000x640xf32, #tpu.memory_space<hbm>> -> memref<128x128xf32, #tpu.memory_space<hbm>>
        tpu.enqueue_dma source(%dma_start3A_62 : memref<128x128xf32, #tpu.memory_space<hbm>>) target(%arg8 : memref<128x128xf32, #tpu.memory_space<vmem>>) target_semaphore(%arg11 : memref<!tpu.dma_semaphore, #tpu.memory_space<semaphore_mem>>)
      } else {
      }
      %add3A_31 = arith.constant 16 : i32
      %add3A_32 = arith.addi %arg1, %add3A_31 : i32
      %lt3A_33 = arith.constant 1250 : i32
      %lt3A_34 = arith.cmpi slt, %add3A_32, %lt3A_33 : i32
      %convert_element_type3A_35 = arith.extui %lt3A_34 : i1 to i32
      %cond3A_36 = arith.constant 0 : i32
      %cond3A_37 = arith.cmpi ne, %convert_element_type3A_35, %cond3A_36 : i32
      scf.if %cond3A_37 {
        %add3A_50 = arith.constant 16 : i32
        %add3A_51 = arith.addi %arg1, %add3A_50 : i32
        %mul3A_52 = arith.constant 128 : i32
        %mul3A_53 = arith.muli %add3A_51, %mul3A_52 : i32
        %mul3A_54 = arith.constant 128 : i32
        %mul3A_55 = arith.muli %add3A_1, %mul3A_54 : i32
        %dma_start3A = arith.constant 0 : i32
        %dma_start3A_56 = tpu.memref_slice %arg3[%add3A_51, %dma_start3A] : memref<1250x128xi32, #tpu.memory_space<hbm>> -> memref<1x128xi32, #tpu.memory_space<hbm>>
        %dma_start3A_57 = tpu.memref_squeeze %dma_start3A_56 : memref<1x128xi32, #tpu.memory_space<hbm>> -> memref<128xi32, #tpu.memory_space<hbm>>
        %dma_start3A_58 = arith.constant 0 : i32
        %dma_start3A_59 = tpu.memref_slice %arg3[%add3A_51, %dma_start3A_58] : memref<1250x128xi32, #tpu.memory_space<hbm>> -> memref<1x128xi32, #tpu.memory_space<hbm>>
        %dma_start3A_60 = tpu.memref_squeeze %dma_start3A_59 : memref<1x128xi32, #tpu.memory_space<hbm>> -> memref<128xi32, #tpu.memory_space<hbm>>
        tpu.enqueue_dma source(%dma_start3A_60 : memref<128xi32, #tpu.memory_space<hbm>>) target(%arg7 : memref<128xi32, #tpu.memory_space<vmem>>) target_semaphore(%arg12 : memref<!tpu.dma_semaphore, #tpu.memory_space<semaphore_mem>>)
        %dma_start3A_61 = tpu.memref_slice %arg2[%mul3A_53, %mul3A_55] : memref<160000x640xf32, #tpu.memory_space<hbm>> -> memref<128x128xf32, #tpu.memory_space<hbm>>
        %dma_start3A_62 = tpu.memref_slice %arg2[%mul3A_53, %mul3A_55] : memref<160000x640xf32, #tpu.memory_space<hbm>> -> memref<128x128xf32, #tpu.memory_space<hbm>>
        tpu.enqueue_dma source(%dma_start3A_62 : memref<128x128xf32, #tpu.memory_space<hbm>>) target(%arg9 : memref<128x128xf32, #tpu.memory_space<vmem>>) target_semaphore(%arg12 : memref<!tpu.dma_semaphore, #tpu.memory_space<semaphore_mem>>)
      } else {
      }
      %scan3A = arith.constant 0 : i32
      %scan3A_38 = arith.constant 40 : i32
      %scan3A_39 = arith.addi %scan3A, %scan3A_38 : i32
      %scan3A_40 = arith.constant 1 : i32
      scf.for %scan3A_50 = %scan3A to %scan3A_39 step %scan3A_40  : i32 {
        %mul3A_51 = arith.constant 1 : i32
        %mul3A_52 = arith.muli %scan3A_50, %mul3A_51 : i32
        %add3A_53 = arith.constant 0 : i32
        %add3A_54 = arith.addi %add3A_53, %mul3A_52 : i32
        %mul3A_55 = arith.constant 2 : i32
        %mul3A_56 = arith.muli %mul3A_55, %add3A_54 : i32
        %add3A_57 = arith.constant 0 : i32
        %add3A_58 = arith.addi %mul3A_56, %add3A_57 : i32
        %mul3A_59 = arith.constant 16 : i32
        %mul3A_60 = arith.muli %mul3A_59, %add3A_58 : i32
        %add3A_61 = arith.addi %arg1, %mul3A_60 : i32
        %lt3A_62 = arith.constant 1250 : i32
        %lt3A_63 = arith.cmpi slt, %add3A_61, %lt3A_62 : i32
        %convert_element_type3A_64 = arith.extui %lt3A_63 : i1 to i32
        %cond3A_65 = arith.constant 0 : i32
        %cond3A_66 = arith.cmpi ne, %convert_element_type3A_64, %cond3A_65 : i32
        scf.if %cond3A_66 {
          %mul3A_79 = arith.constant 16 : i32
          %mul3A_80 = arith.muli %mul3A_79, %add3A_58 : i32
          %add3A_81 = arith.addi %arg1, %mul3A_80 : i32
          %mul3A_82 = arith.constant 128 : i32
          %mul3A_83 = arith.muli %add3A_81, %mul3A_82 : i32
          %mul3A_84 = arith.constant 128 : i32
          %mul3A_85 = arith.muli %add3A_1, %mul3A_84 : i32
          %dma_wait3A = arith.constant 0 : i32
          %dma_wait3A_86 = tpu.memref_slice %arg3[%add3A_81, %dma_wait3A] : memref<1250x128xi32, #tpu.memory_space<hbm>> -> memref<1x128xi32, #tpu.memory_space<hbm>>
          %dma_wait3A_87 = tpu.memref_squeeze %dma_wait3A_86 : memref<1x128xi32, #tpu.memory_space<hbm>> -> memref<128xi32, #tpu.memory_space<hbm>>
          %dma_wait3A_88 = arith.constant 0 : i32
          %dma_wait3A_89 = tpu.memref_slice %arg3[%add3A_81, %dma_wait3A_88] : memref<1250x128xi32, #tpu.memory_space<hbm>> -> memref<1x128xi32, #tpu.memory_space<hbm>>
          %dma_wait3A_90 = tpu.memref_squeeze %dma_wait3A_89 : memref<1x128xi32, #tpu.memory_space<hbm>> -> memref<128xi32, #tpu.memory_space<hbm>>
          tpu.wait_dma2 semaphore(%arg11 : memref<!tpu.dma_semaphore, #tpu.memory_space<semaphore_mem>>) src(%dma_wait3A_90 : memref<128xi32, #tpu.memory_space<hbm>>) dst(%arg6 : memref<128xi32, #tpu.memory_space<vmem>>)
          %dma_wait3A_91 = tpu.memref_slice %arg2[%mul3A_83, %mul3A_85] : memref<160000x640xf32, #tpu.memory_space<hbm>> -> memref<128x128xf32, #tpu.memory_space<hbm>>
          %dma_wait3A_92 = tpu.memref_slice %arg2[%mul3A_83, %mul3A_85] : memref<160000x640xf32, #tpu.memory_space<hbm>> -> memref<128x128xf32, #tpu.memory_space<hbm>>
          tpu.wait_dma2 semaphore(%arg11 : memref<!tpu.dma_semaphore, #tpu.memory_space<semaphore_mem>>) src(%dma_wait3A_92 : memref<128x128xf32, #tpu.memory_space<hbm>>) dst(%arg8 : memref<128x128xf32, #tpu.memory_space<vmem>>)
          "tpu.region"() ({
            %run_scoped3A = tpu.sem_alloc : memref<!tpu.dma_semaphore, #tpu.memory_space<semaphore_mem>>
            %dma_start3A = arith.constant 0 : i32
            %dma_start3A_100 = arith.constant 0 : i32
            %dma_start3A_101 = tpu.memref_slice %arg10[%dma_start3A, %dma_start3A_100] : memref<10240x128xf32, #tpu.memory_space<vmem_shared>> -> memref<10240x128xf32, #tpu.memory_space<vmem_shared>>
            tpu.enqueue_indirect_dma source(%arg8 : memref<128x128xf32, #tpu.memory_space<vmem>>) target(%dma_start3A_101 : memref<10240x128xf32, #tpu.memory_space<vmem_shared>>) offsets(%arg6 : memref<128xi32, #tpu.memory_space<vmem>>) semaphore(%run_scoped3A : memref<!tpu.dma_semaphore, #tpu.memory_space<semaphore_mem>>) {add = true}
            %dma_wait3A_102 = arith.constant 0 : i32
            %dma_wait3A_103 = arith.constant 0 : i32
            %dma_wait3A_104 = tpu.memref_slice %arg10[%dma_wait3A_102, %dma_wait3A_103] : memref<10240x128xf32, #tpu.memory_space<vmem_shared>> -> memref<10240x128xf32, #tpu.memory_space<vmem_shared>>
            tpu.wait_indirect_dma semaphore(%run_scoped3A : memref<!tpu.dma_semaphore, #tpu.memory_space<semaphore_mem>>) src(%arg8 : memref<128x128xf32, #tpu.memory_space<vmem>>) dst(%dma_wait3A_104 : memref<10240x128xf32, #tpu.memory_space<vmem_shared>>)
            tpu.yield
          }) : () -> ()
          %add3A_93 = arith.constant 32 : i32
          %add3A_94 = arith.addi %add3A_61, %add3A_93 : i32
          %lt3A_95 = arith.constant 1250 : i32
          %lt3A_96 = arith.cmpi slt, %add3A_94, %lt3A_95 : i32
          %convert_element_type3A_97 = arith.extui %lt3A_96 : i1 to i32
          %cond3A_98 = arith.constant 0 : i32
          %cond3A_99 = arith.cmpi ne, %convert_element_type3A_97, %cond3A_98 : i32
          scf.if %cond3A_99 {
            %add3A_100 = arith.constant 2 : i32
            %add3A_101 = arith.addi %add3A_58, %add3A_100 : i32
            %mul3A_102 = arith.constant 16 : i32
            %mul3A_103 = arith.muli %mul3A_102, %add3A_101 : i32
            %add3A_104 = arith.addi %arg1, %mul3A_103 : i32
            %mul3A_105 = arith.constant 128 : i32
            %mul3A_106 = arith.muli %add3A_104, %mul3A_105 : i32
            %mul3A_107 = arith.constant 128 : i32
            %mul3A_108 = arith.muli %add3A_1, %mul3A_107 : i32
            %dma_start3A = arith.constant 0 : i32
            %dma_start3A_109 = tpu.memref_slice %arg3[%add3A_104, %dma_start3A] : memref<1250x128xi32, #tpu.memory_space<hbm>> -> memref<1x128xi32, #tpu.memory_space<hbm>>
            %dma_start3A_110 = tpu.memref_squeeze %dma_start3A_109 : memref<1x128xi32, #tpu.memory_space<hbm>> -> memref<128xi32, #tpu.memory_space<hbm>>
            %dma_start3A_111 = arith.constant 0 : i32
            %dma_start3A_112 = tpu.memref_slice %arg3[%add3A_104, %dma_start3A_111] : memref<1250x128xi32, #tpu.memory_space<hbm>> -> memref<1x128xi32, #tpu.memory_space<hbm>>
            %dma_start3A_113 = tpu.memref_squeeze %dma_start3A_112 : memref<1x128xi32, #tpu.memory_space<hbm>> -> memref<128xi32, #tpu.memory_space<hbm>>
            tpu.enqueue_dma source(%dma_start3A_113 : memref<128xi32, #tpu.memory_space<hbm>>) target(%arg6 : memref<128xi32, #tpu.memory_space<vmem>>) target_semaphore(%arg11 : memref<!tpu.dma_semaphore, #tpu.memory_space<semaphore_mem>>)
            %dma_start3A_114 = tpu.memref_slice %arg2[%mul3A_106, %mul3A_108] : memref<160000x640xf32, #tpu.memory_space<hbm>> -> memref<128x128xf32, #tpu.memory_space<hbm>>
            %dma_start3A_115 = tpu.memref_slice %arg2[%mul3A_106, %mul3A_108] : memref<160000x640xf32, #tpu.memory_space<hbm>> -> memref<128x128xf32, #tpu.memory_space<hbm>>
            tpu.enqueue_dma source(%dma_start3A_115 : memref<128x128xf32, #tpu.memory_space<hbm>>) target(%arg8 : memref<128x128xf32, #tpu.memory_space<vmem>>) target_semaphore(%arg11 : memref<!tpu.dma_semaphore, #tpu.memory_space<semaphore_mem>>)
          } else {
          }
        } else {
        }
        %mul3A_67 = arith.constant 2 : i32
        %mul3A_68 = arith.muli %mul3A_67, %add3A_54 : i32
        %add3A_69 = arith.constant 1 : i32
        %add3A_70 = arith.addi %mul3A_68, %add3A_69 : i32
        %mul3A_71 = arith.constant 16 : i32
        %mul3A_72 = arith.muli %mul3A_71, %add3A_70 : i32
        %add3A_73 = arith.addi %arg1, %mul3A_72 : i32
        %lt3A_74 = arith.constant 1250 : i32
        %lt3A_75 = arith.cmpi slt, %add3A_73, %lt3A_74 : i32
        %convert_element_type3A_76 = arith.extui %lt3A_75 : i1 to i32
        %cond3A_77 = arith.constant 0 : i32
        %cond3A_78 = arith.cmpi ne, %convert_element_type3A_76, %cond3A_77 : i32
        scf.if %cond3A_78 {
          %mul3A_79 = arith.constant 16 : i32
          %mul3A_80 = arith.muli %mul3A_79, %add3A_70 : i32
          %add3A_81 = arith.addi %arg1, %mul3A_80 : i32
          %mul3A_82 = arith.constant 128 : i32
          %mul3A_83 = arith.muli %add3A_81, %mul3A_82 : i32
          %mul3A_84 = arith.constant 128 : i32
          %mul3A_85 = arith.muli %add3A_1, %mul3A_84 : i32
          %dma_wait3A = arith.constant 0 : i32
          %dma_wait3A_86 = tpu.memref_slice %arg3[%add3A_81, %dma_wait3A] : memref<1250x128xi32, #tpu.memory_space<hbm>> -> memref<1x128xi32, #tpu.memory_space<hbm>>
          %dma_wait3A_87 = tpu.memref_squeeze %dma_wait3A_86 : memref<1x128xi32, #tpu.memory_space<hbm>> -> memref<128xi32, #tpu.memory_space<hbm>>
          %dma_wait3A_88 = arith.constant 0 : i32
          %dma_wait3A_89 = tpu.memref_slice %arg3[%add3A_81, %dma_wait3A_88] : memref<1250x128xi32, #tpu.memory_space<hbm>> -> memref<1x128xi32, #tpu.memory_space<hbm>>
          %dma_wait3A_90 = tpu.memref_squeeze %dma_wait3A_89 : memref<1x128xi32, #tpu.memory_space<hbm>> -> memref<128xi32, #tpu.memory_space<hbm>>
          tpu.wait_dma2 semaphore(%arg12 : memref<!tpu.dma_semaphore, #tpu.memory_space<semaphore_mem>>) src(%dma_wait3A_90 : memref<128xi32, #tpu.memory_space<hbm>>) dst(%arg7 : memref<128xi32, #tpu.memory_space<vmem>>)
          %dma_wait3A_91 = tpu.memref_slice %arg2[%mul3A_83, %mul3A_85] : memref<160000x640xf32, #tpu.memory_space<hbm>> -> memref<128x128xf32, #tpu.memory_space<hbm>>
          %dma_wait3A_92 = tpu.memref_slice %arg2[%mul3A_83, %mul3A_85] : memref<160000x640xf32, #tpu.memory_space<hbm>> -> memref<128x128xf32, #tpu.memory_space<hbm>>
          tpu.wait_dma2 semaphore(%arg12 : memref<!tpu.dma_semaphore, #tpu.memory_space<semaphore_mem>>) src(%dma_wait3A_92 : memref<128x128xf32, #tpu.memory_space<hbm>>) dst(%arg9 : memref<128x128xf32, #tpu.memory_space<vmem>>)
          "tpu.region"() ({
            %run_scoped3A = tpu.sem_alloc : memref<!tpu.dma_semaphore, #tpu.memory_space<semaphore_mem>>
            %dma_start3A = arith.constant 0 : i32
            %dma_start3A_100 = arith.constant 0 : i32
            %dma_start3A_101 = tpu.memref_slice %arg10[%dma_start3A, %dma_start3A_100] : memref<10240x128xf32, #tpu.memory_space<vmem_shared>> -> memref<10240x128xf32, #tpu.memory_space<vmem_shared>>
            tpu.enqueue_indirect_dma source(%arg9 : memref<128x128xf32, #tpu.memory_space<vmem>>) target(%dma_start3A_101 : memref<10240x128xf32, #tpu.memory_space<vmem_shared>>) offsets(%arg7 : memref<128xi32, #tpu.memory_space<vmem>>) semaphore(%run_scoped3A : memref<!tpu.dma_semaphore, #tpu.memory_space<semaphore_mem>>) {add = true}
            %dma_wait3A_102 = arith.constant 0 : i32
            %dma_wait3A_103 = arith.constant 0 : i32
            %dma_wait3A_104 = tpu.memref_slice %arg10[%dma_wait3A_102, %dma_wait3A_103] : memref<10240x128xf32, #tpu.memory_space<vmem_shared>> -> memref<10240x128xf32, #tpu.memory_space<vmem_shared>>
            tpu.wait_indirect_dma semaphore(%run_scoped3A : memref<!tpu.dma_semaphore, #tpu.memory_space<semaphore_mem>>) src(%arg9 : memref<128x128xf32, #tpu.memory_space<vmem>>) dst(%dma_wait3A_104 : memref<10240x128xf32, #tpu.memory_space<vmem_shared>>)
            tpu.yield
          }) : () -> ()
          %add3A_93 = arith.constant 32 : i32
          %add3A_94 = arith.addi %add3A_73, %add3A_93 : i32
          %lt3A_95 = arith.constant 1250 : i32
          %lt3A_96 = arith.cmpi slt, %add3A_94, %lt3A_95 : i32
          %convert_element_type3A_97 = arith.extui %lt3A_96 : i1 to i32
          %cond3A_98 = arith.constant 0 : i32
          %cond3A_99 = arith.cmpi ne, %convert_element_type3A_97, %cond3A_98 : i32
          scf.if %cond3A_99 {
            %add3A_100 = arith.constant 2 : i32
            %add3A_101 = arith.addi %add3A_70, %add3A_100 : i32
            %mul3A_102 = arith.constant 16 : i32
            %mul3A_103 = arith.muli %mul3A_102, %add3A_101 : i32
            %add3A_104 = arith.addi %arg1, %mul3A_103 : i32
            %mul3A_105 = arith.constant 128 : i32
            %mul3A_106 = arith.muli %add3A_104, %mul3A_105 : i32
            %mul3A_107 = arith.constant 128 : i32
            %mul3A_108 = arith.muli %add3A_1, %mul3A_107 : i32
            %dma_start3A = arith.constant 0 : i32
            %dma_start3A_109 = tpu.memref_slice %arg3[%add3A_104, %dma_start3A] : memref<1250x128xi32, #tpu.memory_space<hbm>> -> memref<1x128xi32, #tpu.memory_space<hbm>>
            %dma_start3A_110 = tpu.memref_squeeze %dma_start3A_109 : memref<1x128xi32, #tpu.memory_space<hbm>> -> memref<128xi32, #tpu.memory_space<hbm>>
            %dma_start3A_111 = arith.constant 0 : i32
            %dma_start3A_112 = tpu.memref_slice %arg3[%add3A_104, %dma_start3A_111] : memref<1250x128xi32, #tpu.memory_space<hbm>> -> memref<1x128xi32, #tpu.memory_space<hbm>>
            %dma_start3A_113 = tpu.memref_squeeze %dma_start3A_112 : memref<1x128xi32, #tpu.memory_space<hbm>> -> memref<128xi32, #tpu.memory_space<hbm>>
            tpu.enqueue_dma source(%dma_start3A_113 : memref<128xi32, #tpu.memory_space<hbm>>) target(%arg7 : memref<128xi32, #tpu.memory_space<vmem>>) target_semaphore(%arg12 : memref<!tpu.dma_semaphore, #tpu.memory_space<semaphore_mem>>)
            %dma_start3A_114 = tpu.memref_slice %arg2[%mul3A_106, %mul3A_108] : memref<160000x640xf32, #tpu.memory_space<hbm>> -> memref<128x128xf32, #tpu.memory_space<hbm>>
            %dma_start3A_115 = tpu.memref_slice %arg2[%mul3A_106, %mul3A_108] : memref<160000x640xf32, #tpu.memory_space<hbm>> -> memref<128x128xf32, #tpu.memory_space<hbm>>
            tpu.enqueue_dma source(%dma_start3A_115 : memref<128x128xf32, #tpu.memory_space<hbm>>) target(%arg9 : memref<128x128xf32, #tpu.memory_space<vmem>>) target_semaphore(%arg12 : memref<!tpu.dma_semaphore, #tpu.memory_space<semaphore_mem>>)
          } else {
          }
        } else {
        }
      }
      %scan3A_41 = arith.constant 40 : i32
      %barrier3A_42 = arith.constant 0 : index
      tpu.barrier barrier_id(%barrier3A_42)
      %mul3A_43 = arith.constant 640 : i32
      %mul3A_44 = arith.muli %arg1, %mul3A_43 : i32
      %mul3A_45 = arith.constant 640 : i32
      %mul3A_46 = arith.muli %arg1, %mul3A_45 : i32
      %mul3A_47 = arith.constant 128 : i32
      %mul3A_48 = arith.muli %add3A_1, %mul3A_47 : i32
      "tpu.region"() ({
        %run_scoped3A = tpu.sem_alloc : memref<!tpu.dma_semaphore, #tpu.memory_space<semaphore_mem>>
        %dma_start3A = tpu.memref_slice %arg5[%mul3A_46, %mul3A_48] : memref<10240x640xf32, #tpu.memory_space<hbm>> -> memref<640x128xf32, #tpu.memory_space<hbm>>
        %dma_start3A_50 = arith.constant 0 : i32
        %dma_start3A_51 = tpu.memref_slice %arg10[%mul3A_44, %dma_start3A_50] : memref<10240x128xf32, #tpu.memory_space<vmem_shared>> -> memref<640x128xf32, #tpu.memory_space<vmem_shared>>
        tpu.enqueue_dma source(%dma_start3A_51 : memref<640x128xf32, #tpu.memory_space<vmem_shared>>) target(%dma_start3A : memref<640x128xf32, #tpu.memory_space<hbm>>) target_semaphore(%run_scoped3A : memref<!tpu.dma_semaphore, #tpu.memory_space<semaphore_mem>>)
        %dma_wait3A = tpu.memref_slice %arg5[%mul3A_46, %mul3A_48] : memref<10240x640xf32, #tpu.memory_space<hbm>> -> memref<640x128xf32, #tpu.memory_space<hbm>>
        %dma_wait3A_52 = arith.constant 0 : i32
        %dma_wait3A_53 = tpu.memref_slice %arg10[%mul3A_44, %dma_wait3A_52] : memref<10240x128xf32, #tpu.memory_space<vmem_shared>> -> memref<640x128xf32, #tpu.memory_space<vmem_shared>>
        tpu.wait_dma2 semaphore(%run_scoped3A : memref<!tpu.dma_semaphore, #tpu.memory_space<semaphore_mem>>) src(%dma_wait3A_53 : memref<640x128xf32, #tpu.memory_space<vmem_shared>>) dst(%dma_wait3A : memref<640x128xf32, #tpu.memory_space<hbm>>)
        tpu.yield
      }) : () -> ()
      %barrier3A_49 = arith.constant 0 : index
      tpu.barrier barrier_id(%barrier3A_49)
    } else {
    }
    %mul3A_4 = arith.constant 3 : i32
    %mul3A_5 = arith.muli %arg0, %mul3A_4 : i32
    %add3A_6 = arith.constant 1 : i32
    %add3A_7 = arith.addi %mul3A_5, %add3A_6 : i32
    %lt3A_8 = arith.constant 5 : i32
    %lt3A_9 = arith.cmpi slt, %add3A_7, %lt3A_8 : i32
    %convert_element_type3A_10 = arith.extui %lt3A_9 : i1 to i32
    %cond3A_11 = arith.constant 0 : i32
    %cond3A_12 = arith.cmpi ne, %convert_element_type3A_10, %cond3A_11 : i32
    scf.if %cond3A_12 {
      %mul3A_22 = arith.constant 640 : i32
      %mul3A_23 = arith.muli %arg1, %mul3A_22 : i32
      "tpu.region"() ({
        %run_scoped3A = tpu.sem_alloc : memref<!tpu.dma_semaphore, #tpu.memory_space<semaphore_mem>>
        %dma_start3A = arith.constant 0 : i32
        %dma_start3A_50 = tpu.memref_slice %arg10[%mul3A_23, %dma_start3A] : memref<10240x128xf32, #tpu.memory_space<vmem_shared>> -> memref<640x128xf32, #tpu.memory_space<vmem_shared>>
        tpu.enqueue_dma source(%arg4 : memref<640x128xf32, #tpu.memory_space<hbm>>) target(%dma_start3A_50 : memref<640x128xf32, #tpu.memory_space<vmem_shared>>) target_semaphore(%run_scoped3A : memref<!tpu.dma_semaphore, #tpu.memory_space<semaphore_mem>>)
        %dma_wait3A = arith.constant 0 : i32
        %dma_wait3A_51 = tpu.memref_slice %arg10[%mul3A_23, %dma_wait3A] : memref<10240x128xf32, #tpu.memory_space<vmem_shared>> -> memref<640x128xf32, #tpu.memory_space<vmem_shared>>
        tpu.wait_dma2 semaphore(%run_scoped3A : memref<!tpu.dma_semaphore, #tpu.memory_space<semaphore_mem>>) src(%arg4 : memref<640x128xf32, #tpu.memory_space<hbm>>) dst(%dma_wait3A_51 : memref<640x128xf32, #tpu.memory_space<vmem_shared>>)
        tpu.yield
      }) : () -> ()
      %barrier3A = arith.constant 0 : index
      tpu.barrier barrier_id(%barrier3A)
      %add3A_24 = arith.constant 0 : i32
      %add3A_25 = arith.addi %arg1, %add3A_24 : i32
      %lt3A_26 = arith.constant 1250 : i32
      %lt3A_27 = arith.cmpi slt, %add3A_25, %lt3A_26 : i32
      %convert_element_type3A_28 = arith.extui %lt3A_27 : i1 to i32
      %cond3A_29 = arith.constant 0 : i32
      %cond3A_30 = arith.cmpi ne, %convert_element_type3A_28, %cond3A_29 : i32
      scf.if %cond3A_30 {
        %add3A_50 = arith.constant 0 : i32
        %add3A_51 = arith.addi %arg1, %add3A_50 : i32
        %mul3A_52 = arith.constant 128 : i32
        %mul3A_53 = arith.muli %add3A_51, %mul3A_52 : i32
        %mul3A_54 = arith.constant 128 : i32
        %mul3A_55 = arith.muli %add3A_7, %mul3A_54 : i32
        %dma_start3A = arith.constant 0 : i32
        %dma_start3A_56 = tpu.memref_slice %arg3[%add3A_51, %dma_start3A] : memref<1250x128xi32, #tpu.memory_space<hbm>> -> memref<1x128xi32, #tpu.memory_space<hbm>>
        %dma_start3A_57 = tpu.memref_squeeze %dma_start3A_56 : memref<1x128xi32, #tpu.memory_space<hbm>> -> memref<128xi32, #tpu.memory_space<hbm>>
        %dma_start3A_58 = arith.constant 0 : i32
        %dma_start3A_59 = tpu.memref_slice %arg3[%add3A_51, %dma_start3A_58] : memref<1250x128xi32, #tpu.memory_space<hbm>> -> memref<1x128xi32, #tpu.memory_space<hbm>>
        %dma_start3A_60 = tpu.memref_squeeze %dma_start3A_59 : memref<1x128xi32, #tpu.memory_space<hbm>> -> memref<128xi32, #tpu.memory_space<hbm>>
        tpu.enqueue_dma source(%dma_start3A_60 : memref<128xi32, #tpu.memory_space<hbm>>) target(%arg6 : memref<128xi32, #tpu.memory_space<vmem>>) target_semaphore(%arg11 : memref<!tpu.dma_semaphore, #tpu.memory_space<semaphore_mem>>)
        %dma_start3A_61 = tpu.memref_slice %arg2[%mul3A_53, %mul3A_55] : memref<160000x640xf32, #tpu.memory_space<hbm>> -> memref<128x128xf32, #tpu.memory_space<hbm>>
        %dma_start3A_62 = tpu.memref_slice %arg2[%mul3A_53, %mul3A_55] : memref<160000x640xf32, #tpu.memory_space<hbm>> -> memref<128x128xf32, #tpu.memory_space<hbm>>
        tpu.enqueue_dma source(%dma_start3A_62 : memref<128x128xf32, #tpu.memory_space<hbm>>) target(%arg8 : memref<128x128xf32, #tpu.memory_space<vmem>>) target_semaphore(%arg11 : memref<!tpu.dma_semaphore, #tpu.memory_space<semaphore_mem>>)
      } else {
      }
      %add3A_31 = arith.constant 16 : i32
      %add3A_32 = arith.addi %arg1, %add3A_31 : i32
      %lt3A_33 = arith.constant 1250 : i32
      %lt3A_34 = arith.cmpi slt, %add3A_32, %lt3A_33 : i32
      %convert_element_type3A_35 = arith.extui %lt3A_34 : i1 to i32
      %cond3A_36 = arith.constant 0 : i32
      %cond3A_37 = arith.cmpi ne, %convert_element_type3A_35, %cond3A_36 : i32
      scf.if %cond3A_37 {
        %add3A_50 = arith.constant 16 : i32
        %add3A_51 = arith.addi %arg1, %add3A_50 : i32
        %mul3A_52 = arith.constant 128 : i32
        %mul3A_53 = arith.muli %add3A_51, %mul3A_52 : i32
        %mul3A_54 = arith.constant 128 : i32
        %mul3A_55 = arith.muli %add3A_7, %mul3A_54 : i32
        %dma_start3A = arith.constant 0 : i32
        %dma_start3A_56 = tpu.memref_slice %arg3[%add3A_51, %dma_start3A] : memref<1250x128xi32, #tpu.memory_space<hbm>> -> memref<1x128xi32, #tpu.memory_space<hbm>>
        %dma_start3A_57 = tpu.memref_squeeze %dma_start3A_56 : memref<1x128xi32, #tpu.memory_space<hbm>> -> memref<128xi32, #tpu.memory_space<hbm>>
        %dma_start3A_58 = arith.constant 0 : i32
        %dma_start3A_59 = tpu.memref_slice %arg3[%add3A_51, %dma_start3A_58] : memref<1250x128xi32, #tpu.memory_space<hbm>> -> memref<1x128xi32, #tpu.memory_space<hbm>>
        %dma_start3A_60 = tpu.memref_squeeze %dma_start3A_59 : memref<1x128xi32, #tpu.memory_space<hbm>> -> memref<128xi32, #tpu.memory_space<hbm>>
        tpu.enqueue_dma source(%dma_start3A_60 : memref<128xi32, #tpu.memory_space<hbm>>) target(%arg7 : memref<128xi32, #tpu.memory_space<vmem>>) target_semaphore(%arg12 : memref<!tpu.dma_semaphore, #tpu.memory_space<semaphore_mem>>)
        %dma_start3A_61 = tpu.memref_slice %arg2[%mul3A_53, %mul3A_55] : memref<160000x640xf32, #tpu.memory_space<hbm>> -> memref<128x128xf32, #tpu.memory_space<hbm>>
        %dma_start3A_62 = tpu.memref_slice %arg2[%mul3A_53, %mul3A_55] : memref<160000x640xf32, #tpu.memory_space<hbm>> -> memref<128x128xf32, #tpu.memory_space<hbm>>
        tpu.enqueue_dma source(%dma_start3A_62 : memref<128x128xf32, #tpu.memory_space<hbm>>) target(%arg9 : memref<128x128xf32, #tpu.memory_space<vmem>>) target_semaphore(%arg12 : memref<!tpu.dma_semaphore, #tpu.memory_space<semaphore_mem>>)
      } else {
      }
      %scan3A = arith.constant 0 : i32
      %scan3A_38 = arith.constant 40 : i32
      %scan3A_39 = arith.addi %scan3A, %scan3A_38 : i32
      %scan3A_40 = arith.constant 1 : i32
      scf.for %scan3A_50 = %scan3A to %scan3A_39 step %scan3A_40  : i32 {
        %mul3A_51 = arith.constant 1 : i32
        %mul3A_52 = arith.muli %scan3A_50, %mul3A_51 : i32
        %add3A_53 = arith.constant 0 : i32
        %add3A_54 = arith.addi %add3A_53, %mul3A_52 : i32
        %mul3A_55 = arith.constant 2 : i32
        %mul3A_56 = arith.muli %mul3A_55, %add3A_54 : i32
        %add3A_57 = arith.constant 0 : i32
        %add3A_58 = arith.addi %mul3A_56, %add3A_57 : i32
        %mul3A_59 = arith.constant 16 : i32
        %mul3A_60 = arith.muli %mul3A_59, %add3A_58 : i32
        %add3A_61 = arith.addi %arg1, %mul3A_60 : i32
        %lt3A_62 = arith.constant 1250 : i32
        %lt3A_63 = arith.cmpi slt, %add3A_61, %lt3A_62 : i32
        %convert_element_type3A_64 = arith.extui %lt3A_63 : i1 to i32
        %cond3A_65 = arith.constant 0 : i32
        %cond3A_66 = arith.cmpi ne, %convert_element_type3A_64, %cond3A_65 : i32
        scf.if %cond3A_66 {
          %mul3A_79 = arith.constant 16 : i32
          %mul3A_80 = arith.muli %mul3A_79, %add3A_58 : i32
          %add3A_81 = arith.addi %arg1, %mul3A_80 : i32
          %mul3A_82 = arith.constant 128 : i32
          %mul3A_83 = arith.muli %add3A_81, %mul3A_82 : i32
          %mul3A_84 = arith.constant 128 : i32
          %mul3A_85 = arith.muli %add3A_7, %mul3A_84 : i32
          %dma_wait3A = arith.constant 0 : i32
          %dma_wait3A_86 = tpu.memref_slice %arg3[%add3A_81, %dma_wait3A] : memref<1250x128xi32, #tpu.memory_space<hbm>> -> memref<1x128xi32, #tpu.memory_space<hbm>>
          %dma_wait3A_87 = tpu.memref_squeeze %dma_wait3A_86 : memref<1x128xi32, #tpu.memory_space<hbm>> -> memref<128xi32, #tpu.memory_space<hbm>>
          %dma_wait3A_88 = arith.constant 0 : i32
          %dma_wait3A_89 = tpu.memref_slice %arg3[%add3A_81, %dma_wait3A_88] : memref<1250x128xi32, #tpu.memory_space<hbm>> -> memref<1x128xi32, #tpu.memory_space<hbm>>
          %dma_wait3A_90 = tpu.memref_squeeze %dma_wait3A_89 : memref<1x128xi32, #tpu.memory_space<hbm>> -> memref<128xi32, #tpu.memory_space<hbm>>
          tpu.wait_dma2 semaphore(%arg11 : memref<!tpu.dma_semaphore, #tpu.memory_space<semaphore_mem>>) src(%dma_wait3A_90 : memref<128xi32, #tpu.memory_space<hbm>>) dst(%arg6 : memref<128xi32, #tpu.memory_space<vmem>>)
          %dma_wait3A_91 = tpu.memref_slice %arg2[%mul3A_83, %mul3A_85] : memref<160000x640xf32, #tpu.memory_space<hbm>> -> memref<128x128xf32, #tpu.memory_space<hbm>>
          %dma_wait3A_92 = tpu.memref_slice %arg2[%mul3A_83, %mul3A_85] : memref<160000x640xf32, #tpu.memory_space<hbm>> -> memref<128x128xf32, #tpu.memory_space<hbm>>
          tpu.wait_dma2 semaphore(%arg11 : memref<!tpu.dma_semaphore, #tpu.memory_space<semaphore_mem>>) src(%dma_wait3A_92 : memref<128x128xf32, #tpu.memory_space<hbm>>) dst(%arg8 : memref<128x128xf32, #tpu.memory_space<vmem>>)
          "tpu.region"() ({
            %run_scoped3A = tpu.sem_alloc : memref<!tpu.dma_semaphore, #tpu.memory_space<semaphore_mem>>
            %dma_start3A = arith.constant 0 : i32
            %dma_start3A_100 = arith.constant 0 : i32
            %dma_start3A_101 = tpu.memref_slice %arg10[%dma_start3A, %dma_start3A_100] : memref<10240x128xf32, #tpu.memory_space<vmem_shared>> -> memref<10240x128xf32, #tpu.memory_space<vmem_shared>>
            tpu.enqueue_indirect_dma source(%arg8 : memref<128x128xf32, #tpu.memory_space<vmem>>) target(%dma_start3A_101 : memref<10240x128xf32, #tpu.memory_space<vmem_shared>>) offsets(%arg6 : memref<128xi32, #tpu.memory_space<vmem>>) semaphore(%run_scoped3A : memref<!tpu.dma_semaphore, #tpu.memory_space<semaphore_mem>>) {add = true}
            %dma_wait3A_102 = arith.constant 0 : i32
            %dma_wait3A_103 = arith.constant 0 : i32
            %dma_wait3A_104 = tpu.memref_slice %arg10[%dma_wait3A_102, %dma_wait3A_103] : memref<10240x128xf32, #tpu.memory_space<vmem_shared>> -> memref<10240x128xf32, #tpu.memory_space<vmem_shared>>
            tpu.wait_indirect_dma semaphore(%run_scoped3A : memref<!tpu.dma_semaphore, #tpu.memory_space<semaphore_mem>>) src(%arg8 : memref<128x128xf32, #tpu.memory_space<vmem>>) dst(%dma_wait3A_104 : memref<10240x128xf32, #tpu.memory_space<vmem_shared>>)
            tpu.yield
          }) : () -> ()
          %add3A_93 = arith.constant 32 : i32
          %add3A_94 = arith.addi %add3A_61, %add3A_93 : i32
          %lt3A_95 = arith.constant 1250 : i32
          %lt3A_96 = arith.cmpi slt, %add3A_94, %lt3A_95 : i32
          %convert_element_type3A_97 = arith.extui %lt3A_96 : i1 to i32
          %cond3A_98 = arith.constant 0 : i32
          %cond3A_99 = arith.cmpi ne, %convert_element_type3A_97, %cond3A_98 : i32
          scf.if %cond3A_99 {
            %add3A_100 = arith.constant 2 : i32
            %add3A_101 = arith.addi %add3A_58, %add3A_100 : i32
            %mul3A_102 = arith.constant 16 : i32
            %mul3A_103 = arith.muli %mul3A_102, %add3A_101 : i32
            %add3A_104 = arith.addi %arg1, %mul3A_103 : i32
            %mul3A_105 = arith.constant 128 : i32
            %mul3A_106 = arith.muli %add3A_104, %mul3A_105 : i32
            %mul3A_107 = arith.constant 128 : i32
            %mul3A_108 = arith.muli %add3A_7, %mul3A_107 : i32
            %dma_start3A = arith.constant 0 : i32
            %dma_start3A_109 = tpu.memref_slice %arg3[%add3A_104, %dma_start3A] : memref<1250x128xi32, #tpu.memory_space<hbm>> -> memref<1x128xi32, #tpu.memory_space<hbm>>
            %dma_start3A_110 = tpu.memref_squeeze %dma_start3A_109 : memref<1x128xi32, #tpu.memory_space<hbm>> -> memref<128xi32, #tpu.memory_space<hbm>>
            %dma_start3A_111 = arith.constant 0 : i32
            %dma_start3A_112 = tpu.memref_slice %arg3[%add3A_104, %dma_start3A_111] : memref<1250x128xi32, #tpu.memory_space<hbm>> -> memref<1x128xi32, #tpu.memory_space<hbm>>
            %dma_start3A_113 = tpu.memref_squeeze %dma_start3A_112 : memref<1x128xi32, #tpu.memory_space<hbm>> -> memref<128xi32, #tpu.memory_space<hbm>>
            tpu.enqueue_dma source(%dma_start3A_113 : memref<128xi32, #tpu.memory_space<hbm>>) target(%arg6 : memref<128xi32, #tpu.memory_space<vmem>>) target_semaphore(%arg11 : memref<!tpu.dma_semaphore, #tpu.memory_space<semaphore_mem>>)
            %dma_start3A_114 = tpu.memref_slice %arg2[%mul3A_106, %mul3A_108] : memref<160000x640xf32, #tpu.memory_space<hbm>> -> memref<128x128xf32, #tpu.memory_space<hbm>>
            %dma_start3A_115 = tpu.memref_slice %arg2[%mul3A_106, %mul3A_108] : memref<160000x640xf32, #tpu.memory_space<hbm>> -> memref<128x128xf32, #tpu.memory_space<hbm>>
            tpu.enqueue_dma source(%dma_start3A_115 : memref<128x128xf32, #tpu.memory_space<hbm>>) target(%arg8 : memref<128x128xf32, #tpu.memory_space<vmem>>) target_semaphore(%arg11 : memref<!tpu.dma_semaphore, #tpu.memory_space<semaphore_mem>>)
          } else {
          }
        } else {
        }
        %mul3A_67 = arith.constant 2 : i32
        %mul3A_68 = arith.muli %mul3A_67, %add3A_54 : i32
        %add3A_69 = arith.constant 1 : i32
        %add3A_70 = arith.addi %mul3A_68, %add3A_69 : i32
        %mul3A_71 = arith.constant 16 : i32
        %mul3A_72 = arith.muli %mul3A_71, %add3A_70 : i32
        %add3A_73 = arith.addi %arg1, %mul3A_72 : i32
        %lt3A_74 = arith.constant 1250 : i32
        %lt3A_75 = arith.cmpi slt, %add3A_73, %lt3A_74 : i32
        %convert_element_type3A_76 = arith.extui %lt3A_75 : i1 to i32
        %cond3A_77 = arith.constant 0 : i32
        %cond3A_78 = arith.cmpi ne, %convert_element_type3A_76, %cond3A_77 : i32
        scf.if %cond3A_78 {
          %mul3A_79 = arith.constant 16 : i32
          %mul3A_80 = arith.muli %mul3A_79, %add3A_70 : i32
          %add3A_81 = arith.addi %arg1, %mul3A_80 : i32
          %mul3A_82 = arith.constant 128 : i32
          %mul3A_83 = arith.muli %add3A_81, %mul3A_82 : i32
          %mul3A_84 = arith.constant 128 : i32
          %mul3A_85 = arith.muli %add3A_7, %mul3A_84 : i32
          %dma_wait3A = arith.constant 0 : i32
          %dma_wait3A_86 = tpu.memref_slice %arg3[%add3A_81, %dma_wait3A] : memref<1250x128xi32, #tpu.memory_space<hbm>> -> memref<1x128xi32, #tpu.memory_space<hbm>>
          %dma_wait3A_87 = tpu.memref_squeeze %dma_wait3A_86 : memref<1x128xi32, #tpu.memory_space<hbm>> -> memref<128xi32, #tpu.memory_space<hbm>>
          %dma_wait3A_88 = arith.constant 0 : i32
          %dma_wait3A_89 = tpu.memref_slice %arg3[%add3A_81, %dma_wait3A_88] : memref<1250x128xi32, #tpu.memory_space<hbm>> -> memref<1x128xi32, #tpu.memory_space<hbm>>
          %dma_wait3A_90 = tpu.memref_squeeze %dma_wait3A_89 : memref<1x128xi32, #tpu.memory_space<hbm>> -> memref<128xi32, #tpu.memory_space<hbm>>
          tpu.wait_dma2 semaphore(%arg12 : memref<!tpu.dma_semaphore, #tpu.memory_space<semaphore_mem>>) src(%dma_wait3A_90 : memref<128xi32, #tpu.memory_space<hbm>>) dst(%arg7 : memref<128xi32, #tpu.memory_space<vmem>>)
          %dma_wait3A_91 = tpu.memref_slice %arg2[%mul3A_83, %mul3A_85] : memref<160000x640xf32, #tpu.memory_space<hbm>> -> memref<128x128xf32, #tpu.memory_space<hbm>>
          %dma_wait3A_92 = tpu.memref_slice %arg2[%mul3A_83, %mul3A_85] : memref<160000x640xf32, #tpu.memory_space<hbm>> -> memref<128x128xf32, #tpu.memory_space<hbm>>
          tpu.wait_dma2 semaphore(%arg12 : memref<!tpu.dma_semaphore, #tpu.memory_space<semaphore_mem>>) src(%dma_wait3A_92 : memref<128x128xf32, #tpu.memory_space<hbm>>) dst(%arg9 : memref<128x128xf32, #tpu.memory_space<vmem>>)
          "tpu.region"() ({
            %run_scoped3A = tpu.sem_alloc : memref<!tpu.dma_semaphore, #tpu.memory_space<semaphore_mem>>
            %dma_start3A = arith.constant 0 : i32
            %dma_start3A_100 = arith.constant 0 : i32
            %dma_start3A_101 = tpu.memref_slice %arg10[%dma_start3A, %dma_start3A_100] : memref<10240x128xf32, #tpu.memory_space<vmem_shared>> -> memref<10240x128xf32, #tpu.memory_space<vmem_shared>>
            tpu.enqueue_indirect_dma source(%arg9 : memref<128x128xf32, #tpu.memory_space<vmem>>) target(%dma_start3A_101 : memref<10240x128xf32, #tpu.memory_space<vmem_shared>>) offsets(%arg7 : memref<128xi32, #tpu.memory_space<vmem>>) semaphore(%run_scoped3A : memref<!tpu.dma_semaphore, #tpu.memory_space<semaphore_mem>>) {add = true}
            %dma_wait3A_102 = arith.constant 0 : i32
            %dma_wait3A_103 = arith.constant 0 : i32
            %dma_wait3A_104 = tpu.memref_slice %arg10[%dma_wait3A_102, %dma_wait3A_103] : memref<10240x128xf32, #tpu.memory_space<vmem_shared>> -> memref<10240x128xf32, #tpu.memory_space<vmem_shared>>
            tpu.wait_indirect_dma semaphore(%run_scoped3A : memref<!tpu.dma_semaphore, #tpu.memory_space<semaphore_mem>>) src(%arg9 : memref<128x128xf32, #tpu.memory_space<vmem>>) dst(%dma_wait3A_104 : memref<10240x128xf32, #tpu.memory_space<vmem_shared>>)
            tpu.yield
          }) : () -> ()
          %add3A_93 = arith.constant 32 : i32
          %add3A_94 = arith.addi %add3A_73, %add3A_93 : i32
          %lt3A_95 = arith.constant 1250 : i32
          %lt3A_96 = arith.cmpi slt, %add3A_94, %lt3A_95 : i32
          %convert_element_type3A_97 = arith.extui %lt3A_96 : i1 to i32
          %cond3A_98 = arith.constant 0 : i32
          %cond3A_99 = arith.cmpi ne, %convert_element_type3A_97, %cond3A_98 : i32
          scf.if %cond3A_99 {
            %add3A_100 = arith.constant 2 : i32
            %add3A_101 = arith.addi %add3A_70, %add3A_100 : i32
            %mul3A_102 = arith.constant 16 : i32
            %mul3A_103 = arith.muli %mul3A_102, %add3A_101 : i32
            %add3A_104 = arith.addi %arg1, %mul3A_103 : i32
            %mul3A_105 = arith.constant 128 : i32
            %mul3A_106 = arith.muli %add3A_104, %mul3A_105 : i32
            %mul3A_107 = arith.constant 128 : i32
            %mul3A_108 = arith.muli %add3A_7, %mul3A_107 : i32
            %dma_start3A = arith.constant 0 : i32
            %dma_start3A_109 = tpu.memref_slice %arg3[%add3A_104, %dma_start3A] : memref<1250x128xi32, #tpu.memory_space<hbm>> -> memref<1x128xi32, #tpu.memory_space<hbm>>
            %dma_start3A_110 = tpu.memref_squeeze %dma_start3A_109 : memref<1x128xi32, #tpu.memory_space<hbm>> -> memref<128xi32, #tpu.memory_space<hbm>>
            %dma_start3A_111 = arith.constant 0 : i32
            %dma_start3A_112 = tpu.memref_slice %arg3[%add3A_104, %dma_start3A_111] : memref<1250x128xi32, #tpu.memory_space<hbm>> -> memref<1x128xi32, #tpu.memory_space<hbm>>
            %dma_start3A_113 = tpu.memref_squeeze %dma_start3A_112 : memref<1x128xi32, #tpu.memory_space<hbm>> -> memref<128xi32, #tpu.memory_space<hbm>>
            tpu.enqueue_dma source(%dma_start3A_113 : memref<128xi32, #tpu.memory_space<hbm>>) target(%arg7 : memref<128xi32, #tpu.memory_space<vmem>>) target_semaphore(%arg12 : memref<!tpu.dma_semaphore, #tpu.memory_space<semaphore_mem>>)
            %dma_start3A_114 = tpu.memref_slice %arg2[%mul3A_106, %mul3A_108] : memref<160000x640xf32, #tpu.memory_space<hbm>> -> memref<128x128xf32, #tpu.memory_space<hbm>>
            %dma_start3A_115 = tpu.memref_slice %arg2[%mul3A_106, %mul3A_108] : memref<160000x640xf32, #tpu.memory_space<hbm>> -> memref<128x128xf32, #tpu.memory_space<hbm>>
            tpu.enqueue_dma source(%dma_start3A_115 : memref<128x128xf32, #tpu.memory_space<hbm>>) target(%arg9 : memref<128x128xf32, #tpu.memory_space<vmem>>) target_semaphore(%arg12 : memref<!tpu.dma_semaphore, #tpu.memory_space<semaphore_mem>>)
          } else {
          }
        } else {
        }
      }
      %scan3A_41 = arith.constant 40 : i32
      %barrier3A_42 = arith.constant 0 : index
      tpu.barrier barrier_id(%barrier3A_42)
      %mul3A_43 = arith.constant 640 : i32
      %mul3A_44 = arith.muli %arg1, %mul3A_43 : i32
      %mul3A_45 = arith.constant 640 : i32
      %mul3A_46 = arith.muli %arg1, %mul3A_45 : i32
      %mul3A_47 = arith.constant 128 : i32
      %mul3A_48 = arith.muli %add3A_7, %mul3A_47 : i32
      "tpu.region"() ({
        %run_scoped3A = tpu.sem_alloc : memref<!tpu.dma_semaphore, #tpu.memory_space<semaphore_mem>>
        %dma_start3A = tpu.memref_slice %arg5[%mul3A_46, %mul3A_48] : memref<10240x640xf32, #tpu.memory_space<hbm>> -> memref<640x128xf32, #tpu.memory_space<hbm>>
        %dma_start3A_50 = arith.constant 0 : i32
        %dma_start3A_51 = tpu.memref_slice %arg10[%mul3A_44, %dma_start3A_50] : memref<10240x128xf32, #tpu.memory_space<vmem_shared>> -> memref<640x128xf32, #tpu.memory_space<vmem_shared>>
        tpu.enqueue_dma source(%dma_start3A_51 : memref<640x128xf32, #tpu.memory_space<vmem_shared>>) target(%dma_start3A : memref<640x128xf32, #tpu.memory_space<hbm>>) target_semaphore(%run_scoped3A : memref<!tpu.dma_semaphore, #tpu.memory_space<semaphore_mem>>)
        %dma_wait3A = tpu.memref_slice %arg5[%mul3A_46, %mul3A_48] : memref<10240x640xf32, #tpu.memory_space<hbm>> -> memref<640x128xf32, #tpu.memory_space<hbm>>
        %dma_wait3A_52 = arith.constant 0 : i32
        %dma_wait3A_53 = tpu.memref_slice %arg10[%mul3A_44, %dma_wait3A_52] : memref<10240x128xf32, #tpu.memory_space<vmem_shared>> -> memref<640x128xf32, #tpu.memory_space<vmem_shared>>
        tpu.wait_dma2 semaphore(%run_scoped3A : memref<!tpu.dma_semaphore, #tpu.memory_space<semaphore_mem>>) src(%dma_wait3A_53 : memref<640x128xf32, #tpu.memory_space<vmem_shared>>) dst(%dma_wait3A : memref<640x128xf32, #tpu.memory_space<hbm>>)
        tpu.yield
      }) : () -> ()
      %barrier3A_49 = arith.constant 0 : index
      tpu.barrier barrier_id(%barrier3A_49)
    } else {
    }
    %mul3A_13 = arith.constant 3 : i32
    %mul3A_14 = arith.muli %arg0, %mul3A_13 : i32
    %add3A_15 = arith.constant 2 : i32
    %add3A_16 = arith.addi %mul3A_14, %add3A_15 : i32
    %lt3A_17 = arith.constant 5 : i32
    %lt3A_18 = arith.cmpi slt, %add3A_16, %lt3A_17 : i32
    %convert_element_type3A_19 = arith.extui %lt3A_18 : i1 to i32
    %cond3A_20 = arith.constant 0 : i32
    %cond3A_21 = arith.cmpi ne, %convert_element_type3A_19, %cond3A_20 : i32
    scf.if %cond3A_21 {
      %mul3A_22 = arith.constant 640 : i32
      %mul3A_23 = arith.muli %arg1, %mul3A_22 : i32
      "tpu.region"() ({
        %run_scoped3A = tpu.sem_alloc : memref<!tpu.dma_semaphore, #tpu.memory_space<semaphore_mem>>
        %dma_start3A = arith.constant 0 : i32
        %dma_start3A_50 = tpu.memref_slice %arg10[%mul3A_23, %dma_start3A] : memref<10240x128xf32, #tpu.memory_space<vmem_shared>> -> memref<640x128xf32, #tpu.memory_space<vmem_shared>>
        tpu.enqueue_dma source(%arg4 : memref<640x128xf32, #tpu.memory_space<hbm>>) target(%dma_start3A_50 : memref<640x128xf32, #tpu.memory_space<vmem_shared>>) target_semaphore(%run_scoped3A : memref<!tpu.dma_semaphore, #tpu.memory_space<semaphore_mem>>)
        %dma_wait3A = arith.constant 0 : i32
        %dma_wait3A_51 = tpu.memref_slice %arg10[%mul3A_23, %dma_wait3A] : memref<10240x128xf32, #tpu.memory_space<vmem_shared>> -> memref<640x128xf32, #tpu.memory_space<vmem_shared>>
        tpu.wait_dma2 semaphore(%run_scoped3A : memref<!tpu.dma_semaphore, #tpu.memory_space<semaphore_mem>>) src(%arg4 : memref<640x128xf32, #tpu.memory_space<hbm>>) dst(%dma_wait3A_51 : memref<640x128xf32, #tpu.memory_space<vmem_shared>>)
        tpu.yield
      }) : () -> ()
      %barrier3A = arith.constant 0 : index
      tpu.barrier barrier_id(%barrier3A)
      %add3A_24 = arith.constant 0 : i32
      %add3A_25 = arith.addi %arg1, %add3A_24 : i32
      %lt3A_26 = arith.constant 1250 : i32
      %lt3A_27 = arith.cmpi slt, %add3A_25, %lt3A_26 : i32
      %convert_element_type3A_28 = arith.extui %lt3A_27 : i1 to i32
      %cond3A_29 = arith.constant 0 : i32
      %cond3A_30 = arith.cmpi ne, %convert_element_type3A_28, %cond3A_29 : i32
      scf.if %cond3A_30 {
        %add3A_50 = arith.constant 0 : i32
        %add3A_51 = arith.addi %arg1, %add3A_50 : i32
        %mul3A_52 = arith.constant 128 : i32
        %mul3A_53 = arith.muli %add3A_51, %mul3A_52 : i32
        %mul3A_54 = arith.constant 128 : i32
        %mul3A_55 = arith.muli %add3A_16, %mul3A_54 : i32
        %dma_start3A = arith.constant 0 : i32
        %dma_start3A_56 = tpu.memref_slice %arg3[%add3A_51, %dma_start3A] : memref<1250x128xi32, #tpu.memory_space<hbm>> -> memref<1x128xi32, #tpu.memory_space<hbm>>
        %dma_start3A_57 = tpu.memref_squeeze %dma_start3A_56 : memref<1x128xi32, #tpu.memory_space<hbm>> -> memref<128xi32, #tpu.memory_space<hbm>>
        %dma_start3A_58 = arith.constant 0 : i32
        %dma_start3A_59 = tpu.memref_slice %arg3[%add3A_51, %dma_start3A_58] : memref<1250x128xi32, #tpu.memory_space<hbm>> -> memref<1x128xi32, #tpu.memory_space<hbm>>
        %dma_start3A_60 = tpu.memref_squeeze %dma_start3A_59 : memref<1x128xi32, #tpu.memory_space<hbm>> -> memref<128xi32, #tpu.memory_space<hbm>>
        tpu.enqueue_dma source(%dma_start3A_60 : memref<128xi32, #tpu.memory_space<hbm>>) target(%arg6 : memref<128xi32, #tpu.memory_space<vmem>>) target_semaphore(%arg11 : memref<!tpu.dma_semaphore, #tpu.memory_space<semaphore_mem>>)
        %dma_start3A_61 = tpu.memref_slice %arg2[%mul3A_53, %mul3A_55] : memref<160000x640xf32, #tpu.memory_space<hbm>> -> memref<128x128xf32, #tpu.memory_space<hbm>>
        %dma_start3A_62 = tpu.memref_slice %arg2[%mul3A_53, %mul3A_55] : memref<160000x640xf32, #tpu.memory_space<hbm>> -> memref<128x128xf32, #tpu.memory_space<hbm>>
        tpu.enqueue_dma source(%dma_start3A_62 : memref<128x128xf32, #tpu.memory_space<hbm>>) target(%arg8 : memref<128x128xf32, #tpu.memory_space<vmem>>) target_semaphore(%arg11 : memref<!tpu.dma_semaphore, #tpu.memory_space<semaphore_mem>>)
      } else {
      }
      %add3A_31 = arith.constant 16 : i32
      %add3A_32 = arith.addi %arg1, %add3A_31 : i32
      %lt3A_33 = arith.constant 1250 : i32
      %lt3A_34 = arith.cmpi slt, %add3A_32, %lt3A_33 : i32
      %convert_element_type3A_35 = arith.extui %lt3A_34 : i1 to i32
      %cond3A_36 = arith.constant 0 : i32
      %cond3A_37 = arith.cmpi ne, %convert_element_type3A_35, %cond3A_36 : i32
      scf.if %cond3A_37 {
        %add3A_50 = arith.constant 16 : i32
        %add3A_51 = arith.addi %arg1, %add3A_50 : i32
        %mul3A_52 = arith.constant 128 : i32
        %mul3A_53 = arith.muli %add3A_51, %mul3A_52 : i32
        %mul3A_54 = arith.constant 128 : i32
        %mul3A_55 = arith.muli %add3A_16, %mul3A_54 : i32
        %dma_start3A = arith.constant 0 : i32
        %dma_start3A_56 = tpu.memref_slice %arg3[%add3A_51, %dma_start3A] : memref<1250x128xi32, #tpu.memory_space<hbm>> -> memref<1x128xi32, #tpu.memory_space<hbm>>
        %dma_start3A_57 = tpu.memref_squeeze %dma_start3A_56 : memref<1x128xi32, #tpu.memory_space<hbm>> -> memref<128xi32, #tpu.memory_space<hbm>>
        %dma_start3A_58 = arith.constant 0 : i32
        %dma_start3A_59 = tpu.memref_slice %arg3[%add3A_51, %dma_start3A_58] : memref<1250x128xi32, #tpu.memory_space<hbm>> -> memref<1x128xi32, #tpu.memory_space<hbm>>
        %dma_start3A_60 = tpu.memref_squeeze %dma_start3A_59 : memref<1x128xi32, #tpu.memory_space<hbm>> -> memref<128xi32, #tpu.memory_space<hbm>>
        tpu.enqueue_dma source(%dma_start3A_60 : memref<128xi32, #tpu.memory_space<hbm>>) target(%arg7 : memref<128xi32, #tpu.memory_space<vmem>>) target_semaphore(%arg12 : memref<!tpu.dma_semaphore, #tpu.memory_space<semaphore_mem>>)
        %dma_start3A_61 = tpu.memref_slice %arg2[%mul3A_53, %mul3A_55] : memref<160000x640xf32, #tpu.memory_space<hbm>> -> memref<128x128xf32, #tpu.memory_space<hbm>>
        %dma_start3A_62 = tpu.memref_slice %arg2[%mul3A_53, %mul3A_55] : memref<160000x640xf32, #tpu.memory_space<hbm>> -> memref<128x128xf32, #tpu.memory_space<hbm>>
        tpu.enqueue_dma source(%dma_start3A_62 : memref<128x128xf32, #tpu.memory_space<hbm>>) target(%arg9 : memref<128x128xf32, #tpu.memory_space<vmem>>) target_semaphore(%arg12 : memref<!tpu.dma_semaphore, #tpu.memory_space<semaphore_mem>>)
      } else {
      }
      %scan3A = arith.constant 0 : i32
      %scan3A_38 = arith.constant 40 : i32
      %scan3A_39 = arith.addi %scan3A, %scan3A_38 : i32
      %scan3A_40 = arith.constant 1 : i32
      scf.for %scan3A_50 = %scan3A to %scan3A_39 step %scan3A_40  : i32 {
        %mul3A_51 = arith.constant 1 : i32
        %mul3A_52 = arith.muli %scan3A_50, %mul3A_51 : i32
        %add3A_53 = arith.constant 0 : i32
        %add3A_54 = arith.addi %add3A_53, %mul3A_52 : i32
        %mul3A_55 = arith.constant 2 : i32
        %mul3A_56 = arith.muli %mul3A_55, %add3A_54 : i32
        %add3A_57 = arith.constant 0 : i32
        %add3A_58 = arith.addi %mul3A_56, %add3A_57 : i32
        %mul3A_59 = arith.constant 16 : i32
        %mul3A_60 = arith.muli %mul3A_59, %add3A_58 : i32
        %add3A_61 = arith.addi %arg1, %mul3A_60 : i32
        %lt3A_62 = arith.constant 1250 : i32
        %lt3A_63 = arith.cmpi slt, %add3A_61, %lt3A_62 : i32
        %convert_element_type3A_64 = arith.extui %lt3A_63 : i1 to i32
        %cond3A_65 = arith.constant 0 : i32
        %cond3A_66 = arith.cmpi ne, %convert_element_type3A_64, %cond3A_65 : i32
        scf.if %cond3A_66 {
          %mul3A_79 = arith.constant 16 : i32
          %mul3A_80 = arith.muli %mul3A_79, %add3A_58 : i32
          %add3A_81 = arith.addi %arg1, %mul3A_80 : i32
          %mul3A_82 = arith.constant 128 : i32
          %mul3A_83 = arith.muli %add3A_81, %mul3A_82 : i32
          %mul3A_84 = arith.constant 128 : i32
          %mul3A_85 = arith.muli %add3A_16, %mul3A_84 : i32
          %dma_wait3A = arith.constant 0 : i32
          %dma_wait3A_86 = tpu.memref_slice %arg3[%add3A_81, %dma_wait3A] : memref<1250x128xi32, #tpu.memory_space<hbm>> -> memref<1x128xi32, #tpu.memory_space<hbm>>
          %dma_wait3A_87 = tpu.memref_squeeze %dma_wait3A_86 : memref<1x128xi32, #tpu.memory_space<hbm>> -> memref<128xi32, #tpu.memory_space<hbm>>
          %dma_wait3A_88 = arith.constant 0 : i32
          %dma_wait3A_89 = tpu.memref_slice %arg3[%add3A_81, %dma_wait3A_88] : memref<1250x128xi32, #tpu.memory_space<hbm>> -> memref<1x128xi32, #tpu.memory_space<hbm>>
          %dma_wait3A_90 = tpu.memref_squeeze %dma_wait3A_89 : memref<1x128xi32, #tpu.memory_space<hbm>> -> memref<128xi32, #tpu.memory_space<hbm>>
          tpu.wait_dma2 semaphore(%arg11 : memref<!tpu.dma_semaphore, #tpu.memory_space<semaphore_mem>>) src(%dma_wait3A_90 : memref<128xi32, #tpu.memory_space<hbm>>) dst(%arg6 : memref<128xi32, #tpu.memory_space<vmem>>)
          %dma_wait3A_91 = tpu.memref_slice %arg2[%mul3A_83, %mul3A_85] : memref<160000x640xf32, #tpu.memory_space<hbm>> -> memref<128x128xf32, #tpu.memory_space<hbm>>
          %dma_wait3A_92 = tpu.memref_slice %arg2[%mul3A_83, %mul3A_85] : memref<160000x640xf32, #tpu.memory_space<hbm>> -> memref<128x128xf32, #tpu.memory_space<hbm>>
          tpu.wait_dma2 semaphore(%arg11 : memref<!tpu.dma_semaphore, #tpu.memory_space<semaphore_mem>>) src(%dma_wait3A_92 : memref<128x128xf32, #tpu.memory_space<hbm>>) dst(%arg8 : memref<128x128xf32, #tpu.memory_space<vmem>>)
          "tpu.region"() ({
            %run_scoped3A = tpu.sem_alloc : memref<!tpu.dma_semaphore, #tpu.memory_space<semaphore_mem>>
            %dma_start3A = arith.constant 0 : i32
            %dma_start3A_100 = arith.constant 0 : i32
            %dma_start3A_101 = tpu.memref_slice %arg10[%dma_start3A, %dma_start3A_100] : memref<10240x128xf32, #tpu.memory_space<vmem_shared>> -> memref<10240x128xf32, #tpu.memory_space<vmem_shared>>
            tpu.enqueue_indirect_dma source(%arg8 : memref<128x128xf32, #tpu.memory_space<vmem>>) target(%dma_start3A_101 : memref<10240x128xf32, #tpu.memory_space<vmem_shared>>) offsets(%arg6 : memref<128xi32, #tpu.memory_space<vmem>>) semaphore(%run_scoped3A : memref<!tpu.dma_semaphore, #tpu.memory_space<semaphore_mem>>) {add = true}
            %dma_wait3A_102 = arith.constant 0 : i32
            %dma_wait3A_103 = arith.constant 0 : i32
            %dma_wait3A_104 = tpu.memref_slice %arg10[%dma_wait3A_102, %dma_wait3A_103] : memref<10240x128xf32, #tpu.memory_space<vmem_shared>> -> memref<10240x128xf32, #tpu.memory_space<vmem_shared>>
            tpu.wait_indirect_dma semaphore(%run_scoped3A : memref<!tpu.dma_semaphore, #tpu.memory_space<semaphore_mem>>) src(%arg8 : memref<128x128xf32, #tpu.memory_space<vmem>>) dst(%dma_wait3A_104 : memref<10240x128xf32, #tpu.memory_space<vmem_shared>>)
            tpu.yield
          }) : () -> ()
          %add3A_93 = arith.constant 32 : i32
          %add3A_94 = arith.addi %add3A_61, %add3A_93 : i32
          %lt3A_95 = arith.constant 1250 : i32
          %lt3A_96 = arith.cmpi slt, %add3A_94, %lt3A_95 : i32
          %convert_element_type3A_97 = arith.extui %lt3A_96 : i1 to i32
          %cond3A_98 = arith.constant 0 : i32
          %cond3A_99 = arith.cmpi ne, %convert_element_type3A_97, %cond3A_98 : i32
          scf.if %cond3A_99 {
            %add3A_100 = arith.constant 2 : i32
            %add3A_101 = arith.addi %add3A_58, %add3A_100 : i32
            %mul3A_102 = arith.constant 16 : i32
            %mul3A_103 = arith.muli %mul3A_102, %add3A_101 : i32
            %add3A_104 = arith.addi %arg1, %mul3A_103 : i32
            %mul3A_105 = arith.constant 128 : i32
            %mul3A_106 = arith.muli %add3A_104, %mul3A_105 : i32
            %mul3A_107 = arith.constant 128 : i32
            %mul3A_108 = arith.muli %add3A_16, %mul3A_107 : i32
            %dma_start3A = arith.constant 0 : i32
            %dma_start3A_109 = tpu.memref_slice %arg3[%add3A_104, %dma_start3A] : memref<1250x128xi32, #tpu.memory_space<hbm>> -> memref<1x128xi32, #tpu.memory_space<hbm>>
            %dma_start3A_110 = tpu.memref_squeeze %dma_start3A_109 : memref<1x128xi32, #tpu.memory_space<hbm>> -> memref<128xi32, #tpu.memory_space<hbm>>
            %dma_start3A_111 = arith.constant 0 : i32
            %dma_start3A_112 = tpu.memref_slice %arg3[%add3A_104, %dma_start3A_111] : memref<1250x128xi32, #tpu.memory_space<hbm>> -> memref<1x128xi32, #tpu.memory_space<hbm>>
            %dma_start3A_113 = tpu.memref_squeeze %dma_start3A_112 : memref<1x128xi32, #tpu.memory_space<hbm>> -> memref<128xi32, #tpu.memory_space<hbm>>
            tpu.enqueue_dma source(%dma_start3A_113 : memref<128xi32, #tpu.memory_space<hbm>>) target(%arg6 : memref<128xi32, #tpu.memory_space<vmem>>) target_semaphore(%arg11 : memref<!tpu.dma_semaphore, #tpu.memory_space<semaphore_mem>>)
            %dma_start3A_114 = tpu.memref_slice %arg2[%mul3A_106, %mul3A_108] : memref<160000x640xf32, #tpu.memory_space<hbm>> -> memref<128x128xf32, #tpu.memory_space<hbm>>
            %dma_start3A_115 = tpu.memref_slice %arg2[%mul3A_106, %mul3A_108] : memref<160000x640xf32, #tpu.memory_space<hbm>> -> memref<128x128xf32, #tpu.memory_space<hbm>>
            tpu.enqueue_dma source(%dma_start3A_115 : memref<128x128xf32, #tpu.memory_space<hbm>>) target(%arg8 : memref<128x128xf32, #tpu.memory_space<vmem>>) target_semaphore(%arg11 : memref<!tpu.dma_semaphore, #tpu.memory_space<semaphore_mem>>)
          } else {
          }
        } else {
        }
        %mul3A_67 = arith.constant 2 : i32
        %mul3A_68 = arith.muli %mul3A_67, %add3A_54 : i32
        %add3A_69 = arith.constant 1 : i32
        %add3A_70 = arith.addi %mul3A_68, %add3A_69 : i32
        %mul3A_71 = arith.constant 16 : i32
        %mul3A_72 = arith.muli %mul3A_71, %add3A_70 : i32
        %add3A_73 = arith.addi %arg1, %mul3A_72 : i32
        %lt3A_74 = arith.constant 1250 : i32
        %lt3A_75 = arith.cmpi slt, %add3A_73, %lt3A_74 : i32
        %convert_element_type3A_76 = arith.extui %lt3A_75 : i1 to i32
        %cond3A_77 = arith.constant 0 : i32
        %cond3A_78 = arith.cmpi ne, %convert_element_type3A_76, %cond3A_77 : i32
        scf.if %cond3A_78 {
          %mul3A_79 = arith.constant 16 : i32
          %mul3A_80 = arith.muli %mul3A_79, %add3A_70 : i32
          %add3A_81 = arith.addi %arg1, %mul3A_80 : i32
          %mul3A_82 = arith.constant 128 : i32
          %mul3A_83 = arith.muli %add3A_81, %mul3A_82 : i32
          %mul3A_84 = arith.constant 128 : i32
          %mul3A_85 = arith.muli %add3A_16, %mul3A_84 : i32
          %dma_wait3A = arith.constant 0 : i32
          %dma_wait3A_86 = tpu.memref_slice %arg3[%add3A_81, %dma_wait3A] : memref<1250x128xi32, #tpu.memory_space<hbm>> -> memref<1x128xi32, #tpu.memory_space<hbm>>
          %dma_wait3A_87 = tpu.memref_squeeze %dma_wait3A_86 : memref<1x128xi32, #tpu.memory_space<hbm>> -> memref<128xi32, #tpu.memory_space<hbm>>
          %dma_wait3A_88 = arith.constant 0 : i32
          %dma_wait3A_89 = tpu.memref_slice %arg3[%add3A_81, %dma_wait3A_88] : memref<1250x128xi32, #tpu.memory_space<hbm>> -> memref<1x128xi32, #tpu.memory_space<hbm>>
          %dma_wait3A_90 = tpu.memref_squeeze %dma_wait3A_89 : memref<1x128xi32, #tpu.memory_space<hbm>> -> memref<128xi32, #tpu.memory_space<hbm>>
          tpu.wait_dma2 semaphore(%arg12 : memref<!tpu.dma_semaphore, #tpu.memory_space<semaphore_mem>>) src(%dma_wait3A_90 : memref<128xi32, #tpu.memory_space<hbm>>) dst(%arg7 : memref<128xi32, #tpu.memory_space<vmem>>)
          %dma_wait3A_91 = tpu.memref_slice %arg2[%mul3A_83, %mul3A_85] : memref<160000x640xf32, #tpu.memory_space<hbm>> -> memref<128x128xf32, #tpu.memory_space<hbm>>
          %dma_wait3A_92 = tpu.memref_slice %arg2[%mul3A_83, %mul3A_85] : memref<160000x640xf32, #tpu.memory_space<hbm>> -> memref<128x128xf32, #tpu.memory_space<hbm>>
          tpu.wait_dma2 semaphore(%arg12 : memref<!tpu.dma_semaphore, #tpu.memory_space<semaphore_mem>>) src(%dma_wait3A_92 : memref<128x128xf32, #tpu.memory_space<hbm>>) dst(%arg9 : memref<128x128xf32, #tpu.memory_space<vmem>>)
          "tpu.region"() ({
            %run_scoped3A = tpu.sem_alloc : memref<!tpu.dma_semaphore, #tpu.memory_space<semaphore_mem>>
            %dma_start3A = arith.constant 0 : i32
            %dma_start3A_100 = arith.constant 0 : i32
            %dma_start3A_101 = tpu.memref_slice %arg10[%dma_start3A, %dma_start3A_100] : memref<10240x128xf32, #tpu.memory_space<vmem_shared>> -> memref<10240x128xf32, #tpu.memory_space<vmem_shared>>
            tpu.enqueue_indirect_dma source(%arg9 : memref<128x128xf32, #tpu.memory_space<vmem>>) target(%dma_start3A_101 : memref<10240x128xf32, #tpu.memory_space<vmem_shared>>) offsets(%arg7 : memref<128xi32, #tpu.memory_space<vmem>>) semaphore(%run_scoped3A : memref<!tpu.dma_semaphore, #tpu.memory_space<semaphore_mem>>) {add = true}
            %dma_wait3A_102 = arith.constant 0 : i32
            %dma_wait3A_103 = arith.constant 0 : i32
            %dma_wait3A_104 = tpu.memref_slice %arg10[%dma_wait3A_102, %dma_wait3A_103] : memref<10240x128xf32, #tpu.memory_space<vmem_shared>> -> memref<10240x128xf32, #tpu.memory_space<vmem_shared>>
            tpu.wait_indirect_dma semaphore(%run_scoped3A : memref<!tpu.dma_semaphore, #tpu.memory_space<semaphore_mem>>) src(%arg9 : memref<128x128xf32, #tpu.memory_space<vmem>>) dst(%dma_wait3A_104 : memref<10240x128xf32, #tpu.memory_space<vmem_shared>>)
            tpu.yield
          }) : () -> ()
          %add3A_93 = arith.constant 32 : i32
          %add3A_94 = arith.addi %add3A_73, %add3A_93 : i32
          %lt3A_95 = arith.constant 1250 : i32
          %lt3A_96 = arith.cmpi slt, %add3A_94, %lt3A_95 : i32
          %convert_element_type3A_97 = arith.extui %lt3A_96 : i1 to i32
          %cond3A_98 = arith.constant 0 : i32
          %cond3A_99 = arith.cmpi ne, %convert_element_type3A_97, %cond3A_98 : i32
          scf.if %cond3A_99 {
            %add3A_100 = arith.constant 2 : i32
            %add3A_101 = arith.addi %add3A_70, %add3A_100 : i32
            %mul3A_102 = arith.constant 16 : i32
            %mul3A_103 = arith.muli %mul3A_102, %add3A_101 : i32
            %add3A_104 = arith.addi %arg1, %mul3A_103 : i32
            %mul3A_105 = arith.constant 128 : i32
            %mul3A_106 = arith.muli %add3A_104, %mul3A_105 : i32
            %mul3A_107 = arith.constant 128 : i32
            %mul3A_108 = arith.muli %add3A_16, %mul3A_107 : i32
            %dma_start3A = arith.constant 0 : i32
            %dma_start3A_109 = tpu.memref_slice %arg3[%add3A_104, %dma_start3A] : memref<1250x128xi32, #tpu.memory_space<hbm>> -> memref<1x128xi32, #tpu.memory_space<hbm>>
            %dma_start3A_110 = tpu.memref_squeeze %dma_start3A_109 : memref<1x128xi32, #tpu.memory_space<hbm>> -> memref<128xi32, #tpu.memory_space<hbm>>
            %dma_start3A_111 = arith.constant 0 : i32
            %dma_start3A_112 = tpu.memref_slice %arg3[%add3A_104, %dma_start3A_111] : memref<1250x128xi32, #tpu.memory_space<hbm>> -> memref<1x128xi32, #tpu.memory_space<hbm>>
            %dma_start3A_113 = tpu.memref_squeeze %dma_start3A_112 : memref<1x128xi32, #tpu.memory_space<hbm>> -> memref<128xi32, #tpu.memory_space<hbm>>
            tpu.enqueue_dma source(%dma_start3A_113 : memref<128xi32, #tpu.memory_space<hbm>>) target(%arg7 : memref<128xi32, #tpu.memory_space<vmem>>) target_semaphore(%arg12 : memref<!tpu.dma_semaphore, #tpu.memory_space<semaphore_mem>>)
            %dma_start3A_114 = tpu.memref_slice %arg2[%mul3A_106, %mul3A_108] : memref<160000x640xf32, #tpu.memory_space<hbm>> -> memref<128x128xf32, #tpu.memory_space<hbm>>
            %dma_start3A_115 = tpu.memref_slice %arg2[%mul3A_106, %mul3A_108] : memref<160000x640xf32, #tpu.memory_space<hbm>> -> memref<128x128xf32, #tpu.memory_space<hbm>>
            tpu.enqueue_dma source(%dma_start3A_115 : memref<128x128xf32, #tpu.memory_space<hbm>>) target(%arg9 : memref<128x128xf32, #tpu.memory_space<vmem>>) target_semaphore(%arg12 : memref<!tpu.dma_semaphore, #tpu.memory_space<semaphore_mem>>)
          } else {
          }
        } else {
        }
      }
      %scan3A_41 = arith.constant 40 : i32
      %barrier3A_42 = arith.constant 0 : index
      tpu.barrier barrier_id(%barrier3A_42)
      %mul3A_43 = arith.constant 640 : i32
      %mul3A_44 = arith.muli %arg1, %mul3A_43 : i32
      %mul3A_45 = arith.constant 640 : i32
      %mul3A_46 = arith.muli %arg1, %mul3A_45 : i32
      %mul3A_47 = arith.constant 128 : i32
      %mul3A_48 = arith.muli %add3A_16, %mul3A_47 : i32
      "tpu.region"() ({
        %run_scoped3A = tpu.sem_alloc : memref<!tpu.dma_semaphore, #tpu.memory_space<semaphore_mem>>
        %dma_start3A = tpu.memref_slice %arg5[%mul3A_46, %mul3A_48] : memref<10240x640xf32, #tpu.memory_space<hbm>> -> memref<640x128xf32, #tpu.memory_space<hbm>>
        %dma_start3A_50 = arith.constant 0 : i32
        %dma_start3A_51 = tpu.memref_slice %arg10[%mul3A_44, %dma_start3A_50] : memref<10240x128xf32, #tpu.memory_space<vmem_shared>> -> memref<640x128xf32, #tpu.memory_space<vmem_shared>>
        tpu.enqueue_dma source(%dma_start3A_51 : memref<640x128xf32, #tpu.memory_space<vmem_shared>>) target(%dma_start3A : memref<640x128xf32, #tpu.memory_space<hbm>>) target_semaphore(%run_scoped3A : memref<!tpu.dma_semaphore, #tpu.memory_space<semaphore_mem>>)
        %dma_wait3A = tpu.memref_slice %arg5[%mul3A_46, %mul3A_48] : memref<10240x640xf32, #tpu.memory_space<hbm>> -> memref<640x128xf32, #tpu.memory_space<hbm>>
        %dma_wait3A_52 = arith.constant 0 : i32
        %dma_wait3A_53 = tpu.memref_slice %arg10[%mul3A_44, %dma_wait3A_52] : memref<10240x128xf32, #tpu.memory_space<vmem_shared>> -> memref<640x128xf32, #tpu.memory_space<vmem_shared>>
        tpu.wait_dma2 semaphore(%run_scoped3A : memref<!tpu.dma_semaphore, #tpu.memory_space<semaphore_mem>>) src(%dma_wait3A_53 : memref<640x128xf32, #tpu.memory_space<vmem_shared>>) dst(%dma_wait3A : memref<640x128xf32, #tpu.memory_space<hbm>>)
        tpu.yield
      }) : () -> ()
      %barrier3A_49 = arith.constant 0 : index
      tpu.barrier barrier_id(%barrier3A_49)
    } else {
    }
    return
  }
}

#map = affine_map<(d0, d1) -> (0, 0)>
module attributes {stable_mosaic.version = 14 : i64} {
  func.func @seg(%arg0: i32, %arg1: i32, %arg2: memref<160000x640xf32, #tpu.memory_space<hbm>>, %arg3: memref<1250x128xi32, #tpu.memory_space<hbm>>, %arg4: memref<640x128xf32, #tpu.memory_space<hbm>>, %arg5: memref<10240x640xf32, #tpu.memory_space<hbm>>, %arg6: memref<128xi32, #tpu.memory_space<vmem>>, %arg7: memref<128xi32, #tpu.memory_space<vmem>>, %arg8: memref<128x128xf32, #tpu.memory_space<vmem>>, %arg9: memref<128x128xf32, #tpu.memory_space<vmem>>, %arg10: memref<10240x128xf32, #tpu.memory_space<vmem_shared>>, %arg11: memref<!tpu.dma_semaphore, #tpu.memory_space<semaphore_mem>>, %arg12: memref<!tpu.dma_semaphore, #tpu.memory_space<semaphore_mem>>) attributes {dimension_semantics = [#tpu.dimension_semantics<core_parallel>, #tpu.dimension_semantics<subcore_parallel>], iteration_bounds = array<i64: 2, 16>, scalar_prefetch = 0 : i64, scratch_operands = 7 : i64, tpu.core_type = #tpu.core_type<sc_vector_subcore>, window_params = [{transform_indices = #map}, {transform_indices = #map}, {transform_indices = #map}, {transform_indices = #map}]} {
    %mul3A = arith.constant 3 : i32
    %mul3A_0 = arith.muli %arg0, %mul3A : i32
    %add3A = arith.constant 0 : i32
    %add3A_1 = arith.addi %mul3A_0, %add3A : i32
    %lt3A = arith.constant 5 : i32
    %lt3A_2 = arith.cmpi slt, %add3A_1, %lt3A : i32
    %convert_element_type3A = arith.extui %lt3A_2 : i1 to i32
    %cond3A = arith.constant 0 : i32
    %cond3A_3 = arith.cmpi ne, %convert_element_type3A, %cond3A : i32
    scf.if %cond3A_3 {
      %mul3A_22 = arith.constant 640 : i32
      %mul3A_23 = arith.muli %arg1, %mul3A_22 : i32
      "tpu.region"() ({
        %run_scoped3A = tpu.sem_alloc : memref<!tpu.dma_semaphore, #tpu.memory_space<semaphore_mem>>
        %dma_start3A = arith.constant 0 : i32
        %dma_start3A_50 = tpu.memref_slice %arg10[%mul3A_23, %dma_start3A] : memref<10240x128xf32, #tpu.memory_space<vmem_shared>> -> memref<640x128xf32, #tpu.memory_space<vmem_shared>>
        tpu.enqueue_dma source(%arg4 : memref<640x128xf32, #tpu.memory_space<hbm>>) target(%dma_start3A_50 : memref<640x128xf32, #tpu.memory_space<vmem_shared>>) target_semaphore(%run_scoped3A : memref<!tpu.dma_semaphore, #tpu.memory_space<semaphore_mem>>)
        %dma_wait3A = arith.constant 0 : i32
        %dma_wait3A_51 = tpu.memref_slice %arg10[%mul3A_23, %dma_wait3A] : memref<10240x128xf32, #tpu.memory_space<vmem_shared>> -> memref<640x128xf32, #tpu.memory_space<vmem_shared>>
        tpu.wait_dma2 semaphore(%run_scoped3A : memref<!tpu.dma_semaphore, #tpu.memory_space<semaphore_mem>>) src(%arg4 : memref<640x128xf32, #tpu.memory_space<hbm>>) dst(%dma_wait3A_51 : memref<640x128xf32, #tpu.memory_space<vmem_shared>>)
        tpu.yield
      }) : () -> ()
      %barrier3A = arith.constant 0 : index
      tpu.barrier barrier_id(%barrier3A)
      %add3A_24 = arith.constant 0 : i32
      %add3A_25 = arith.addi %arg1, %add3A_24 : i32
      %lt3A_26 = arith.constant 1250 : i32
      %lt3A_27 = arith.cmpi slt, %add3A_25, %lt3A_26 : i32
      %convert_element_type3A_28 = arith.extui %lt3A_27 : i1 to i32
      %cond3A_29 = arith.constant 0 : i32
      %cond3A_30 = arith.cmpi ne, %convert_element_type3A_28, %cond3A_29 : i32
      scf.if %cond3A_30 {
        %add3A_50 = arith.constant 0 : i32
        %add3A_51 = arith.addi %arg1, %add3A_50 : i32
        %mul3A_52 = arith.constant 128 : i32
        %mul3A_53 = arith.muli %add3A_51, %mul3A_52 : i32
        %mul3A_54 = arith.constant 128 : i32
        %mul3A_55 = arith.muli %add3A_1, %mul3A_54 : i32
        %dma_start3A = arith.constant 0 : i32
        %dma_start3A_56 = tpu.memref_slice %arg3[%add3A_51, %dma_start3A] : memref<1250x128xi32, #tpu.memory_space<hbm>> -> memref<1x128xi32, #tpu.memory_space<hbm>>
        %dma_start3A_57 = tpu.memref_squeeze %dma_start3A_56 : memref<1x128xi32, #tpu.memory_space<hbm>> -> memref<128xi32, #tpu.memory_space<hbm>>
        %dma_start3A_58 = arith.constant 0 : i32
        %dma_start3A_59 = tpu.memref_slice %arg3[%add3A_51, %dma_start3A_58] : memref<1250x128xi32, #tpu.memory_space<hbm>> -> memref<1x128xi32, #tpu.memory_space<hbm>>
        %dma_start3A_60 = tpu.memref_squeeze %dma_start3A_59 : memref<1x128xi32, #tpu.memory_space<hbm>> -> memref<128xi32, #tpu.memory_space<hbm>>
        tpu.enqueue_dma source(%dma_start3A_60 : memref<128xi32, #tpu.memory_space<hbm>>) target(%arg6 : memref<128xi32, #tpu.memory_space<vmem>>) target_semaphore(%arg11 : memref<!tpu.dma_semaphore, #tpu.memory_space<semaphore_mem>>)
        %dma_start3A_61 = tpu.memref_slice %arg2[%mul3A_53, %mul3A_55] : memref<160000x640xf32, #tpu.memory_space<hbm>> -> memref<128x128xf32, #tpu.memory_space<hbm>>
        %dma_start3A_62 = tpu.memref_slice %arg2[%mul3A_53, %mul3A_55] : memref<160000x640xf32, #tpu.memory_space<hbm>> -> memref<128x128xf32, #tpu.memory_space<hbm>>
        tpu.enqueue_dma source(%dma_start3A_62 : memref<128x128xf32, #tpu.memory_space<hbm>>) target(%arg8 : memref<128x128xf32, #tpu.memory_space<vmem>>) target_semaphore(%arg11 : memref<!tpu.dma_semaphore, #tpu.memory_space<semaphore_mem>>)
      } else {
      }
      %add3A_31 = arith.constant 16 : i32
      %add3A_32 = arith.addi %arg1, %add3A_31 : i32
      %lt3A_33 = arith.constant 1250 : i32
      %lt3A_34 = arith.cmpi slt, %add3A_32, %lt3A_33 : i32
      %convert_element_type3A_35 = arith.extui %lt3A_34 : i1 to i32
      %cond3A_36 = arith.constant 0 : i32
      %cond3A_37 = arith.cmpi ne, %convert_element_type3A_35, %cond3A_36 : i32
      scf.if %cond3A_37 {
        %add3A_50 = arith.constant 16 : i32
        %add3A_51 = arith.addi %arg1, %add3A_50 : i32
        %mul3A_52 = arith.constant 128 : i32
        %mul3A_53 = arith.muli %add3A_51, %mul3A_52 : i32
        %mul3A_54 = arith.constant 128 : i32
        %mul3A_55 = arith.muli %add3A_1, %mul3A_54 : i32
        %dma_start3A = arith.constant 0 : i32
        %dma_start3A_56 = tpu.memref_slice %arg3[%add3A_51, %dma_start3A] : memref<1250x128xi32, #tpu.memory_space<hbm>> -> memref<1x128xi32, #tpu.memory_space<hbm>>
        %dma_start3A_57 = tpu.memref_squeeze %dma_start3A_56 : memref<1x128xi32, #tpu.memory_space<hbm>> -> memref<128xi32, #tpu.memory_space<hbm>>
        %dma_start3A_58 = arith.constant 0 : i32
        %dma_start3A_59 = tpu.memref_slice %arg3[%add3A_51, %dma_start3A_58] : memref<1250x128xi32, #tpu.memory_space<hbm>> -> memref<1x128xi32, #tpu.memory_space<hbm>>
        %dma_start3A_60 = tpu.memref_squeeze %dma_start3A_59 : memref<1x128xi32, #tpu.memory_space<hbm>> -> memref<128xi32, #tpu.memory_space<hbm>>
        tpu.enqueue_dma source(%dma_start3A_60 : memref<128xi32, #tpu.memory_space<hbm>>) target(%arg7 : memref<128xi32, #tpu.memory_space<vmem>>) target_semaphore(%arg12 : memref<!tpu.dma_semaphore, #tpu.memory_space<semaphore_mem>>)
        %dma_start3A_61 = tpu.memref_slice %arg2[%mul3A_53, %mul3A_55] : memref<160000x640xf32, #tpu.memory_space<hbm>> -> memref<128x128xf32, #tpu.memory_space<hbm>>
        %dma_start3A_62 = tpu.memref_slice %arg2[%mul3A_53, %mul3A_55] : memref<160000x640xf32, #tpu.memory_space<hbm>> -> memref<128x128xf32, #tpu.memory_space<hbm>>
        tpu.enqueue_dma source(%dma_start3A_62 : memref<128x128xf32, #tpu.memory_space<hbm>>) target(%arg9 : memref<128x128xf32, #tpu.memory_space<vmem>>) target_semaphore(%arg12 : memref<!tpu.dma_semaphore, #tpu.memory_space<semaphore_mem>>)
      } else {
      }
      %scan3A = arith.constant 0 : i32
      %scan3A_38 = arith.constant 40 : i32
      %scan3A_39 = arith.addi %scan3A, %scan3A_38 : i32
      %scan3A_40 = arith.constant 1 : i32
      scf.for %scan3A_50 = %scan3A to %scan3A_39 step %scan3A_40  : i32 {
        %mul3A_51 = arith.constant 1 : i32
        %mul3A_52 = arith.muli %scan3A_50, %mul3A_51 : i32
        %add3A_53 = arith.constant 0 : i32
        %add3A_54 = arith.addi %add3A_53, %mul3A_52 : i32
        %mul3A_55 = arith.constant 2 : i32
        %mul3A_56 = arith.muli %mul3A_55, %add3A_54 : i32
        %add3A_57 = arith.constant 0 : i32
        %add3A_58 = arith.addi %mul3A_56, %add3A_57 : i32
        %mul3A_59 = arith.constant 16 : i32
        %mul3A_60 = arith.muli %mul3A_59, %add3A_58 : i32
        %add3A_61 = arith.addi %arg1, %mul3A_60 : i32
        %lt3A_62 = arith.constant 1250 : i32
        %lt3A_63 = arith.cmpi slt, %add3A_61, %lt3A_62 : i32
        %convert_element_type3A_64 = arith.extui %lt3A_63 : i1 to i32
        %cond3A_65 = arith.constant 0 : i32
        %cond3A_66 = arith.cmpi ne, %convert_element_type3A_64, %cond3A_65 : i32
        scf.if %cond3A_66 {
          %mul3A_79 = arith.constant 16 : i32
          %mul3A_80 = arith.muli %mul3A_79, %add3A_58 : i32
          %add3A_81 = arith.addi %arg1, %mul3A_80 : i32
          %mul3A_82 = arith.constant 128 : i32
          %mul3A_83 = arith.muli %add3A_81, %mul3A_82 : i32
          %mul3A_84 = arith.constant 128 : i32
          %mul3A_85 = arith.muli %add3A_1, %mul3A_84 : i32
          %dma_wait3A = arith.constant 0 : i32
          %dma_wait3A_86 = tpu.memref_slice %arg3[%add3A_81, %dma_wait3A] : memref<1250x128xi32, #tpu.memory_space<hbm>> -> memref<1x128xi32, #tpu.memory_space<hbm>>
          %dma_wait3A_87 = tpu.memref_squeeze %dma_wait3A_86 : memref<1x128xi32, #tpu.memory_space<hbm>> -> memref<128xi32, #tpu.memory_space<hbm>>
          %dma_wait3A_88 = arith.constant 0 : i32
          %dma_wait3A_89 = tpu.memref_slice %arg3[%add3A_81, %dma_wait3A_88] : memref<1250x128xi32, #tpu.memory_space<hbm>> -> memref<1x128xi32, #tpu.memory_space<hbm>>
          %dma_wait3A_90 = tpu.memref_squeeze %dma_wait3A_89 : memref<1x128xi32, #tpu.memory_space<hbm>> -> memref<128xi32, #tpu.memory_space<hbm>>
          tpu.wait_dma2 semaphore(%arg11 : memref<!tpu.dma_semaphore, #tpu.memory_space<semaphore_mem>>) src(%dma_wait3A_90 : memref<128xi32, #tpu.memory_space<hbm>>) dst(%arg6 : memref<128xi32, #tpu.memory_space<vmem>>)
          %dma_wait3A_91 = tpu.memref_slice %arg2[%mul3A_83, %mul3A_85] : memref<160000x640xf32, #tpu.memory_space<hbm>> -> memref<128x128xf32, #tpu.memory_space<hbm>>
          %dma_wait3A_92 = tpu.memref_slice %arg2[%mul3A_83, %mul3A_85] : memref<160000x640xf32, #tpu.memory_space<hbm>> -> memref<128x128xf32, #tpu.memory_space<hbm>>
          tpu.wait_dma2 semaphore(%arg11 : memref<!tpu.dma_semaphore, #tpu.memory_space<semaphore_mem>>) src(%dma_wait3A_92 : memref<128x128xf32, #tpu.memory_space<hbm>>) dst(%arg8 : memref<128x128xf32, #tpu.memory_space<vmem>>)
          "tpu.region"() ({
            %run_scoped3A = tpu.sem_alloc : memref<!tpu.dma_semaphore, #tpu.memory_space<semaphore_mem>>
            %dma_start3A = arith.constant 0 : i32
            %dma_start3A_100 = arith.constant 0 : i32
            %dma_start3A_101 = tpu.memref_slice %arg10[%dma_start3A, %dma_start3A_100] : memref<10240x128xf32, #tpu.memory_space<vmem_shared>> -> memref<10240x128xf32, #tpu.memory_space<vmem_shared>>
            tpu.enqueue_indirect_dma source(%arg8 : memref<128x128xf32, #tpu.memory_space<vmem>>) target(%dma_start3A_101 : memref<10240x128xf32, #tpu.memory_space<vmem_shared>>) offsets(%arg6 : memref<128xi32, #tpu.memory_space<vmem>>) semaphore(%run_scoped3A : memref<!tpu.dma_semaphore, #tpu.memory_space<semaphore_mem>>) {add = true}
            %dma_wait3A_102 = arith.constant 0 : i32
            %dma_wait3A_103 = arith.constant 0 : i32
            %dma_wait3A_104 = tpu.memref_slice %arg10[%dma_wait3A_102, %dma_wait3A_103] : memref<10240x128xf32, #tpu.memory_space<vmem_shared>> -> memref<10240x128xf32, #tpu.memory_space<vmem_shared>>
            tpu.wait_indirect_dma semaphore(%run_scoped3A : memref<!tpu.dma_semaphore, #tpu.memory_space<semaphore_mem>>) src(%arg8 : memref<128x128xf32, #tpu.memory_space<vmem>>) dst(%dma_wait3A_104 : memref<10240x128xf32, #tpu.memory_space<vmem_shared>>)
            tpu.yield
          }) : () -> ()
          %add3A_93 = arith.constant 32 : i32
          %add3A_94 = arith.addi %add3A_61, %add3A_93 : i32
          %lt3A_95 = arith.constant 1250 : i32
          %lt3A_96 = arith.cmpi slt, %add3A_94, %lt3A_95 : i32
          %convert_element_type3A_97 = arith.extui %lt3A_96 : i1 to i32
          %cond3A_98 = arith.constant 0 : i32
          %cond3A_99 = arith.cmpi ne, %convert_element_type3A_97, %cond3A_98 : i32
          scf.if %cond3A_99 {
            %add3A_100 = arith.constant 2 : i32
            %add3A_101 = arith.addi %add3A_58, %add3A_100 : i32
            %mul3A_102 = arith.constant 16 : i32
            %mul3A_103 = arith.muli %mul3A_102, %add3A_101 : i32
            %add3A_104 = arith.addi %arg1, %mul3A_103 : i32
            %mul3A_105 = arith.constant 128 : i32
            %mul3A_106 = arith.muli %add3A_104, %mul3A_105 : i32
            %mul3A_107 = arith.constant 128 : i32
            %mul3A_108 = arith.muli %add3A_1, %mul3A_107 : i32
            %dma_start3A = arith.constant 0 : i32
            %dma_start3A_109 = tpu.memref_slice %arg3[%add3A_104, %dma_start3A] : memref<1250x128xi32, #tpu.memory_space<hbm>> -> memref<1x128xi32, #tpu.memory_space<hbm>>
            %dma_start3A_110 = tpu.memref_squeeze %dma_start3A_109 : memref<1x128xi32, #tpu.memory_space<hbm>> -> memref<128xi32, #tpu.memory_space<hbm>>
            %dma_start3A_111 = arith.constant 0 : i32
            %dma_start3A_112 = tpu.memref_slice %arg3[%add3A_104, %dma_start3A_111] : memref<1250x128xi32, #tpu.memory_space<hbm>> -> memref<1x128xi32, #tpu.memory_space<hbm>>
            %dma_start3A_113 = tpu.memref_squeeze %dma_start3A_112 : memref<1x128xi32, #tpu.memory_space<hbm>> -> memref<128xi32, #tpu.memory_space<hbm>>
            tpu.enqueue_dma source(%dma_start3A_113 : memref<128xi32, #tpu.memory_space<hbm>>) target(%arg6 : memref<128xi32, #tpu.memory_space<vmem>>) target_semaphore(%arg11 : memref<!tpu.dma_semaphore, #tpu.memory_space<semaphore_mem>>)
            %dma_start3A_114 = tpu.memref_slice %arg2[%mul3A_106, %mul3A_108] : memref<160000x640xf32, #tpu.memory_space<hbm>> -> memref<128x128xf32, #tpu.memory_space<hbm>>
            %dma_start3A_115 = tpu.memref_slice %arg2[%mul3A_106, %mul3A_108] : memref<160000x640xf32, #tpu.memory_space<hbm>> -> memref<128x128xf32, #tpu.memory_space<hbm>>
            tpu.enqueue_dma source(%dma_start3A_115 : memref<128x128xf32, #tpu.memory_space<hbm>>) target(%arg8 : memref<128x128xf32, #tpu.memory_space<vmem>>) target_semaphore(%arg11 : memref<!tpu.dma_semaphore, #tpu.memory_space<semaphore_mem>>)
          } else {
          }
        } else {
        }
        %mul3A_67 = arith.constant 2 : i32
        %mul3A_68 = arith.muli %mul3A_67, %add3A_54 : i32
        %add3A_69 = arith.constant 1 : i32
        %add3A_70 = arith.addi %mul3A_68, %add3A_69 : i32
        %mul3A_71 = arith.constant 16 : i32
        %mul3A_72 = arith.muli %mul3A_71, %add3A_70 : i32
        %add3A_73 = arith.addi %arg1, %mul3A_72 : i32
        %lt3A_74 = arith.constant 1250 : i32
        %lt3A_75 = arith.cmpi slt, %add3A_73, %lt3A_74 : i32
        %convert_element_type3A_76 = arith.extui %lt3A_75 : i1 to i32
        %cond3A_77 = arith.constant 0 : i32
        %cond3A_78 = arith.cmpi ne, %convert_element_type3A_76, %cond3A_77 : i32
        scf.if %cond3A_78 {
          %mul3A_79 = arith.constant 16 : i32
          %mul3A_80 = arith.muli %mul3A_79, %add3A_70 : i32
          %add3A_81 = arith.addi %arg1, %mul3A_80 : i32
          %mul3A_82 = arith.constant 128 : i32
          %mul3A_83 = arith.muli %add3A_81, %mul3A_82 : i32
          %mul3A_84 = arith.constant 128 : i32
          %mul3A_85 = arith.muli %add3A_1, %mul3A_84 : i32
          %dma_wait3A = arith.constant 0 : i32
          %dma_wait3A_86 = tpu.memref_slice %arg3[%add3A_81, %dma_wait3A] : memref<1250x128xi32, #tpu.memory_space<hbm>> -> memref<1x128xi32, #tpu.memory_space<hbm>>
          %dma_wait3A_87 = tpu.memref_squeeze %dma_wait3A_86 : memref<1x128xi32, #tpu.memory_space<hbm>> -> memref<128xi32, #tpu.memory_space<hbm>>
          %dma_wait3A_88 = arith.constant 0 : i32
          %dma_wait3A_89 = tpu.memref_slice %arg3[%add3A_81, %dma_wait3A_88] : memref<1250x128xi32, #tpu.memory_space<hbm>> -> memref<1x128xi32, #tpu.memory_space<hbm>>
          %dma_wait3A_90 = tpu.memref_squeeze %dma_wait3A_89 : memref<1x128xi32, #tpu.memory_space<hbm>> -> memref<128xi32, #tpu.memory_space<hbm>>
          tpu.wait_dma2 semaphore(%arg12 : memref<!tpu.dma_semaphore, #tpu.memory_space<semaphore_mem>>) src(%dma_wait3A_90 : memref<128xi32, #tpu.memory_space<hbm>>) dst(%arg7 : memref<128xi32, #tpu.memory_space<vmem>>)
          %dma_wait3A_91 = tpu.memref_slice %arg2[%mul3A_83, %mul3A_85] : memref<160000x640xf32, #tpu.memory_space<hbm>> -> memref<128x128xf32, #tpu.memory_space<hbm>>
          %dma_wait3A_92 = tpu.memref_slice %arg2[%mul3A_83, %mul3A_85] : memref<160000x640xf32, #tpu.memory_space<hbm>> -> memref<128x128xf32, #tpu.memory_space<hbm>>
          tpu.wait_dma2 semaphore(%arg12 : memref<!tpu.dma_semaphore, #tpu.memory_space<semaphore_mem>>) src(%dma_wait3A_92 : memref<128x128xf32, #tpu.memory_space<hbm>>) dst(%arg9 : memref<128x128xf32, #tpu.memory_space<vmem>>)
          "tpu.region"() ({
            %run_scoped3A = tpu.sem_alloc : memref<!tpu.dma_semaphore, #tpu.memory_space<semaphore_mem>>
            %dma_start3A = arith.constant 0 : i32
            %dma_start3A_100 = arith.constant 0 : i32
            %dma_start3A_101 = tpu.memref_slice %arg10[%dma_start3A, %dma_start3A_100] : memref<10240x128xf32, #tpu.memory_space<vmem_shared>> -> memref<10240x128xf32, #tpu.memory_space<vmem_shared>>
            tpu.enqueue_indirect_dma source(%arg9 : memref<128x128xf32, #tpu.memory_space<vmem>>) target(%dma_start3A_101 : memref<10240x128xf32, #tpu.memory_space<vmem_shared>>) offsets(%arg7 : memref<128xi32, #tpu.memory_space<vmem>>) semaphore(%run_scoped3A : memref<!tpu.dma_semaphore, #tpu.memory_space<semaphore_mem>>) {add = true}
            %dma_wait3A_102 = arith.constant 0 : i32
            %dma_wait3A_103 = arith.constant 0 : i32
            %dma_wait3A_104 = tpu.memref_slice %arg10[%dma_wait3A_102, %dma_wait3A_103] : memref<10240x128xf32, #tpu.memory_space<vmem_shared>> -> memref<10240x128xf32, #tpu.memory_space<vmem_shared>>
            tpu.wait_indirect_dma semaphore(%run_scoped3A : memref<!tpu.dma_semaphore, #tpu.memory_space<semaphore_mem>>) src(%arg9 : memref<128x128xf32, #tpu.memory_space<vmem>>) dst(%dma_wait3A_104 : memref<10240x128xf32, #tpu.memory_space<vmem_shared>>)
            tpu.yield
          }) : () -> ()
          %add3A_93 = arith.constant 32 : i32
          %add3A_94 = arith.addi %add3A_73, %add3A_93 : i32
          %lt3A_95 = arith.constant 1250 : i32
          %lt3A_96 = arith.cmpi slt, %add3A_94, %lt3A_95 : i32
          %convert_element_type3A_97 = arith.extui %lt3A_96 : i1 to i32
          %cond3A_98 = arith.constant 0 : i32
          %cond3A_99 = arith.cmpi ne, %convert_element_type3A_97, %cond3A_98 : i32
          scf.if %cond3A_99 {
            %add3A_100 = arith.constant 2 : i32
            %add3A_101 = arith.addi %add3A_70, %add3A_100 : i32
            %mul3A_102 = arith.constant 16 : i32
            %mul3A_103 = arith.muli %mul3A_102, %add3A_101 : i32
            %add3A_104 = arith.addi %arg1, %mul3A_103 : i32
            %mul3A_105 = arith.constant 128 : i32
            %mul3A_106 = arith.muli %add3A_104, %mul3A_105 : i32
            %mul3A_107 = arith.constant 128 : i32
            %mul3A_108 = arith.muli %add3A_1, %mul3A_107 : i32
            %dma_start3A = arith.constant 0 : i32
            %dma_start3A_109 = tpu.memref_slice %arg3[%add3A_104, %dma_start3A] : memref<1250x128xi32, #tpu.memory_space<hbm>> -> memref<1x128xi32, #tpu.memory_space<hbm>>
            %dma_start3A_110 = tpu.memref_squeeze %dma_start3A_109 : memref<1x128xi32, #tpu.memory_space<hbm>> -> memref<128xi32, #tpu.memory_space<hbm>>
            %dma_start3A_111 = arith.constant 0 : i32
            %dma_start3A_112 = tpu.memref_slice %arg3[%add3A_104, %dma_start3A_111] : memref<1250x128xi32, #tpu.memory_space<hbm>> -> memref<1x128xi32, #tpu.memory_space<hbm>>
            %dma_start3A_113 = tpu.memref_squeeze %dma_start3A_112 : memref<1x128xi32, #tpu.memory_space<hbm>> -> memref<128xi32, #tpu.memory_space<hbm>>
            tpu.enqueue_dma source(%dma_start3A_113 : memref<128xi32, #tpu.memory_space<hbm>>) target(%arg7 : memref<128xi32, #tpu.memory_space<vmem>>) target_semaphore(%arg12 : memref<!tpu.dma_semaphore, #tpu.memory_space<semaphore_mem>>)
            %dma_start3A_114 = tpu.memref_slice %arg2[%mul3A_106, %mul3A_108] : memref<160000x640xf32, #tpu.memory_space<hbm>> -> memref<128x128xf32, #tpu.memory_space<hbm>>
            %dma_start3A_115 = tpu.memref_slice %arg2[%mul3A_106, %mul3A_108] : memref<160000x640xf32, #tpu.memory_space<hbm>> -> memref<128x128xf32, #tpu.memory_space<hbm>>
            tpu.enqueue_dma source(%dma_start3A_115 : memref<128x128xf32, #tpu.memory_space<hbm>>) target(%arg9 : memref<128x128xf32, #tpu.memory_space<vmem>>) target_semaphore(%arg12 : memref<!tpu.dma_semaphore, #tpu.memory_space<semaphore_mem>>)
          } else {
          }
        } else {
        }
      }
      %scan3A_41 = arith.constant 40 : i32
      %barrier3A_42 = arith.constant 0 : index
      tpu.barrier barrier_id(%barrier3A_42)
      %mul3A_43 = arith.constant 640 : i32
      %mul3A_44 = arith.muli %arg1, %mul3A_43 : i32
      %mul3A_45 = arith.constant 640 : i32
      %mul3A_46 = arith.muli %arg1, %mul3A_45 : i32
      %mul3A_47 = arith.constant 128 : i32
      %mul3A_48 = arith.muli %add3A_1, %mul3A_47 : i32
      "tpu.region"() ({
        %run_scoped3A = tpu.sem_alloc : memref<!tpu.dma_semaphore, #tpu.memory_space<semaphore_mem>>
        %dma_start3A = tpu.memref_slice %arg5[%mul3A_46, %mul3A_48] : memref<10240x640xf32, #tpu.memory_space<hbm>> -> memref<640x128xf32, #tpu.memory_space<hbm>>
        %dma_start3A_50 = arith.constant 0 : i32
        %dma_start3A_51 = tpu.memref_slice %arg10[%mul3A_44, %dma_start3A_50] : memref<10240x128xf32, #tpu.memory_space<vmem_shared>> -> memref<640x128xf32, #tpu.memory_space<vmem_shared>>
        tpu.enqueue_dma source(%dma_start3A_51 : memref<640x128xf32, #tpu.memory_space<vmem_shared>>) target(%dma_start3A : memref<640x128xf32, #tpu.memory_space<hbm>>) target_semaphore(%run_scoped3A : memref<!tpu.dma_semaphore, #tpu.memory_space<semaphore_mem>>)
        %dma_wait3A = tpu.memref_slice %arg5[%mul3A_46, %mul3A_48] : memref<10240x640xf32, #tpu.memory_space<hbm>> -> memref<640x128xf32, #tpu.memory_space<hbm>>
        %dma_wait3A_52 = arith.constant 0 : i32
        %dma_wait3A_53 = tpu.memref_slice %arg10[%mul3A_44, %dma_wait3A_52] : memref<10240x128xf32, #tpu.memory_space<vmem_shared>> -> memref<640x128xf32, #tpu.memory_space<vmem_shared>>
        tpu.wait_dma2 semaphore(%run_scoped3A : memref<!tpu.dma_semaphore, #tpu.memory_space<semaphore_mem>>) src(%dma_wait3A_53 : memref<640x128xf32, #tpu.memory_space<vmem_shared>>) dst(%dma_wait3A : memref<640x128xf32, #tpu.memory_space<hbm>>)
        tpu.yield
      }) : () -> ()
      %barrier3A_49 = arith.constant 0 : index
      tpu.barrier barrier_id(%barrier3A_49)
    } else {
    }
    %mul3A_4 = arith.constant 3 : i32
    %mul3A_5 = arith.muli %arg0, %mul3A_4 : i32
    %add3A_6 = arith.constant 1 : i32
    %add3A_7 = arith.addi %mul3A_5, %add3A_6 : i32
    %lt3A_8 = arith.constant 5 : i32
    %lt3A_9 = arith.cmpi slt, %add3A_7, %lt3A_8 : i32
    %convert_element_type3A_10 = arith.extui %lt3A_9 : i1 to i32
    %cond3A_11 = arith.constant 0 : i32
    %cond3A_12 = arith.cmpi ne, %convert_element_type3A_10, %cond3A_11 : i32
    scf.if %cond3A_12 {
      %mul3A_22 = arith.constant 640 : i32
      %mul3A_23 = arith.muli %arg1, %mul3A_22 : i32
      "tpu.region"() ({
        %run_scoped3A = tpu.sem_alloc : memref<!tpu.dma_semaphore, #tpu.memory_space<semaphore_mem>>
        %dma_start3A = arith.constant 0 : i32
        %dma_start3A_50 = tpu.memref_slice %arg10[%mul3A_23, %dma_start3A] : memref<10240x128xf32, #tpu.memory_space<vmem_shared>> -> memref<640x128xf32, #tpu.memory_space<vmem_shared>>
        tpu.enqueue_dma source(%arg4 : memref<640x128xf32, #tpu.memory_space<hbm>>) target(%dma_start3A_50 : memref<640x128xf32, #tpu.memory_space<vmem_shared>>) target_semaphore(%run_scoped3A : memref<!tpu.dma_semaphore, #tpu.memory_space<semaphore_mem>>)
        %dma_wait3A = arith.constant 0 : i32
        %dma_wait3A_51 = tpu.memref_slice %arg10[%mul3A_23, %dma_wait3A] : memref<10240x128xf32, #tpu.memory_space<vmem_shared>> -> memref<640x128xf32, #tpu.memory_space<vmem_shared>>
        tpu.wait_dma2 semaphore(%run_scoped3A : memref<!tpu.dma_semaphore, #tpu.memory_space<semaphore_mem>>) src(%arg4 : memref<640x128xf32, #tpu.memory_space<hbm>>) dst(%dma_wait3A_51 : memref<640x128xf32, #tpu.memory_space<vmem_shared>>)
        tpu.yield
      }) : () -> ()
      %barrier3A = arith.constant 0 : index
      tpu.barrier barrier_id(%barrier3A)
      %add3A_24 = arith.constant 0 : i32
      %add3A_25 = arith.addi %arg1, %add3A_24 : i32
      %lt3A_26 = arith.constant 1250 : i32
      %lt3A_27 = arith.cmpi slt, %add3A_25, %lt3A_26 : i32
      %convert_element_type3A_28 = arith.extui %lt3A_27 : i1 to i32
      %cond3A_29 = arith.constant 0 : i32
      %cond3A_30 = arith.cmpi ne, %convert_element_type3A_28, %cond3A_29 : i32
      scf.if %cond3A_30 {
        %add3A_50 = arith.constant 0 : i32
        %add3A_51 = arith.addi %arg1, %add3A_50 : i32
        %mul3A_52 = arith.constant 128 : i32
        %mul3A_53 = arith.muli %add3A_51, %mul3A_52 : i32
        %mul3A_54 = arith.constant 128 : i32
        %mul3A_55 = arith.muli %add3A_7, %mul3A_54 : i32
        %dma_start3A = arith.constant 0 : i32
        %dma_start3A_56 = tpu.memref_slice %arg3[%add3A_51, %dma_start3A] : memref<1250x128xi32, #tpu.memory_space<hbm>> -> memref<1x128xi32, #tpu.memory_space<hbm>>
        %dma_start3A_57 = tpu.memref_squeeze %dma_start3A_56 : memref<1x128xi32, #tpu.memory_space<hbm>> -> memref<128xi32, #tpu.memory_space<hbm>>
        %dma_start3A_58 = arith.constant 0 : i32
        %dma_start3A_59 = tpu.memref_slice %arg3[%add3A_51, %dma_start3A_58] : memref<1250x128xi32, #tpu.memory_space<hbm>> -> memref<1x128xi32, #tpu.memory_space<hbm>>
        %dma_start3A_60 = tpu.memref_squeeze %dma_start3A_59 : memref<1x128xi32, #tpu.memory_space<hbm>> -> memref<128xi32, #tpu.memory_space<hbm>>
        tpu.enqueue_dma source(%dma_start3A_60 : memref<128xi32, #tpu.memory_space<hbm>>) target(%arg6 : memref<128xi32, #tpu.memory_space<vmem>>) target_semaphore(%arg11 : memref<!tpu.dma_semaphore, #tpu.memory_space<semaphore_mem>>)
        %dma_start3A_61 = tpu.memref_slice %arg2[%mul3A_53, %mul3A_55] : memref<160000x640xf32, #tpu.memory_space<hbm>> -> memref<128x128xf32, #tpu.memory_space<hbm>>
        %dma_start3A_62 = tpu.memref_slice %arg2[%mul3A_53, %mul3A_55] : memref<160000x640xf32, #tpu.memory_space<hbm>> -> memref<128x128xf32, #tpu.memory_space<hbm>>
        tpu.enqueue_dma source(%dma_start3A_62 : memref<128x128xf32, #tpu.memory_space<hbm>>) target(%arg8 : memref<128x128xf32, #tpu.memory_space<vmem>>) target_semaphore(%arg11 : memref<!tpu.dma_semaphore, #tpu.memory_space<semaphore_mem>>)
      } else {
      }
      %add3A_31 = arith.constant 16 : i32
      %add3A_32 = arith.addi %arg1, %add3A_31 : i32
      %lt3A_33 = arith.constant 1250 : i32
      %lt3A_34 = arith.cmpi slt, %add3A_32, %lt3A_33 : i32
      %convert_element_type3A_35 = arith.extui %lt3A_34 : i1 to i32
      %cond3A_36 = arith.constant 0 : i32
      %cond3A_37 = arith.cmpi ne, %convert_element_type3A_35, %cond3A_36 : i32
      scf.if %cond3A_37 {
        %add3A_50 = arith.constant 16 : i32
        %add3A_51 = arith.addi %arg1, %add3A_50 : i32
        %mul3A_52 = arith.constant 128 : i32
        %mul3A_53 = arith.muli %add3A_51, %mul3A_52 : i32
        %mul3A_54 = arith.constant 128 : i32
        %mul3A_55 = arith.muli %add3A_7, %mul3A_54 : i32
        %dma_start3A = arith.constant 0 : i32
        %dma_start3A_56 = tpu.memref_slice %arg3[%add3A_51, %dma_start3A] : memref<1250x128xi32, #tpu.memory_space<hbm>> -> memref<1x128xi32, #tpu.memory_space<hbm>>
        %dma_start3A_57 = tpu.memref_squeeze %dma_start3A_56 : memref<1x128xi32, #tpu.memory_space<hbm>> -> memref<128xi32, #tpu.memory_space<hbm>>
        %dma_start3A_58 = arith.constant 0 : i32
        %dma_start3A_59 = tpu.memref_slice %arg3[%add3A_51, %dma_start3A_58] : memref<1250x128xi32, #tpu.memory_space<hbm>> -> memref<1x128xi32, #tpu.memory_space<hbm>>
        %dma_start3A_60 = tpu.memref_squeeze %dma_start3A_59 : memref<1x128xi32, #tpu.memory_space<hbm>> -> memref<128xi32, #tpu.memory_space<hbm>>
        tpu.enqueue_dma source(%dma_start3A_60 : memref<128xi32, #tpu.memory_space<hbm>>) target(%arg7 : memref<128xi32, #tpu.memory_space<vmem>>) target_semaphore(%arg12 : memref<!tpu.dma_semaphore, #tpu.memory_space<semaphore_mem>>)
        %dma_start3A_61 = tpu.memref_slice %arg2[%mul3A_53, %mul3A_55] : memref<160000x640xf32, #tpu.memory_space<hbm>> -> memref<128x128xf32, #tpu.memory_space<hbm>>
        %dma_start3A_62 = tpu.memref_slice %arg2[%mul3A_53, %mul3A_55] : memref<160000x640xf32, #tpu.memory_space<hbm>> -> memref<128x128xf32, #tpu.memory_space<hbm>>
        tpu.enqueue_dma source(%dma_start3A_62 : memref<128x128xf32, #tpu.memory_space<hbm>>) target(%arg9 : memref<128x128xf32, #tpu.memory_space<vmem>>) target_semaphore(%arg12 : memref<!tpu.dma_semaphore, #tpu.memory_space<semaphore_mem>>)
      } else {
      }
      %scan3A = arith.constant 0 : i32
      %scan3A_38 = arith.constant 40 : i32
      %scan3A_39 = arith.addi %scan3A, %scan3A_38 : i32
      %scan3A_40 = arith.constant 1 : i32
      scf.for %scan3A_50 = %scan3A to %scan3A_39 step %scan3A_40  : i32 {
        %mul3A_51 = arith.constant 1 : i32
        %mul3A_52 = arith.muli %scan3A_50, %mul3A_51 : i32
        %add3A_53 = arith.constant 0 : i32
        %add3A_54 = arith.addi %add3A_53, %mul3A_52 : i32
        %mul3A_55 = arith.constant 2 : i32
        %mul3A_56 = arith.muli %mul3A_55, %add3A_54 : i32
        %add3A_57 = arith.constant 0 : i32
        %add3A_58 = arith.addi %mul3A_56, %add3A_57 : i32
        %mul3A_59 = arith.constant 16 : i32
        %mul3A_60 = arith.muli %mul3A_59, %add3A_58 : i32
        %add3A_61 = arith.addi %arg1, %mul3A_60 : i32
        %lt3A_62 = arith.constant 1250 : i32
        %lt3A_63 = arith.cmpi slt, %add3A_61, %lt3A_62 : i32
        %convert_element_type3A_64 = arith.extui %lt3A_63 : i1 to i32
        %cond3A_65 = arith.constant 0 : i32
        %cond3A_66 = arith.cmpi ne, %convert_element_type3A_64, %cond3A_65 : i32
        scf.if %cond3A_66 {
          %mul3A_79 = arith.constant 16 : i32
          %mul3A_80 = arith.muli %mul3A_79, %add3A_58 : i32
          %add3A_81 = arith.addi %arg1, %mul3A_80 : i32
          %mul3A_82 = arith.constant 128 : i32
          %mul3A_83 = arith.muli %add3A_81, %mul3A_82 : i32
          %mul3A_84 = arith.constant 128 : i32
          %mul3A_85 = arith.muli %add3A_7, %mul3A_84 : i32
          %dma_wait3A = arith.constant 0 : i32
          %dma_wait3A_86 = tpu.memref_slice %arg3[%add3A_81, %dma_wait3A] : memref<1250x128xi32, #tpu.memory_space<hbm>> -> memref<1x128xi32, #tpu.memory_space<hbm>>
          %dma_wait3A_87 = tpu.memref_squeeze %dma_wait3A_86 : memref<1x128xi32, #tpu.memory_space<hbm>> -> memref<128xi32, #tpu.memory_space<hbm>>
          %dma_wait3A_88 = arith.constant 0 : i32
          %dma_wait3A_89 = tpu.memref_slice %arg3[%add3A_81, %dma_wait3A_88] : memref<1250x128xi32, #tpu.memory_space<hbm>> -> memref<1x128xi32, #tpu.memory_space<hbm>>
          %dma_wait3A_90 = tpu.memref_squeeze %dma_wait3A_89 : memref<1x128xi32, #tpu.memory_space<hbm>> -> memref<128xi32, #tpu.memory_space<hbm>>
          tpu.wait_dma2 semaphore(%arg11 : memref<!tpu.dma_semaphore, #tpu.memory_space<semaphore_mem>>) src(%dma_wait3A_90 : memref<128xi32, #tpu.memory_space<hbm>>) dst(%arg6 : memref<128xi32, #tpu.memory_space<vmem>>)
          %dma_wait3A_91 = tpu.memref_slice %arg2[%mul3A_83, %mul3A_85] : memref<160000x640xf32, #tpu.memory_space<hbm>> -> memref<128x128xf32, #tpu.memory_space<hbm>>
          %dma_wait3A_92 = tpu.memref_slice %arg2[%mul3A_83, %mul3A_85] : memref<160000x640xf32, #tpu.memory_space<hbm>> -> memref<128x128xf32, #tpu.memory_space<hbm>>
          tpu.wait_dma2 semaphore(%arg11 : memref<!tpu.dma_semaphore, #tpu.memory_space<semaphore_mem>>) src(%dma_wait3A_92 : memref<128x128xf32, #tpu.memory_space<hbm>>) dst(%arg8 : memref<128x128xf32, #tpu.memory_space<vmem>>)
          "tpu.region"() ({
            %run_scoped3A = tpu.sem_alloc : memref<!tpu.dma_semaphore, #tpu.memory_space<semaphore_mem>>
            %dma_start3A = arith.constant 0 : i32
            %dma_start3A_100 = arith.constant 0 : i32
            %dma_start3A_101 = tpu.memref_slice %arg10[%dma_start3A, %dma_start3A_100] : memref<10240x128xf32, #tpu.memory_space<vmem_shared>> -> memref<10240x128xf32, #tpu.memory_space<vmem_shared>>
            tpu.enqueue_indirect_dma source(%arg8 : memref<128x128xf32, #tpu.memory_space<vmem>>) target(%dma_start3A_101 : memref<10240x128xf32, #tpu.memory_space<vmem_shared>>) offsets(%arg6 : memref<128xi32, #tpu.memory_space<vmem>>) semaphore(%run_scoped3A : memref<!tpu.dma_semaphore, #tpu.memory_space<semaphore_mem>>) {add = true}
            %dma_wait3A_102 = arith.constant 0 : i32
            %dma_wait3A_103 = arith.constant 0 : i32
            %dma_wait3A_104 = tpu.memref_slice %arg10[%dma_wait3A_102, %dma_wait3A_103] : memref<10240x128xf32, #tpu.memory_space<vmem_shared>> -> memref<10240x128xf32, #tpu.memory_space<vmem_shared>>
            tpu.wait_indirect_dma semaphore(%run_scoped3A : memref<!tpu.dma_semaphore, #tpu.memory_space<semaphore_mem>>) src(%arg8 : memref<128x128xf32, #tpu.memory_space<vmem>>) dst(%dma_wait3A_104 : memref<10240x128xf32, #tpu.memory_space<vmem_shared>>)
            tpu.yield
          }) : () -> ()
          %add3A_93 = arith.constant 32 : i32
          %add3A_94 = arith.addi %add3A_61, %add3A_93 : i32
          %lt3A_95 = arith.constant 1250 : i32
          %lt3A_96 = arith.cmpi slt, %add3A_94, %lt3A_95 : i32
          %convert_element_type3A_97 = arith.extui %lt3A_96 : i1 to i32
          %cond3A_98 = arith.constant 0 : i32
          %cond3A_99 = arith.cmpi ne, %convert_element_type3A_97, %cond3A_98 : i32
          scf.if %cond3A_99 {
            %add3A_100 = arith.constant 2 : i32
            %add3A_101 = arith.addi %add3A_58, %add3A_100 : i32
            %mul3A_102 = arith.constant 16 : i32
            %mul3A_103 = arith.muli %mul3A_102, %add3A_101 : i32
            %add3A_104 = arith.addi %arg1, %mul3A_103 : i32
            %mul3A_105 = arith.constant 128 : i32
            %mul3A_106 = arith.muli %add3A_104, %mul3A_105 : i32
            %mul3A_107 = arith.constant 128 : i32
            %mul3A_108 = arith.muli %add3A_7, %mul3A_107 : i32
            %dma_start3A = arith.constant 0 : i32
            %dma_start3A_109 = tpu.memref_slice %arg3[%add3A_104, %dma_start3A] : memref<1250x128xi32, #tpu.memory_space<hbm>> -> memref<1x128xi32, #tpu.memory_space<hbm>>
            %dma_start3A_110 = tpu.memref_squeeze %dma_start3A_109 : memref<1x128xi32, #tpu.memory_space<hbm>> -> memref<128xi32, #tpu.memory_space<hbm>>
            %dma_start3A_111 = arith.constant 0 : i32
            %dma_start3A_112 = tpu.memref_slice %arg3[%add3A_104, %dma_start3A_111] : memref<1250x128xi32, #tpu.memory_space<hbm>> -> memref<1x128xi32, #tpu.memory_space<hbm>>
            %dma_start3A_113 = tpu.memref_squeeze %dma_start3A_112 : memref<1x128xi32, #tpu.memory_space<hbm>> -> memref<128xi32, #tpu.memory_space<hbm>>
            tpu.enqueue_dma source(%dma_start3A_113 : memref<128xi32, #tpu.memory_space<hbm>>) target(%arg6 : memref<128xi32, #tpu.memory_space<vmem>>) target_semaphore(%arg11 : memref<!tpu.dma_semaphore, #tpu.memory_space<semaphore_mem>>)
            %dma_start3A_114 = tpu.memref_slice %arg2[%mul3A_106, %mul3A_108] : memref<160000x640xf32, #tpu.memory_space<hbm>> -> memref<128x128xf32, #tpu.memory_space<hbm>>
            %dma_start3A_115 = tpu.memref_slice %arg2[%mul3A_106, %mul3A_108] : memref<160000x640xf32, #tpu.memory_space<hbm>> -> memref<128x128xf32, #tpu.memory_space<hbm>>
            tpu.enqueue_dma source(%dma_start3A_115 : memref<128x128xf32, #tpu.memory_space<hbm>>) target(%arg8 : memref<128x128xf32, #tpu.memory_space<vmem>>) target_semaphore(%arg11 : memref<!tpu.dma_semaphore, #tpu.memory_space<semaphore_mem>>)
          } else {
          }
        } else {
        }
        %mul3A_67 = arith.constant 2 : i32
        %mul3A_68 = arith.muli %mul3A_67, %add3A_54 : i32
        %add3A_69 = arith.constant 1 : i32
        %add3A_70 = arith.addi %mul3A_68, %add3A_69 : i32
        %mul3A_71 = arith.constant 16 : i32
        %mul3A_72 = arith.muli %mul3A_71, %add3A_70 : i32
        %add3A_73 = arith.addi %arg1, %mul3A_72 : i32
        %lt3A_74 = arith.constant 1250 : i32
        %lt3A_75 = arith.cmpi slt, %add3A_73, %lt3A_74 : i32
        %convert_element_type3A_76 = arith.extui %lt3A_75 : i1 to i32
        %cond3A_77 = arith.constant 0 : i32
        %cond3A_78 = arith.cmpi ne, %convert_element_type3A_76, %cond3A_77 : i32
        scf.if %cond3A_78 {
          %mul3A_79 = arith.constant 16 : i32
          %mul3A_80 = arith.muli %mul3A_79, %add3A_70 : i32
          %add3A_81 = arith.addi %arg1, %mul3A_80 : i32
          %mul3A_82 = arith.constant 128 : i32
          %mul3A_83 = arith.muli %add3A_81, %mul3A_82 : i32
          %mul3A_84 = arith.constant 128 : i32
          %mul3A_85 = arith.muli %add3A_7, %mul3A_84 : i32
          %dma_wait3A = arith.constant 0 : i32
          %dma_wait3A_86 = tpu.memref_slice %arg3[%add3A_81, %dma_wait3A] : memref<1250x128xi32, #tpu.memory_space<hbm>> -> memref<1x128xi32, #tpu.memory_space<hbm>>
          %dma_wait3A_87 = tpu.memref_squeeze %dma_wait3A_86 : memref<1x128xi32, #tpu.memory_space<hbm>> -> memref<128xi32, #tpu.memory_space<hbm>>
          %dma_wait3A_88 = arith.constant 0 : i32
          %dma_wait3A_89 = tpu.memref_slice %arg3[%add3A_81, %dma_wait3A_88] : memref<1250x128xi32, #tpu.memory_space<hbm>> -> memref<1x128xi32, #tpu.memory_space<hbm>>
          %dma_wait3A_90 = tpu.memref_squeeze %dma_wait3A_89 : memref<1x128xi32, #tpu.memory_space<hbm>> -> memref<128xi32, #tpu.memory_space<hbm>>
          tpu.wait_dma2 semaphore(%arg12 : memref<!tpu.dma_semaphore, #tpu.memory_space<semaphore_mem>>) src(%dma_wait3A_90 : memref<128xi32, #tpu.memory_space<hbm>>) dst(%arg7 : memref<128xi32, #tpu.memory_space<vmem>>)
          %dma_wait3A_91 = tpu.memref_slice %arg2[%mul3A_83, %mul3A_85] : memref<160000x640xf32, #tpu.memory_space<hbm>> -> memref<128x128xf32, #tpu.memory_space<hbm>>
          %dma_wait3A_92 = tpu.memref_slice %arg2[%mul3A_83, %mul3A_85] : memref<160000x640xf32, #tpu.memory_space<hbm>> -> memref<128x128xf32, #tpu.memory_space<hbm>>
          tpu.wait_dma2 semaphore(%arg12 : memref<!tpu.dma_semaphore, #tpu.memory_space<semaphore_mem>>) src(%dma_wait3A_92 : memref<128x128xf32, #tpu.memory_space<hbm>>) dst(%arg9 : memref<128x128xf32, #tpu.memory_space<vmem>>)
          "tpu.region"() ({
            %run_scoped3A = tpu.sem_alloc : memref<!tpu.dma_semaphore, #tpu.memory_space<semaphore_mem>>
            %dma_start3A = arith.constant 0 : i32
            %dma_start3A_100 = arith.constant 0 : i32
            %dma_start3A_101 = tpu.memref_slice %arg10[%dma_start3A, %dma_start3A_100] : memref<10240x128xf32, #tpu.memory_space<vmem_shared>> -> memref<10240x128xf32, #tpu.memory_space<vmem_shared>>
            tpu.enqueue_indirect_dma source(%arg9 : memref<128x128xf32, #tpu.memory_space<vmem>>) target(%dma_start3A_101 : memref<10240x128xf32, #tpu.memory_space<vmem_shared>>) offsets(%arg7 : memref<128xi32, #tpu.memory_space<vmem>>) semaphore(%run_scoped3A : memref<!tpu.dma_semaphore, #tpu.memory_space<semaphore_mem>>) {add = true}
            %dma_wait3A_102 = arith.constant 0 : i32
            %dma_wait3A_103 = arith.constant 0 : i32
            %dma_wait3A_104 = tpu.memref_slice %arg10[%dma_wait3A_102, %dma_wait3A_103] : memref<10240x128xf32, #tpu.memory_space<vmem_shared>> -> memref<10240x128xf32, #tpu.memory_space<vmem_shared>>
            tpu.wait_indirect_dma semaphore(%run_scoped3A : memref<!tpu.dma_semaphore, #tpu.memory_space<semaphore_mem>>) src(%arg9 : memref<128x128xf32, #tpu.memory_space<vmem>>) dst(%dma_wait3A_104 : memref<10240x128xf32, #tpu.memory_space<vmem_shared>>)
            tpu.yield
          }) : () -> ()
          %add3A_93 = arith.constant 32 : i32
          %add3A_94 = arith.addi %add3A_73, %add3A_93 : i32
          %lt3A_95 = arith.constant 1250 : i32
          %lt3A_96 = arith.cmpi slt, %add3A_94, %lt3A_95 : i32
          %convert_element_type3A_97 = arith.extui %lt3A_96 : i1 to i32
          %cond3A_98 = arith.constant 0 : i32
          %cond3A_99 = arith.cmpi ne, %convert_element_type3A_97, %cond3A_98 : i32
          scf.if %cond3A_99 {
            %add3A_100 = arith.constant 2 : i32
            %add3A_101 = arith.addi %add3A_70, %add3A_100 : i32
            %mul3A_102 = arith.constant 16 : i32
            %mul3A_103 = arith.muli %mul3A_102, %add3A_101 : i32
            %add3A_104 = arith.addi %arg1, %mul3A_103 : i32
            %mul3A_105 = arith.constant 128 : i32
            %mul3A_106 = arith.muli %add3A_104, %mul3A_105 : i32
            %mul3A_107 = arith.constant 128 : i32
            %mul3A_108 = arith.muli %add3A_7, %mul3A_107 : i32
            %dma_start3A = arith.constant 0 : i32
            %dma_start3A_109 = tpu.memref_slice %arg3[%add3A_104, %dma_start3A] : memref<1250x128xi32, #tpu.memory_space<hbm>> -> memref<1x128xi32, #tpu.memory_space<hbm>>
            %dma_start3A_110 = tpu.memref_squeeze %dma_start3A_109 : memref<1x128xi32, #tpu.memory_space<hbm>> -> memref<128xi32, #tpu.memory_space<hbm>>
            %dma_start3A_111 = arith.constant 0 : i32
            %dma_start3A_112 = tpu.memref_slice %arg3[%add3A_104, %dma_start3A_111] : memref<1250x128xi32, #tpu.memory_space<hbm>> -> memref<1x128xi32, #tpu.memory_space<hbm>>
            %dma_start3A_113 = tpu.memref_squeeze %dma_start3A_112 : memref<1x128xi32, #tpu.memory_space<hbm>> -> memref<128xi32, #tpu.memory_space<hbm>>
            tpu.enqueue_dma source(%dma_start3A_113 : memref<128xi32, #tpu.memory_space<hbm>>) target(%arg7 : memref<128xi32, #tpu.memory_space<vmem>>) target_semaphore(%arg12 : memref<!tpu.dma_semaphore, #tpu.memory_space<semaphore_mem>>)
            %dma_start3A_114 = tpu.memref_slice %arg2[%mul3A_106, %mul3A_108] : memref<160000x640xf32, #tpu.memory_space<hbm>> -> memref<128x128xf32, #tpu.memory_space<hbm>>
            %dma_start3A_115 = tpu.memref_slice %arg2[%mul3A_106, %mul3A_108] : memref<160000x640xf32, #tpu.memory_space<hbm>> -> memref<128x128xf32, #tpu.memory_space<hbm>>
            tpu.enqueue_dma source(%dma_start3A_115 : memref<128x128xf32, #tpu.memory_space<hbm>>) target(%arg9 : memref<128x128xf32, #tpu.memory_space<vmem>>) target_semaphore(%arg12 : memref<!tpu.dma_semaphore, #tpu.memory_space<semaphore_mem>>)
          } else {
          }
        } else {
        }
      }
      %scan3A_41 = arith.constant 40 : i32
      %barrier3A_42 = arith.constant 0 : index
      tpu.barrier barrier_id(%barrier3A_42)
      %mul3A_43 = arith.constant 640 : i32
      %mul3A_44 = arith.muli %arg1, %mul3A_43 : i32
      %mul3A_45 = arith.constant 640 : i32
      %mul3A_46 = arith.muli %arg1, %mul3A_45 : i32
      %mul3A_47 = arith.constant 128 : i32
      %mul3A_48 = arith.muli %add3A_7, %mul3A_47 : i32
      "tpu.region"() ({
        %run_scoped3A = tpu.sem_alloc : memref<!tpu.dma_semaphore, #tpu.memory_space<semaphore_mem>>
        %dma_start3A = tpu.memref_slice %arg5[%mul3A_46, %mul3A_48] : memref<10240x640xf32, #tpu.memory_space<hbm>> -> memref<640x128xf32, #tpu.memory_space<hbm>>
        %dma_start3A_50 = arith.constant 0 : i32
        %dma_start3A_51 = tpu.memref_slice %arg10[%mul3A_44, %dma_start3A_50] : memref<10240x128xf32, #tpu.memory_space<vmem_shared>> -> memref<640x128xf32, #tpu.memory_space<vmem_shared>>
        tpu.enqueue_dma source(%dma_start3A_51 : memref<640x128xf32, #tpu.memory_space<vmem_shared>>) target(%dma_start3A : memref<640x128xf32, #tpu.memory_space<hbm>>) target_semaphore(%run_scoped3A : memref<!tpu.dma_semaphore, #tpu.memory_space<semaphore_mem>>)
        %dma_wait3A = tpu.memref_slice %arg5[%mul3A_46, %mul3A_48] : memref<10240x640xf32, #tpu.memory_space<hbm>> -> memref<640x128xf32, #tpu.memory_space<hbm>>
        %dma_wait3A_52 = arith.constant 0 : i32
        %dma_wait3A_53 = tpu.memref_slice %arg10[%mul3A_44, %dma_wait3A_52] : memref<10240x128xf32, #tpu.memory_space<vmem_shared>> -> memref<640x128xf32, #tpu.memory_space<vmem_shared>>
        tpu.wait_dma2 semaphore(%run_scoped3A : memref<!tpu.dma_semaphore, #tpu.memory_space<semaphore_mem>>) src(%dma_wait3A_53 : memref<640x128xf32, #tpu.memory_space<vmem_shared>>) dst(%dma_wait3A : memref<640x128xf32, #tpu.memory_space<hbm>>)
        tpu.yield
      }) : () -> ()
      %barrier3A_49 = arith.constant 0 : index
      tpu.barrier barrier_id(%barrier3A_49)
    } else {
    }
    %mul3A_13 = arith.constant 3 : i32
    %mul3A_14 = arith.muli %arg0, %mul3A_13 : i32
    %add3A_15 = arith.constant 2 : i32
    %add3A_16 = arith.addi %mul3A_14, %add3A_15 : i32
    %lt3A_17 = arith.constant 5 : i32
    %lt3A_18 = arith.cmpi slt, %add3A_16, %lt3A_17 : i32
    %convert_element_type3A_19 = arith.extui %lt3A_18 : i1 to i32
    %cond3A_20 = arith.constant 0 : i32
    %cond3A_21 = arith.cmpi ne, %convert_element_type3A_19, %cond3A_20 : i32
    scf.if %cond3A_21 {
      %mul3A_22 = arith.constant 640 : i32
      %mul3A_23 = arith.muli %arg1, %mul3A_22 : i32
      "tpu.region"() ({
        %run_scoped3A = tpu.sem_alloc : memref<!tpu.dma_semaphore, #tpu.memory_space<semaphore_mem>>
        %dma_start3A = arith.constant 0 : i32
        %dma_start3A_50 = tpu.memref_slice %arg10[%mul3A_23, %dma_start3A] : memref<10240x128xf32, #tpu.memory_space<vmem_shared>> -> memref<640x128xf32, #tpu.memory_space<vmem_shared>>
        tpu.enqueue_dma source(%arg4 : memref<640x128xf32, #tpu.memory_space<hbm>>) target(%dma_start3A_50 : memref<640x128xf32, #tpu.memory_space<vmem_shared>>) target_semaphore(%run_scoped3A : memref<!tpu.dma_semaphore, #tpu.memory_space<semaphore_mem>>)
        %dma_wait3A = arith.constant 0 : i32
        %dma_wait3A_51 = tpu.memref_slice %arg10[%mul3A_23, %dma_wait3A] : memref<10240x128xf32, #tpu.memory_space<vmem_shared>> -> memref<640x128xf32, #tpu.memory_space<vmem_shared>>
        tpu.wait_dma2 semaphore(%run_scoped3A : memref<!tpu.dma_semaphore, #tpu.memory_space<semaphore_mem>>) src(%arg4 : memref<640x128xf32, #tpu.memory_space<hbm>>) dst(%dma_wait3A_51 : memref<640x128xf32, #tpu.memory_space<vmem_shared>>)
        tpu.yield
      }) : () -> ()
      %barrier3A = arith.constant 0 : index
      tpu.barrier barrier_id(%barrier3A)
      %add3A_24 = arith.constant 0 : i32
      %add3A_25 = arith.addi %arg1, %add3A_24 : i32
      %lt3A_26 = arith.constant 1250 : i32
      %lt3A_27 = arith.cmpi slt, %add3A_25, %lt3A_26 : i32
      %convert_element_type3A_28 = arith.extui %lt3A_27 : i1 to i32
      %cond3A_29 = arith.constant 0 : i32
      %cond3A_30 = arith.cmpi ne, %convert_element_type3A_28, %cond3A_29 : i32
      scf.if %cond3A_30 {
        %add3A_50 = arith.constant 0 : i32
        %add3A_51 = arith.addi %arg1, %add3A_50 : i32
        %mul3A_52 = arith.constant 128 : i32
        %mul3A_53 = arith.muli %add3A_51, %mul3A_52 : i32
        %mul3A_54 = arith.constant 128 : i32
        %mul3A_55 = arith.muli %add3A_16, %mul3A_54 : i32
        %dma_start3A = arith.constant 0 : i32
        %dma_start3A_56 = tpu.memref_slice %arg3[%add3A_51, %dma_start3A] : memref<1250x128xi32, #tpu.memory_space<hbm>> -> memref<1x128xi32, #tpu.memory_space<hbm>>
        %dma_start3A_57 = tpu.memref_squeeze %dma_start3A_56 : memref<1x128xi32, #tpu.memory_space<hbm>> -> memref<128xi32, #tpu.memory_space<hbm>>
        %dma_start3A_58 = arith.constant 0 : i32
        %dma_start3A_59 = tpu.memref_slice %arg3[%add3A_51, %dma_start3A_58] : memref<1250x128xi32, #tpu.memory_space<hbm>> -> memref<1x128xi32, #tpu.memory_space<hbm>>
        %dma_start3A_60 = tpu.memref_squeeze %dma_start3A_59 : memref<1x128xi32, #tpu.memory_space<hbm>> -> memref<128xi32, #tpu.memory_space<hbm>>
        tpu.enqueue_dma source(%dma_start3A_60 : memref<128xi32, #tpu.memory_space<hbm>>) target(%arg6 : memref<128xi32, #tpu.memory_space<vmem>>) target_semaphore(%arg11 : memref<!tpu.dma_semaphore, #tpu.memory_space<semaphore_mem>>)
        %dma_start3A_61 = tpu.memref_slice %arg2[%mul3A_53, %mul3A_55] : memref<160000x640xf32, #tpu.memory_space<hbm>> -> memref<128x128xf32, #tpu.memory_space<hbm>>
        %dma_start3A_62 = tpu.memref_slice %arg2[%mul3A_53, %mul3A_55] : memref<160000x640xf32, #tpu.memory_space<hbm>> -> memref<128x128xf32, #tpu.memory_space<hbm>>
        tpu.enqueue_dma source(%dma_start3A_62 : memref<128x128xf32, #tpu.memory_space<hbm>>) target(%arg8 : memref<128x128xf32, #tpu.memory_space<vmem>>) target_semaphore(%arg11 : memref<!tpu.dma_semaphore, #tpu.memory_space<semaphore_mem>>)
      } else {
      }
      %add3A_31 = arith.constant 16 : i32
      %add3A_32 = arith.addi %arg1, %add3A_31 : i32
      %lt3A_33 = arith.constant 1250 : i32
      %lt3A_34 = arith.cmpi slt, %add3A_32, %lt3A_33 : i32
      %convert_element_type3A_35 = arith.extui %lt3A_34 : i1 to i32
      %cond3A_36 = arith.constant 0 : i32
      %cond3A_37 = arith.cmpi ne, %convert_element_type3A_35, %cond3A_36 : i32
      scf.if %cond3A_37 {
        %add3A_50 = arith.constant 16 : i32
        %add3A_51 = arith.addi %arg1, %add3A_50 : i32
        %mul3A_52 = arith.constant 128 : i32
        %mul3A_53 = arith.muli %add3A_51, %mul3A_52 : i32
        %mul3A_54 = arith.constant 128 : i32
        %mul3A_55 = arith.muli %add3A_16, %mul3A_54 : i32
        %dma_start3A = arith.constant 0 : i32
        %dma_start3A_56 = tpu.memref_slice %arg3[%add3A_51, %dma_start3A] : memref<1250x128xi32, #tpu.memory_space<hbm>> -> memref<1x128xi32, #tpu.memory_space<hbm>>
        %dma_start3A_57 = tpu.memref_squeeze %dma_start3A_56 : memref<1x128xi32, #tpu.memory_space<hbm>> -> memref<128xi32, #tpu.memory_space<hbm>>
        %dma_start3A_58 = arith.constant 0 : i32
        %dma_start3A_59 = tpu.memref_slice %arg3[%add3A_51, %dma_start3A_58] : memref<1250x128xi32, #tpu.memory_space<hbm>> -> memref<1x128xi32, #tpu.memory_space<hbm>>
        %dma_start3A_60 = tpu.memref_squeeze %dma_start3A_59 : memref<1x128xi32, #tpu.memory_space<hbm>> -> memref<128xi32, #tpu.memory_space<hbm>>
        tpu.enqueue_dma source(%dma_start3A_60 : memref<128xi32, #tpu.memory_space<hbm>>) target(%arg7 : memref<128xi32, #tpu.memory_space<vmem>>) target_semaphore(%arg12 : memref<!tpu.dma_semaphore, #tpu.memory_space<semaphore_mem>>)
        %dma_start3A_61 = tpu.memref_slice %arg2[%mul3A_53, %mul3A_55] : memref<160000x640xf32, #tpu.memory_space<hbm>> -> memref<128x128xf32, #tpu.memory_space<hbm>>
        %dma_start3A_62 = tpu.memref_slice %arg2[%mul3A_53, %mul3A_55] : memref<160000x640xf32, #tpu.memory_space<hbm>> -> memref<128x128xf32, #tpu.memory_space<hbm>>
        tpu.enqueue_dma source(%dma_start3A_62 : memref<128x128xf32, #tpu.memory_space<hbm>>) target(%arg9 : memref<128x128xf32, #tpu.memory_space<vmem>>) target_semaphore(%arg12 : memref<!tpu.dma_semaphore, #tpu.memory_space<semaphore_mem>>)
      } else {
      }
      %scan3A = arith.constant 0 : i32
      %scan3A_38 = arith.constant 40 : i32
      %scan3A_39 = arith.addi %scan3A, %scan3A_38 : i32
      %scan3A_40 = arith.constant 1 : i32
      scf.for %scan3A_50 = %scan3A to %scan3A_39 step %scan3A_40  : i32 {
        %mul3A_51 = arith.constant 1 : i32
        %mul3A_52 = arith.muli %scan3A_50, %mul3A_51 : i32
        %add3A_53 = arith.constant 0 : i32
        %add3A_54 = arith.addi %add3A_53, %mul3A_52 : i32
        %mul3A_55 = arith.constant 2 : i32
        %mul3A_56 = arith.muli %mul3A_55, %add3A_54 : i32
        %add3A_57 = arith.constant 0 : i32
        %add3A_58 = arith.addi %mul3A_56, %add3A_57 : i32
        %mul3A_59 = arith.constant 16 : i32
        %mul3A_60 = arith.muli %mul3A_59, %add3A_58 : i32
        %add3A_61 = arith.addi %arg1, %mul3A_60 : i32
        %lt3A_62 = arith.constant 1250 : i32
        %lt3A_63 = arith.cmpi slt, %add3A_61, %lt3A_62 : i32
        %convert_element_type3A_64 = arith.extui %lt3A_63 : i1 to i32
        %cond3A_65 = arith.constant 0 : i32
        %cond3A_66 = arith.cmpi ne, %convert_element_type3A_64, %cond3A_65 : i32
        scf.if %cond3A_66 {
          %mul3A_79 = arith.constant 16 : i32
          %mul3A_80 = arith.muli %mul3A_79, %add3A_58 : i32
          %add3A_81 = arith.addi %arg1, %mul3A_80 : i32
          %mul3A_82 = arith.constant 128 : i32
          %mul3A_83 = arith.muli %add3A_81, %mul3A_82 : i32
          %mul3A_84 = arith.constant 128 : i32
          %mul3A_85 = arith.muli %add3A_16, %mul3A_84 : i32
          %dma_wait3A = arith.constant 0 : i32
          %dma_wait3A_86 = tpu.memref_slice %arg3[%add3A_81, %dma_wait3A] : memref<1250x128xi32, #tpu.memory_space<hbm>> -> memref<1x128xi32, #tpu.memory_space<hbm>>
          %dma_wait3A_87 = tpu.memref_squeeze %dma_wait3A_86 : memref<1x128xi32, #tpu.memory_space<hbm>> -> memref<128xi32, #tpu.memory_space<hbm>>
          %dma_wait3A_88 = arith.constant 0 : i32
          %dma_wait3A_89 = tpu.memref_slice %arg3[%add3A_81, %dma_wait3A_88] : memref<1250x128xi32, #tpu.memory_space<hbm>> -> memref<1x128xi32, #tpu.memory_space<hbm>>
          %dma_wait3A_90 = tpu.memref_squeeze %dma_wait3A_89 : memref<1x128xi32, #tpu.memory_space<hbm>> -> memref<128xi32, #tpu.memory_space<hbm>>
          tpu.wait_dma2 semaphore(%arg11 : memref<!tpu.dma_semaphore, #tpu.memory_space<semaphore_mem>>) src(%dma_wait3A_90 : memref<128xi32, #tpu.memory_space<hbm>>) dst(%arg6 : memref<128xi32, #tpu.memory_space<vmem>>)
          %dma_wait3A_91 = tpu.memref_slice %arg2[%mul3A_83, %mul3A_85] : memref<160000x640xf32, #tpu.memory_space<hbm>> -> memref<128x128xf32, #tpu.memory_space<hbm>>
          %dma_wait3A_92 = tpu.memref_slice %arg2[%mul3A_83, %mul3A_85] : memref<160000x640xf32, #tpu.memory_space<hbm>> -> memref<128x128xf32, #tpu.memory_space<hbm>>
          tpu.wait_dma2 semaphore(%arg11 : memref<!tpu.dma_semaphore, #tpu.memory_space<semaphore_mem>>) src(%dma_wait3A_92 : memref<128x128xf32, #tpu.memory_space<hbm>>) dst(%arg8 : memref<128x128xf32, #tpu.memory_space<vmem>>)
          "tpu.region"() ({
            %run_scoped3A = tpu.sem_alloc : memref<!tpu.dma_semaphore, #tpu.memory_space<semaphore_mem>>
            %dma_start3A = arith.constant 0 : i32
            %dma_start3A_100 = arith.constant 0 : i32
            %dma_start3A_101 = tpu.memref_slice %arg10[%dma_start3A, %dma_start3A_100] : memref<10240x128xf32, #tpu.memory_space<vmem_shared>> -> memref<10240x128xf32, #tpu.memory_space<vmem_shared>>
            tpu.enqueue_indirect_dma source(%arg8 : memref<128x128xf32, #tpu.memory_space<vmem>>) target(%dma_start3A_101 : memref<10240x128xf32, #tpu.memory_space<vmem_shared>>) offsets(%arg6 : memref<128xi32, #tpu.memory_space<vmem>>) semaphore(%run_scoped3A : memref<!tpu.dma_semaphore, #tpu.memory_space<semaphore_mem>>) {add = true}
            %dma_wait3A_102 = arith.constant 0 : i32
            %dma_wait3A_103 = arith.constant 0 : i32
            %dma_wait3A_104 = tpu.memref_slice %arg10[%dma_wait3A_102, %dma_wait3A_103] : memref<10240x128xf32, #tpu.memory_space<vmem_shared>> -> memref<10240x128xf32, #tpu.memory_space<vmem_shared>>
            tpu.wait_indirect_dma semaphore(%run_scoped3A : memref<!tpu.dma_semaphore, #tpu.memory_space<semaphore_mem>>) src(%arg8 : memref<128x128xf32, #tpu.memory_space<vmem>>) dst(%dma_wait3A_104 : memref<10240x128xf32, #tpu.memory_space<vmem_shared>>)
            tpu.yield
          }) : () -> ()
          %add3A_93 = arith.constant 32 : i32
          %add3A_94 = arith.addi %add3A_61, %add3A_93 : i32
          %lt3A_95 = arith.constant 1250 : i32
          %lt3A_96 = arith.cmpi slt, %add3A_94, %lt3A_95 : i32
          %convert_element_type3A_97 = arith.extui %lt3A_96 : i1 to i32
          %cond3A_98 = arith.constant 0 : i32
          %cond3A_99 = arith.cmpi ne, %convert_element_type3A_97, %cond3A_98 : i32
          scf.if %cond3A_99 {
            %add3A_100 = arith.constant 2 : i32
            %add3A_101 = arith.addi %add3A_58, %add3A_100 : i32
            %mul3A_102 = arith.constant 16 : i32
            %mul3A_103 = arith.muli %mul3A_102, %add3A_101 : i32
            %add3A_104 = arith.addi %arg1, %mul3A_103 : i32
            %mul3A_105 = arith.constant 128 : i32
            %mul3A_106 = arith.muli %add3A_104, %mul3A_105 : i32
            %mul3A_107 = arith.constant 128 : i32
            %mul3A_108 = arith.muli %add3A_16, %mul3A_107 : i32
            %dma_start3A = arith.constant 0 : i32
            %dma_start3A_109 = tpu.memref_slice %arg3[%add3A_104, %dma_start3A] : memref<1250x128xi32, #tpu.memory_space<hbm>> -> memref<1x128xi32, #tpu.memory_space<hbm>>
            %dma_start3A_110 = tpu.memref_squeeze %dma_start3A_109 : memref<1x128xi32, #tpu.memory_space<hbm>> -> memref<128xi32, #tpu.memory_space<hbm>>
            %dma_start3A_111 = arith.constant 0 : i32
            %dma_start3A_112 = tpu.memref_slice %arg3[%add3A_104, %dma_start3A_111] : memref<1250x128xi32, #tpu.memory_space<hbm>> -> memref<1x128xi32, #tpu.memory_space<hbm>>
            %dma_start3A_113 = tpu.memref_squeeze %dma_start3A_112 : memref<1x128xi32, #tpu.memory_space<hbm>> -> memref<128xi32, #tpu.memory_space<hbm>>
            tpu.enqueue_dma source(%dma_start3A_113 : memref<128xi32, #tpu.memory_space<hbm>>) target(%arg6 : memref<128xi32, #tpu.memory_space<vmem>>) target_semaphore(%arg11 : memref<!tpu.dma_semaphore, #tpu.memory_space<semaphore_mem>>)
            %dma_start3A_114 = tpu.memref_slice %arg2[%mul3A_106, %mul3A_108] : memref<160000x640xf32, #tpu.memory_space<hbm>> -> memref<128x128xf32, #tpu.memory_space<hbm>>
            %dma_start3A_115 = tpu.memref_slice %arg2[%mul3A_106, %mul3A_108] : memref<160000x640xf32, #tpu.memory_space<hbm>> -> memref<128x128xf32, #tpu.memory_space<hbm>>
            tpu.enqueue_dma source(%dma_start3A_115 : memref<128x128xf32, #tpu.memory_space<hbm>>) target(%arg8 : memref<128x128xf32, #tpu.memory_space<vmem>>) target_semaphore(%arg11 : memref<!tpu.dma_semaphore, #tpu.memory_space<semaphore_mem>>)
          } else {
          }
        } else {
        }
        %mul3A_67 = arith.constant 2 : i32
        %mul3A_68 = arith.muli %mul3A_67, %add3A_54 : i32
        %add3A_69 = arith.constant 1 : i32
        %add3A_70 = arith.addi %mul3A_68, %add3A_69 : i32
        %mul3A_71 = arith.constant 16 : i32
        %mul3A_72 = arith.muli %mul3A_71, %add3A_70 : i32
        %add3A_73 = arith.addi %arg1, %mul3A_72 : i32
        %lt3A_74 = arith.constant 1250 : i32
        %lt3A_75 = arith.cmpi slt, %add3A_73, %lt3A_74 : i32
        %convert_element_type3A_76 = arith.extui %lt3A_75 : i1 to i32
        %cond3A_77 = arith.constant 0 : i32
        %cond3A_78 = arith.cmpi ne, %convert_element_type3A_76, %cond3A_77 : i32
        scf.if %cond3A_78 {
          %mul3A_79 = arith.constant 16 : i32
          %mul3A_80 = arith.muli %mul3A_79, %add3A_70 : i32
          %add3A_81 = arith.addi %arg1, %mul3A_80 : i32
          %mul3A_82 = arith.constant 128 : i32
          %mul3A_83 = arith.muli %add3A_81, %mul3A_82 : i32
          %mul3A_84 = arith.constant 128 : i32
          %mul3A_85 = arith.muli %add3A_16, %mul3A_84 : i32
          %dma_wait3A = arith.constant 0 : i32
          %dma_wait3A_86 = tpu.memref_slice %arg3[%add3A_81, %dma_wait3A] : memref<1250x128xi32, #tpu.memory_space<hbm>> -> memref<1x128xi32, #tpu.memory_space<hbm>>
          %dma_wait3A_87 = tpu.memref_squeeze %dma_wait3A_86 : memref<1x128xi32, #tpu.memory_space<hbm>> -> memref<128xi32, #tpu.memory_space<hbm>>
          %dma_wait3A_88 = arith.constant 0 : i32
          %dma_wait3A_89 = tpu.memref_slice %arg3[%add3A_81, %dma_wait3A_88] : memref<1250x128xi32, #tpu.memory_space<hbm>> -> memref<1x128xi32, #tpu.memory_space<hbm>>
          %dma_wait3A_90 = tpu.memref_squeeze %dma_wait3A_89 : memref<1x128xi32, #tpu.memory_space<hbm>> -> memref<128xi32, #tpu.memory_space<hbm>>
          tpu.wait_dma2 semaphore(%arg12 : memref<!tpu.dma_semaphore, #tpu.memory_space<semaphore_mem>>) src(%dma_wait3A_90 : memref<128xi32, #tpu.memory_space<hbm>>) dst(%arg7 : memref<128xi32, #tpu.memory_space<vmem>>)
          %dma_wait3A_91 = tpu.memref_slice %arg2[%mul3A_83, %mul3A_85] : memref<160000x640xf32, #tpu.memory_space<hbm>> -> memref<128x128xf32, #tpu.memory_space<hbm>>
          %dma_wait3A_92 = tpu.memref_slice %arg2[%mul3A_83, %mul3A_85] : memref<160000x640xf32, #tpu.memory_space<hbm>> -> memref<128x128xf32, #tpu.memory_space<hbm>>
          tpu.wait_dma2 semaphore(%arg12 : memref<!tpu.dma_semaphore, #tpu.memory_space<semaphore_mem>>) src(%dma_wait3A_92 : memref<128x128xf32, #tpu.memory_space<hbm>>) dst(%arg9 : memref<128x128xf32, #tpu.memory_space<vmem>>)
          "tpu.region"() ({
            %run_scoped3A = tpu.sem_alloc : memref<!tpu.dma_semaphore, #tpu.memory_space<semaphore_mem>>
            %dma_start3A = arith.constant 0 : i32
            %dma_start3A_100 = arith.constant 0 : i32
            %dma_start3A_101 = tpu.memref_slice %arg10[%dma_start3A, %dma_start3A_100] : memref<10240x128xf32, #tpu.memory_space<vmem_shared>> -> memref<10240x128xf32, #tpu.memory_space<vmem_shared>>
            tpu.enqueue_indirect_dma source(%arg9 : memref<128x128xf32, #tpu.memory_space<vmem>>) target(%dma_start3A_101 : memref<10240x128xf32, #tpu.memory_space<vmem_shared>>) offsets(%arg7 : memref<128xi32, #tpu.memory_space<vmem>>) semaphore(%run_scoped3A : memref<!tpu.dma_semaphore, #tpu.memory_space<semaphore_mem>>) {add = true}
            %dma_wait3A_102 = arith.constant 0 : i32
            %dma_wait3A_103 = arith.constant 0 : i32
            %dma_wait3A_104 = tpu.memref_slice %arg10[%dma_wait3A_102, %dma_wait3A_103] : memref<10240x128xf32, #tpu.memory_space<vmem_shared>> -> memref<10240x128xf32, #tpu.memory_space<vmem_shared>>
            tpu.wait_indirect_dma semaphore(%run_scoped3A : memref<!tpu.dma_semaphore, #tpu.memory_space<semaphore_mem>>) src(%arg9 : memref<128x128xf32, #tpu.memory_space<vmem>>) dst(%dma_wait3A_104 : memref<10240x128xf32, #tpu.memory_space<vmem_shared>>)
            tpu.yield
          }) : () -> ()
          %add3A_93 = arith.constant 32 : i32
          %add3A_94 = arith.addi %add3A_73, %add3A_93 : i32
          %lt3A_95 = arith.constant 1250 : i32
          %lt3A_96 = arith.cmpi slt, %add3A_94, %lt3A_95 : i32
          %convert_element_type3A_97 = arith.extui %lt3A_96 : i1 to i32
          %cond3A_98 = arith.constant 0 : i32
          %cond3A_99 = arith.cmpi ne, %convert_element_type3A_97, %cond3A_98 : i32
          scf.if %cond3A_99 {
            %add3A_100 = arith.constant 2 : i32
            %add3A_101 = arith.addi %add3A_70, %add3A_100 : i32
            %mul3A_102 = arith.constant 16 : i32
            %mul3A_103 = arith.muli %mul3A_102, %add3A_101 : i32
            %add3A_104 = arith.addi %arg1, %mul3A_103 : i32
            %mul3A_105 = arith.constant 128 : i32
            %mul3A_106 = arith.muli %add3A_104, %mul3A_105 : i32
            %mul3A_107 = arith.constant 128 : i32
            %mul3A_108 = arith.muli %add3A_16, %mul3A_107 : i32
            %dma_start3A = arith.constant 0 : i32
            %dma_start3A_109 = tpu.memref_slice %arg3[%add3A_104, %dma_start3A] : memref<1250x128xi32, #tpu.memory_space<hbm>> -> memref<1x128xi32, #tpu.memory_space<hbm>>
            %dma_start3A_110 = tpu.memref_squeeze %dma_start3A_109 : memref<1x128xi32, #tpu.memory_space<hbm>> -> memref<128xi32, #tpu.memory_space<hbm>>
            %dma_start3A_111 = arith.constant 0 : i32
            %dma_start3A_112 = tpu.memref_slice %arg3[%add3A_104, %dma_start3A_111] : memref<1250x128xi32, #tpu.memory_space<hbm>> -> memref<1x128xi32, #tpu.memory_space<hbm>>
            %dma_start3A_113 = tpu.memref_squeeze %dma_start3A_112 : memref<1x128xi32, #tpu.memory_space<hbm>> -> memref<128xi32, #tpu.memory_space<hbm>>
            tpu.enqueue_dma source(%dma_start3A_113 : memref<128xi32, #tpu.memory_space<hbm>>) target(%arg7 : memref<128xi32, #tpu.memory_space<vmem>>) target_semaphore(%arg12 : memref<!tpu.dma_semaphore, #tpu.memory_space<semaphore_mem>>)
            %dma_start3A_114 = tpu.memref_slice %arg2[%mul3A_106, %mul3A_108] : memref<160000x640xf32, #tpu.memory_space<hbm>> -> memref<128x128xf32, #tpu.memory_space<hbm>>
            %dma_start3A_115 = tpu.memref_slice %arg2[%mul3A_106, %mul3A_108] : memref<160000x640xf32, #tpu.memory_space<hbm>> -> memref<128x128xf32, #tpu.memory_space<hbm>>
            tpu.enqueue_dma source(%dma_start3A_115 : memref<128x128xf32, #tpu.memory_space<hbm>>) target(%arg9 : memref<128x128xf32, #tpu.memory_space<vmem>>) target_semaphore(%arg12 : memref<!tpu.dma_semaphore, #tpu.memory_space<semaphore_mem>>)
          } else {
          }
        } else {
        }
      }
      %scan3A_41 = arith.constant 40 : i32
      %barrier3A_42 = arith.constant 0 : index
      tpu.barrier barrier_id(%barrier3A_42)
      %mul3A_43 = arith.constant 640 : i32
      %mul3A_44 = arith.muli %arg1, %mul3A_43 : i32
      %mul3A_45 = arith.constant 640 : i32
      %mul3A_46 = arith.muli %arg1, %mul3A_45 : i32
      %mul3A_47 = arith.constant 128 : i32
      %mul3A_48 = arith.muli %add3A_16, %mul3A_47 : i32
      "tpu.region"() ({
        %run_scoped3A = tpu.sem_alloc : memref<!tpu.dma_semaphore, #tpu.memory_space<semaphore_mem>>
        %dma_start3A = tpu.memref_slice %arg5[%mul3A_46, %mul3A_48] : memref<10240x640xf32, #tpu.memory_space<hbm>> -> memref<640x128xf32, #tpu.memory_space<hbm>>
        %dma_start3A_50 = arith.constant 0 : i32
        %dma_start3A_51 = tpu.memref_slice %arg10[%mul3A_44, %dma_start3A_50] : memref<10240x128xf32, #tpu.memory_space<vmem_shared>> -> memref<640x128xf32, #tpu.memory_space<vmem_shared>>
        tpu.enqueue_dma source(%dma_start3A_51 : memref<640x128xf32, #tpu.memory_space<vmem_shared>>) target(%dma_start3A : memref<640x128xf32, #tpu.memory_space<hbm>>) target_semaphore(%run_scoped3A : memref<!tpu.dma_semaphore, #tpu.memory_space<semaphore_mem>>)
        %dma_wait3A = tpu.memref_slice %arg5[%mul3A_46, %mul3A_48] : memref<10240x640xf32, #tpu.memory_space<hbm>> -> memref<640x128xf32, #tpu.memory_space<hbm>>
        %dma_wait3A_52 = arith.constant 0 : i32
        %dma_wait3A_53 = tpu.memref_slice %arg10[%mul3A_44, %dma_wait3A_52] : memref<10240x128xf32, #tpu.memory_space<vmem_shared>> -> memref<640x128xf32, #tpu.memory_space<vmem_shared>>
        tpu.wait_dma2 semaphore(%run_scoped3A : memref<!tpu.dma_semaphore, #tpu.memory_space<semaphore_mem>>) src(%dma_wait3A_53 : memref<640x128xf32, #tpu.memory_space<vmem_shared>>) dst(%dma_wait3A : memref<640x128xf32, #tpu.memory_space<hbm>>)
        tpu.yield
      }) : () -> ()
      %barrier3A_49 = arith.constant 0 : index
      tpu.barrier barrier_id(%barrier3A_49)
    } else {
    }
    return
  }
}

module attributes {stable_mosaic.version = 14 : i64} {
  func.func @_species_kernel(%arg0: i32, %arg1: memref<1x1x1000xi32, #tpu.memory_space<vmem>>, %arg2: memref<128x192xf32, #tpu.memory_space<vmem>>, %arg3: memref<4x64xf32, #tpu.memory_space<vmem>>, %arg4: memref<1000x64xf32, #tpu.memory_space<vmem>>, %arg5: memref<1000x128xf32, #tpu.memory_space<vmem>>) attributes {dimension_semantics = [#tpu.dimension_semantics<arbitrary>], iteration_bounds = array<i64: 10>, scalar_prefetch = 0 : i64, scratch_operands = 0 : i64, tpu.core_type = #tpu.core_type<tc>, window_params = [{transform_indices = @transform_0, window_bounds = array<i64: 1, 1, 1000>}, {pipeline_mode = #tpu.pipeline_mode<synchronous>, transform_indices = @transform_1, window_bounds = array<i64: 128, 192>}, {pipeline_mode = #tpu.pipeline_mode<synchronous>, transform_indices = @transform_2, window_bounds = array<i64: 4, 64>}, {transform_indices = @transform_3, window_bounds = array<i64: 1000, 64>}, {transform_indices = @transform_4, window_bounds = array<i64: 1000, 128>}]} {
    %get3A = arith.constant 0 : index
    %get3A_0 = arith.constant 0 : index
    %get3A_1 = arith.constant 0 : index
    %get3A_2 = vector.load %arg1[%get3A, %get3A_0, %get3A_1] : memref<1x1x1000xi32, #tpu.memory_space<vmem>>, vector<1x1x1000xi32>
    %get3A_3 = vector.shape_cast %get3A_2 : vector<1x1x1000xi32> to vector<1x1000xi32>
    %transpose3A = tpu.transpose %get3A_3, [1, 0] : vector<1x1000xi32> -> vector<1000x1xi32>
    %iota3A = tpu.iota {dimensions = array<i32: 1>} : vector<1000x128xi32>
    %eq3A = vector.broadcast %transpose3A : vector<1000x1xi32> to vector<1000x128xi32>
    %eq3A_4 = arith.cmpi eq, %iota3A, %eq3A : vector<1000x128xi32>
    %jit3A = arith.constant 1.000000e+00 : f32
    %jit3A_5 = arith.constant 0.000000e+00 : f32
    %broadcast_in_dim3A = vector.broadcast %jit3A : f32 to vector<1000x128xf32>
    %broadcast_in_dim3A_6 = vector.broadcast %jit3A_5 : f32 to vector<1000x128xf32>
    %select_n3A = arith.select %eq3A_4, %broadcast_in_dim3A, %broadcast_in_dim3A_6 : vector<1000x128xi1>, vector<1000x128xf32>
    %get3A_7 = arith.constant 0 : index
    %get3A_8 = arith.constant 0 : index
    %get3A_9 = vector.load %arg2[%get3A_7, %get3A_8] : memref<128x192xf32, #tpu.memory_space<vmem>>, vector<128x192xf32>
    %dot_general3A = arith.constant dense<0.000000e+00> : vector<1000x192xf32>
    %dot_general3A_10 = tpu.matmul %select_n3A, %get3A_9, %dot_general3A {dimension_numbers = #tpu.dot_dimension_numbers<[1], [0], [0], [1], [0, 0, 1, 1], [], []>, transpose_lhs_hint = false} : vector<1000x128xf32>, vector<128x192xf32>, vector<1000x192xf32> -> vector<1000x192xf32>
    %iota3A_11 = tpu.iota {dimensions = array<i32: 0>} : vector<1000x4xi32>
    %mul3A = arith.constant 1000 : i32
    %mul3A_12 = arith.muli %arg0, %mul3A : i32
    %add3A = vector.broadcast %mul3A_12 : i32 to vector<1000x4xi32>
    %add3A_13 = arith.addi %iota3A_11, %add3A : vector<1000x4xi32>
    %iota3A_14 = tpu.iota {dimensions = array<i32: 1>} : vector<1x4xi32>
    %jit3A_15 = arith.constant 2500 : i32
    %div3A = vector.broadcast %jit3A_15 : i32 to vector<1000x4xi32>
    %div3A_16 = arith.divsi %add3A_13, %div3A : vector<1000x4xi32>
    %sign3A = arith.constant 0 : i32
    %sign3A_17 = vector.broadcast %sign3A : i32 to vector<1000x4xi32>
    %sign3A_18 = arith.cmpi sgt, %add3A_13, %sign3A_17 : vector<1000x4xi32>
    %sign3A_19 = arith.extui %sign3A_18 : vector<1000x4xi1> to vector<1000x4xi32>
    %sign3A_20 = arith.constant 0 : i32
    %sign3A_21 = vector.broadcast %sign3A_20 : i32 to vector<1000x4xi32>
    %sign3A_22 = arith.cmpi slt, %add3A_13, %sign3A_21 : vector<1000x4xi32>
    %sign3A_23 = arith.extui %sign3A_22 : vector<1000x4xi1> to vector<1000x4xi32>
    %sign3A_24 = arith.subi %sign3A_19, %sign3A_23 : vector<1000x4xi32>
    %sign3A_25 = arith.constant 0 : i32
    %sign3A_26 = arith.cmpi sgt, %jit3A_15, %sign3A_25 : i32
    %sign3A_27 = arith.extui %sign3A_26 : i1 to i32
    %sign3A_28 = arith.constant 0 : i32
    %sign3A_29 = arith.cmpi slt, %jit3A_15, %sign3A_28 : i32
    %sign3A_30 = arith.extui %sign3A_29 : i1 to i32
    %sign3A_31 = arith.subi %sign3A_27, %sign3A_30 : i32
    %ne3A = vector.broadcast %sign3A_31 : i32 to vector<1000x4xi32>
    %ne3A_32 = arith.cmpi ne, %sign3A_24, %ne3A : vector<1000x4xi32>
    %rem3A = vector.broadcast %jit3A_15 : i32 to vector<1000x4xi32>
    %rem3A_33 = arith.remsi %add3A_13, %rem3A : vector<1000x4xi32>
    %ne3A_34 = arith.constant 0 : i32
    %ne3A_35 = vector.broadcast %ne3A_34 : i32 to vector<1000x4xi32>
    %ne3A_36 = arith.cmpi ne, %rem3A_33, %ne3A_35 : vector<1000x4xi32>
    %and3A = arith.andi %ne3A_32, %ne3A_36 : vector<1000x4xi1>
    %sub3A = arith.constant 1 : i32
    %sub3A_37 = vector.broadcast %sub3A : i32 to vector<1000x4xi32>
    %sub3A_38 = arith.subi %div3A_16, %sub3A_37 : vector<1000x4xi32>
    %select_n3A_39 = arith.select %and3A, %sub3A_38, %div3A_16 : vector<1000x4xi1>, vector<1000x4xi32>
    %eq3A_40 = vector.broadcast %iota3A_14 : vector<1x4xi32> to vector<1000x4xi32>
    %eq3A_41 = arith.cmpi eq, %select_n3A_39, %eq3A_40 : vector<1000x4xi32>
    %jit3A_42 = arith.constant 1.000000e+00 : f32
    %jit3A_43 = arith.constant 0.000000e+00 : f32
    %broadcast_in_dim3A_44 = vector.broadcast %jit3A_42 : f32 to vector<1000x4xf32>
    %broadcast_in_dim3A_45 = vector.broadcast %jit3A_43 : f32 to vector<1000x4xf32>
    %select_n3A_46 = arith.select %eq3A_41, %broadcast_in_dim3A_44, %broadcast_in_dim3A_45 : vector<1000x4xi1>, vector<1000x4xf32>
    %get3A_47 = arith.constant 0 : index
    %get3A_48 = arith.constant 0 : index
    %get3A_49 = vector.load %arg3[%get3A_47, %get3A_48] : memref<4x64xf32, #tpu.memory_space<vmem>>, vector<4x64xf32>
    %dot_general3A_50 = arith.constant dense<0.000000e+00> : vector<1000x64xf32>
    %dot_general3A_51 = tpu.matmul %select_n3A_46, %get3A_49, %dot_general3A_50 {dimension_numbers = #tpu.dot_dimension_numbers<[1], [0], [0], [1], [0, 0, 1, 1], [], []>, transpose_lhs_hint = false} : vector<1000x4xf32>, vector<4x64xf32>, vector<1000x64xf32> -> vector<1000x64xf32>
    %slice3A = vector.extract_strided_slice %dot_general3A_10 {offsets = [0, 0], sizes = [1000, 64], strides = [1, 1]} : vector<1000x192xf32> to vector<1000x64xf32>
    %add3A_52 = arith.addf %slice3A, %dot_general3A_51 : vector<1000x64xf32>
    %swap3A = arith.constant 0 : index
    %swap3A_53 = arith.constant 0 : index
    %swap3A_54 = vector.load %arg4[%swap3A, %swap3A_53] : memref<1000x64xf32, #tpu.memory_space<vmem>>, vector<1000x64xf32>
    tpu.vector_store %arg4[%swap3A, %swap3A_53], %add3A_52 {strides = array<i32>} : memref<1000x64xf32, #tpu.memory_space<vmem>>, vector<1000x64xf32>,
    %slice3A_55 = vector.extract_strided_slice %dot_general3A_10 {offsets = [0, 64], sizes = [1000, 128], strides = [1, 1]} : vector<1000x192xf32> to vector<1000x128xf32>
    %swap3A_56 = arith.constant 0 : index
    %swap3A_57 = arith.constant 0 : index
    %swap3A_58 = vector.load %arg5[%swap3A_56, %swap3A_57] : memref<1000x128xf32, #tpu.memory_space<vmem>>, vector<1000x128xf32>
    tpu.vector_store %arg5[%swap3A_56, %swap3A_57], %slice3A_55 {strides = array<i32>} : memref<1000x128xf32, #tpu.memory_space<vmem>>, vector<1000x128xf32>,
    return
  }
  func.func @transform_0(%arg0: i32) -> (i32, i32, i32) {
    %c0_i32 = arith.constant 0 : i32
    %c0_i32_0 = arith.constant 0 : i32
    %c0_i32_1 = arith.constant 0 : i32
    return %arg0, %c0_i32, %c0_i32_0 : i32, i32, i32
  }
  func.func @transform_1(%arg0: i32) -> (i32, i32) {
    %c0_i32 = arith.constant 0 : i32
    %c0_i32_0 = arith.constant 0 : i32
    %c0_i32_1 = arith.constant 0 : i32
    return %c0_i32, %c0_i32_0 : i32, i32
  }
  func.func @transform_2(%arg0: i32) -> (i32, i32) {
    %c0_i32 = arith.constant 0 : i32
    %c0_i32_0 = arith.constant 0 : i32
    %c0_i32_1 = arith.constant 0 : i32
    return %c0_i32, %c0_i32_0 : i32, i32
  }
  func.func @transform_3(%arg0: i32) -> (i32, i32) {
    %c0_i32 = arith.constant 0 : i32
    %c0_i32_0 = arith.constant 0 : i32
    return %arg0, %c0_i32 : i32, i32
  }
  func.func @transform_4(%arg0: i32) -> (i32, i32) {
    %c0_i32 = arith.constant 0 : i32
    %c0_i32_0 = arith.constant 0 : i32
    return %arg0, %c0_i32 : i32, i32
  }
}

module attributes {stable_mosaic.version = 14 : i64} {
  func.func @_edge_a_kernel(%arg0: i32, %arg1: memref<3x640xf32, #tpu.memory_space<vmem>>, %arg2: memref<640x128xf32, #tpu.memory_space<vmem>>, %arg3: memref<640x128xf32, #tpu.memory_space<vmem>>, %arg4: memref<256x64xf32, #tpu.memory_space<vmem>>, %arg5: memref<1x64xf32, #tpu.memory_space<vmem>>, %arg6: memref<64x64xf32, #tpu.memory_space<vmem>>, %arg7: memref<1x64xf32, #tpu.memory_space<vmem>>, %arg8: memref<64x192xf32, #tpu.memory_space<vmem>>, %arg9: memref<256x64xf32, #tpu.memory_space<vmem>>, %arg10: memref<1x64xf32, #tpu.memory_space<vmem>>, %arg11: memref<64x128xf32, #tpu.memory_space<vmem>>, %arg12: memref<1x128xf32, #tpu.memory_space<vmem>>, %arg13: memref<640x640xf32, #tpu.memory_space<vmem>>, %arg14: memref<40x640xf32, #tpu.memory_space<vmem>>, %arg15: memref<128x640xf32, #tpu.memory_space<vmem>>) attributes {dimension_semantics = [#tpu.dimension_semantics<arbitrary>], iteration_bounds = array<i64: 250>, scalar_prefetch = 0 : i64, scratch_operands = 0 : i64, tpu.core_type = #tpu.core_type<tc>, window_params = [{transform_indices = @transform_0, window_bounds = array<i64: 3, 640>}, {transform_indices = @transform_1, window_bounds = array<i64: 640, 128>}, {transform_indices = @transform_2, window_bounds = array<i64: 640, 128>}, {pipeline_mode = #tpu.pipeline_mode<synchronous>, transform_indices = @transform_3, window_bounds = array<i64: 256, 64>}, {pipeline_mode = #tpu.pipeline_mode<synchronous>, transform_indices = @transform_4, window_bounds = array<i64: 1, 64>}, {pipeline_mode = #tpu.pipeline_mode<synchronous>, transform_indices = @transform_5, window_bounds = array<i64: 64, 64>}, {pipeline_mode = #tpu.pipeline_mode<synchronous>, transform_indices = @transform_6, window_bounds = array<i64: 1, 64>}, {pipeline_mode = #tpu.pipeline_mode<synchronous>, transform_indices = @transform_7, window_bounds = array<i64: 64, 192>}, {pipeline_mode = #tpu.pipeline_mode<synchronous>, transform_indices = @transform_8, window_bounds = array<i64: 256, 64>}, {pipeline_mode = #tpu.pipeline_mode<synchronous>, transform_indices = @transform_9, window_bounds = array<i64: 1, 64>}, {pipeline_mode = #tpu.pipeline_mode<synchronous>, transform_indices = @transform_10, window_bounds = array<i64: 64, 128>}, {pipeline_mode = #tpu.pipeline_mode<synchronous>, transform_indices = @transform_11, window_bounds = array<i64: 1, 128>}, {transform_indices = @transform_12, window_bounds = array<i64: 640, 640>}, {transform_indices = @transform_13, window_bounds = array<i64: 40, 640>}, {transform_indices = @transform_14, window_bounds = array<i64: 128, 640>}]} {
    %get3A = arith.constant 0 : index
    %get3A_0 = arith.constant 0 : index
    %get3A_1 = vector.load %arg1[%get3A, %get3A_0] : memref<3x640xf32, #tpu.memory_space<vmem>>, vector<1x640xf32>
    %get3A_2 = arith.constant 1 : index
    %get3A_3 = arith.constant 0 : index
    %get3A_4 = vector.load %arg1[%get3A_2, %get3A_3] : memref<3x640xf32, #tpu.memory_space<vmem>>, vector<1x640xf32>
    %get3A_5 = arith.constant 2 : index
    %get3A_6 = arith.constant 0 : index
    %get3A_7 = vector.load %arg1[%get3A_5, %get3A_6] : memref<3x640xf32, #tpu.memory_space<vmem>>, vector<1x640xf32>
    %mul3A = arith.mulf %get3A_1, %get3A_1 : vector<1x640xf32>
    %mul3A_8 = arith.mulf %get3A_4, %get3A_4 : vector<1x640xf32>
    %add3A = arith.addf %mul3A, %mul3A_8 : vector<1x640xf32>
    %mul3A_9 = arith.mulf %get3A_7, %get3A_7 : vector<1x640xf32>
    %add3A_10 = arith.addf %add3A, %mul3A_9 : vector<1x640xf32>
    %sqrt3A = math.sqrt %add3A_10 : vector<1x640xf32>
    %add3A_11 = arith.constant 9.99999996E-13 : f32
    %add3A_12 = vector.broadcast %add3A_11 : f32 to vector<1x640xf32>
    %add3A_13 = arith.addf %sqrt3A, %add3A_12 : vector<1x640xf32>
    %div3A = arith.constant 1.000000e+00 : f32
    %div3A_14 = vector.broadcast %div3A : f32 to vector<1x640xf32>
    %div3A_15 = arith.divf %div3A_14, %add3A_13 : vector<1x640xf32>
    %mul3A_16 = arith.mulf %get3A_1, %div3A_15 : vector<1x640xf32>
    %mul3A_17 = arith.mulf %get3A_4, %div3A_15 : vector<1x640xf32>
    %mul3A_18 = arith.mulf %get3A_7, %div3A_15 : vector<1x640xf32>
    %abs3A = math.absf %mul3A_18 : vector<1x640xf32>
    %gt3A = arith.constant 9.900000e-01 : f32
    %gt3A_19 = vector.broadcast %gt3A : f32 to vector<1x640xf32>
    %gt3A_20 = arith.cmpf ogt, %abs3A, %gt3A_19 : vector<1x640xf32>
    %jit3A = arith.constant 1.000000e+00 : f32
    %jit3A_21 = arith.constant 0.000000e+00 : f32
    %broadcast_in_dim3A = vector.broadcast %jit3A : f32 to vector<1x640xf32>
    %broadcast_in_dim3A_22 = vector.broadcast %jit3A_21 : f32 to vector<1x640xf32>
    %select_n3A = arith.select %gt3A_20, %broadcast_in_dim3A, %broadcast_in_dim3A_22 : vector<1x640xi1>, vector<1x640xf32>
    %jit3A_23 = arith.constant 0.000000e+00 : f32
    %jit3A_24 = arith.constant 1.000000e+00 : f32
    %broadcast_in_dim3A_25 = vector.broadcast %jit3A_23 : f32 to vector<1x640xf32>
    %broadcast_in_dim3A_26 = vector.broadcast %jit3A_24 : f32 to vector<1x640xf32>
    %select_n3A_27 = arith.select %gt3A_20, %broadcast_in_dim3A_25, %broadcast_in_dim3A_26 : vector<1x640xi1>, vector<1x640xf32>
    %mul3A_28 = arith.mulf %mul3A_17, %select_n3A_27 : vector<1x640xf32>
    %mul3A_29 = arith.mulf %mul3A_18, %select_n3A : vector<1x640xf32>
    %mul3A_30 = arith.mulf %mul3A_16, %select_n3A_27 : vector<1x640xf32>
    %sub3A = arith.subf %mul3A_29, %mul3A_30 : vector<1x640xf32>
    %neg3A = arith.constant 0.000000e+00 : f32
    %neg3A_31 = vector.broadcast %neg3A : f32 to vector<1x640xf32>
    %neg3A_32 = arith.subf %neg3A_31, %mul3A_17 : vector<1x640xf32>
    %mul3A_33 = arith.mulf %neg3A_32, %select_n3A : vector<1x640xf32>
    %mul3A_34 = arith.mulf %mul3A_28, %mul3A_28 : vector<1x640xf32>
    %mul3A_35 = arith.mulf %sub3A, %sub3A : vector<1x640xf32>
    %add3A_36 = arith.addf %mul3A_34, %mul3A_35 : vector<1x640xf32>
    %mul3A_37 = arith.mulf %mul3A_33, %mul3A_33 : vector<1x640xf32>
    %add3A_38 = arith.addf %add3A_36, %mul3A_37 : vector<1x640xf32>
    %sqrt3A_39 = math.sqrt %add3A_38 : vector<1x640xf32>
    %add3A_40 = arith.constant 9.99999996E-13 : f32
    %add3A_41 = vector.broadcast %add3A_40 : f32 to vector<1x640xf32>
    %add3A_42 = arith.addf %sqrt3A_39, %add3A_41 : vector<1x640xf32>
    %div3A_43 = arith.constant 1.000000e+00 : f32
    %div3A_44 = vector.broadcast %div3A_43 : f32 to vector<1x640xf32>
    %div3A_45 = arith.divf %div3A_44, %add3A_42 : vector<1x640xf32>
    %mul3A_46 = arith.mulf %mul3A_28, %div3A_45 : vector<1x640xf32>
    %mul3A_47 = arith.mulf %sub3A, %div3A_45 : vector<1x640xf32>
    %mul3A_48 = arith.mulf %mul3A_33, %div3A_45 : vector<1x640xf32>
    %mul3A_49 = arith.mulf %mul3A_47, %mul3A_18 : vector<1x640xf32>
    %mul3A_50 = arith.mulf %mul3A_48, %mul3A_17 : vector<1x640xf32>
    %sub3A_51 = arith.subf %mul3A_49, %mul3A_50 : vector<1x640xf32>
    %mul3A_52 = arith.mulf %mul3A_48, %mul3A_16 : vector<1x640xf32>
    %mul3A_53 = arith.mulf %mul3A_46, %mul3A_18 : vector<1x640xf32>
    %sub3A_54 = arith.subf %mul3A_52, %mul3A_53 : vector<1x640xf32>
    %mul3A_55 = arith.mulf %mul3A_46, %mul3A_17 : vector<1x640xf32>
    %mul3A_56 = arith.mulf %mul3A_47, %mul3A_16 : vector<1x640xf32>
    %sub3A_57 = arith.subf %mul3A_55, %mul3A_56 : vector<1x640xf32>
    %mul3A_58 = arith.mulf %mul3A_46, %mul3A_17 : vector<1x640xf32>
    %mul3A_59 = arith.constant 5.000000e-01 : f32
    %mul3A_60 = vector.broadcast %mul3A_59 : f32 to vector<1x640xf32>
    %mul3A_61 = arith.mulf %mul3A_60, %mul3A_58 : vector<1x640xf32>
    %mul3A_62 = arith.mulf %mul3A_47, %mul3A_16 : vector<1x640xf32>
    %mul3A_63 = arith.constant 5.000000e-01 : f32
    %mul3A_64 = vector.broadcast %mul3A_63 : f32 to vector<1x640xf32>
    %mul3A_65 = arith.mulf %mul3A_64, %mul3A_62 : vector<1x640xf32>
    %add3A_66 = arith.addf %mul3A_61, %mul3A_65 : vector<1x640xf32>
    %mul3A_67 = arith.mulf %mul3A_16, %mul3A_47 : vector<1x640xf32>
    %mul3A_68 = arith.constant 5.000000e-01 : f32
    %mul3A_69 = vector.broadcast %mul3A_68 : f32 to vector<1x640xf32>
    %mul3A_70 = arith.mulf %mul3A_69, %mul3A_67 : vector<1x640xf32>
    %add3A_71 = arith.addf %add3A_66, %mul3A_70 : vector<1x640xf32>
    %mul3A_72 = arith.mulf %mul3A_17, %mul3A_46 : vector<1x640xf32>
    %mul3A_73 = arith.constant 5.000000e-01 : f32
    %mul3A_74 = vector.broadcast %mul3A_73 : f32 to vector<1x640xf32>
    %mul3A_75 = arith.mulf %mul3A_74, %mul3A_72 : vector<1x640xf32>
    %add3A_76 = arith.addf %add3A_71, %mul3A_75 : vector<1x640xf32>
    %mul3A_77 = arith.mulf %mul3A_47, %mul3A_18 : vector<1x640xf32>
    %mul3A_78 = arith.constant 5.000000e-01 : f32
    %mul3A_79 = vector.broadcast %mul3A_78 : f32 to vector<1x640xf32>
    %mul3A_80 = arith.mulf %mul3A_79, %mul3A_77 : vector<1x640xf32>
    %mul3A_81 = arith.mulf %mul3A_48, %mul3A_17 : vector<1x640xf32>
    %mul3A_82 = arith.constant 5.000000e-01 : f32
    %mul3A_83 = vector.broadcast %mul3A_82 : f32 to vector<1x640xf32>
    %mul3A_84 = arith.mulf %mul3A_83, %mul3A_81 : vector<1x640xf32>
    %add3A_85 = arith.addf %mul3A_80, %mul3A_84 : vector<1x640xf32>
    %mul3A_86 = arith.mulf %mul3A_17, %mul3A_48 : vector<1x640xf32>
    %mul3A_87 = arith.constant 5.000000e-01 : f32
    %mul3A_88 = vector.broadcast %mul3A_87 : f32 to vector<1x640xf32>
    %mul3A_89 = arith.mulf %mul3A_88, %mul3A_86 : vector<1x640xf32>
    %add3A_90 = arith.addf %add3A_85, %mul3A_89 : vector<1x640xf32>
    %mul3A_91 = arith.mulf %mul3A_18, %mul3A_47 : vector<1x640xf32>
    %mul3A_92 = arith.constant 5.000000e-01 : f32
    %mul3A_93 = vector.broadcast %mul3A_92 : f32 to vector<1x640xf32>
    %mul3A_94 = arith.mulf %mul3A_93, %mul3A_91 : vector<1x640xf32>
    %add3A_95 = arith.addf %add3A_90, %mul3A_94 : vector<1x640xf32>
    %mul3A_96 = arith.mulf %mul3A_46, %mul3A_16 : vector<1x640xf32>
    %mul3A_97 = arith.constant -0.288675129 : f32
    %mul3A_98 = vector.broadcast %mul3A_97 : f32 to vector<1x640xf32>
    %mul3A_99 = arith.mulf %mul3A_98, %mul3A_96 : vector<1x640xf32>
    %mul3A_100 = arith.mulf %mul3A_47, %mul3A_17 : vector<1x640xf32>
    %mul3A_101 = arith.constant -0.288675129 : f32
    %mul3A_102 = vector.broadcast %mul3A_101 : f32 to vector<1x640xf32>
    %mul3A_103 = arith.mulf %mul3A_102, %mul3A_100 : vector<1x640xf32>
    %add3A_104 = arith.addf %mul3A_99, %mul3A_103 : vector<1x640xf32>
    %mul3A_105 = arith.mulf %mul3A_48, %mul3A_18 : vector<1x640xf32>
    %mul3A_106 = arith.constant 0.577350259 : f32
    %mul3A_107 = vector.broadcast %mul3A_106 : f32 to vector<1x640xf32>
    %mul3A_108 = arith.mulf %mul3A_107, %mul3A_105 : vector<1x640xf32>
    %add3A_109 = arith.addf %add3A_104, %mul3A_108 : vector<1x640xf32>
    %mul3A_110 = arith.mulf %mul3A_16, %mul3A_46 : vector<1x640xf32>
    %mul3A_111 = arith.constant -0.288675129 : f32
    %mul3A_112 = vector.broadcast %mul3A_111 : f32 to vector<1x640xf32>
    %mul3A_113 = arith.mulf %mul3A_112, %mul3A_110 : vector<1x640xf32>
    %add3A_114 = arith.addf %add3A_109, %mul3A_113 : vector<1x640xf32>
    %mul3A_115 = arith.mulf %mul3A_17, %mul3A_47 : vector<1x640xf32>
    %mul3A_116 = arith.constant -0.288675129 : f32
    %mul3A_117 = vector.broadcast %mul3A_116 : f32 to vector<1x640xf32>
    %mul3A_118 = arith.mulf %mul3A_117, %mul3A_115 : vector<1x640xf32>
    %add3A_119 = arith.addf %add3A_114, %mul3A_118 : vector<1x640xf32>
    %mul3A_120 = arith.mulf %mul3A_18, %mul3A_48 : vector<1x640xf32>
    %mul3A_121 = arith.constant 0.577350259 : f32
    %mul3A_122 = vector.broadcast %mul3A_121 : f32 to vector<1x640xf32>
    %mul3A_123 = arith.mulf %mul3A_122, %mul3A_120 : vector<1x640xf32>
    %add3A_124 = arith.addf %add3A_119, %mul3A_123 : vector<1x640xf32>
    %mul3A_125 = arith.mulf %mul3A_46, %mul3A_18 : vector<1x640xf32>
    %mul3A_126 = arith.constant 5.000000e-01 : f32
    %mul3A_127 = vector.broadcast %mul3A_126 : f32 to vector<1x640xf32>
    %mul3A_128 = arith.mulf %mul3A_127, %mul3A_125 : vector<1x640xf32>
    %mul3A_129 = arith.mulf %mul3A_48, %mul3A_16 : vector<1x640xf32>
    %mul3A_130 = arith.constant 5.000000e-01 : f32
    %mul3A_131 = vector.broadcast %mul3A_130 : f32 to vector<1x640xf32>
    %mul3A_132 = arith.mulf %mul3A_131, %mul3A_129 : vector<1x640xf32>
    %add3A_133 = arith.addf %mul3A_128, %mul3A_132 : vector<1x640xf32>
    %mul3A_134 = arith.mulf %mul3A_16, %mul3A_48 : vector<1x640xf32>
    %mul3A_135 = arith.constant 5.000000e-01 : f32
    %mul3A_136 = vector.broadcast %mul3A_135 : f32 to vector<1x640xf32>
    %mul3A_137 = arith.mulf %mul3A_136, %mul3A_134 : vector<1x640xf32>
    %add3A_138 = arith.addf %add3A_133, %mul3A_137 : vector<1x640xf32>
    %mul3A_139 = arith.mulf %mul3A_18, %mul3A_46 : vector<1x640xf32>
    %mul3A_140 = arith.constant 5.000000e-01 : f32
    %mul3A_141 = vector.broadcast %mul3A_140 : f32 to vector<1x640xf32>
    %mul3A_142 = arith.mulf %mul3A_141, %mul3A_139 : vector<1x640xf32>
    %add3A_143 = arith.addf %add3A_138, %mul3A_142 : vector<1x640xf32>
    %mul3A_144 = arith.constant 5.000000e-01 : f32
    %mul3A_145 = vector.broadcast %mul3A_144 : f32 to vector<1x640xf32>
    %mul3A_146 = arith.mulf %mul3A_145, %mul3A_96 : vector<1x640xf32>
    %mul3A_147 = arith.constant -5.000000e-01 : f32
    %mul3A_148 = vector.broadcast %mul3A_147 : f32 to vector<1x640xf32>
    %mul3A_149 = arith.mulf %mul3A_148, %mul3A_100 : vector<1x640xf32>
    %add3A_150 = arith.addf %mul3A_146, %mul3A_149 : vector<1x640xf32>
    %mul3A_151 = arith.constant 5.000000e-01 : f32
    %mul3A_152 = vector.broadcast %mul3A_151 : f32 to vector<1x640xf32>
    %mul3A_153 = arith.mulf %mul3A_152, %mul3A_110 : vector<1x640xf32>
    %add3A_154 = arith.addf %add3A_150, %mul3A_153 : vector<1x640xf32>
    %mul3A_155 = arith.constant -5.000000e-01 : f32
    %mul3A_156 = vector.broadcast %mul3A_155 : f32 to vector<1x640xf32>
    %mul3A_157 = arith.mulf %mul3A_156, %mul3A_115 : vector<1x640xf32>
    %add3A_158 = arith.addf %add3A_154, %mul3A_157 : vector<1x640xf32>
    %mul3A_159 = arith.mulf %mul3A_16, %sub3A_54 : vector<1x640xf32>
    %mul3A_160 = arith.constant 5.000000e-01 : f32
    %mul3A_161 = vector.broadcast %mul3A_160 : f32 to vector<1x640xf32>
    %mul3A_162 = arith.mulf %mul3A_161, %mul3A_159 : vector<1x640xf32>
    %mul3A_163 = arith.mulf %mul3A_17, %sub3A_51 : vector<1x640xf32>
    %mul3A_164 = arith.constant 5.000000e-01 : f32
    %mul3A_165 = vector.broadcast %mul3A_164 : f32 to vector<1x640xf32>
    %mul3A_166 = arith.mulf %mul3A_165, %mul3A_163 : vector<1x640xf32>
    %add3A_167 = arith.addf %mul3A_162, %mul3A_166 : vector<1x640xf32>
    %mul3A_168 = arith.mulf %sub3A_51, %mul3A_17 : vector<1x640xf32>
    %mul3A_169 = arith.constant 5.000000e-01 : f32
    %mul3A_170 = vector.broadcast %mul3A_169 : f32 to vector<1x640xf32>
    %mul3A_171 = arith.mulf %mul3A_170, %mul3A_168 : vector<1x640xf32>
    %add3A_172 = arith.addf %add3A_167, %mul3A_171 : vector<1x640xf32>
    %mul3A_173 = arith.mulf %sub3A_54, %mul3A_16 : vector<1x640xf32>
    %mul3A_174 = arith.constant 5.000000e-01 : f32
    %mul3A_175 = vector.broadcast %mul3A_174 : f32 to vector<1x640xf32>
    %mul3A_176 = arith.mulf %mul3A_175, %mul3A_173 : vector<1x640xf32>
    %add3A_177 = arith.addf %add3A_172, %mul3A_176 : vector<1x640xf32>
    %mul3A_178 = arith.mulf %mul3A_17, %sub3A_57 : vector<1x640xf32>
    %mul3A_179 = arith.constant 5.000000e-01 : f32
    %mul3A_180 = vector.broadcast %mul3A_179 : f32 to vector<1x640xf32>
    %mul3A_181 = arith.mulf %mul3A_180, %mul3A_178 : vector<1x640xf32>
    %mul3A_182 = arith.mulf %mul3A_18, %sub3A_54 : vector<1x640xf32>
    %mul3A_183 = arith.constant 5.000000e-01 : f32
    %mul3A_184 = vector.broadcast %mul3A_183 : f32 to vector<1x640xf32>
    %mul3A_185 = arith.mulf %mul3A_184, %mul3A_182 : vector<1x640xf32>
    %add3A_186 = arith.addf %mul3A_181, %mul3A_185 : vector<1x640xf32>
    %mul3A_187 = arith.mulf %sub3A_54, %mul3A_18 : vector<1x640xf32>
    %mul3A_188 = arith.constant 5.000000e-01 : f32
    %mul3A_189 = vector.broadcast %mul3A_188 : f32 to vector<1x640xf32>
    %mul3A_190 = arith.mulf %mul3A_189, %mul3A_187 : vector<1x640xf32>
    %add3A_191 = arith.addf %add3A_186, %mul3A_190 : vector<1x640xf32>
    %mul3A_192 = arith.mulf %sub3A_57, %mul3A_17 : vector<1x640xf32>
    %mul3A_193 = arith.constant 5.000000e-01 : f32
    %mul3A_194 = vector.broadcast %mul3A_193 : f32 to vector<1x640xf32>
    %mul3A_195 = arith.mulf %mul3A_194, %mul3A_192 : vector<1x640xf32>
    %add3A_196 = arith.addf %add3A_191, %mul3A_195 : vector<1x640xf32>
    %mul3A_197 = arith.mulf %mul3A_16, %sub3A_51 : vector<1x640xf32>
    %mul3A_198 = arith.constant -0.288675129 : f32
    %mul3A_199 = vector.broadcast %mul3A_198 : f32 to vector<1x640xf32>
    %mul3A_200 = arith.mulf %mul3A_199, %mul3A_197 : vector<1x640xf32>
    %mul3A_201 = arith.mulf %mul3A_17, %sub3A_54 : vector<1x640xf32>
    %mul3A_202 = arith.constant -0.288675129 : f32
    %mul3A_203 = vector.broadcast %mul3A_202 : f32 to vector<1x640xf32>
    %mul3A_204 = arith.mulf %mul3A_203, %mul3A_201 : vector<1x640xf32>
    %add3A_205 = arith.addf %mul3A_200, %mul3A_204 : vector<1x640xf32>
    %mul3A_206 = arith.mulf %mul3A_18, %sub3A_57 : vector<1x640xf32>
    %mul3A_207 = arith.constant 0.577350259 : f32
    %mul3A_208 = vector.broadcast %mul3A_207 : f32 to vector<1x640xf32>
    %mul3A_209 = arith.mulf %mul3A_208, %mul3A_206 : vector<1x640xf32>
    %add3A_210 = arith.addf %add3A_205, %mul3A_209 : vector<1x640xf32>
    %mul3A_211 = arith.mulf %sub3A_51, %mul3A_16 : vector<1x640xf32>
    %mul3A_212 = arith.constant -0.288675129 : f32
    %mul3A_213 = vector.broadcast %mul3A_212 : f32 to vector<1x640xf32>
    %mul3A_214 = arith.mulf %mul3A_213, %mul3A_211 : vector<1x640xf32>
    %add3A_215 = arith.addf %add3A_210, %mul3A_214 : vector<1x640xf32>
    %mul3A_216 = arith.mulf %sub3A_54, %mul3A_17 : vector<1x640xf32>
    %mul3A_217 = arith.constant -0.288675129 : f32
    %mul3A_218 = vector.broadcast %mul3A_217 : f32 to vector<1x640xf32>
    %mul3A_219 = arith.mulf %mul3A_218, %mul3A_216 : vector<1x640xf32>
    %add3A_220 = arith.addf %add3A_215, %mul3A_219 : vector<1x640xf32>
    %mul3A_221 = arith.mulf %sub3A_57, %mul3A_18 : vector<1x640xf32>
    %mul3A_222 = arith.constant 0.577350259 : f32
    %mul3A_223 = vector.broadcast %mul3A_222 : f32 to vector<1x640xf32>
    %mul3A_224 = arith.mulf %mul3A_223, %mul3A_221 : vector<1x640xf32>
    %add3A_225 = arith.addf %add3A_220, %mul3A_224 : vector<1x640xf32>
    %mul3A_226 = arith.mulf %mul3A_16, %sub3A_57 : vector<1x640xf32>
    %mul3A_227 = arith.constant 5.000000e-01 : f32
    %mul3A_228 = vector.broadcast %mul3A_227 : f32 to vector<1x640xf32>
    %mul3A_229 = arith.mulf %mul3A_228, %mul3A_226 : vector<1x640xf32>
    %mul3A_230 = arith.mulf %mul3A_18, %sub3A_51 : vector<1x640xf32>
    %mul3A_231 = arith.constant 5.000000e-01 : f32
    %mul3A_232 = vector.broadcast %mul3A_231 : f32 to vector<1x640xf32>
    %mul3A_233 = arith.mulf %mul3A_232, %mul3A_230 : vector<1x640xf32>
    %add3A_234 = arith.addf %mul3A_229, %mul3A_233 : vector<1x640xf32>
    %mul3A_235 = arith.mulf %sub3A_51, %mul3A_18 : vector<1x640xf32>
    %mul3A_236 = arith.constant 5.000000e-01 : f32
    %mul3A_237 = vector.broadcast %mul3A_236 : f32 to vector<1x640xf32>
    %mul3A_238 = arith.mulf %mul3A_237, %mul3A_235 : vector<1x640xf32>
    %add3A_239 = arith.addf %add3A_234, %mul3A_238 : vector<1x640xf32>
    %mul3A_240 = arith.mulf %sub3A_57, %mul3A_16 : vector<1x640xf32>
    %mul3A_241 = arith.constant 5.000000e-01 : f32
    %mul3A_242 = vector.broadcast %mul3A_241 : f32 to vector<1x640xf32>
    %mul3A_243 = arith.mulf %mul3A_242, %mul3A_240 : vector<1x640xf32>
    %add3A_244 = arith.addf %add3A_239, %mul3A_243 : vector<1x640xf32>
    %mul3A_245 = arith.constant 5.000000e-01 : f32
    %mul3A_246 = vector.broadcast %mul3A_245 : f32 to vector<1x640xf32>
    %mul3A_247 = arith.mulf %mul3A_246, %mul3A_197 : vector<1x640xf32>
    %mul3A_248 = arith.constant -5.000000e-01 : f32
    %mul3A_249 = vector.broadcast %mul3A_248 : f32 to vector<1x640xf32>
    %mul3A_250 = arith.mulf %mul3A_249, %mul3A_201 : vector<1x640xf32>
    %add3A_251 = arith.addf %mul3A_247, %mul3A_250 : vector<1x640xf32>
    %mul3A_252 = arith.constant 5.000000e-01 : f32
    %mul3A_253 = vector.broadcast %mul3A_252 : f32 to vector<1x640xf32>
    %mul3A_254 = arith.mulf %mul3A_253, %mul3A_211 : vector<1x640xf32>
    %add3A_255 = arith.addf %add3A_251, %mul3A_254 : vector<1x640xf32>
    %mul3A_256 = arith.constant -5.000000e-01 : f32
    %mul3A_257 = vector.broadcast %mul3A_256 : f32 to vector<1x640xf32>
    %mul3A_258 = arith.mulf %mul3A_257, %mul3A_216 : vector<1x640xf32>
    %add3A_259 = arith.addf %add3A_255, %mul3A_258 : vector<1x640xf32>
    %mul3A_260 = arith.mulf %mul3A_46, %mul3A_47 : vector<1x640xf32>
    %mul3A_261 = arith.constant -0.288675129 : f32
    %mul3A_262 = vector.broadcast %mul3A_261 : f32 to vector<1x640xf32>
    %mul3A_263 = arith.mulf %mul3A_262, %mul3A_260 : vector<1x640xf32>
    %mul3A_264 = arith.mulf %mul3A_47, %mul3A_46 : vector<1x640xf32>
    %mul3A_265 = arith.constant -0.288675129 : f32
    %mul3A_266 = vector.broadcast %mul3A_265 : f32 to vector<1x640xf32>
    %mul3A_267 = arith.mulf %mul3A_266, %mul3A_264 : vector<1x640xf32>
    %add3A_268 = arith.addf %mul3A_263, %mul3A_267 : vector<1x640xf32>
    %mul3A_269 = arith.mulf %mul3A_16, %mul3A_17 : vector<1x640xf32>
    %mul3A_270 = arith.constant -0.288675129 : f32
    %mul3A_271 = vector.broadcast %mul3A_270 : f32 to vector<1x640xf32>
    %mul3A_272 = arith.mulf %mul3A_271, %mul3A_269 : vector<1x640xf32>
    %add3A_273 = arith.addf %add3A_268, %mul3A_272 : vector<1x640xf32>
    %mul3A_274 = arith.mulf %mul3A_17, %mul3A_16 : vector<1x640xf32>
    %mul3A_275 = arith.constant -0.288675129 : f32
    %mul3A_276 = vector.broadcast %mul3A_275 : f32 to vector<1x640xf32>
    %mul3A_277 = arith.mulf %mul3A_276, %mul3A_274 : vector<1x640xf32>
    %add3A_278 = arith.addf %add3A_273, %mul3A_277 : vector<1x640xf32>
    %mul3A_279 = arith.mulf %sub3A_51, %sub3A_54 : vector<1x640xf32>
    %mul3A_280 = arith.constant 0.577350259 : f32
    %mul3A_281 = vector.broadcast %mul3A_280 : f32 to vector<1x640xf32>
    %mul3A_282 = arith.mulf %mul3A_281, %mul3A_279 : vector<1x640xf32>
    %add3A_283 = arith.addf %add3A_278, %mul3A_282 : vector<1x640xf32>
    %mul3A_284 = arith.mulf %sub3A_54, %sub3A_51 : vector<1x640xf32>
    %mul3A_285 = arith.constant 0.577350259 : f32
    %mul3A_286 = vector.broadcast %mul3A_285 : f32 to vector<1x640xf32>
    %mul3A_287 = arith.mulf %mul3A_286, %mul3A_284 : vector<1x640xf32>
    %add3A_288 = arith.addf %add3A_283, %mul3A_287 : vector<1x640xf32>
    %mul3A_289 = arith.mulf %mul3A_47, %mul3A_48 : vector<1x640xf32>
    %mul3A_290 = arith.constant -0.288675129 : f32
    %mul3A_291 = vector.broadcast %mul3A_290 : f32 to vector<1x640xf32>
    %mul3A_292 = arith.mulf %mul3A_291, %mul3A_289 : vector<1x640xf32>
    %mul3A_293 = arith.mulf %mul3A_48, %mul3A_47 : vector<1x640xf32>
    %mul3A_294 = arith.constant -0.288675129 : f32
    %mul3A_295 = vector.broadcast %mul3A_294 : f32 to vector<1x640xf32>
    %mul3A_296 = arith.mulf %mul3A_295, %mul3A_293 : vector<1x640xf32>
    %add3A_297 = arith.addf %mul3A_292, %mul3A_296 : vector<1x640xf32>
    %mul3A_298 = arith.mulf %mul3A_17, %mul3A_18 : vector<1x640xf32>
    %mul3A_299 = arith.constant -0.288675129 : f32
    %mul3A_300 = vector.broadcast %mul3A_299 : f32 to vector<1x640xf32>
    %mul3A_301 = arith.mulf %mul3A_300, %mul3A_298 : vector<1x640xf32>
    %add3A_302 = arith.addf %add3A_297, %mul3A_301 : vector<1x640xf32>
    %mul3A_303 = arith.mulf %mul3A_18, %mul3A_17 : vector<1x640xf32>
    %mul3A_304 = arith.constant -0.288675129 : f32
    %mul3A_305 = vector.broadcast %mul3A_304 : f32 to vector<1x640xf32>
    %mul3A_306 = arith.mulf %mul3A_305, %mul3A_303 : vector<1x640xf32>
    %add3A_307 = arith.addf %add3A_302, %mul3A_306 : vector<1x640xf32>
    %mul3A_308 = arith.mulf %sub3A_54, %sub3A_57 : vector<1x640xf32>
    %mul3A_309 = arith.constant 0.577350259 : f32
    %mul3A_310 = vector.broadcast %mul3A_309 : f32 to vector<1x640xf32>
    %mul3A_311 = arith.mulf %mul3A_310, %mul3A_308 : vector<1x640xf32>
    %add3A_312 = arith.addf %add3A_307, %mul3A_311 : vector<1x640xf32>
    %mul3A_313 = arith.mulf %sub3A_57, %sub3A_54 : vector<1x640xf32>
    %mul3A_314 = arith.constant 0.577350259 : f32
    %mul3A_315 = vector.broadcast %mul3A_314 : f32 to vector<1x640xf32>
    %mul3A_316 = arith.mulf %mul3A_315, %mul3A_313 : vector<1x640xf32>
    %add3A_317 = arith.addf %add3A_312, %mul3A_316 : vector<1x640xf32>
    %mul3A_318 = arith.mulf %mul3A_46, %mul3A_46 : vector<1x640xf32>
    %mul3A_319 = arith.constant 0.166666672 : f32
    %mul3A_320 = vector.broadcast %mul3A_319 : f32 to vector<1x640xf32>
    %mul3A_321 = arith.mulf %mul3A_320, %mul3A_318 : vector<1x640xf32>
    %mul3A_322 = arith.mulf %mul3A_47, %mul3A_47 : vector<1x640xf32>
    %mul3A_323 = arith.constant 0.166666672 : f32
    %mul3A_324 = vector.broadcast %mul3A_323 : f32 to vector<1x640xf32>
    %mul3A_325 = arith.mulf %mul3A_324, %mul3A_322 : vector<1x640xf32>
    %add3A_326 = arith.addf %mul3A_321, %mul3A_325 : vector<1x640xf32>
    %mul3A_327 = arith.mulf %mul3A_48, %mul3A_48 : vector<1x640xf32>
    %mul3A_328 = arith.constant -0.333333343 : f32
    %mul3A_329 = vector.broadcast %mul3A_328 : f32 to vector<1x640xf32>
    %mul3A_330 = arith.mulf %mul3A_329, %mul3A_327 : vector<1x640xf32>
    %add3A_331 = arith.addf %add3A_326, %mul3A_330 : vector<1x640xf32>
    %mul3A_332 = arith.mulf %mul3A_16, %mul3A_16 : vector<1x640xf32>
    %mul3A_333 = arith.constant 0.166666672 : f32
    %mul3A_334 = vector.broadcast %mul3A_333 : f32 to vector<1x640xf32>
    %mul3A_335 = arith.mulf %mul3A_334, %mul3A_332 : vector<1x640xf32>
    %add3A_336 = arith.addf %add3A_331, %mul3A_335 : vector<1x640xf32>
    %mul3A_337 = arith.mulf %mul3A_17, %mul3A_17 : vector<1x640xf32>
    %mul3A_338 = arith.constant 0.166666672 : f32
    %mul3A_339 = vector.broadcast %mul3A_338 : f32 to vector<1x640xf32>
    %mul3A_340 = arith.mulf %mul3A_339, %mul3A_337 : vector<1x640xf32>
    %add3A_341 = arith.addf %add3A_336, %mul3A_340 : vector<1x640xf32>
    %mul3A_342 = arith.mulf %mul3A_18, %mul3A_18 : vector<1x640xf32>
    %mul3A_343 = arith.constant -0.333333343 : f32
    %mul3A_344 = vector.broadcast %mul3A_343 : f32 to vector<1x640xf32>
    %mul3A_345 = arith.mulf %mul3A_344, %mul3A_342 : vector<1x640xf32>
    %add3A_346 = arith.addf %add3A_341, %mul3A_345 : vector<1x640xf32>
    %mul3A_347 = arith.mulf %sub3A_51, %sub3A_51 : vector<1x640xf32>
    %mul3A_348 = arith.constant -0.333333343 : f32
    %mul3A_349 = vector.broadcast %mul3A_348 : f32 to vector<1x640xf32>
    %mul3A_350 = arith.mulf %mul3A_349, %mul3A_347 : vector<1x640xf32>
    %add3A_351 = arith.addf %add3A_346, %mul3A_350 : vector<1x640xf32>
    %mul3A_352 = arith.mulf %sub3A_54, %sub3A_54 : vector<1x640xf32>
    %mul3A_353 = arith.constant -0.333333343 : f32
    %mul3A_354 = vector.broadcast %mul3A_353 : f32 to vector<1x640xf32>
    %mul3A_355 = arith.mulf %mul3A_354, %mul3A_352 : vector<1x640xf32>
    %add3A_356 = arith.addf %add3A_351, %mul3A_355 : vector<1x640xf32>
    %mul3A_357 = arith.mulf %sub3A_57, %sub3A_57 : vector<1x640xf32>
    %mul3A_358 = arith.constant 0.666666686 : f32
    %mul3A_359 = vector.broadcast %mul3A_358 : f32 to vector<1x640xf32>
    %mul3A_360 = arith.mulf %mul3A_359, %mul3A_357 : vector<1x640xf32>
    %add3A_361 = arith.addf %add3A_356, %mul3A_360 : vector<1x640xf32>
    %mul3A_362 = arith.mulf %mul3A_46, %mul3A_48 : vector<1x640xf32>
    %mul3A_363 = arith.constant -0.288675129 : f32
    %mul3A_364 = vector.broadcast %mul3A_363 : f32 to vector<1x640xf32>
    %mul3A_365 = arith.mulf %mul3A_364, %mul3A_362 : vector<1x640xf32>
    %mul3A_366 = arith.mulf %mul3A_48, %mul3A_46 : vector<1x640xf32>
    %mul3A_367 = arith.constant -0.288675129 : f32
    %mul3A_368 = vector.broadcast %mul3A_367 : f32 to vector<1x640xf32>
    %mul3A_369 = arith.mulf %mul3A_368, %mul3A_366 : vector<1x640xf32>
    %add3A_370 = arith.addf %mul3A_365, %mul3A_369 : vector<1x640xf32>
    %mul3A_371 = arith.mulf %mul3A_16, %mul3A_18 : vector<1x640xf32>
    %mul3A_372 = arith.constant -0.288675129 : f32
    %mul3A_373 = vector.broadcast %mul3A_372 : f32 to vector<1x640xf32>
    %mul3A_374 = arith.mulf %mul3A_373, %mul3A_371 : vector<1x640xf32>
    %add3A_375 = arith.addf %add3A_370, %mul3A_374 : vector<1x640xf32>
    %mul3A_376 = arith.mulf %mul3A_18, %mul3A_16 : vector<1x640xf32>
    %mul3A_377 = arith.constant -0.288675129 : f32
    %mul3A_378 = vector.broadcast %mul3A_377 : f32 to vector<1x640xf32>
    %mul3A_379 = arith.mulf %mul3A_378, %mul3A_376 : vector<1x640xf32>
    %add3A_380 = arith.addf %add3A_375, %mul3A_379 : vector<1x640xf32>
    %mul3A_381 = arith.mulf %sub3A_51, %sub3A_57 : vector<1x640xf32>
    %mul3A_382 = arith.constant 0.577350259 : f32
    %mul3A_383 = vector.broadcast %mul3A_382 : f32 to vector<1x640xf32>
    %mul3A_384 = arith.mulf %mul3A_383, %mul3A_381 : vector<1x640xf32>
    %add3A_385 = arith.addf %add3A_380, %mul3A_384 : vector<1x640xf32>
    %mul3A_386 = arith.mulf %sub3A_57, %sub3A_51 : vector<1x640xf32>
    %mul3A_387 = arith.constant 0.577350259 : f32
    %mul3A_388 = vector.broadcast %mul3A_387 : f32 to vector<1x640xf32>
    %mul3A_389 = arith.mulf %mul3A_388, %mul3A_386 : vector<1x640xf32>
    %add3A_390 = arith.addf %add3A_385, %mul3A_389 : vector<1x640xf32>
    %mul3A_391 = arith.constant -0.288675129 : f32
    %mul3A_392 = vector.broadcast %mul3A_391 : f32 to vector<1x640xf32>
    %mul3A_393 = arith.mulf %mul3A_392, %mul3A_318 : vector<1x640xf32>
    %mul3A_394 = arith.constant 0.288675129 : f32
    %mul3A_395 = vector.broadcast %mul3A_394 : f32 to vector<1x640xf32>
    %mul3A_396 = arith.mulf %mul3A_395, %mul3A_322 : vector<1x640xf32>
    %add3A_397 = arith.addf %mul3A_393, %mul3A_396 : vector<1x640xf32>
    %mul3A_398 = arith.constant -0.288675129 : f32
    %mul3A_399 = vector.broadcast %mul3A_398 : f32 to vector<1x640xf32>
    %mul3A_400 = arith.mulf %mul3A_399, %mul3A_332 : vector<1x640xf32>
    %add3A_401 = arith.addf %add3A_397, %mul3A_400 : vector<1x640xf32>
    %mul3A_402 = arith.constant 0.288675129 : f32
    %mul3A_403 = vector.broadcast %mul3A_402 : f32 to vector<1x640xf32>
    %mul3A_404 = arith.mulf %mul3A_403, %mul3A_337 : vector<1x640xf32>
    %add3A_405 = arith.addf %add3A_401, %mul3A_404 : vector<1x640xf32>
    %mul3A_406 = arith.constant 0.577350259 : f32
    %mul3A_407 = vector.broadcast %mul3A_406 : f32 to vector<1x640xf32>
    %mul3A_408 = arith.mulf %mul3A_407, %mul3A_347 : vector<1x640xf32>
    %add3A_409 = arith.addf %add3A_405, %mul3A_408 : vector<1x640xf32>
    %mul3A_410 = arith.constant -0.577350259 : f32
    %mul3A_411 = vector.broadcast %mul3A_410 : f32 to vector<1x640xf32>
    %mul3A_412 = arith.mulf %mul3A_411, %mul3A_352 : vector<1x640xf32>
    %add3A_413 = arith.addf %add3A_409, %mul3A_412 : vector<1x640xf32>
    %mul3A_414 = arith.mulf %mul3A_46, %sub3A_54 : vector<1x640xf32>
    %mul3A_415 = arith.constant 5.000000e-01 : f32
    %mul3A_416 = vector.broadcast %mul3A_415 : f32 to vector<1x640xf32>
    %mul3A_417 = arith.mulf %mul3A_416, %mul3A_414 : vector<1x640xf32>
    %mul3A_418 = arith.mulf %mul3A_47, %sub3A_51 : vector<1x640xf32>
    %mul3A_419 = arith.constant 5.000000e-01 : f32
    %mul3A_420 = vector.broadcast %mul3A_419 : f32 to vector<1x640xf32>
    %mul3A_421 = arith.mulf %mul3A_420, %mul3A_418 : vector<1x640xf32>
    %add3A_422 = arith.addf %mul3A_417, %mul3A_421 : vector<1x640xf32>
    %mul3A_423 = arith.mulf %sub3A_51, %mul3A_47 : vector<1x640xf32>
    %mul3A_424 = arith.constant 5.000000e-01 : f32
    %mul3A_425 = vector.broadcast %mul3A_424 : f32 to vector<1x640xf32>
    %mul3A_426 = arith.mulf %mul3A_425, %mul3A_423 : vector<1x640xf32>
    %add3A_427 = arith.addf %add3A_422, %mul3A_426 : vector<1x640xf32>
    %mul3A_428 = arith.mulf %sub3A_54, %mul3A_46 : vector<1x640xf32>
    %mul3A_429 = arith.constant 5.000000e-01 : f32
    %mul3A_430 = vector.broadcast %mul3A_429 : f32 to vector<1x640xf32>
    %mul3A_431 = arith.mulf %mul3A_430, %mul3A_428 : vector<1x640xf32>
    %add3A_432 = arith.addf %add3A_427, %mul3A_431 : vector<1x640xf32>
    %mul3A_433 = arith.mulf %mul3A_47, %sub3A_57 : vector<1x640xf32>
    %mul3A_434 = arith.constant 5.000000e-01 : f32
    %mul3A_435 = vector.broadcast %mul3A_434 : f32 to vector<1x640xf32>
    %mul3A_436 = arith.mulf %mul3A_435, %mul3A_433 : vector<1x640xf32>
    %mul3A_437 = arith.mulf %mul3A_48, %sub3A_54 : vector<1x640xf32>
    %mul3A_438 = arith.constant 5.000000e-01 : f32
    %mul3A_439 = vector.broadcast %mul3A_438 : f32 to vector<1x640xf32>
    %mul3A_440 = arith.mulf %mul3A_439, %mul3A_437 : vector<1x640xf32>
    %add3A_441 = arith.addf %mul3A_436, %mul3A_440 : vector<1x640xf32>
    %mul3A_442 = arith.mulf %sub3A_54, %mul3A_48 : vector<1x640xf32>
    %mul3A_443 = arith.constant 5.000000e-01 : f32
    %mul3A_444 = vector.broadcast %mul3A_443 : f32 to vector<1x640xf32>
    %mul3A_445 = arith.mulf %mul3A_444, %mul3A_442 : vector<1x640xf32>
    %add3A_446 = arith.addf %add3A_441, %mul3A_445 : vector<1x640xf32>
    %mul3A_447 = arith.mulf %sub3A_57, %mul3A_47 : vector<1x640xf32>
    %mul3A_448 = arith.constant 5.000000e-01 : f32
    %mul3A_449 = vector.broadcast %mul3A_448 : f32 to vector<1x640xf32>
    %mul3A_450 = arith.mulf %mul3A_449, %mul3A_447 : vector<1x640xf32>
    %add3A_451 = arith.addf %add3A_446, %mul3A_450 : vector<1x640xf32>
    %mul3A_452 = arith.mulf %mul3A_46, %sub3A_51 : vector<1x640xf32>
    %mul3A_453 = arith.constant -0.288675129 : f32
    %mul3A_454 = vector.broadcast %mul3A_453 : f32 to vector<1x640xf32>
    %mul3A_455 = arith.mulf %mul3A_454, %mul3A_452 : vector<1x640xf32>
    %mul3A_456 = arith.mulf %mul3A_47, %sub3A_54 : vector<1x640xf32>
    %mul3A_457 = arith.constant -0.288675129 : f32
    %mul3A_458 = vector.broadcast %mul3A_457 : f32 to vector<1x640xf32>
    %mul3A_459 = arith.mulf %mul3A_458, %mul3A_456 : vector<1x640xf32>
    %add3A_460 = arith.addf %mul3A_455, %mul3A_459 : vector<1x640xf32>
    %mul3A_461 = arith.mulf %mul3A_48, %sub3A_57 : vector<1x640xf32>
    %mul3A_462 = arith.constant 0.577350259 : f32
    %mul3A_463 = vector.broadcast %mul3A_462 : f32 to vector<1x640xf32>
    %mul3A_464 = arith.mulf %mul3A_463, %mul3A_461 : vector<1x640xf32>
    %add3A_465 = arith.addf %add3A_460, %mul3A_464 : vector<1x640xf32>
    %mul3A_466 = arith.mulf %sub3A_51, %mul3A_46 : vector<1x640xf32>
    %mul3A_467 = arith.constant -0.288675129 : f32
    %mul3A_468 = vector.broadcast %mul3A_467 : f32 to vector<1x640xf32>
    %mul3A_469 = arith.mulf %mul3A_468, %mul3A_466 : vector<1x640xf32>
    %add3A_470 = arith.addf %add3A_465, %mul3A_469 : vector<1x640xf32>
    %mul3A_471 = arith.mulf %sub3A_54, %mul3A_47 : vector<1x640xf32>
    %mul3A_472 = arith.constant -0.288675129 : f32
    %mul3A_473 = vector.broadcast %mul3A_472 : f32 to vector<1x640xf32>
    %mul3A_474 = arith.mulf %mul3A_473, %mul3A_471 : vector<1x640xf32>
    %add3A_475 = arith.addf %add3A_470, %mul3A_474 : vector<1x640xf32>
    %mul3A_476 = arith.mulf %sub3A_57, %mul3A_48 : vector<1x640xf32>
    %mul3A_477 = arith.constant 0.577350259 : f32
    %mul3A_478 = vector.broadcast %mul3A_477 : f32 to vector<1x640xf32>
    %mul3A_479 = arith.mulf %mul3A_478, %mul3A_476 : vector<1x640xf32>
    %add3A_480 = arith.addf %add3A_475, %mul3A_479 : vector<1x640xf32>
    %mul3A_481 = arith.mulf %mul3A_46, %sub3A_57 : vector<1x640xf32>
    %mul3A_482 = arith.constant 5.000000e-01 : f32
    %mul3A_483 = vector.broadcast %mul3A_482 : f32 to vector<1x640xf32>
    %mul3A_484 = arith.mulf %mul3A_483, %mul3A_481 : vector<1x640xf32>
    %mul3A_485 = arith.mulf %mul3A_48, %sub3A_51 : vector<1x640xf32>
    %mul3A_486 = arith.constant 5.000000e-01 : f32
    %mul3A_487 = vector.broadcast %mul3A_486 : f32 to vector<1x640xf32>
    %mul3A_488 = arith.mulf %mul3A_487, %mul3A_485 : vector<1x640xf32>
    %add3A_489 = arith.addf %mul3A_484, %mul3A_488 : vector<1x640xf32>
    %mul3A_490 = arith.mulf %sub3A_51, %mul3A_48 : vector<1x640xf32>
    %mul3A_491 = arith.constant 5.000000e-01 : f32
    %mul3A_492 = vector.broadcast %mul3A_491 : f32 to vector<1x640xf32>
    %mul3A_493 = arith.mulf %mul3A_492, %mul3A_490 : vector<1x640xf32>
    %add3A_494 = arith.addf %add3A_489, %mul3A_493 : vector<1x640xf32>
    %mul3A_495 = arith.mulf %sub3A_57, %mul3A_46 : vector<1x640xf32>
    %mul3A_496 = arith.constant 5.000000e-01 : f32
    %mul3A_497 = vector.broadcast %mul3A_496 : f32 to vector<1x640xf32>
    %mul3A_498 = arith.mulf %mul3A_497, %mul3A_495 : vector<1x640xf32>
    %add3A_499 = arith.addf %add3A_494, %mul3A_498 : vector<1x640xf32>
    %mul3A_500 = arith.constant 5.000000e-01 : f32
    %mul3A_501 = vector.broadcast %mul3A_500 : f32 to vector<1x640xf32>
    %mul3A_502 = arith.mulf %mul3A_501, %mul3A_452 : vector<1x640xf32>
    %mul3A_503 = arith.constant -5.000000e-01 : f32
    %mul3A_504 = vector.broadcast %mul3A_503 : f32 to vector<1x640xf32>
    %mul3A_505 = arith.mulf %mul3A_504, %mul3A_456 : vector<1x640xf32>
    %add3A_506 = arith.addf %mul3A_502, %mul3A_505 : vector<1x640xf32>
    %mul3A_507 = arith.constant 5.000000e-01 : f32
    %mul3A_508 = vector.broadcast %mul3A_507 : f32 to vector<1x640xf32>
    %mul3A_509 = arith.mulf %mul3A_508, %mul3A_466 : vector<1x640xf32>
    %add3A_510 = arith.addf %add3A_506, %mul3A_509 : vector<1x640xf32>
    %mul3A_511 = arith.constant -5.000000e-01 : f32
    %mul3A_512 = vector.broadcast %mul3A_511 : f32 to vector<1x640xf32>
    %mul3A_513 = arith.mulf %mul3A_512, %mul3A_471 : vector<1x640xf32>
    %add3A_514 = arith.addf %add3A_510, %mul3A_513 : vector<1x640xf32>
    %mul3A_515 = arith.constant 5.000000e-01 : f32
    %mul3A_516 = vector.broadcast %mul3A_515 : f32 to vector<1x640xf32>
    %mul3A_517 = arith.mulf %mul3A_516, %mul3A_260 : vector<1x640xf32>
    %mul3A_518 = arith.constant 5.000000e-01 : f32
    %mul3A_519 = vector.broadcast %mul3A_518 : f32 to vector<1x640xf32>
    %mul3A_520 = arith.mulf %mul3A_519, %mul3A_264 : vector<1x640xf32>
    %add3A_521 = arith.addf %mul3A_517, %mul3A_520 : vector<1x640xf32>
    %mul3A_522 = arith.constant -5.000000e-01 : f32
    %mul3A_523 = vector.broadcast %mul3A_522 : f32 to vector<1x640xf32>
    %mul3A_524 = arith.mulf %mul3A_523, %mul3A_269 : vector<1x640xf32>
    %add3A_525 = arith.addf %add3A_521, %mul3A_524 : vector<1x640xf32>
    %mul3A_526 = arith.constant -5.000000e-01 : f32
    %mul3A_527 = vector.broadcast %mul3A_526 : f32 to vector<1x640xf32>
    %mul3A_528 = arith.mulf %mul3A_527, %mul3A_274 : vector<1x640xf32>
    %add3A_529 = arith.addf %add3A_525, %mul3A_528 : vector<1x640xf32>
    %mul3A_530 = arith.constant 5.000000e-01 : f32
    %mul3A_531 = vector.broadcast %mul3A_530 : f32 to vector<1x640xf32>
    %mul3A_532 = arith.mulf %mul3A_531, %mul3A_289 : vector<1x640xf32>
    %mul3A_533 = arith.constant 5.000000e-01 : f32
    %mul3A_534 = vector.broadcast %mul3A_533 : f32 to vector<1x640xf32>
    %mul3A_535 = arith.mulf %mul3A_534, %mul3A_293 : vector<1x640xf32>
    %add3A_536 = arith.addf %mul3A_532, %mul3A_535 : vector<1x640xf32>
    %mul3A_537 = arith.constant -5.000000e-01 : f32
    %mul3A_538 = vector.broadcast %mul3A_537 : f32 to vector<1x640xf32>
    %mul3A_539 = arith.mulf %mul3A_538, %mul3A_298 : vector<1x640xf32>
    %add3A_540 = arith.addf %add3A_536, %mul3A_539 : vector<1x640xf32>
    %mul3A_541 = arith.constant -5.000000e-01 : f32
    %mul3A_542 = vector.broadcast %mul3A_541 : f32 to vector<1x640xf32>
    %mul3A_543 = arith.mulf %mul3A_542, %mul3A_303 : vector<1x640xf32>
    %add3A_544 = arith.addf %add3A_540, %mul3A_543 : vector<1x640xf32>
    %mul3A_545 = arith.constant -0.288675129 : f32
    %mul3A_546 = vector.broadcast %mul3A_545 : f32 to vector<1x640xf32>
    %mul3A_547 = arith.mulf %mul3A_546, %mul3A_318 : vector<1x640xf32>
    %mul3A_548 = arith.constant -0.288675129 : f32
    %mul3A_549 = vector.broadcast %mul3A_548 : f32 to vector<1x640xf32>
    %mul3A_550 = arith.mulf %mul3A_549, %mul3A_322 : vector<1x640xf32>
    %add3A_551 = arith.addf %mul3A_547, %mul3A_550 : vector<1x640xf32>
    %mul3A_552 = arith.constant 0.577350259 : f32
    %mul3A_553 = vector.broadcast %mul3A_552 : f32 to vector<1x640xf32>
    %mul3A_554 = arith.mulf %mul3A_553, %mul3A_327 : vector<1x640xf32>
    %add3A_555 = arith.addf %add3A_551, %mul3A_554 : vector<1x640xf32>
    %mul3A_556 = arith.constant 0.288675129 : f32
    %mul3A_557 = vector.broadcast %mul3A_556 : f32 to vector<1x640xf32>
    %mul3A_558 = arith.mulf %mul3A_557, %mul3A_332 : vector<1x640xf32>
    %add3A_559 = arith.addf %add3A_555, %mul3A_558 : vector<1x640xf32>
    %mul3A_560 = arith.constant 0.288675129 : f32
    %mul3A_561 = vector.broadcast %mul3A_560 : f32 to vector<1x640xf32>
    %mul3A_562 = arith.mulf %mul3A_561, %mul3A_337 : vector<1x640xf32>
    %add3A_563 = arith.addf %add3A_559, %mul3A_562 : vector<1x640xf32>
    %mul3A_564 = arith.constant -0.577350259 : f32
    %mul3A_565 = vector.broadcast %mul3A_564 : f32 to vector<1x640xf32>
    %mul3A_566 = arith.mulf %mul3A_565, %mul3A_342 : vector<1x640xf32>
    %add3A_567 = arith.addf %add3A_563, %mul3A_566 : vector<1x640xf32>
    %mul3A_568 = arith.constant 5.000000e-01 : f32
    %mul3A_569 = vector.broadcast %mul3A_568 : f32 to vector<1x640xf32>
    %mul3A_570 = arith.mulf %mul3A_569, %mul3A_362 : vector<1x640xf32>
    %mul3A_571 = arith.constant 5.000000e-01 : f32
    %mul3A_572 = vector.broadcast %mul3A_571 : f32 to vector<1x640xf32>
    %mul3A_573 = arith.mulf %mul3A_572, %mul3A_366 : vector<1x640xf32>
    %add3A_574 = arith.addf %mul3A_570, %mul3A_573 : vector<1x640xf32>
    %mul3A_575 = arith.constant -5.000000e-01 : f32
    %mul3A_576 = vector.broadcast %mul3A_575 : f32 to vector<1x640xf32>
    %mul3A_577 = arith.mulf %mul3A_576, %mul3A_371 : vector<1x640xf32>
    %add3A_578 = arith.addf %add3A_574, %mul3A_577 : vector<1x640xf32>
    %mul3A_579 = arith.constant -5.000000e-01 : f32
    %mul3A_580 = vector.broadcast %mul3A_579 : f32 to vector<1x640xf32>
    %mul3A_581 = arith.mulf %mul3A_580, %mul3A_376 : vector<1x640xf32>
    %add3A_582 = arith.addf %add3A_578, %mul3A_581 : vector<1x640xf32>
    %mul3A_583 = arith.constant 5.000000e-01 : f32
    %mul3A_584 = vector.broadcast %mul3A_583 : f32 to vector<1x640xf32>
    %mul3A_585 = arith.mulf %mul3A_584, %mul3A_318 : vector<1x640xf32>
    %mul3A_586 = arith.constant -5.000000e-01 : f32
    %mul3A_587 = vector.broadcast %mul3A_586 : f32 to vector<1x640xf32>
    %mul3A_588 = arith.mulf %mul3A_587, %mul3A_322 : vector<1x640xf32>
    %add3A_589 = arith.addf %mul3A_585, %mul3A_588 : vector<1x640xf32>
    %mul3A_590 = arith.constant -5.000000e-01 : f32
    %mul3A_591 = vector.broadcast %mul3A_590 : f32 to vector<1x640xf32>
    %mul3A_592 = arith.mulf %mul3A_591, %mul3A_332 : vector<1x640xf32>
    %add3A_593 = arith.addf %add3A_589, %mul3A_592 : vector<1x640xf32>
    %mul3A_594 = arith.constant 5.000000e-01 : f32
    %mul3A_595 = vector.broadcast %mul3A_594 : f32 to vector<1x640xf32>
    %mul3A_596 = arith.mulf %mul3A_595, %mul3A_337 : vector<1x640xf32>
    %add3A_597 = arith.addf %add3A_593, %mul3A_596 : vector<1x640xf32>
    %mul3A_598 = arith.mulf %sqrt3A, %sqrt3A : vector<1x640xf32>
    %add3A_599 = arith.constant 1.000000e-24 : f32
    %add3A_600 = vector.broadcast %add3A_599 : f32 to vector<1x640xf32>
    %add3A_601 = arith.addf %mul3A_598, %add3A_600 : vector<1x640xf32>
    %sqrt3A_602 = math.sqrt %add3A_601 : vector<1x640xf32>
    %mul3A_603 = arith.constant 2.000000e-01 : f32
    %mul3A_604 = vector.broadcast %mul3A_603 : f32 to vector<1x640xf32>
    %mul3A_605 = arith.mulf %sqrt3A_602, %mul3A_604 : vector<1x640xf32>
    %mul3A_606 = arith.mulf %mul3A_605, %mul3A_605 : vector<1x640xf32>
    %mul3A_607 = arith.mulf %mul3A_606, %mul3A_605 : vector<1x640xf32>
    %mul3A_608 = arith.mulf %mul3A_607, %mul3A_605 : vector<1x640xf32>
    %mul3A_609 = arith.mulf %mul3A_608, %mul3A_605 : vector<1x640xf32>
    %lt3A = arith.constant 1.000000e+00 : f32
    %lt3A_610 = vector.broadcast %lt3A : f32 to vector<1x640xf32>
    %lt3A_611 = arith.cmpf olt, %mul3A_605, %lt3A_610 : vector<1x640xf32>
    %mul3A_612 = arith.constant 2.100000e+01 : f32
    %mul3A_613 = vector.broadcast %mul3A_612 : f32 to vector<1x640xf32>
    %mul3A_614 = arith.mulf %mul3A_613, %mul3A_609 : vector<1x640xf32>
    %sub3A_615 = arith.constant 1.000000e+00 : f32
    %sub3A_616 = vector.broadcast %sub3A_615 : f32 to vector<1x640xf32>
    %sub3A_617 = arith.subf %sub3A_616, %mul3A_614 : vector<1x640xf32>
    %mul3A_618 = arith.constant 3.500000e+01 : f32
    %mul3A_619 = vector.broadcast %mul3A_618 : f32 to vector<1x640xf32>
    %mul3A_620 = arith.mulf %mul3A_619, %mul3A_609 : vector<1x640xf32>
    %mul3A_621 = arith.mulf %mul3A_620, %mul3A_605 : vector<1x640xf32>
    %add3A_622 = arith.addf %sub3A_617, %mul3A_621 : vector<1x640xf32>
    %mul3A_623 = arith.constant 1.500000e+01 : f32
    %mul3A_624 = vector.broadcast %mul3A_623 : f32 to vector<1x640xf32>
    %mul3A_625 = arith.mulf %mul3A_624, %mul3A_609 : vector<1x640xf32>
    %mul3A_626 = arith.mulf %mul3A_625, %mul3A_605 : vector<1x640xf32>
    %mul3A_627 = arith.mulf %mul3A_626, %mul3A_605 : vector<1x640xf32>
    %sub3A_628 = arith.subf %add3A_622, %mul3A_627 : vector<1x640xf32>
    %jit3A_629 = arith.constant 0.000000e+00 : f32
    %broadcast_in_dim3A_630 = vector.broadcast %jit3A_629 : f32 to vector<1x640xf32>
    %select_n3A_631 = arith.select %lt3A_611, %sub3A_628, %broadcast_in_dim3A_630 : vector<1x640xi1>, vector<1x640xf32>
    %broadcast_in_dim3A_632 = arith.constant 0.000000e+00 : f32
    %broadcast_in_dim3A_633 = vector.broadcast %broadcast_in_dim3A_632 : f32 to vector<1x640xf32>
    %concatenate3A = tpu.concatenate %mul3A_17, %mul3A_18, %mul3A_16, %sub3A_54, %sub3A_57, %sub3A_51, %mul3A_47, %mul3A_48, %mul3A_46, %add3A_76, %add3A_95, %add3A_124, %add3A_143, %add3A_158, %add3A_177, %add3A_196, %add3A_225, %add3A_244, %add3A_259, %add3A_288, %add3A_317, %add3A_361, %add3A_390, %add3A_413, %add3A_432, %add3A_451, %add3A_480, %add3A_499, %add3A_514, %add3A_529, %add3A_544, %add3A_567, %add3A_582, %add3A_597, %select_n3A_631, %sqrt3A_602, %broadcast_in_dim3A_633, %broadcast_in_dim3A_633, %broadcast_in_dim3A_633, %broadcast_in_dim3A_633 in 0 : vector<1x640xf32>, vector<1x640xf32>, vector<1x640xf32>, vector<1x640xf32>, vector<1x640xf32>, vector<1x640xf32>, vector<1x640xf32>, vector<1x640xf32>, vector<1x640xf32>, vector<1x640xf32>, vector<1x640xf32>, vector<1x640xf32>, vector<1x640xf32>, vector<1x640xf32>, vector<1x640xf32>, vector<1x640xf32>, vector<1x640xf32>, vector<1x640xf32>, vector<1x640xf32>, vector<1x640xf32>, vector<1x640xf32>, vector<1x640xf32>, vector<1x640xf32>, vector<1x640xf32>, vector<1x640xf32>, vector<1x640xf32>, vector<1x640xf32>, vector<1x640xf32>, vector<1x640xf32>, vector<1x640xf32>, vector<1x640xf32>, vector<1x640xf32>, vector<1x640xf32>, vector<1x640xf32>, vector<1x640xf32>, vector<1x640xf32>, vector<1x640xf32>, vector<1x640xf32>, vector<1x640xf32>, vector<1x640xf32> -> vector<40x640xf32>
    %swap3A = arith.constant 0 : index
    %swap3A_634 = arith.constant 0 : index
    %swap3A_635 = vector.load %arg14[%swap3A, %swap3A_634] : memref<40x640xf32, #tpu.memory_space<vmem>>, vector<40x640xf32>
    tpu.vector_store %arg14[%swap3A, %swap3A_634], %concatenate3A {strides = array<i32>} : memref<40x640xf32, #tpu.memory_space<vmem>>, vector<40x640xf32>,
    %transpose3A = tpu.transpose %concatenate3A, [1, 0] : vector<40x640xf32> -> vector<640x40xf32>
    %slice3A = vector.extract_strided_slice %transpose3A {offsets = [0, 35], sizes = [640, 1], strides = [1, 1]} : vector<640x40xf32> to vector<640x1xf32>
    %slice3A_636 = vector.extract_strided_slice %transpose3A {offsets = [0, 34], sizes = [640, 1], strides = [1, 1]} : vector<640x40xf32> to vector<640x1xf32>
    %iota3A = tpu.iota {dimensions = array<i32: 1>} : vector<1x128xi32>
    %convert_element_type3A = arith.sitofp %iota3A : vector<1x128xi32> to vector<1x128xf32>
    %mul3A_637 = arith.constant 0.0393700786 : f32
    %mul3A_638 = vector.broadcast %mul3A_637 : f32 to vector<1x128xf32>
    %mul3A_639 = arith.mulf %convert_element_type3A, %mul3A_638 : vector<1x128xf32>
    %sub3A_640 = vector.broadcast %slice3A : vector<640x1xf32> to vector<640x128xf32>
    %sub3A_641 = vector.broadcast %mul3A_639 : vector<1x128xf32> to vector<640x128xf32>
    %sub3A_642 = arith.subf %sub3A_640, %sub3A_641 : vector<640x128xf32>
    %integer_pow3A = arith.mulf %sub3A_642, %sub3A_642 : vector<640x128xf32>
    %mul3A_643 = arith.constant -8.064500e+01 : f32
    %mul3A_644 = vector.broadcast %mul3A_643 : f32 to vector<640x128xf32>
    %mul3A_645 = arith.mulf %mul3A_644, %integer_pow3A : vector<640x128xf32>
    %exp3A = math.exp %mul3A_645 : vector<640x128xf32>
    %get3A_646 = arith.constant 0 : index
    %get3A_647 = arith.constant 0 : index
    %get3A_648 = vector.load %arg2[%get3A_646, %get3A_647] : memref<640x128xf32, #tpu.memory_space<vmem>>, vector<640x64xf32>
    %get3A_649 = arith.constant 0 : index
    %get3A_650 = arith.constant 64 : index
    %get3A_651 = vector.load %arg3[%get3A_649, %get3A_650] : memref<640x128xf32, #tpu.memory_space<vmem>>, vector<640x64xf32>
    %concatenate3A_652 = tpu.concatenate %exp3A, %get3A_648, %get3A_651 in 1 : vector<640x128xf32>, vector<640x64xf32>, vector<640x64xf32> -> vector<640x256xf32>
    %get3A_653 = arith.constant 0 : index
    %get3A_654 = arith.constant 0 : index
    %get3A_655 = vector.load %arg4[%get3A_653, %get3A_654] : memref<256x64xf32, #tpu.memory_space<vmem>>, vector<256x64xf32>
    %dot_general3A = arith.constant dense<0.000000e+00> : vector<640x64xf32>
    %dot_general3A_656 = tpu.matmul %concatenate3A_652, %get3A_655, %dot_general3A {dimension_numbers = #tpu.dot_dimension_numbers<[1], [0], [0], [1], [0, 0, 1, 1], [], []>, transpose_lhs_hint = false} : vector<640x256xf32>, vector<256x64xf32>, vector<640x64xf32> -> vector<640x64xf32>
    %get3A_657 = arith.constant 0 : index
    %get3A_658 = arith.constant 0 : index
    %get3A_659 = vector.load %arg5[%get3A_657, %get3A_658] : memref<1x64xf32, #tpu.memory_space<vmem>>, vector<1x64xf32>
    %add3A_660 = vector.broadcast %get3A_659 : vector<1x64xf32> to vector<640x64xf32>
    %add3A_661 = arith.addf %dot_general3A_656, %add3A_660 : vector<640x64xf32>
    %logistic3A = arith.negf %add3A_661 : vector<640x64xf32>
    %logistic3A_662 = math.exp %logistic3A : vector<640x64xf32>
    %logistic3A_663 = arith.constant 1.000000e+00 : f32
    %logistic3A_664 = vector.broadcast %logistic3A_663 : f32 to vector<640x64xf32>
    %logistic3A_665 = arith.addf %logistic3A_664, %logistic3A_662 : vector<640x64xf32>
    %logistic3A_666 = arith.divf %logistic3A_664, %logistic3A_665 : vector<640x64xf32>
    %mul3A_667 = arith.mulf %add3A_661, %logistic3A_666 : vector<640x64xf32>
    %get3A_668 = arith.constant 0 : index
    %get3A_669 = arith.constant 0 : index
    %get3A_670 = vector.load %arg6[%get3A_668, %get3A_669] : memref<64x64xf32, #tpu.memory_space<vmem>>, vector<64x64xf32>
    %dot_general3A_671 = arith.constant dense<0.000000e+00> : vector<640x64xf32>
    %dot_general3A_672 = tpu.matmul %mul3A_667, %get3A_670, %dot_general3A_671 {dimension_numbers = #tpu.dot_dimension_numbers<[1], [0], [0], [1], [0, 0, 1, 1], [], []>, transpose_lhs_hint = false} : vector<640x64xf32>, vector<64x64xf32>, vector<640x64xf32> -> vector<640x64xf32>
    %get3A_673 = arith.constant 0 : index
    %get3A_674 = arith.constant 0 : index
    %get3A_675 = vector.load %arg7[%get3A_673, %get3A_674] : memref<1x64xf32, #tpu.memory_space<vmem>>, vector<1x64xf32>
    %add3A_676 = vector.broadcast %get3A_675 : vector<1x64xf32> to vector<640x64xf32>
    %add3A_677 = arith.addf %dot_general3A_672, %add3A_676 : vector<640x64xf32>
    %logistic3A_678 = arith.negf %add3A_677 : vector<640x64xf32>
    %logistic3A_679 = math.exp %logistic3A_678 : vector<640x64xf32>
    %logistic3A_680 = arith.constant 1.000000e+00 : f32
    %logistic3A_681 = vector.broadcast %logistic3A_680 : f32 to vector<640x64xf32>
    %logistic3A_682 = arith.addf %logistic3A_681, %logistic3A_679 : vector<640x64xf32>
    %logistic3A_683 = arith.divf %logistic3A_681, %logistic3A_682 : vector<640x64xf32>
    %mul3A_684 = arith.mulf %add3A_677, %logistic3A_683 : vector<640x64xf32>
    %get3A_685 = arith.constant 0 : index
    %get3A_686 = arith.constant 0 : index
    %get3A_687 = vector.load %arg8[%get3A_685, %get3A_686] : memref<64x192xf32, #tpu.memory_space<vmem>>, vector<64x192xf32>
    %dot_general3A_688 = arith.constant dense<0.000000e+00> : vector<640x192xf32>
    %dot_general3A_689 = tpu.matmul %mul3A_684, %get3A_687, %dot_general3A_688 {dimension_numbers = #tpu.dot_dimension_numbers<[1], [0], [0], [1], [0, 0, 1, 1], [], []>, transpose_lhs_hint = false} : vector<640x64xf32>, vector<64x192xf32>, vector<640x192xf32> -> vector<640x192xf32>
    %get3A_690 = arith.constant 0 : index
    %get3A_691 = arith.constant 0 : index
    %get3A_692 = vector.load %arg9[%get3A_690, %get3A_691] : memref<256x64xf32, #tpu.memory_space<vmem>>, vector<256x64xf32>
    %dot_general3A_693 = arith.constant dense<0.000000e+00> : vector<640x64xf32>
    %dot_general3A_694 = tpu.matmul %concatenate3A_652, %get3A_692, %dot_general3A_693 {dimension_numbers = #tpu.dot_dimension_numbers<[1], [0], [0], [1], [0, 0, 1, 1], [], []>, transpose_lhs_hint = false} : vector<640x256xf32>, vector<256x64xf32>, vector<640x64xf32> -> vector<640x64xf32>
    %get3A_695 = arith.constant 0 : index
    %get3A_696 = arith.constant 0 : index
    %get3A_697 = vector.load %arg10[%get3A_695, %get3A_696] : memref<1x64xf32, #tpu.memory_space<vmem>>, vector<1x64xf32>
    %add3A_698 = vector.broadcast %get3A_697 : vector<1x64xf32> to vector<640x64xf32>
    %add3A_699 = arith.addf %dot_general3A_694, %add3A_698 : vector<640x64xf32>
    %logistic3A_700 = arith.negf %add3A_699 : vector<640x64xf32>
    %logistic3A_701 = math.exp %logistic3A_700 : vector<640x64xf32>
    %logistic3A_702 = arith.constant 1.000000e+00 : f32
    %logistic3A_703 = vector.broadcast %logistic3A_702 : f32 to vector<640x64xf32>
    %logistic3A_704 = arith.addf %logistic3A_703, %logistic3A_701 : vector<640x64xf32>
    %logistic3A_705 = arith.divf %logistic3A_703, %logistic3A_704 : vector<640x64xf32>
    %mul3A_706 = arith.mulf %add3A_699, %logistic3A_705 : vector<640x64xf32>
    %get3A_707 = arith.constant 0 : index
    %get3A_708 = arith.constant 0 : index
    %get3A_709 = vector.load %arg11[%get3A_707, %get3A_708] : memref<64x128xf32, #tpu.memory_space<vmem>>, vector<64x128xf32>
    %dot_general3A_710 = arith.constant dense<0.000000e+00> : vector<640x128xf32>
    %dot_general3A_711 = tpu.matmul %mul3A_706, %get3A_709, %dot_general3A_710 {dimension_numbers = #tpu.dot_dimension_numbers<[1], [0], [0], [1], [0, 0, 1, 1], [], []>, transpose_lhs_hint = false} : vector<640x64xf32>, vector<64x128xf32>, vector<640x128xf32> -> vector<640x128xf32>
    %get3A_712 = arith.constant 0 : index
    %get3A_713 = arith.constant 0 : index
    %get3A_714 = vector.load %arg12[%get3A_712, %get3A_713] : memref<1x128xf32, #tpu.memory_space<vmem>>, vector<1x128xf32>
    %add3A_715 = vector.broadcast %get3A_714 : vector<1x128xf32> to vector<640x128xf32>
    %add3A_716 = arith.addf %dot_general3A_711, %add3A_715 : vector<640x128xf32>
    %transpose3A_717 = tpu.transpose %add3A_716, [1, 0] : vector<640x128xf32> -> vector<128x640xf32>
    %swap3A_718 = arith.constant 0 : index
    %swap3A_719 = arith.constant 0 : index
    %swap3A_720 = vector.load %arg15[%swap3A_718, %swap3A_719] : memref<128x640xf32, #tpu.memory_space<vmem>>, vector<128x640xf32>
    tpu.vector_store %arg15[%swap3A_718, %swap3A_719], %transpose3A_717 {strides = array<i32>} : memref<128x640xf32, #tpu.memory_space<vmem>>, vector<128x640xf32>,
    %slice3A_721 = vector.extract_strided_slice %dot_general3A_689 {offsets = [0, 0], sizes = [640, 64], strides = [1, 1]} : vector<640x192xf32> to vector<640x64xf32>
    %slice3A_722 = vector.extract_strided_slice %dot_general3A_689 {offsets = [0, 64], sizes = [640, 64], strides = [1, 1]} : vector<640x192xf32> to vector<640x64xf32>
    %slice3A_723 = vector.extract_strided_slice %dot_general3A_689 {offsets = [0, 128], sizes = [640, 64], strides = [1, 1]} : vector<640x192xf32> to vector<640x64xf32>
    %broadcast_in_dim3A_724 = vector.shape_cast %slice3A_636 : vector<640x1xf32> to vector<640x1xf32>
    %broadcast_in_dim3A_725 = vector.broadcast %broadcast_in_dim3A_724 : vector<640x1xf32> to vector<640x64xf32>
    %mul3A_726 = arith.mulf %slice3A_721, %broadcast_in_dim3A_725 : vector<640x64xf32>
    %slice3A_727 = vector.extract_strided_slice %transpose3A {offsets = [0, 3], sizes = [640, 1], strides = [1, 1]} : vector<640x40xf32> to vector<640x1xf32>
    %broadcast_in_dim3A_728 = vector.shape_cast %slice3A_727 : vector<640x1xf32> to vector<640x1xf32>
    %broadcast_in_dim3A_729 = vector.broadcast %broadcast_in_dim3A_728 : vector<640x1xf32> to vector<640x64xf32>
    %mul3A_730 = arith.mulf %broadcast_in_dim3A_729, %broadcast_in_dim3A_725 : vector<640x64xf32>
    %mul3A_731 = arith.mulf %mul3A_730, %slice3A_722 : vector<640x64xf32>
    %slice3A_732 = vector.extract_strided_slice %transpose3A {offsets = [0, 4], sizes = [640, 1], strides = [1, 1]} : vector<640x40xf32> to vector<640x1xf32>
    %broadcast_in_dim3A_733 = vector.shape_cast %slice3A_732 : vector<640x1xf32> to vector<640x1xf32>
    %broadcast_in_dim3A_734 = vector.broadcast %broadcast_in_dim3A_733 : vector<640x1xf32> to vector<640x64xf32>
    %mul3A_735 = arith.mulf %broadcast_in_dim3A_734, %broadcast_in_dim3A_725 : vector<640x64xf32>
    %mul3A_736 = arith.mulf %mul3A_735, %slice3A_722 : vector<640x64xf32>
    %slice3A_737 = vector.extract_strided_slice %transpose3A {offsets = [0, 5], sizes = [640, 1], strides = [1, 1]} : vector<640x40xf32> to vector<640x1xf32>
    %broadcast_in_dim3A_738 = vector.shape_cast %slice3A_737 : vector<640x1xf32> to vector<640x1xf32>
    %broadcast_in_dim3A_739 = vector.broadcast %broadcast_in_dim3A_738 : vector<640x1xf32> to vector<640x64xf32>
    %mul3A_740 = arith.mulf %broadcast_in_dim3A_739, %broadcast_in_dim3A_725 : vector<640x64xf32>
    %mul3A_741 = arith.mulf %mul3A_740, %slice3A_722 : vector<640x64xf32>
    %slice3A_742 = vector.extract_strided_slice %transpose3A {offsets = [0, 19], sizes = [640, 1], strides = [1, 1]} : vector<640x40xf32> to vector<640x1xf32>
    %broadcast_in_dim3A_743 = vector.shape_cast %slice3A_742 : vector<640x1xf32> to vector<640x1xf32>
    %broadcast_in_dim3A_744 = vector.broadcast %broadcast_in_dim3A_743 : vector<640x1xf32> to vector<640x64xf32>
    %mul3A_745 = arith.mulf %broadcast_in_dim3A_744, %broadcast_in_dim3A_725 : vector<640x64xf32>
    %mul3A_746 = arith.mulf %mul3A_745, %slice3A_723 : vector<640x64xf32>
    %slice3A_747 = vector.extract_strided_slice %transpose3A {offsets = [0, 20], sizes = [640, 1], strides = [1, 1]} : vector<640x40xf32> to vector<640x1xf32>
    %broadcast_in_dim3A_748 = vector.shape_cast %slice3A_747 : vector<640x1xf32> to vector<640x1xf32>
    %broadcast_in_dim3A_749 = vector.broadcast %broadcast_in_dim3A_748 : vector<640x1xf32> to vector<640x64xf32>
    %mul3A_750 = arith.mulf %broadcast_in_dim3A_749, %broadcast_in_dim3A_725 : vector<640x64xf32>
    %mul3A_751 = arith.mulf %mul3A_750, %slice3A_723 : vector<640x64xf32>
    %slice3A_752 = vector.extract_strided_slice %transpose3A {offsets = [0, 21], sizes = [640, 1], strides = [1, 1]} : vector<640x40xf32> to vector<640x1xf32>
    %broadcast_in_dim3A_753 = vector.shape_cast %slice3A_752 : vector<640x1xf32> to vector<640x1xf32>
    %broadcast_in_dim3A_754 = vector.broadcast %broadcast_in_dim3A_753 : vector<640x1xf32> to vector<640x64xf32>
    %mul3A_755 = arith.mulf %broadcast_in_dim3A_754, %broadcast_in_dim3A_725 : vector<640x64xf32>
    %mul3A_756 = arith.mulf %mul3A_755, %slice3A_723 : vector<640x64xf32>
    %slice3A_757 = vector.extract_strided_slice %transpose3A {offsets = [0, 22], sizes = [640, 1], strides = [1, 1]} : vector<640x40xf32> to vector<640x1xf32>
    %broadcast_in_dim3A_758 = vector.shape_cast %slice3A_757 : vector<640x1xf32> to vector<640x1xf32>
    %broadcast_in_dim3A_759 = vector.broadcast %broadcast_in_dim3A_758 : vector<640x1xf32> to vector<640x64xf32>
    %mul3A_760 = arith.mulf %broadcast_in_dim3A_759, %broadcast_in_dim3A_725 : vector<640x64xf32>
    %mul3A_761 = arith.mulf %mul3A_760, %slice3A_723 : vector<640x64xf32>
    %slice3A_762 = vector.extract_strided_slice %transpose3A {offsets = [0, 23], sizes = [640, 1], strides = [1, 1]} : vector<640x40xf32> to vector<640x1xf32>
    %broadcast_in_dim3A_763 = vector.shape_cast %slice3A_762 : vector<640x1xf32> to vector<640x1xf32>
    %broadcast_in_dim3A_764 = vector.broadcast %broadcast_in_dim3A_763 : vector<640x1xf32> to vector<640x64xf32>
    %mul3A_765 = arith.mulf %broadcast_in_dim3A_764, %broadcast_in_dim3A_725 : vector<640x64xf32>
    %mul3A_766 = arith.mulf %mul3A_765, %slice3A_723 : vector<640x64xf32>
    %concatenate3A_767 = tpu.concatenate %mul3A_726, %mul3A_731, %mul3A_736, %mul3A_741, %mul3A_746, %mul3A_751, %mul3A_756, %mul3A_761, %mul3A_766 in 1 : vector<640x64xf32>, vector<640x64xf32>, vector<640x64xf32>, vector<640x64xf32>, vector<640x64xf32>, vector<640x64xf32>, vector<640x64xf32>, vector<640x64xf32>, vector<640x64xf32> -> vector<640x576xf32>
    %broadcast_in_dim3A_768 = arith.constant 0.000000e+00 : f32
    %broadcast_in_dim3A_769 = vector.broadcast %broadcast_in_dim3A_768 : f32 to vector<640x64xf32>
    %concatenate3A_770 = tpu.concatenate %concatenate3A_767, %broadcast_in_dim3A_769 in 1 : vector<640x576xf32>, vector<640x64xf32> -> vector<640x640xf32>
    %swap3A_771 = arith.constant 0 : index
    %swap3A_772 = arith.constant 0 : index
    %swap3A_773 = vector.load %arg13[%swap3A_771, %swap3A_772] : memref<640x640xf32, #tpu.memory_space<vmem>>, vector<640x640xf32>
    tpu.vector_store %arg13[%swap3A_771, %swap3A_772], %concatenate3A_770 {strides = array<i32>} : memref<640x640xf32, #tpu.memory_space<vmem>>, vector<640x640xf32>,
    return
  }
  func.func @transform_0(%arg0: i32) -> (i32, i32) {
    %c0_i32 = arith.constant 0 : i32
    %c0_i32_0 = arith.constant 0 : i32
    return %c0_i32, %arg0 : i32, i32
  }
  func.func @transform_1(%arg0: i32) -> (i32, i32) {
    %c0_i32 = arith.constant 0 : i32
    %c0_i32_0 = arith.constant 0 : i32
    return %arg0, %c0_i32 : i32, i32
  }
  func.func @transform_2(%arg0: i32) -> (i32, i32) {
    %c0_i32 = arith.constant 0 : i32
    %c0_i32_0 = arith.constant 0 : i32
    return %arg0, %c0_i32 : i32, i32
  }
  func.func @transform_3(%arg0: i32) -> (i32, i32) {
    %c0_i32 = arith.constant 0 : i32
    %c0_i32_0 = arith.constant 0 : i32
    %c0_i32_1 = arith.constant 0 : i32
    return %c0_i32, %c0_i32_0 : i32, i32
  }
  func.func @transform_4(%arg0: i32) -> (i32, i32) {
    %c0_i32 = arith.constant 0 : i32
    %c0_i32_0 = arith.constant 0 : i32
    %c0_i32_1 = arith.constant 0 : i32
    return %c0_i32, %c0_i32_0 : i32, i32
  }
  func.func @transform_5(%arg0: i32) -> (i32, i32) {
    %c0_i32 = arith.constant 0 : i32
    %c0_i32_0 = arith.constant 0 : i32
    %c0_i32_1 = arith.constant 0 : i32
    return %c0_i32, %c0_i32_0 : i32, i32
  }
  func.func @transform_6(%arg0: i32) -> (i32, i32) {
    %c0_i32 = arith.constant 0 : i32
    %c0_i32_0 = arith.constant 0 : i32
    %c0_i32_1 = arith.constant 0 : i32
    return %c0_i32, %c0_i32_0 : i32, i32
  }
  func.func @transform_7(%arg0: i32) -> (i32, i32) {
    %c0_i32 = arith.constant 0 : i32
    %c0_i32_0 = arith.constant 0 : i32
    %c0_i32_1 = arith.constant 0 : i32
    return %c0_i32, %c0_i32_0 : i32, i32
  }
  func.func @transform_8(%arg0: i32) -> (i32, i32) {
    %c0_i32 = arith.constant 0 : i32
    %c0_i32_0 = arith.constant 0 : i32
    %c0_i32_1 = arith.constant 0 : i32
    return %c0_i32, %c0_i32_0 : i32, i32
  }
  func.func @transform_9(%arg0: i32) -> (i32, i32) {
    %c0_i32 = arith.constant 0 : i32
    %c0_i32_0 = arith.constant 0 : i32
    %c0_i32_1 = arith.constant 0 : i32
    return %c0_i32, %c0_i32_0 : i32, i32
  }
  func.func @transform_10(%arg0: i32) -> (i32, i32) {
    %c0_i32 = arith.constant 0 : i32
    %c0_i32_0 = arith.constant 0 : i32
    %c0_i32_1 = arith.constant 0 : i32
    return %c0_i32, %c0_i32_0 : i32, i32
  }
  func.func @transform_11(%arg0: i32) -> (i32, i32) {
    %c0_i32 = arith.constant 0 : i32
    %c0_i32_0 = arith.constant 0 : i32
    %c0_i32_1 = arith.constant 0 : i32
    return %c0_i32, %c0_i32_0 : i32, i32
  }
  func.func @transform_12(%arg0: i32) -> (i32, i32) {
    %c0_i32 = arith.constant 0 : i32
    %c0_i32_0 = arith.constant 0 : i32
    return %arg0, %c0_i32 : i32, i32
  }
  func.func @transform_13(%arg0: i32) -> (i32, i32) {
    %c0_i32 = arith.constant 0 : i32
    %c0_i32_0 = arith.constant 0 : i32
    return %c0_i32, %arg0 : i32, i32
  }
  func.func @transform_14(%arg0: i32) -> (i32, i32) {
    %c0_i32 = arith.constant 0 : i32
    %c0_i32_0 = arith.constant 0 : i32
    return %c0_i32, %arg0 : i32, i32
  }
}

module attributes {stable_mosaic.version = 14 : i64} {
  func.func @_node_b_kernel(%arg0: i32, %arg1: memref<1000x64xf32, #tpu.memory_space<vmem>>, %arg2: memref<1000x640xf32, #tpu.memory_space<vmem>>, %arg3: memref<3x64xf32, #tpu.memory_space<vmem>>, %arg4: memref<1x64xf32, #tpu.memory_space<vmem>>, %arg5: memref<1000x576xf32, #tpu.memory_space<vmem>>, %arg6: memref<1000x384xf32, #tpu.memory_space<vmem>>) attributes {dimension_semantics = [#tpu.dimension_semantics<arbitrary>], iteration_bounds = array<i64: 10>, scalar_prefetch = 0 : i64, scratch_operands = 0 : i64, tpu.core_type = #tpu.core_type<tc>, window_params = [{transform_indices = @transform_0, window_bounds = array<i64: 1000, 64>}, {transform_indices = @transform_1, window_bounds = array<i64: 1000, 640>}, {pipeline_mode = #tpu.pipeline_mode<synchronous>, transform_indices = @transform_2, window_bounds = array<i64: 3, 64>}, {pipeline_mode = #tpu.pipeline_mode<synchronous>, transform_indices = @transform_3, window_bounds = array<i64: 1, 64>}, {transform_indices = @transform_4, window_bounds = array<i64: 1000, 576>}, {transform_indices = @transform_5, window_bounds = array<i64: 1000, 384>}]} {
    %get3A = arith.constant 0 : index
    %get3A_0 = arith.constant 0 : index
    %get3A_1 = vector.load %arg2[%get3A, %get3A_0] : memref<1000x640xf32, #tpu.memory_space<vmem>>, vector<1000x576xf32>
    %mul3A = arith.constant 2.000000e-01 : f32
    %mul3A_2 = vector.broadcast %mul3A : f32 to vector<1000x576xf32>
    %mul3A_3 = arith.mulf %get3A_1, %mul3A_2 : vector<1000x576xf32>
    %get3A_4 = arith.constant 0 : index
    %get3A_5 = arith.constant 0 : index
    %get3A_6 = vector.load %arg1[%get3A_4, %get3A_5] : memref<1000x64xf32, #tpu.memory_space<vmem>>, vector<1000x64xf32>
    %slice3A = vector.extract_strided_slice %mul3A_3 {offsets = [0, 0], sizes = [1000, 64], strides = [1, 1]} : vector<1000x576xf32> to vector<1000x64xf32>
    %add3A = arith.addf %get3A_6, %slice3A : vector<1000x64xf32>
    %slice3A_7 = vector.extract_strided_slice %mul3A_3 {offsets = [0, 64], sizes = [1000, 512], strides = [1, 1]} : vector<1000x576xf32> to vector<1000x512xf32>
    %concatenate3A = tpu.concatenate %add3A, %slice3A_7 in 1 : vector<1000x64xf32>, vector<1000x512xf32> -> vector<1000x576xf32>
    %swap3A = arith.constant 0 : index
    %swap3A_8 = arith.constant 0 : index
    %swap3A_9 = vector.load %arg5[%swap3A, %swap3A_8] : memref<1000x576xf32, #tpu.memory_space<vmem>>, vector<1000x576xf32>
    tpu.vector_store %arg5[%swap3A, %swap3A_8], %concatenate3A {strides = array<i32>} : memref<1000x576xf32, #tpu.memory_space<vmem>>, vector<1000x576xf32>,
    %slice3A_10 = vector.extract_strided_slice %concatenate3A {offsets = [0, 0], sizes = [1000, 64], strides = [1, 1]} : vector<1000x576xf32> to vector<1000x64xf32>
    %reduce_sum3A = arith.constant dense<0.000000e+00> : vector<1000xf32>
    %reduce_sum3A_11 = vector.multi_reduction <add>, %slice3A_10, %reduce_sum3A [1] : vector<1000x64xf32> to vector<1000xf32>
    %broadcast_in_dim3A = vector.shape_cast %reduce_sum3A_11 : vector<1000xf32> to vector<1000x1xf32>
    %div3A = arith.constant 6.400000e+01 : f32
    %div3A_12 = vector.broadcast %div3A : f32 to vector<1000x1xf32>
    %div3A_13 = arith.divf %broadcast_in_dim3A, %div3A_12 : vector<1000x1xf32>
    %sub3A = vector.broadcast %div3A_13 : vector<1000x1xf32> to vector<1000x64xf32>
    %sub3A_14 = arith.subf %slice3A_10, %sub3A : vector<1000x64xf32>
    %integer_pow3A = arith.mulf %sub3A_14, %sub3A_14 : vector<1000x64xf32>
    %reduce_sum3A_15 = arith.constant dense<0.000000e+00> : vector<1000xf32>
    %reduce_sum3A_16 = vector.multi_reduction <add>, %integer_pow3A, %reduce_sum3A_15 [1] : vector<1000x64xf32> to vector<1000xf32>
    %broadcast_in_dim3A_17 = vector.shape_cast %reduce_sum3A_16 : vector<1000xf32> to vector<1000x1xf32>
    %div3A_18 = arith.constant 6.400000e+01 : f32
    %div3A_19 = vector.broadcast %div3A_18 : f32 to vector<1000x1xf32>
    %div3A_20 = arith.divf %broadcast_in_dim3A_17, %div3A_19 : vector<1000x1xf32>
    %sub3A_21 = vector.broadcast %div3A_13 : vector<1000x1xf32> to vector<1000x64xf32>
    %sub3A_22 = arith.subf %slice3A_10, %sub3A_21 : vector<1000x64xf32>
    %add3A_23 = arith.constant 9.99999974E-6 : f32
    %add3A_24 = vector.broadcast %add3A_23 : f32 to vector<1000x1xf32>
    %add3A_25 = arith.addf %div3A_20, %add3A_24 : vector<1000x1xf32>
    %rsqrt3A = math.rsqrt %add3A_25 : vector<1000x1xf32>
    %mul3A_26 = vector.broadcast %rsqrt3A : vector<1000x1xf32> to vector<1000x64xf32>
    %mul3A_27 = arith.mulf %sub3A_22, %mul3A_26 : vector<1000x64xf32>
    %get3A_28 = arith.constant 0 : index
    %get3A_29 = arith.constant 0 : index
    %get3A_30 = vector.load %arg3[%get3A_28, %get3A_29] : memref<3x64xf32, #tpu.memory_space<vmem>>, vector<1x64xf32>
    %mul3A_31 = vector.broadcast %get3A_30 : vector<1x64xf32> to vector<1000x64xf32>
    %mul3A_32 = arith.mulf %mul3A_27, %mul3A_31 : vector<1000x64xf32>
    %get3A_33 = arith.constant 0 : index
    %get3A_34 = arith.constant 0 : index
    %get3A_35 = vector.load %arg4[%get3A_33, %get3A_34] : memref<1x64xf32, #tpu.memory_space<vmem>>, vector<1x64xf32>
    %add3A_36 = vector.broadcast %get3A_35 : vector<1x64xf32> to vector<1000x64xf32>
    %add3A_37 = arith.addf %mul3A_32, %add3A_36 : vector<1000x64xf32>
    %slice3A_38 = vector.extract_strided_slice %concatenate3A {offsets = [0, 64], sizes = [1000, 192], strides = [1, 1]} : vector<1000x576xf32> to vector<1000x192xf32>
    %mul3A_39 = arith.mulf %slice3A_38, %slice3A_38 : vector<1000x192xf32>
    %reduce_sum3A_40 = arith.constant dense<0.000000e+00> : vector<1000xf32>
    %reduce_sum3A_41 = vector.multi_reduction <add>, %mul3A_39, %reduce_sum3A_40 [1] : vector<1000x192xf32> to vector<1000xf32>
    %broadcast_in_dim3A_42 = vector.shape_cast %reduce_sum3A_41 : vector<1000xf32> to vector<1000x1xf32>
    %div3A_43 = arith.constant 1.920000e+02 : f32
    %div3A_44 = vector.broadcast %div3A_43 : f32 to vector<1000x1xf32>
    %div3A_45 = arith.divf %broadcast_in_dim3A_42, %div3A_44 : vector<1000x1xf32>
    %add3A_46 = arith.constant 9.99999974E-6 : f32
    %add3A_47 = vector.broadcast %add3A_46 : f32 to vector<1000x1xf32>
    %add3A_48 = arith.addf %div3A_45, %add3A_47 : vector<1000x1xf32>
    %rsqrt3A_49 = math.rsqrt %add3A_48 : vector<1000x1xf32>
    %mul3A_50 = vector.broadcast %rsqrt3A_49 : vector<1000x1xf32> to vector<1000x192xf32>
    %mul3A_51 = arith.mulf %slice3A_38, %mul3A_50 : vector<1000x192xf32>
    %get3A_52 = arith.constant 1 : index
    %get3A_53 = arith.constant 0 : index
    %get3A_54 = vector.load %arg3[%get3A_52, %get3A_53] : memref<3x64xf32, #tpu.memory_space<vmem>>, vector<1x64xf32>
    %tile3A = tpu.concatenate %get3A_54, %get3A_54, %get3A_54 in 1 : vector<1x64xf32>, vector<1x64xf32>, vector<1x64xf32> -> vector<1x192xf32>
    %mul3A_55 = vector.broadcast %tile3A : vector<1x192xf32> to vector<1000x192xf32>
    %mul3A_56 = arith.mulf %mul3A_51, %mul3A_55 : vector<1000x192xf32>
    %slice3A_57 = vector.extract_strided_slice %concatenate3A {offsets = [0, 256], sizes = [1000, 320], strides = [1, 1]} : vector<1000x576xf32> to vector<1000x320xf32>
    %mul3A_58 = arith.mulf %slice3A_57, %slice3A_57 : vector<1000x320xf32>
    %reduce_sum3A_59 = arith.constant dense<0.000000e+00> : vector<1000xf32>
    %reduce_sum3A_60 = vector.multi_reduction <add>, %mul3A_58, %reduce_sum3A_59 [1] : vector<1000x320xf32> to vector<1000xf32>
    %broadcast_in_dim3A_61 = vector.shape_cast %reduce_sum3A_60 : vector<1000xf32> to vector<1000x1xf32>
    %div3A_62 = arith.constant 3.200000e+02 : f32
    %div3A_63 = vector.broadcast %div3A_62 : f32 to vector<1000x1xf32>
    %div3A_64 = arith.divf %broadcast_in_dim3A_61, %div3A_63 : vector<1000x1xf32>
    %add3A_65 = arith.constant 9.99999974E-6 : f32
    %add3A_66 = vector.broadcast %add3A_65 : f32 to vector<1000x1xf32>
    %add3A_67 = arith.addf %div3A_64, %add3A_66 : vector<1000x1xf32>
    %rsqrt3A_68 = math.rsqrt %add3A_67 : vector<1000x1xf32>
    %mul3A_69 = vector.broadcast %rsqrt3A_68 : vector<1000x1xf32> to vector<1000x320xf32>
    %mul3A_70 = arith.mulf %slice3A_57, %mul3A_69 : vector<1000x320xf32>
    %get3A_71 = arith.constant 2 : index
    %get3A_72 = arith.constant 0 : index
    %get3A_73 = vector.load %arg3[%get3A_71, %get3A_72] : memref<3x64xf32, #tpu.memory_space<vmem>>, vector<1x64xf32>
    %tile3A_74 = tpu.concatenate %get3A_73, %get3A_73, %get3A_73, %get3A_73, %get3A_73 in 1 : vector<1x64xf32>, vector<1x64xf32>, vector<1x64xf32>, vector<1x64xf32>, vector<1x64xf32> -> vector<1x320xf32>
    %mul3A_75 = vector.broadcast %tile3A_74 : vector<1x320xf32> to vector<1000x320xf32>
    %mul3A_76 = arith.mulf %mul3A_70, %mul3A_75 : vector<1000x320xf32>
    %concatenate3A_77 = tpu.concatenate %add3A_37, %mul3A_56, %mul3A_76 in 1 : vector<1000x64xf32>, vector<1000x192xf32>, vector<1000x320xf32> -> vector<1000x576xf32>
    %convert_element_type3A = arith.truncf %concatenate3A_77 : vector<1000x576xf32> to vector<1000x576xbf16>
    %convert_element_type3A_78 = arith.extf %convert_element_type3A : vector<1000x576xbf16> to vector<1000x576xf32>
    %bitcast_convert_type3A = tpu.bitcast %convert_element_type3A_78 : vector<1000x576xf32> -> vector<1000x576xi32>
    %slice3A_79 = vector.extract_strided_slice %bitcast_convert_type3A {offsets = [0, 0], sizes = [1000, 288], strides = [1, 1]} : vector<1000x576xi32> to vector<1000x288xi32>
    %slice3A_80 = vector.extract_strided_slice %bitcast_convert_type3A {offsets = [0, 288], sizes = [1000, 288], strides = [1, 1]} : vector<1000x576xi32> to vector<1000x288xi32>
    %shift_right_logical3A = arith.constant 16 : i32
    %shift_right_logical3A_81 = vector.broadcast %shift_right_logical3A : i32 to vector<1000x288xi32>
    %shift_right_logical3A_82 = arith.shrui %slice3A_80, %shift_right_logical3A_81 : vector<1000x288xi32>
    %or3A = arith.ori %slice3A_79, %shift_right_logical3A_82 : vector<1000x288xi32>
    %broadcast_in_dim3A_83 = arith.constant 0 : i32
    %broadcast_in_dim3A_84 = vector.broadcast %broadcast_in_dim3A_83 : i32 to vector<1000x96xi32>
    %concatenate3A_85 = tpu.concatenate %or3A, %broadcast_in_dim3A_84 in 1 : vector<1000x288xi32>, vector<1000x96xi32> -> vector<1000x384xi32>
    %bitcast_convert_type3A_86 = tpu.bitcast %concatenate3A_85 : vector<1000x384xi32> -> vector<1000x384xf32>
    %swap3A_87 = arith.constant 0 : index
    %swap3A_88 = arith.constant 0 : index
    %swap3A_89 = vector.load %arg6[%swap3A_87, %swap3A_88] : memref<1000x384xf32, #tpu.memory_space<vmem>>, vector<1000x384xf32>
    tpu.vector_store %arg6[%swap3A_87, %swap3A_88], %bitcast_convert_type3A_86 {strides = array<i32>} : memref<1000x384xf32, #tpu.memory_space<vmem>>, vector<1000x384xf32>,
    return
  }
  func.func @transform_0(%arg0: i32) -> (i32, i32) {
    %c0_i32 = arith.constant 0 : i32
    %c0_i32_0 = arith.constant 0 : i32
    return %arg0, %c0_i32 : i32, i32
  }
  func.func @transform_1(%arg0: i32) -> (i32, i32) {
    %c0_i32 = arith.constant 0 : i32
    %c0_i32_0 = arith.constant 0 : i32
    return %arg0, %c0_i32 : i32, i32
  }
  func.func @transform_2(%arg0: i32) -> (i32, i32) {
    %c0_i32 = arith.constant 0 : i32
    %c0_i32_0 = arith.constant 0 : i32
    %c0_i32_1 = arith.constant 0 : i32
    return %c0_i32, %c0_i32_0 : i32, i32
  }
  func.func @transform_3(%arg0: i32) -> (i32, i32) {
    %c0_i32 = arith.constant 0 : i32
    %c0_i32_0 = arith.constant 0 : i32
    %c0_i32_1 = arith.constant 0 : i32
    return %c0_i32, %c0_i32_0 : i32, i32
  }
  func.func @transform_4(%arg0: i32) -> (i32, i32) {
    %c0_i32 = arith.constant 0 : i32
    %c0_i32_0 = arith.constant 0 : i32
    return %arg0, %c0_i32 : i32, i32
  }
  func.func @transform_5(%arg0: i32) -> (i32, i32) {
    %c0_i32 = arith.constant 0 : i32
    %c0_i32_0 = arith.constant 0 : i32
    return %arg0, %c0_i32 : i32, i32
  }
}

module attributes {stable_mosaic.version = 14 : i64} {
  func.func @_edge_c_kernel(%arg0: i32, %arg1: memref<640x384xf32, #tpu.memory_space<vmem>>, %arg2: memref<640x384xf32, #tpu.memory_space<vmem>>, %arg3: memref<40x640xf32, #tpu.memory_space<vmem>>, %arg4: memref<128x640xf32, #tpu.memory_space<vmem>>, %arg5: memref<64x128xf32, #tpu.memory_space<vmem>>, %arg6: memref<64x64xf32, #tpu.memory_space<vmem>>, %arg7: memref<64x64xf32, #tpu.memory_space<vmem>>, %arg8: memref<640x640xf32, #tpu.memory_space<vmem>>) attributes {dimension_semantics = [#tpu.dimension_semantics<arbitrary>], iteration_bounds = array<i64: 250>, scalar_prefetch = 0 : i64, scratch_operands = 0 : i64, tpu.core_type = #tpu.core_type<tc>, window_params = [{transform_indices = @transform_0, window_bounds = array<i64: 640, 384>}, {transform_indices = @transform_1, window_bounds = array<i64: 640, 384>}, {transform_indices = @transform_2, window_bounds = array<i64: 40, 640>}, {transform_indices = @transform_3, window_bounds = array<i64: 128, 640>}, {pipeline_mode = #tpu.pipeline_mode<synchronous>, transform_indices = @transform_4, window_bounds = array<i64: 64, 128>}, {pipeline_mode = #tpu.pipeline_mode<synchronous>, transform_indices = @transform_5, window_bounds = array<i64: 64, 64>}, {pipeline_mode = #tpu.pipeline_mode<synchronous>, transform_indices = @transform_6, window_bounds = array<i64: 64, 64>}, {transform_indices = @transform_7, window_bounds = array<i64: 640, 640>}]} {
    %get3A = arith.constant 0 : index
    %get3A_0 = arith.constant 0 : index
    %get3A_1 = vector.load %arg3[%get3A, %get3A_0] : memref<40x640xf32, #tpu.memory_space<vmem>>, vector<40x640xf32>
    %get3A_2 = arith.constant 0 : index
    %get3A_3 = arith.constant 0 : index
    %get3A_4 = vector.load %arg1[%get3A_2, %get3A_3] : memref<640x384xf32, #tpu.memory_space<vmem>>, vector<640x288xf32>
    %bitcast_convert_type3A = tpu.bitcast %get3A_4 : vector<640x288xf32> -> vector<640x288xi32>
    %and3A = arith.constant -65536 : i32
    %and3A_5 = vector.broadcast %and3A : i32 to vector<640x288xi32>
    %and3A_6 = arith.andi %bitcast_convert_type3A, %and3A_5 : vector<640x288xi32>
    %bitcast_convert_type3A_7 = tpu.bitcast %and3A_6 : vector<640x288xi32> -> vector<640x288xf32>
    %shift_left3A = arith.constant 16 : i32
    %shift_left3A_8 = vector.broadcast %shift_left3A : i32 to vector<640x288xi32>
    %shift_left3A_9 = arith.shli %bitcast_convert_type3A, %shift_left3A_8 : vector<640x288xi32>
    %bitcast_convert_type3A_10 = tpu.bitcast %shift_left3A_9 : vector<640x288xi32> -> vector<640x288xf32>
    %concatenate3A = tpu.concatenate %bitcast_convert_type3A_7, %bitcast_convert_type3A_10 in 1 : vector<640x288xf32>, vector<640x288xf32> -> vector<640x576xf32>
    %transpose3A = tpu.transpose %concatenate3A, [1, 0] : vector<640x576xf32> -> vector<576x640xf32>
    %get3A_11 = arith.constant 0 : index
    %get3A_12 = arith.constant 0 : index
    %get3A_13 = vector.load %arg2[%get3A_11, %get3A_12] : memref<640x384xf32, #tpu.memory_space<vmem>>, vector<640x288xf32>
    %bitcast_convert_type3A_14 = tpu.bitcast %get3A_13 : vector<640x288xf32> -> vector<640x288xi32>
    %and3A_15 = arith.constant -65536 : i32
    %and3A_16 = vector.broadcast %and3A_15 : i32 to vector<640x288xi32>
    %and3A_17 = arith.andi %bitcast_convert_type3A_14, %and3A_16 : vector<640x288xi32>
    %bitcast_convert_type3A_18 = tpu.bitcast %and3A_17 : vector<640x288xi32> -> vector<640x288xf32>
    %shift_left3A_19 = arith.constant 16 : i32
    %shift_left3A_20 = vector.broadcast %shift_left3A_19 : i32 to vector<640x288xi32>
    %shift_left3A_21 = arith.shli %bitcast_convert_type3A_14, %shift_left3A_20 : vector<640x288xi32>
    %bitcast_convert_type3A_22 = tpu.bitcast %shift_left3A_21 : vector<640x288xi32> -> vector<640x288xf32>
    %concatenate3A_23 = tpu.concatenate %bitcast_convert_type3A_18, %bitcast_convert_type3A_22 in 1 : vector<640x288xf32>, vector<640x288xf32> -> vector<640x576xf32>
    %transpose3A_24 = tpu.transpose %concatenate3A_23, [1, 0] : vector<640x576xf32> -> vector<576x640xf32>
    %slice3A = vector.extract_strided_slice %transpose3A {offsets = [0, 0], sizes = [64, 640], strides = [1, 1]} : vector<576x640xf32> to vector<64x640xf32>
    %slice3A_25 = vector.extract_strided_slice %transpose3A {offsets = [64, 0], sizes = [64, 640], strides = [1, 1]} : vector<576x640xf32> to vector<64x640xf32>
    %slice3A_26 = vector.extract_strided_slice %transpose3A {offsets = [128, 0], sizes = [64, 640], strides = [1, 1]} : vector<576x640xf32> to vector<64x640xf32>
    %slice3A_27 = vector.extract_strided_slice %transpose3A {offsets = [192, 0], sizes = [64, 640], strides = [1, 1]} : vector<576x640xf32> to vector<64x640xf32>
    %slice3A_28 = vector.extract_strided_slice %transpose3A {offsets = [256, 0], sizes = [64, 640], strides = [1, 1]} : vector<576x640xf32> to vector<64x640xf32>
    %slice3A_29 = vector.extract_strided_slice %transpose3A {offsets = [320, 0], sizes = [64, 640], strides = [1, 1]} : vector<576x640xf32> to vector<64x640xf32>
    %slice3A_30 = vector.extract_strided_slice %transpose3A {offsets = [384, 0], sizes = [64, 640], strides = [1, 1]} : vector<576x640xf32> to vector<64x640xf32>
    %slice3A_31 = vector.extract_strided_slice %transpose3A {offsets = [448, 0], sizes = [64, 640], strides = [1, 1]} : vector<576x640xf32> to vector<64x640xf32>
    %slice3A_32 = vector.extract_strided_slice %transpose3A {offsets = [512, 0], sizes = [64, 640], strides = [1, 1]} : vector<576x640xf32> to vector<64x640xf32>
    %slice3A_33 = vector.extract_strided_slice %transpose3A_24 {offsets = [0, 0], sizes = [64, 640], strides = [1, 1]} : vector<576x640xf32> to vector<64x640xf32>
    %slice3A_34 = vector.extract_strided_slice %transpose3A_24 {offsets = [64, 0], sizes = [64, 640], strides = [1, 1]} : vector<576x640xf32> to vector<64x640xf32>
    %slice3A_35 = vector.extract_strided_slice %transpose3A_24 {offsets = [128, 0], sizes = [64, 640], strides = [1, 1]} : vector<576x640xf32> to vector<64x640xf32>
    %slice3A_36 = vector.extract_strided_slice %transpose3A_24 {offsets = [192, 0], sizes = [64, 640], strides = [1, 1]} : vector<576x640xf32> to vector<64x640xf32>
    %slice3A_37 = vector.extract_strided_slice %transpose3A_24 {offsets = [256, 0], sizes = [64, 640], strides = [1, 1]} : vector<576x640xf32> to vector<64x640xf32>
    %slice3A_38 = vector.extract_strided_slice %transpose3A_24 {offsets = [320, 0], sizes = [64, 640], strides = [1, 1]} : vector<576x640xf32> to vector<64x640xf32>
    %slice3A_39 = vector.extract_strided_slice %transpose3A_24 {offsets = [384, 0], sizes = [64, 640], strides = [1, 1]} : vector<576x640xf32> to vector<64x640xf32>
    %slice3A_40 = vector.extract_strided_slice %transpose3A_24 {offsets = [448, 0], sizes = [64, 640], strides = [1, 1]} : vector<576x640xf32> to vector<64x640xf32>
    %slice3A_41 = vector.extract_strided_slice %transpose3A_24 {offsets = [512, 0], sizes = [64, 640], strides = [1, 1]} : vector<576x640xf32> to vector<64x640xf32>
    %slice3A_42 = vector.extract_strided_slice %get3A_1 {offsets = [0, 0], sizes = [1, 640], strides = [1, 1]} : vector<40x640xf32> to vector<1x640xf32>
    %mul3A = vector.broadcast %slice3A_42 : vector<1x640xf32> to vector<64x640xf32>
    %mul3A_43 = arith.mulf %mul3A, %slice3A_25 : vector<64x640xf32>
    %slice3A_44 = vector.extract_strided_slice %get3A_1 {offsets = [1, 0], sizes = [1, 640], strides = [1, 1]} : vector<40x640xf32> to vector<1x640xf32>
    %mul3A_45 = vector.broadcast %slice3A_44 : vector<1x640xf32> to vector<64x640xf32>
    %mul3A_46 = arith.mulf %mul3A_45, %slice3A_26 : vector<64x640xf32>
    %add3A = arith.addf %mul3A_43, %mul3A_46 : vector<64x640xf32>
    %slice3A_47 = vector.extract_strided_slice %get3A_1 {offsets = [2, 0], sizes = [1, 640], strides = [1, 1]} : vector<40x640xf32> to vector<1x640xf32>
    %mul3A_48 = vector.broadcast %slice3A_47 : vector<1x640xf32> to vector<64x640xf32>
    %mul3A_49 = arith.mulf %mul3A_48, %slice3A_27 : vector<64x640xf32>
    %add3A_50 = arith.addf %add3A, %mul3A_49 : vector<64x640xf32>
    %slice3A_51 = vector.extract_strided_slice %get3A_1 {offsets = [3, 0], sizes = [1, 640], strides = [1, 1]} : vector<40x640xf32> to vector<1x640xf32>
    %mul3A_52 = vector.broadcast %slice3A_51 : vector<1x640xf32> to vector<64x640xf32>
    %mul3A_53 = arith.mulf %mul3A_52, %slice3A_25 : vector<64x640xf32>
    %slice3A_54 = vector.extract_strided_slice %get3A_1 {offsets = [4, 0], sizes = [1, 640], strides = [1, 1]} : vector<40x640xf32> to vector<1x640xf32>
    %mul3A_55 = vector.broadcast %slice3A_54 : vector<1x640xf32> to vector<64x640xf32>
    %mul3A_56 = arith.mulf %mul3A_55, %slice3A_26 : vector<64x640xf32>
    %add3A_57 = arith.addf %mul3A_53, %mul3A_56 : vector<64x640xf32>
    %slice3A_58 = vector.extract_strided_slice %get3A_1 {offsets = [5, 0], sizes = [1, 640], strides = [1, 1]} : vector<40x640xf32> to vector<1x640xf32>
    %mul3A_59 = vector.broadcast %slice3A_58 : vector<1x640xf32> to vector<64x640xf32>
    %mul3A_60 = arith.mulf %mul3A_59, %slice3A_27 : vector<64x640xf32>
    %add3A_61 = arith.addf %add3A_57, %mul3A_60 : vector<64x640xf32>
    %slice3A_62 = vector.extract_strided_slice %get3A_1 {offsets = [6, 0], sizes = [1, 640], strides = [1, 1]} : vector<40x640xf32> to vector<1x640xf32>
    %mul3A_63 = vector.broadcast %slice3A_62 : vector<1x640xf32> to vector<64x640xf32>
    %mul3A_64 = arith.mulf %mul3A_63, %slice3A_25 : vector<64x640xf32>
    %slice3A_65 = vector.extract_strided_slice %get3A_1 {offsets = [7, 0], sizes = [1, 640], strides = [1, 1]} : vector<40x640xf32> to vector<1x640xf32>
    %mul3A_66 = vector.broadcast %slice3A_65 : vector<1x640xf32> to vector<64x640xf32>
    %mul3A_67 = arith.mulf %mul3A_66, %slice3A_26 : vector<64x640xf32>
    %add3A_68 = arith.addf %mul3A_64, %mul3A_67 : vector<64x640xf32>
    %slice3A_69 = vector.extract_strided_slice %get3A_1 {offsets = [8, 0], sizes = [1, 640], strides = [1, 1]} : vector<40x640xf32> to vector<1x640xf32>
    %mul3A_70 = vector.broadcast %slice3A_69 : vector<1x640xf32> to vector<64x640xf32>
    %mul3A_71 = arith.mulf %mul3A_70, %slice3A_27 : vector<64x640xf32>
    %add3A_72 = arith.addf %add3A_68, %mul3A_71 : vector<64x640xf32>
    %slice3A_73 = vector.extract_strided_slice %get3A_1 {offsets = [9, 0], sizes = [1, 640], strides = [1, 1]} : vector<40x640xf32> to vector<1x640xf32>
    %mul3A_74 = vector.broadcast %slice3A_73 : vector<1x640xf32> to vector<64x640xf32>
    %mul3A_75 = arith.mulf %mul3A_74, %slice3A_28 : vector<64x640xf32>
    %slice3A_76 = vector.extract_strided_slice %get3A_1 {offsets = [10, 0], sizes = [1, 640], strides = [1, 1]} : vector<40x640xf32> to vector<1x640xf32>
    %mul3A_77 = vector.broadcast %slice3A_76 : vector<1x640xf32> to vector<64x640xf32>
    %mul3A_78 = arith.mulf %mul3A_77, %slice3A_29 : vector<64x640xf32>
    %add3A_79 = arith.addf %mul3A_75, %mul3A_78 : vector<64x640xf32>
    %slice3A_80 = vector.extract_strided_slice %get3A_1 {offsets = [11, 0], sizes = [1, 640], strides = [1, 1]} : vector<40x640xf32> to vector<1x640xf32>
    %mul3A_81 = vector.broadcast %slice3A_80 : vector<1x640xf32> to vector<64x640xf32>
    %mul3A_82 = arith.mulf %mul3A_81, %slice3A_30 : vector<64x640xf32>
    %add3A_83 = arith.addf %add3A_79, %mul3A_82 : vector<64x640xf32>
    %slice3A_84 = vector.extract_strided_slice %get3A_1 {offsets = [12, 0], sizes = [1, 640], strides = [1, 1]} : vector<40x640xf32> to vector<1x640xf32>
    %mul3A_85 = vector.broadcast %slice3A_84 : vector<1x640xf32> to vector<64x640xf32>
    %mul3A_86 = arith.mulf %mul3A_85, %slice3A_31 : vector<64x640xf32>
    %add3A_87 = arith.addf %add3A_83, %mul3A_86 : vector<64x640xf32>
    %slice3A_88 = vector.extract_strided_slice %get3A_1 {offsets = [13, 0], sizes = [1, 640], strides = [1, 1]} : vector<40x640xf32> to vector<1x640xf32>
    %mul3A_89 = vector.broadcast %slice3A_88 : vector<1x640xf32> to vector<64x640xf32>
    %mul3A_90 = arith.mulf %mul3A_89, %slice3A_32 : vector<64x640xf32>
    %add3A_91 = arith.addf %add3A_87, %mul3A_90 : vector<64x640xf32>
    %slice3A_92 = vector.extract_strided_slice %get3A_1 {offsets = [14, 0], sizes = [1, 640], strides = [1, 1]} : vector<40x640xf32> to vector<1x640xf32>
    %mul3A_93 = vector.broadcast %slice3A_92 : vector<1x640xf32> to vector<64x640xf32>
    %mul3A_94 = arith.mulf %mul3A_93, %slice3A_28 : vector<64x640xf32>
    %slice3A_95 = vector.extract_strided_slice %get3A_1 {offsets = [15, 0], sizes = [1, 640], strides = [1, 1]} : vector<40x640xf32> to vector<1x640xf32>
    %mul3A_96 = vector.broadcast %slice3A_95 : vector<1x640xf32> to vector<64x640xf32>
    %mul3A_97 = arith.mulf %mul3A_96, %slice3A_29 : vector<64x640xf32>
    %add3A_98 = arith.addf %mul3A_94, %mul3A_97 : vector<64x640xf32>
    %slice3A_99 = vector.extract_strided_slice %get3A_1 {offsets = [16, 0], sizes = [1, 640], strides = [1, 1]} : vector<40x640xf32> to vector<1x640xf32>
    %mul3A_100 = vector.broadcast %slice3A_99 : vector<1x640xf32> to vector<64x640xf32>
    %mul3A_101 = arith.mulf %mul3A_100, %slice3A_30 : vector<64x640xf32>
    %add3A_102 = arith.addf %add3A_98, %mul3A_101 : vector<64x640xf32>
    %slice3A_103 = vector.extract_strided_slice %get3A_1 {offsets = [17, 0], sizes = [1, 640], strides = [1, 1]} : vector<40x640xf32> to vector<1x640xf32>
    %mul3A_104 = vector.broadcast %slice3A_103 : vector<1x640xf32> to vector<64x640xf32>
    %mul3A_105 = arith.mulf %mul3A_104, %slice3A_31 : vector<64x640xf32>
    %add3A_106 = arith.addf %add3A_102, %mul3A_105 : vector<64x640xf32>
    %slice3A_107 = vector.extract_strided_slice %get3A_1 {offsets = [18, 0], sizes = [1, 640], strides = [1, 1]} : vector<40x640xf32> to vector<1x640xf32>
    %mul3A_108 = vector.broadcast %slice3A_107 : vector<1x640xf32> to vector<64x640xf32>
    %mul3A_109 = arith.mulf %mul3A_108, %slice3A_32 : vector<64x640xf32>
    %add3A_110 = arith.addf %add3A_106, %mul3A_109 : vector<64x640xf32>
    %slice3A_111 = vector.extract_strided_slice %get3A_1 {offsets = [19, 0], sizes = [1, 640], strides = [1, 1]} : vector<40x640xf32> to vector<1x640xf32>
    %mul3A_112 = vector.broadcast %slice3A_111 : vector<1x640xf32> to vector<64x640xf32>
    %mul3A_113 = arith.mulf %mul3A_112, %slice3A_28 : vector<64x640xf32>
    %slice3A_114 = vector.extract_strided_slice %get3A_1 {offsets = [20, 0], sizes = [1, 640], strides = [1, 1]} : vector<40x640xf32> to vector<1x640xf32>
    %mul3A_115 = vector.broadcast %slice3A_114 : vector<1x640xf32> to vector<64x640xf32>
    %mul3A_116 = arith.mulf %mul3A_115, %slice3A_29 : vector<64x640xf32>
    %add3A_117 = arith.addf %mul3A_113, %mul3A_116 : vector<64x640xf32>
    %slice3A_118 = vector.extract_strided_slice %get3A_1 {offsets = [21, 0], sizes = [1, 640], strides = [1, 1]} : vector<40x640xf32> to vector<1x640xf32>
    %mul3A_119 = vector.broadcast %slice3A_118 : vector<1x640xf32> to vector<64x640xf32>
    %mul3A_120 = arith.mulf %mul3A_119, %slice3A_30 : vector<64x640xf32>
    %add3A_121 = arith.addf %add3A_117, %mul3A_120 : vector<64x640xf32>
    %slice3A_122 = vector.extract_strided_slice %get3A_1 {offsets = [22, 0], sizes = [1, 640], strides = [1, 1]} : vector<40x640xf32> to vector<1x640xf32>
    %mul3A_123 = vector.broadcast %slice3A_122 : vector<1x640xf32> to vector<64x640xf32>
    %mul3A_124 = arith.mulf %mul3A_123, %slice3A_31 : vector<64x640xf32>
    %add3A_125 = arith.addf %add3A_121, %mul3A_124 : vector<64x640xf32>
    %slice3A_126 = vector.extract_strided_slice %get3A_1 {offsets = [23, 0], sizes = [1, 640], strides = [1, 1]} : vector<40x640xf32> to vector<1x640xf32>
    %mul3A_127 = vector.broadcast %slice3A_126 : vector<1x640xf32> to vector<64x640xf32>
    %mul3A_128 = arith.mulf %mul3A_127, %slice3A_32 : vector<64x640xf32>
    %add3A_129 = arith.addf %add3A_125, %mul3A_128 : vector<64x640xf32>
    %slice3A_130 = vector.extract_strided_slice %get3A_1 {offsets = [24, 0], sizes = [1, 640], strides = [1, 1]} : vector<40x640xf32> to vector<1x640xf32>
    %mul3A_131 = vector.broadcast %slice3A_130 : vector<1x640xf32> to vector<64x640xf32>
    %mul3A_132 = arith.mulf %mul3A_131, %slice3A_28 : vector<64x640xf32>
    %slice3A_133 = vector.extract_strided_slice %get3A_1 {offsets = [25, 0], sizes = [1, 640], strides = [1, 1]} : vector<40x640xf32> to vector<1x640xf32>
    %mul3A_134 = vector.broadcast %slice3A_133 : vector<1x640xf32> to vector<64x640xf32>
    %mul3A_135 = arith.mulf %mul3A_134, %slice3A_29 : vector<64x640xf32>
    %add3A_136 = arith.addf %mul3A_132, %mul3A_135 : vector<64x640xf32>
    %slice3A_137 = vector.extract_strided_slice %get3A_1 {offsets = [26, 0], sizes = [1, 640], strides = [1, 1]} : vector<40x640xf32> to vector<1x640xf32>
    %mul3A_138 = vector.broadcast %slice3A_137 : vector<1x640xf32> to vector<64x640xf32>
    %mul3A_139 = arith.mulf %mul3A_138, %slice3A_30 : vector<64x640xf32>
    %add3A_140 = arith.addf %add3A_136, %mul3A_139 : vector<64x640xf32>
    %slice3A_141 = vector.extract_strided_slice %get3A_1 {offsets = [27, 0], sizes = [1, 640], strides = [1, 1]} : vector<40x640xf32> to vector<1x640xf32>
    %mul3A_142 = vector.broadcast %slice3A_141 : vector<1x640xf32> to vector<64x640xf32>
    %mul3A_143 = arith.mulf %mul3A_142, %slice3A_31 : vector<64x640xf32>
    %add3A_144 = arith.addf %add3A_140, %mul3A_143 : vector<64x640xf32>
    %slice3A_145 = vector.extract_strided_slice %get3A_1 {offsets = [28, 0], sizes = [1, 640], strides = [1, 1]} : vector<40x640xf32> to vector<1x640xf32>
    %mul3A_146 = vector.broadcast %slice3A_145 : vector<1x640xf32> to vector<64x640xf32>
    %mul3A_147 = arith.mulf %mul3A_146, %slice3A_32 : vector<64x640xf32>
    %add3A_148 = arith.addf %add3A_144, %mul3A_147 : vector<64x640xf32>
    %slice3A_149 = vector.extract_strided_slice %get3A_1 {offsets = [29, 0], sizes = [1, 640], strides = [1, 1]} : vector<40x640xf32> to vector<1x640xf32>
    %mul3A_150 = vector.broadcast %slice3A_149 : vector<1x640xf32> to vector<64x640xf32>
    %mul3A_151 = arith.mulf %mul3A_150, %slice3A_28 : vector<64x640xf32>
    %slice3A_152 = vector.extract_strided_slice %get3A_1 {offsets = [30, 0], sizes = [1, 640], strides = [1, 1]} : vector<40x640xf32> to vector<1x640xf32>
    %mul3A_153 = vector.broadcast %slice3A_152 : vector<1x640xf32> to vector<64x640xf32>
    %mul3A_154 = arith.mulf %mul3A_153, %slice3A_29 : vector<64x640xf32>
    %add3A_155 = arith.addf %mul3A_151, %mul3A_154 : vector<64x640xf32>
    %slice3A_156 = vector.extract_strided_slice %get3A_1 {offsets = [31, 0], sizes = [1, 640], strides = [1, 1]} : vector<40x640xf32> to vector<1x640xf32>
    %mul3A_157 = vector.broadcast %slice3A_156 : vector<1x640xf32> to vector<64x640xf32>
    %mul3A_158 = arith.mulf %mul3A_157, %slice3A_30 : vector<64x640xf32>
    %add3A_159 = arith.addf %add3A_155, %mul3A_158 : vector<64x640xf32>
    %slice3A_160 = vector.extract_strided_slice %get3A_1 {offsets = [32, 0], sizes = [1, 640], strides = [1, 1]} : vector<40x640xf32> to vector<1x640xf32>
    %mul3A_161 = vector.broadcast %slice3A_160 : vector<1x640xf32> to vector<64x640xf32>
    %mul3A_162 = arith.mulf %mul3A_161, %slice3A_31 : vector<64x640xf32>
    %add3A_163 = arith.addf %add3A_159, %mul3A_162 : vector<64x640xf32>
    %slice3A_164 = vector.extract_strided_slice %get3A_1 {offsets = [33, 0], sizes = [1, 640], strides = [1, 1]} : vector<40x640xf32> to vector<1x640xf32>
    %mul3A_165 = vector.broadcast %slice3A_164 : vector<1x640xf32> to vector<64x640xf32>
    %mul3A_166 = arith.mulf %mul3A_165, %slice3A_32 : vector<64x640xf32>
    %add3A_167 = arith.addf %add3A_163, %mul3A_166 : vector<64x640xf32>
    %slice3A_168 = vector.extract_strided_slice %get3A_1 {offsets = [0, 0], sizes = [1, 640], strides = [1, 1]} : vector<40x640xf32> to vector<1x640xf32>
    %mul3A_169 = vector.broadcast %slice3A_168 : vector<1x640xf32> to vector<64x640xf32>
    %mul3A_170 = arith.mulf %mul3A_169, %slice3A_34 : vector<64x640xf32>
    %slice3A_171 = vector.extract_strided_slice %get3A_1 {offsets = [1, 0], sizes = [1, 640], strides = [1, 1]} : vector<40x640xf32> to vector<1x640xf32>
    %mul3A_172 = vector.broadcast %slice3A_171 : vector<1x640xf32> to vector<64x640xf32>
    %mul3A_173 = arith.mulf %mul3A_172, %slice3A_35 : vector<64x640xf32>
    %add3A_174 = arith.addf %mul3A_170, %mul3A_173 : vector<64x640xf32>
    %slice3A_175 = vector.extract_strided_slice %get3A_1 {offsets = [2, 0], sizes = [1, 640], strides = [1, 1]} : vector<40x640xf32> to vector<1x640xf32>
    %mul3A_176 = vector.broadcast %slice3A_175 : vector<1x640xf32> to vector<64x640xf32>
    %mul3A_177 = arith.mulf %mul3A_176, %slice3A_36 : vector<64x640xf32>
    %add3A_178 = arith.addf %add3A_174, %mul3A_177 : vector<64x640xf32>
    %slice3A_179 = vector.extract_strided_slice %get3A_1 {offsets = [3, 0], sizes = [1, 640], strides = [1, 1]} : vector<40x640xf32> to vector<1x640xf32>
    %mul3A_180 = vector.broadcast %slice3A_179 : vector<1x640xf32> to vector<64x640xf32>
    %mul3A_181 = arith.mulf %mul3A_180, %slice3A_34 : vector<64x640xf32>
    %slice3A_182 = vector.extract_strided_slice %get3A_1 {offsets = [4, 0], sizes = [1, 640], strides = [1, 1]} : vector<40x640xf32> to vector<1x640xf32>
    %mul3A_183 = vector.broadcast %slice3A_182 : vector<1x640xf32> to vector<64x640xf32>
    %mul3A_184 = arith.mulf %mul3A_183, %slice3A_35 : vector<64x640xf32>
    %add3A_185 = arith.addf %mul3A_181, %mul3A_184 : vector<64x640xf32>
    %slice3A_186 = vector.extract_strided_slice %get3A_1 {offsets = [5, 0], sizes = [1, 640], strides = [1, 1]} : vector<40x640xf32> to vector<1x640xf32>
    %mul3A_187 = vector.broadcast %slice3A_186 : vector<1x640xf32> to vector<64x640xf32>
    %mul3A_188 = arith.mulf %mul3A_187, %slice3A_36 : vector<64x640xf32>
    %add3A_189 = arith.addf %add3A_185, %mul3A_188 : vector<64x640xf32>
    %slice3A_190 = vector.extract_strided_slice %get3A_1 {offsets = [6, 0], sizes = [1, 640], strides = [1, 1]} : vector<40x640xf32> to vector<1x640xf32>
    %mul3A_191 = vector.broadcast %slice3A_190 : vector<1x640xf32> to vector<64x640xf32>
    %mul3A_192 = arith.mulf %mul3A_191, %slice3A_34 : vector<64x640xf32>
    %slice3A_193 = vector.extract_strided_slice %get3A_1 {offsets = [7, 0], sizes = [1, 640], strides = [1, 1]} : vector<40x640xf32> to vector<1x640xf32>
    %mul3A_194 = vector.broadcast %slice3A_193 : vector<1x640xf32> to vector<64x640xf32>
    %mul3A_195 = arith.mulf %mul3A_194, %slice3A_35 : vector<64x640xf32>
    %add3A_196 = arith.addf %mul3A_192, %mul3A_195 : vector<64x640xf32>
    %slice3A_197 = vector.extract_strided_slice %get3A_1 {offsets = [8, 0], sizes = [1, 640], strides = [1, 1]} : vector<40x640xf32> to vector<1x640xf32>
    %mul3A_198 = vector.broadcast %slice3A_197 : vector<1x640xf32> to vector<64x640xf32>
    %mul3A_199 = arith.mulf %mul3A_198, %slice3A_36 : vector<64x640xf32>
    %add3A_200 = arith.addf %add3A_196, %mul3A_199 : vector<64x640xf32>
    %slice3A_201 = vector.extract_strided_slice %get3A_1 {offsets = [9, 0], sizes = [1, 640], strides = [1, 1]} : vector<40x640xf32> to vector<1x640xf32>
    %mul3A_202 = vector.broadcast %slice3A_201 : vector<1x640xf32> to vector<64x640xf32>
    %mul3A_203 = arith.mulf %mul3A_202, %slice3A_37 : vector<64x640xf32>
    %slice3A_204 = vector.extract_strided_slice %get3A_1 {offsets = [10, 0], sizes = [1, 640], strides = [1, 1]} : vector<40x640xf32> to vector<1x640xf32>
    %mul3A_205 = vector.broadcast %slice3A_204 : vector<1x640xf32> to vector<64x640xf32>
    %mul3A_206 = arith.mulf %mul3A_205, %slice3A_38 : vector<64x640xf32>
    %add3A_207 = arith.addf %mul3A_203, %mul3A_206 : vector<64x640xf32>
    %slice3A_208 = vector.extract_strided_slice %get3A_1 {offsets = [11, 0], sizes = [1, 640], strides = [1, 1]} : vector<40x640xf32> to vector<1x640xf32>
    %mul3A_209 = vector.broadcast %slice3A_208 : vector<1x640xf32> to vector<64x640xf32>
    %mul3A_210 = arith.mulf %mul3A_209, %slice3A_39 : vector<64x640xf32>
    %add3A_211 = arith.addf %add3A_207, %mul3A_210 : vector<64x640xf32>
    %slice3A_212 = vector.extract_strided_slice %get3A_1 {offsets = [12, 0], sizes = [1, 640], strides = [1, 1]} : vector<40x640xf32> to vector<1x640xf32>
    %mul3A_213 = vector.broadcast %slice3A_212 : vector<1x640xf32> to vector<64x640xf32>
    %mul3A_214 = arith.mulf %mul3A_213, %slice3A_40 : vector<64x640xf32>
    %add3A_215 = arith.addf %add3A_211, %mul3A_214 : vector<64x640xf32>
    %slice3A_216 = vector.extract_strided_slice %get3A_1 {offsets = [13, 0], sizes = [1, 640], strides = [1, 1]} : vector<40x640xf32> to vector<1x640xf32>
    %mul3A_217 = vector.broadcast %slice3A_216 : vector<1x640xf32> to vector<64x640xf32>
    %mul3A_218 = arith.mulf %mul3A_217, %slice3A_41 : vector<64x640xf32>
    %add3A_219 = arith.addf %add3A_215, %mul3A_218 : vector<64x640xf32>
    %slice3A_220 = vector.extract_strided_slice %get3A_1 {offsets = [14, 0], sizes = [1, 640], strides = [1, 1]} : vector<40x640xf32> to vector<1x640xf32>
    %mul3A_221 = vector.broadcast %slice3A_220 : vector<1x640xf32> to vector<64x640xf32>
    %mul3A_222 = arith.mulf %mul3A_221, %slice3A_37 : vector<64x640xf32>
    %slice3A_223 = vector.extract_strided_slice %get3A_1 {offsets = [15, 0], sizes = [1, 640], strides = [1, 1]} : vector<40x640xf32> to vector<1x640xf32>
    %mul3A_224 = vector.broadcast %slice3A_223 : vector<1x640xf32> to vector<64x640xf32>
    %mul3A_225 = arith.mulf %mul3A_224, %slice3A_38 : vector<64x640xf32>
    %add3A_226 = arith.addf %mul3A_222, %mul3A_225 : vector<64x640xf32>
    %slice3A_227 = vector.extract_strided_slice %get3A_1 {offsets = [16, 0], sizes = [1, 640], strides = [1, 1]} : vector<40x640xf32> to vector<1x640xf32>
    %mul3A_228 = vector.broadcast %slice3A_227 : vector<1x640xf32> to vector<64x640xf32>
    %mul3A_229 = arith.mulf %mul3A_228, %slice3A_39 : vector<64x640xf32>
    %add3A_230 = arith.addf %add3A_226, %mul3A_229 : vector<64x640xf32>
    %slice3A_231 = vector.extract_strided_slice %get3A_1 {offsets = [17, 0], sizes = [1, 640], strides = [1, 1]} : vector<40x640xf32> to vector<1x640xf32>
    %mul3A_232 = vector.broadcast %slice3A_231 : vector<1x640xf32> to vector<64x640xf32>
    %mul3A_233 = arith.mulf %mul3A_232, %slice3A_40 : vector<64x640xf32>
    %add3A_234 = arith.addf %add3A_230, %mul3A_233 : vector<64x640xf32>
    %slice3A_235 = vector.extract_strided_slice %get3A_1 {offsets = [18, 0], sizes = [1, 640], strides = [1, 1]} : vector<40x640xf32> to vector<1x640xf32>
    %mul3A_236 = vector.broadcast %slice3A_235 : vector<1x640xf32> to vector<64x640xf32>
    %mul3A_237 = arith.mulf %mul3A_236, %slice3A_41 : vector<64x640xf32>
    %add3A_238 = arith.addf %add3A_234, %mul3A_237 : vector<64x640xf32>
    %slice3A_239 = vector.extract_strided_slice %get3A_1 {offsets = [19, 0], sizes = [1, 640], strides = [1, 1]} : vector<40x640xf32> to vector<1x640xf32>
    %mul3A_240 = vector.broadcast %slice3A_239 : vector<1x640xf32> to vector<64x640xf32>
    %mul3A_241 = arith.mulf %mul3A_240, %slice3A_37 : vector<64x640xf32>
    %slice3A_242 = vector.extract_strided_slice %get3A_1 {offsets = [20, 0], sizes = [1, 640], strides = [1, 1]} : vector<40x640xf32> to vector<1x640xf32>
    %mul3A_243 = vector.broadcast %slice3A_242 : vector<1x640xf32> to vector<64x640xf32>
    %mul3A_244 = arith.mulf %mul3A_243, %slice3A_38 : vector<64x640xf32>
    %add3A_245 = arith.addf %mul3A_241, %mul3A_244 : vector<64x640xf32>
    %slice3A_246 = vector.extract_strided_slice %get3A_1 {offsets = [21, 0], sizes = [1, 640], strides = [1, 1]} : vector<40x640xf32> to vector<1x640xf32>
    %mul3A_247 = vector.broadcast %slice3A_246 : vector<1x640xf32> to vector<64x640xf32>
    %mul3A_248 = arith.mulf %mul3A_247, %slice3A_39 : vector<64x640xf32>
    %add3A_249 = arith.addf %add3A_245, %mul3A_248 : vector<64x640xf32>
    %slice3A_250 = vector.extract_strided_slice %get3A_1 {offsets = [22, 0], sizes = [1, 640], strides = [1, 1]} : vector<40x640xf32> to vector<1x640xf32>
    %mul3A_251 = vector.broadcast %slice3A_250 : vector<1x640xf32> to vector<64x640xf32>
    %mul3A_252 = arith.mulf %mul3A_251, %slice3A_40 : vector<64x640xf32>
    %add3A_253 = arith.addf %add3A_249, %mul3A_252 : vector<64x640xf32>
    %slice3A_254 = vector.extract_strided_slice %get3A_1 {offsets = [23, 0], sizes = [1, 640], strides = [1, 1]} : vector<40x640xf32> to vector<1x640xf32>
    %mul3A_255 = vector.broadcast %slice3A_254 : vector<1x640xf32> to vector<64x640xf32>
    %mul3A_256 = arith.mulf %mul3A_255, %slice3A_41 : vector<64x640xf32>
    %add3A_257 = arith.addf %add3A_253, %mul3A_256 : vector<64x640xf32>
    %slice3A_258 = vector.extract_strided_slice %get3A_1 {offsets = [24, 0], sizes = [1, 640], strides = [1, 1]} : vector<40x640xf32> to vector<1x640xf32>
    %mul3A_259 = vector.broadcast %slice3A_258 : vector<1x640xf32> to vector<64x640xf32>
    %mul3A_260 = arith.mulf %mul3A_259, %slice3A_37 : vector<64x640xf32>
    %slice3A_261 = vector.extract_strided_slice %get3A_1 {offsets = [25, 0], sizes = [1, 640], strides = [1, 1]} : vector<40x640xf32> to vector<1x640xf32>
    %mul3A_262 = vector.broadcast %slice3A_261 : vector<1x640xf32> to vector<64x640xf32>
    %mul3A_263 = arith.mulf %mul3A_262, %slice3A_38 : vector<64x640xf32>
    %add3A_264 = arith.addf %mul3A_260, %mul3A_263 : vector<64x640xf32>
    %slice3A_265 = vector.extract_strided_slice %get3A_1 {offsets = [26, 0], sizes = [1, 640], strides = [1, 1]} : vector<40x640xf32> to vector<1x640xf32>
    %mul3A_266 = vector.broadcast %slice3A_265 : vector<1x640xf32> to vector<64x640xf32>
    %mul3A_267 = arith.mulf %mul3A_266, %slice3A_39 : vector<64x640xf32>
    %add3A_268 = arith.addf %add3A_264, %mul3A_267 : vector<64x640xf32>
    %slice3A_269 = vector.extract_strided_slice %get3A_1 {offsets = [27, 0], sizes = [1, 640], strides = [1, 1]} : vector<40x640xf32> to vector<1x640xf32>
    %mul3A_270 = vector.broadcast %slice3A_269 : vector<1x640xf32> to vector<64x640xf32>
    %mul3A_271 = arith.mulf %mul3A_270, %slice3A_40 : vector<64x640xf32>
    %add3A_272 = arith.addf %add3A_268, %mul3A_271 : vector<64x640xf32>
    %slice3A_273 = vector.extract_strided_slice %get3A_1 {offsets = [28, 0], sizes = [1, 640], strides = [1, 1]} : vector<40x640xf32> to vector<1x640xf32>
    %mul3A_274 = vector.broadcast %slice3A_273 : vector<1x640xf32> to vector<64x640xf32>
    %mul3A_275 = arith.mulf %mul3A_274, %slice3A_41 : vector<64x640xf32>
    %add3A_276 = arith.addf %add3A_272, %mul3A_275 : vector<64x640xf32>
    %slice3A_277 = vector.extract_strided_slice %get3A_1 {offsets = [29, 0], sizes = [1, 640], strides = [1, 1]} : vector<40x640xf32> to vector<1x640xf32>
    %mul3A_278 = vector.broadcast %slice3A_277 : vector<1x640xf32> to vector<64x640xf32>
    %mul3A_279 = arith.mulf %mul3A_278, %slice3A_37 : vector<64x640xf32>
    %slice3A_280 = vector.extract_strided_slice %get3A_1 {offsets = [30, 0], sizes = [1, 640], strides = [1, 1]} : vector<40x640xf32> to vector<1x640xf32>
    %mul3A_281 = vector.broadcast %slice3A_280 : vector<1x640xf32> to vector<64x640xf32>
    %mul3A_282 = arith.mulf %mul3A_281, %slice3A_38 : vector<64x640xf32>
    %add3A_283 = arith.addf %mul3A_279, %mul3A_282 : vector<64x640xf32>
    %slice3A_284 = vector.extract_strided_slice %get3A_1 {offsets = [31, 0], sizes = [1, 640], strides = [1, 1]} : vector<40x640xf32> to vector<1x640xf32>
    %mul3A_285 = vector.broadcast %slice3A_284 : vector<1x640xf32> to vector<64x640xf32>
    %mul3A_286 = arith.mulf %mul3A_285, %slice3A_39 : vector<64x640xf32>
    %add3A_287 = arith.addf %add3A_283, %mul3A_286 : vector<64x640xf32>
    %slice3A_288 = vector.extract_strided_slice %get3A_1 {offsets = [32, 0], sizes = [1, 640], strides = [1, 1]} : vector<40x640xf32> to vector<1x640xf32>
    %mul3A_289 = vector.broadcast %slice3A_288 : vector<1x640xf32> to vector<64x640xf32>
    %mul3A_290 = arith.mulf %mul3A_289, %slice3A_40 : vector<64x640xf32>
    %add3A_291 = arith.addf %add3A_287, %mul3A_290 : vector<64x640xf32>
    %slice3A_292 = vector.extract_strided_slice %get3A_1 {offsets = [33, 0], sizes = [1, 640], strides = [1, 1]} : vector<40x640xf32> to vector<1x640xf32>
    %mul3A_293 = vector.broadcast %slice3A_292 : vector<1x640xf32> to vector<64x640xf32>
    %mul3A_294 = arith.mulf %mul3A_293, %slice3A_41 : vector<64x640xf32>
    %add3A_295 = arith.addf %add3A_291, %mul3A_294 : vector<64x640xf32>
    %get3A_296 = arith.constant 0 : index
    %get3A_297 = arith.constant 0 : index
    %get3A_298 = vector.load %arg4[%get3A_296, %get3A_297] : memref<128x640xf32, #tpu.memory_space<vmem>>, vector<128x640xf32>
    %concatenate3A_299 = tpu.concatenate %slice3A, %slice3A_33 in 0 : vector<64x640xf32>, vector<64x640xf32> -> vector<128x640xf32>
    %mul3A_300 = arith.mulf %concatenate3A_299, %get3A_298 : vector<128x640xf32>
    %concatenate3A_301 = tpu.concatenate %add3A_50, %add3A_178 in 0 : vector<64x640xf32>, vector<64x640xf32> -> vector<128x640xf32>
    %mul3A_302 = arith.mulf %concatenate3A_301, %get3A_298 : vector<128x640xf32>
    %concatenate3A_303 = tpu.concatenate %add3A_61, %add3A_189 in 0 : vector<64x640xf32>, vector<64x640xf32> -> vector<128x640xf32>
    %mul3A_304 = arith.mulf %concatenate3A_303, %get3A_298 : vector<128x640xf32>
    %concatenate3A_305 = tpu.concatenate %add3A_72, %add3A_200 in 0 : vector<64x640xf32>, vector<64x640xf32> -> vector<128x640xf32>
    %mul3A_306 = arith.mulf %concatenate3A_305, %get3A_298 : vector<128x640xf32>
    %concatenate3A_307 = tpu.concatenate %add3A_91, %add3A_219 in 0 : vector<64x640xf32>, vector<64x640xf32> -> vector<128x640xf32>
    %mul3A_308 = arith.mulf %concatenate3A_307, %get3A_298 : vector<128x640xf32>
    %concatenate3A_309 = tpu.concatenate %add3A_110, %add3A_238 in 0 : vector<64x640xf32>, vector<64x640xf32> -> vector<128x640xf32>
    %mul3A_310 = arith.mulf %concatenate3A_309, %get3A_298 : vector<128x640xf32>
    %concatenate3A_311 = tpu.concatenate %add3A_129, %add3A_257 in 0 : vector<64x640xf32>, vector<64x640xf32> -> vector<128x640xf32>
    %mul3A_312 = arith.mulf %concatenate3A_311, %get3A_298 : vector<128x640xf32>
    %concatenate3A_313 = tpu.concatenate %add3A_148, %add3A_276 in 0 : vector<64x640xf32>, vector<64x640xf32> -> vector<128x640xf32>
    %mul3A_314 = arith.mulf %concatenate3A_313, %get3A_298 : vector<128x640xf32>
    %concatenate3A_315 = tpu.concatenate %add3A_167, %add3A_295 in 0 : vector<64x640xf32>, vector<64x640xf32> -> vector<128x640xf32>
    %mul3A_316 = arith.mulf %concatenate3A_315, %get3A_298 : vector<128x640xf32>
    %concatenate3A_317 = tpu.concatenate %mul3A_300, %mul3A_302, %mul3A_304, %mul3A_306, %mul3A_308, %mul3A_310, %mul3A_312, %mul3A_314, %mul3A_316 in 1 : vector<128x640xf32>, vector<128x640xf32>, vector<128x640xf32>, vector<128x640xf32>, vector<128x640xf32>, vector<128x640xf32>, vector<128x640xf32>, vector<128x640xf32>, vector<128x640xf32> -> vector<128x5760xf32>
    %get3A_318 = arith.constant 0 : index
    %get3A_319 = arith.constant 0 : index
    %get3A_320 = vector.load %arg5[%get3A_318, %get3A_319] : memref<64x128xf32, #tpu.memory_space<vmem>>, vector<64x128xf32>
    %dot_general3A = arith.constant dense<0.000000e+00> : vector<64x5760xf32>
    %dot_general3A_321 = tpu.matmul %get3A_320, %concatenate3A_317, %dot_general3A {dimension_numbers = #tpu.dot_dimension_numbers<[1], [0], [0], [1], [0, 0, 1, 1], [], []>, transpose_lhs_hint = false} : vector<64x128xf32>, vector<128x5760xf32>, vector<64x5760xf32> -> vector<64x5760xf32>
    %slice3A_322 = vector.extract_strided_slice %dot_general3A_321 {offsets = [0, 0], sizes = [64, 640], strides = [1, 1]} : vector<64x5760xf32> to vector<64x640xf32>
    %get3A_323 = arith.constant 0 : index
    %get3A_324 = arith.constant 0 : index
    %get3A_325 = vector.load %arg6[%get3A_323, %get3A_324] : memref<64x64xf32, #tpu.memory_space<vmem>>, vector<64x64xf32>
    %dot_general3A_326 = arith.constant dense<0.000000e+00> : vector<64x640xf32>
    %dot_general3A_327 = tpu.matmul %get3A_325, %slice3A_322, %dot_general3A_326 {dimension_numbers = #tpu.dot_dimension_numbers<[1], [0], [0], [1], [0, 0, 1, 1], [], []>, transpose_lhs_hint = false} : vector<64x64xf32>, vector<64x640xf32>, vector<64x640xf32> -> vector<64x640xf32>
    %logistic3A = arith.negf %dot_general3A_327 : vector<64x640xf32>
    %logistic3A_328 = math.exp %logistic3A : vector<64x640xf32>
    %logistic3A_329 = arith.constant 1.000000e+00 : f32
    %logistic3A_330 = vector.broadcast %logistic3A_329 : f32 to vector<64x640xf32>
    %logistic3A_331 = arith.addf %logistic3A_330, %logistic3A_328 : vector<64x640xf32>
    %logistic3A_332 = arith.divf %logistic3A_330, %logistic3A_331 : vector<64x640xf32>
    %logistic3A_333 = arith.negf %slice3A_322 : vector<64x640xf32>
    %logistic3A_334 = math.exp %logistic3A_333 : vector<64x640xf32>
    %logistic3A_335 = arith.constant 1.000000e+00 : f32
    %logistic3A_336 = vector.broadcast %logistic3A_335 : f32 to vector<64x640xf32>
    %logistic3A_337 = arith.addf %logistic3A_336, %logistic3A_334 : vector<64x640xf32>
    %logistic3A_338 = arith.divf %logistic3A_336, %logistic3A_337 : vector<64x640xf32>
    %mul3A_339 = arith.mulf %slice3A_322, %logistic3A_338 : vector<64x640xf32>
    %slice3A_340 = vector.extract_strided_slice %dot_general3A_321 {offsets = [0, 640], sizes = [64, 5120], strides = [1, 1]} : vector<64x5760xf32> to vector<64x5120xf32>
    %tile3A = tpu.concatenate %logistic3A_332, %logistic3A_332, %logistic3A_332, %logistic3A_332, %logistic3A_332, %logistic3A_332, %logistic3A_332, %logistic3A_332 in 1 : vector<64x640xf32>, vector<64x640xf32>, vector<64x640xf32>, vector<64x640xf32>, vector<64x640xf32>, vector<64x640xf32>, vector<64x640xf32>, vector<64x640xf32> -> vector<64x5120xf32>
    %mul3A_341 = arith.mulf %slice3A_340, %tile3A : vector<64x5120xf32>
    %concatenate3A_342 = tpu.concatenate %mul3A_339, %mul3A_341 in 1 : vector<64x640xf32>, vector<64x5120xf32> -> vector<64x5760xf32>
    %get3A_343 = arith.constant 0 : index
    %get3A_344 = arith.constant 0 : index
    %get3A_345 = vector.load %arg7[%get3A_343, %get3A_344] : memref<64x64xf32, #tpu.memory_space<vmem>>, vector<64x64xf32>
    %dot_general3A_346 = arith.constant dense<0.000000e+00> : vector<64x5760xf32>
    %dot_general3A_347 = tpu.matmul %get3A_345, %concatenate3A_342, %dot_general3A_346 {dimension_numbers = #tpu.dot_dimension_numbers<[1], [0], [0], [1], [0, 0, 1, 1], [], []>, transpose_lhs_hint = false} : vector<64x64xf32>, vector<64x5760xf32>, vector<64x5760xf32> -> vector<64x5760xf32>
    %slice3A_348 = vector.extract_strided_slice %dot_general3A_347 {offsets = [0, 0], sizes = [64, 640], strides = [1, 1]} : vector<64x5760xf32> to vector<64x640xf32>
    %slice3A_349 = vector.extract_strided_slice %dot_general3A_347 {offsets = [0, 640], sizes = [64, 640], strides = [1, 1]} : vector<64x5760xf32> to vector<64x640xf32>
    %slice3A_350 = vector.extract_strided_slice %dot_general3A_347 {offsets = [0, 1280], sizes = [64, 640], strides = [1, 1]} : vector<64x5760xf32> to vector<64x640xf32>
    %slice3A_351 = vector.extract_strided_slice %dot_general3A_347 {offsets = [0, 1920], sizes = [64, 640], strides = [1, 1]} : vector<64x5760xf32> to vector<64x640xf32>
    %slice3A_352 = vector.extract_strided_slice %dot_general3A_347 {offsets = [0, 2560], sizes = [64, 640], strides = [1, 1]} : vector<64x5760xf32> to vector<64x640xf32>
    %slice3A_353 = vector.extract_strided_slice %dot_general3A_347 {offsets = [0, 3200], sizes = [64, 640], strides = [1, 1]} : vector<64x5760xf32> to vector<64x640xf32>
    %slice3A_354 = vector.extract_strided_slice %dot_general3A_347 {offsets = [0, 3840], sizes = [64, 640], strides = [1, 1]} : vector<64x5760xf32> to vector<64x640xf32>
    %slice3A_355 = vector.extract_strided_slice %dot_general3A_347 {offsets = [0, 4480], sizes = [64, 640], strides = [1, 1]} : vector<64x5760xf32> to vector<64x640xf32>
    %slice3A_356 = vector.extract_strided_slice %dot_general3A_347 {offsets = [0, 5120], sizes = [64, 640], strides = [1, 1]} : vector<64x5760xf32> to vector<64x640xf32>
    %slice3A_357 = vector.extract_strided_slice %get3A_1 {offsets = [0, 0], sizes = [1, 640], strides = [1, 1]} : vector<40x640xf32> to vector<1x640xf32>
    %mul3A_358 = vector.broadcast %slice3A_357 : vector<1x640xf32> to vector<64x640xf32>
    %mul3A_359 = arith.mulf %mul3A_358, %slice3A_349 : vector<64x640xf32>
    %slice3A_360 = vector.extract_strided_slice %get3A_1 {offsets = [3, 0], sizes = [1, 640], strides = [1, 1]} : vector<40x640xf32> to vector<1x640xf32>
    %mul3A_361 = vector.broadcast %slice3A_360 : vector<1x640xf32> to vector<64x640xf32>
    %mul3A_362 = arith.mulf %mul3A_361, %slice3A_350 : vector<64x640xf32>
    %add3A_363 = arith.addf %mul3A_359, %mul3A_362 : vector<64x640xf32>
    %slice3A_364 = vector.extract_strided_slice %get3A_1 {offsets = [6, 0], sizes = [1, 640], strides = [1, 1]} : vector<40x640xf32> to vector<1x640xf32>
    %mul3A_365 = vector.broadcast %slice3A_364 : vector<1x640xf32> to vector<64x640xf32>
    %mul3A_366 = arith.mulf %mul3A_365, %slice3A_351 : vector<64x640xf32>
    %add3A_367 = arith.addf %add3A_363, %mul3A_366 : vector<64x640xf32>
    %slice3A_368 = vector.extract_strided_slice %get3A_1 {offsets = [1, 0], sizes = [1, 640], strides = [1, 1]} : vector<40x640xf32> to vector<1x640xf32>
    %mul3A_369 = vector.broadcast %slice3A_368 : vector<1x640xf32> to vector<64x640xf32>
    %mul3A_370 = arith.mulf %mul3A_369, %slice3A_349 : vector<64x640xf32>
    %slice3A_371 = vector.extract_strided_slice %get3A_1 {offsets = [4, 0], sizes = [1, 640], strides = [1, 1]} : vector<40x640xf32> to vector<1x640xf32>
    %mul3A_372 = vector.broadcast %slice3A_371 : vector<1x640xf32> to vector<64x640xf32>
    %mul3A_373 = arith.mulf %mul3A_372, %slice3A_350 : vector<64x640xf32>
    %add3A_374 = arith.addf %mul3A_370, %mul3A_373 : vector<64x640xf32>
    %slice3A_375 = vector.extract_strided_slice %get3A_1 {offsets = [7, 0], sizes = [1, 640], strides = [1, 1]} : vector<40x640xf32> to vector<1x640xf32>
    %mul3A_376 = vector.broadcast %slice3A_375 : vector<1x640xf32> to vector<64x640xf32>
    %mul3A_377 = arith.mulf %mul3A_376, %slice3A_351 : vector<64x640xf32>
    %add3A_378 = arith.addf %add3A_374, %mul3A_377 : vector<64x640xf32>
    %slice3A_379 = vector.extract_strided_slice %get3A_1 {offsets = [2, 0], sizes = [1, 640], strides = [1, 1]} : vector<40x640xf32> to vector<1x640xf32>
    %mul3A_380 = vector.broadcast %slice3A_379 : vector<1x640xf32> to vector<64x640xf32>
    %mul3A_381 = arith.mulf %mul3A_380, %slice3A_349 : vector<64x640xf32>
    %slice3A_382 = vector.extract_strided_slice %get3A_1 {offsets = [5, 0], sizes = [1, 640], strides = [1, 1]} : vector<40x640xf32> to vector<1x640xf32>
    %mul3A_383 = vector.broadcast %slice3A_382 : vector<1x640xf32> to vector<64x640xf32>
    %mul3A_384 = arith.mulf %mul3A_383, %slice3A_350 : vector<64x640xf32>
    %add3A_385 = arith.addf %mul3A_381, %mul3A_384 : vector<64x640xf32>
    %slice3A_386 = vector.extract_strided_slice %get3A_1 {offsets = [8, 0], sizes = [1, 640], strides = [1, 1]} : vector<40x640xf32> to vector<1x640xf32>
    %mul3A_387 = vector.broadcast %slice3A_386 : vector<1x640xf32> to vector<64x640xf32>
    %mul3A_388 = arith.mulf %mul3A_387, %slice3A_351 : vector<64x640xf32>
    %add3A_389 = arith.addf %add3A_385, %mul3A_388 : vector<64x640xf32>
    %slice3A_390 = vector.extract_strided_slice %get3A_1 {offsets = [9, 0], sizes = [1, 640], strides = [1, 1]} : vector<40x640xf32> to vector<1x640xf32>
    %mul3A_391 = vector.broadcast %slice3A_390 : vector<1x640xf32> to vector<64x640xf32>
    %mul3A_392 = arith.mulf %mul3A_391, %slice3A_352 : vector<64x640xf32>
    %slice3A_393 = vector.extract_strided_slice %get3A_1 {offsets = [14, 0], sizes = [1, 640], strides = [1, 1]} : vector<40x640xf32> to vector<1x640xf32>
    %mul3A_394 = vector.broadcast %slice3A_393 : vector<1x640xf32> to vector<64x640xf32>
    %mul3A_395 = arith.mulf %mul3A_394, %slice3A_353 : vector<64x640xf32>
    %add3A_396 = arith.addf %mul3A_392, %mul3A_395 : vector<64x640xf32>
    %slice3A_397 = vector.extract_strided_slice %get3A_1 {offsets = [19, 0], sizes = [1, 640], strides = [1, 1]} : vector<40x640xf32> to vector<1x640xf32>
    %mul3A_398 = vector.broadcast %slice3A_397 : vector<1x640xf32> to vector<64x640xf32>
    %mul3A_399 = arith.mulf %mul3A_398, %slice3A_354 : vector<64x640xf32>
    %add3A_400 = arith.addf %add3A_396, %mul3A_399 : vector<64x640xf32>
    %slice3A_401 = vector.extract_strided_slice %get3A_1 {offsets = [24, 0], sizes = [1, 640], strides = [1, 1]} : vector<40x640xf32> to vector<1x640xf32>
    %mul3A_402 = vector.broadcast %slice3A_401 : vector<1x640xf32> to vector<64x640xf32>
    %mul3A_403 = arith.mulf %mul3A_402, %slice3A_355 : vector<64x640xf32>
    %add3A_404 = arith.addf %add3A_400, %mul3A_403 : vector<64x640xf32>
    %slice3A_405 = vector.extract_strided_slice %get3A_1 {offsets = [29, 0], sizes = [1, 640], strides = [1, 1]} : vector<40x640xf32> to vector<1x640xf32>
    %mul3A_406 = vector.broadcast %slice3A_405 : vector<1x640xf32> to vector<64x640xf32>
    %mul3A_407 = arith.mulf %mul3A_406, %slice3A_356 : vector<64x640xf32>
    %add3A_408 = arith.addf %add3A_404, %mul3A_407 : vector<64x640xf32>
    %slice3A_409 = vector.extract_strided_slice %get3A_1 {offsets = [10, 0], sizes = [1, 640], strides = [1, 1]} : vector<40x640xf32> to vector<1x640xf32>
    %mul3A_410 = vector.broadcast %slice3A_409 : vector<1x640xf32> to vector<64x640xf32>
    %mul3A_411 = arith.mulf %mul3A_410, %slice3A_352 : vector<64x640xf32>
    %slice3A_412 = vector.extract_strided_slice %get3A_1 {offsets = [15, 0], sizes = [1, 640], strides = [1, 1]} : vector<40x640xf32> to vector<1x640xf32>
    %mul3A_413 = vector.broadcast %slice3A_412 : vector<1x640xf32> to vector<64x640xf32>
    %mul3A_414 = arith.mulf %mul3A_413, %slice3A_353 : vector<64x640xf32>
    %add3A_415 = arith.addf %mul3A_411, %mul3A_414 : vector<64x640xf32>
    %slice3A_416 = vector.extract_strided_slice %get3A_1 {offsets = [20, 0], sizes = [1, 640], strides = [1, 1]} : vector<40x640xf32> to vector<1x640xf32>
    %mul3A_417 = vector.broadcast %slice3A_416 : vector<1x640xf32> to vector<64x640xf32>
    %mul3A_418 = arith.mulf %mul3A_417, %slice3A_354 : vector<64x640xf32>
    %add3A_419 = arith.addf %add3A_415, %mul3A_418 : vector<64x640xf32>
    %slice3A_420 = vector.extract_strided_slice %get3A_1 {offsets = [25, 0], sizes = [1, 640], strides = [1, 1]} : vector<40x640xf32> to vector<1x640xf32>
    %mul3A_421 = vector.broadcast %slice3A_420 : vector<1x640xf32> to vector<64x640xf32>
    %mul3A_422 = arith.mulf %mul3A_421, %slice3A_355 : vector<64x640xf32>
    %add3A_423 = arith.addf %add3A_419, %mul3A_422 : vector<64x640xf32>
    %slice3A_424 = vector.extract_strided_slice %get3A_1 {offsets = [30, 0], sizes = [1, 640], strides = [1, 1]} : vector<40x640xf32> to vector<1x640xf32>
    %mul3A_425 = vector.broadcast %slice3A_424 : vector<1x640xf32> to vector<64x640xf32>
    %mul3A_426 = arith.mulf %mul3A_425, %slice3A_356 : vector<64x640xf32>
    %add3A_427 = arith.addf %add3A_423, %mul3A_426 : vector<64x640xf32>
    %slice3A_428 = vector.extract_strided_slice %get3A_1 {offsets = [11, 0], sizes = [1, 640], strides = [1, 1]} : vector<40x640xf32> to vector<1x640xf32>
    %mul3A_429 = vector.broadcast %slice3A_428 : vector<1x640xf32> to vector<64x640xf32>
    %mul3A_430 = arith.mulf %mul3A_429, %slice3A_352 : vector<64x640xf32>
    %slice3A_431 = vector.extract_strided_slice %get3A_1 {offsets = [16, 0], sizes = [1, 640], strides = [1, 1]} : vector<40x640xf32> to vector<1x640xf32>
    %mul3A_432 = vector.broadcast %slice3A_431 : vector<1x640xf32> to vector<64x640xf32>
    %mul3A_433 = arith.mulf %mul3A_432, %slice3A_353 : vector<64x640xf32>
    %add3A_434 = arith.addf %mul3A_430, %mul3A_433 : vector<64x640xf32>
    %slice3A_435 = vector.extract_strided_slice %get3A_1 {offsets = [21, 0], sizes = [1, 640], strides = [1, 1]} : vector<40x640xf32> to vector<1x640xf32>
    %mul3A_436 = vector.broadcast %slice3A_435 : vector<1x640xf32> to vector<64x640xf32>
    %mul3A_437 = arith.mulf %mul3A_436, %slice3A_354 : vector<64x640xf32>
    %add3A_438 = arith.addf %add3A_434, %mul3A_437 : vector<64x640xf32>
    %slice3A_439 = vector.extract_strided_slice %get3A_1 {offsets = [26, 0], sizes = [1, 640], strides = [1, 1]} : vector<40x640xf32> to vector<1x640xf32>
    %mul3A_440 = vector.broadcast %slice3A_439 : vector<1x640xf32> to vector<64x640xf32>
    %mul3A_441 = arith.mulf %mul3A_440, %slice3A_355 : vector<64x640xf32>
    %add3A_442 = arith.addf %add3A_438, %mul3A_441 : vector<64x640xf32>
    %slice3A_443 = vector.extract_strided_slice %get3A_1 {offsets = [31, 0], sizes = [1, 640], strides = [1, 1]} : vector<40x640xf32> to vector<1x640xf32>
    %mul3A_444 = vector.broadcast %slice3A_443 : vector<1x640xf32> to vector<64x640xf32>
    %mul3A_445 = arith.mulf %mul3A_444, %slice3A_356 : vector<64x640xf32>
    %add3A_446 = arith.addf %add3A_442, %mul3A_445 : vector<64x640xf32>
    %slice3A_447 = vector.extract_strided_slice %get3A_1 {offsets = [12, 0], sizes = [1, 640], strides = [1, 1]} : vector<40x640xf32> to vector<1x640xf32>
    %mul3A_448 = vector.broadcast %slice3A_447 : vector<1x640xf32> to vector<64x640xf32>
    %mul3A_449 = arith.mulf %mul3A_448, %slice3A_352 : vector<64x640xf32>
    %slice3A_450 = vector.extract_strided_slice %get3A_1 {offsets = [17, 0], sizes = [1, 640], strides = [1, 1]} : vector<40x640xf32> to vector<1x640xf32>
    %mul3A_451 = vector.broadcast %slice3A_450 : vector<1x640xf32> to vector<64x640xf32>
    %mul3A_452 = arith.mulf %mul3A_451, %slice3A_353 : vector<64x640xf32>
    %add3A_453 = arith.addf %mul3A_449, %mul3A_452 : vector<64x640xf32>
    %slice3A_454 = vector.extract_strided_slice %get3A_1 {offsets = [22, 0], sizes = [1, 640], strides = [1, 1]} : vector<40x640xf32> to vector<1x640xf32>
    %mul3A_455 = vector.broadcast %slice3A_454 : vector<1x640xf32> to vector<64x640xf32>
    %mul3A_456 = arith.mulf %mul3A_455, %slice3A_354 : vector<64x640xf32>
    %add3A_457 = arith.addf %add3A_453, %mul3A_456 : vector<64x640xf32>
    %slice3A_458 = vector.extract_strided_slice %get3A_1 {offsets = [27, 0], sizes = [1, 640], strides = [1, 1]} : vector<40x640xf32> to vector<1x640xf32>
    %mul3A_459 = vector.broadcast %slice3A_458 : vector<1x640xf32> to vector<64x640xf32>
    %mul3A_460 = arith.mulf %mul3A_459, %slice3A_355 : vector<64x640xf32>
    %add3A_461 = arith.addf %add3A_457, %mul3A_460 : vector<64x640xf32>
    %slice3A_462 = vector.extract_strided_slice %get3A_1 {offsets = [32, 0], sizes = [1, 640], strides = [1, 1]} : vector<40x640xf32> to vector<1x640xf32>
    %mul3A_463 = vector.broadcast %slice3A_462 : vector<1x640xf32> to vector<64x640xf32>
    %mul3A_464 = arith.mulf %mul3A_463, %slice3A_356 : vector<64x640xf32>
    %add3A_465 = arith.addf %add3A_461, %mul3A_464 : vector<64x640xf32>
    %slice3A_466 = vector.extract_strided_slice %get3A_1 {offsets = [13, 0], sizes = [1, 640], strides = [1, 1]} : vector<40x640xf32> to vector<1x640xf32>
    %mul3A_467 = vector.broadcast %slice3A_466 : vector<1x640xf32> to vector<64x640xf32>
    %mul3A_468 = arith.mulf %mul3A_467, %slice3A_352 : vector<64x640xf32>
    %slice3A_469 = vector.extract_strided_slice %get3A_1 {offsets = [18, 0], sizes = [1, 640], strides = [1, 1]} : vector<40x640xf32> to vector<1x640xf32>
    %mul3A_470 = vector.broadcast %slice3A_469 : vector<1x640xf32> to vector<64x640xf32>
    %mul3A_471 = arith.mulf %mul3A_470, %slice3A_353 : vector<64x640xf32>
    %add3A_472 = arith.addf %mul3A_468, %mul3A_471 : vector<64x640xf32>
    %slice3A_473 = vector.extract_strided_slice %get3A_1 {offsets = [23, 0], sizes = [1, 640], strides = [1, 1]} : vector<40x640xf32> to vector<1x640xf32>
    %mul3A_474 = vector.broadcast %slice3A_473 : vector<1x640xf32> to vector<64x640xf32>
    %mul3A_475 = arith.mulf %mul3A_474, %slice3A_354 : vector<64x640xf32>
    %add3A_476 = arith.addf %add3A_472, %mul3A_475 : vector<64x640xf32>
    %slice3A_477 = vector.extract_strided_slice %get3A_1 {offsets = [28, 0], sizes = [1, 640], strides = [1, 1]} : vector<40x640xf32> to vector<1x640xf32>
    %mul3A_478 = vector.broadcast %slice3A_477 : vector<1x640xf32> to vector<64x640xf32>
    %mul3A_479 = arith.mulf %mul3A_478, %slice3A_355 : vector<64x640xf32>
    %add3A_480 = arith.addf %add3A_476, %mul3A_479 : vector<64x640xf32>
    %slice3A_481 = vector.extract_strided_slice %get3A_1 {offsets = [33, 0], sizes = [1, 640], strides = [1, 1]} : vector<40x640xf32> to vector<1x640xf32>
    %mul3A_482 = vector.broadcast %slice3A_481 : vector<1x640xf32> to vector<64x640xf32>
    %mul3A_483 = arith.mulf %mul3A_482, %slice3A_356 : vector<64x640xf32>
    %add3A_484 = arith.addf %add3A_480, %mul3A_483 : vector<64x640xf32>
    %slice3A_485 = vector.extract_strided_slice %get3A_1 {offsets = [34, 0], sizes = [1, 640], strides = [1, 1]} : vector<40x640xf32> to vector<1x640xf32>
    %mul3A_486 = vector.broadcast %slice3A_485 : vector<1x640xf32> to vector<64x640xf32>
    %mul3A_487 = arith.mulf %slice3A_348, %mul3A_486 : vector<64x640xf32>
    %mul3A_488 = vector.broadcast %slice3A_485 : vector<1x640xf32> to vector<64x640xf32>
    %mul3A_489 = arith.mulf %add3A_367, %mul3A_488 : vector<64x640xf32>
    %mul3A_490 = vector.broadcast %slice3A_485 : vector<1x640xf32> to vector<64x640xf32>
    %mul3A_491 = arith.mulf %add3A_378, %mul3A_490 : vector<64x640xf32>
    %mul3A_492 = vector.broadcast %slice3A_485 : vector<1x640xf32> to vector<64x640xf32>
    %mul3A_493 = arith.mulf %add3A_389, %mul3A_492 : vector<64x640xf32>
    %mul3A_494 = vector.broadcast %slice3A_485 : vector<1x640xf32> to vector<64x640xf32>
    %mul3A_495 = arith.mulf %add3A_408, %mul3A_494 : vector<64x640xf32>
    %mul3A_496 = vector.broadcast %slice3A_485 : vector<1x640xf32> to vector<64x640xf32>
    %mul3A_497 = arith.mulf %add3A_427, %mul3A_496 : vector<64x640xf32>
    %mul3A_498 = vector.broadcast %slice3A_485 : vector<1x640xf32> to vector<64x640xf32>
    %mul3A_499 = arith.mulf %add3A_446, %mul3A_498 : vector<64x640xf32>
    %mul3A_500 = vector.broadcast %slice3A_485 : vector<1x640xf32> to vector<64x640xf32>
    %mul3A_501 = arith.mulf %add3A_465, %mul3A_500 : vector<64x640xf32>
    %mul3A_502 = vector.broadcast %slice3A_485 : vector<1x640xf32> to vector<64x640xf32>
    %mul3A_503 = arith.mulf %add3A_484, %mul3A_502 : vector<64x640xf32>
    %concatenate3A_504 = tpu.concatenate %mul3A_487, %mul3A_489, %mul3A_491, %mul3A_493, %mul3A_495, %mul3A_497, %mul3A_499, %mul3A_501, %mul3A_503 in 0 : vector<64x640xf32>, vector<64x640xf32>, vector<64x640xf32>, vector<64x640xf32>, vector<64x640xf32>, vector<64x640xf32>, vector<64x640xf32>, vector<64x640xf32>, vector<64x640xf32> -> vector<576x640xf32>
    %transpose3A_505 = tpu.transpose %concatenate3A_504, [1, 0] : vector<576x640xf32> -> vector<640x576xf32>
    %broadcast_in_dim3A = arith.constant 0.000000e+00 : f32
    %broadcast_in_dim3A_506 = vector.broadcast %broadcast_in_dim3A : f32 to vector<640x64xf32>
    %concatenate3A_507 = tpu.concatenate %transpose3A_505, %broadcast_in_dim3A_506 in 1 : vector<640x576xf32>, vector<640x64xf32> -> vector<640x640xf32>
    %swap3A = arith.constant 0 : index
    %swap3A_508 = arith.constant 0 : index
    %swap3A_509 = vector.load %arg8[%swap3A, %swap3A_508] : memref<640x640xf32, #tpu.memory_space<vmem>>, vector<640x640xf32>
    tpu.vector_store %arg8[%swap3A, %swap3A_508], %concatenate3A_507 {strides = array<i32>} : memref<640x640xf32, #tpu.memory_space<vmem>>, vector<640x640xf32>,
    return
  }
  func.func @transform_0(%arg0: i32) -> (i32, i32) {
    %c0_i32 = arith.constant 0 : i32
    %c0_i32_0 = arith.constant 0 : i32
    return %arg0, %c0_i32 : i32, i32
  }
  func.func @transform_1(%arg0: i32) -> (i32, i32) {
    %c0_i32 = arith.constant 0 : i32
    %c0_i32_0 = arith.constant 0 : i32
    return %arg0, %c0_i32 : i32, i32
  }
  func.func @transform_2(%arg0: i32) -> (i32, i32) {
    %c0_i32 = arith.constant 0 : i32
    %c0_i32_0 = arith.constant 0 : i32
    return %c0_i32, %arg0 : i32, i32
  }
  func.func @transform_3(%arg0: i32) -> (i32, i32) {
    %c0_i32 = arith.constant 0 : i32
    %c0_i32_0 = arith.constant 0 : i32
    return %c0_i32, %arg0 : i32, i32
  }
  func.func @transform_4(%arg0: i32) -> (i32, i32) {
    %c0_i32 = arith.constant 0 : i32
    %c0_i32_0 = arith.constant 0 : i32
    %c0_i32_1 = arith.constant 0 : i32
    return %c0_i32, %c0_i32_0 : i32, i32
  }
  func.func @transform_5(%arg0: i32) -> (i32, i32) {
    %c0_i32 = arith.constant 0 : i32
    %c0_i32_0 = arith.constant 0 : i32
    %c0_i32_1 = arith.constant 0 : i32
    return %c0_i32, %c0_i32_0 : i32, i32
  }
  func.func @transform_6(%arg0: i32) -> (i32, i32) {
    %c0_i32 = arith.constant 0 : i32
    %c0_i32_0 = arith.constant 0 : i32
    %c0_i32_1 = arith.constant 0 : i32
    return %c0_i32, %c0_i32_0 : i32, i32
  }
  func.func @transform_7(%arg0: i32) -> (i32, i32) {
    %c0_i32 = arith.constant 0 : i32
    %c0_i32_0 = arith.constant 0 : i32
    return %arg0, %c0_i32 : i32, i32
  }
}

module attributes {stable_mosaic.version = 14 : i64} {
  func.func @_node_d_kernel(%arg0: i32, %arg1: memref<1000x576xf32, #tpu.memory_space<vmem>>, %arg2: memref<1000x640xf32, #tpu.memory_space<vmem>>, %arg3: memref<3x64xf32, #tpu.memory_space<vmem>>, %arg4: memref<1x64xf32, #tpu.memory_space<vmem>>, %arg5: memref<64x64xf32, #tpu.memory_space<vmem>>, %arg6: memref<1x64xf32, #tpu.memory_space<vmem>>, %arg7: memref<64x64xf32, #tpu.memory_space<vmem>>, %arg8: memref<64x64xf32, #tpu.memory_space<vmem>>, %arg9: memref<1x64xf32, #tpu.memory_space<vmem>>, %arg10: memref<3x64xf32, #tpu.memory_space<vmem>>, %arg11: memref<1x64xf32, #tpu.memory_space<vmem>>, %arg12: memref<1000x576xf32, #tpu.memory_space<vmem>>) attributes {dimension_semantics = [#tpu.dimension_semantics<arbitrary>], iteration_bounds = array<i64: 10>, scalar_prefetch = 0 : i64, scratch_operands = 0 : i64, tpu.core_type = #tpu.core_type<tc>, window_params = [{transform_indices = @transform_0, window_bounds = array<i64: 1000, 576>}, {transform_indices = @transform_1, window_bounds = array<i64: 1000, 640>}, {pipeline_mode = #tpu.pipeline_mode<synchronous>, transform_indices = @transform_2, window_bounds = array<i64: 3, 64>}, {pipeline_mode = #tpu.pipeline_mode<synchronous>, transform_indices = @transform_3, window_bounds = array<i64: 1, 64>}, {pipeline_mode = #tpu.pipeline_mode<synchronous>, transform_indices = @transform_4, window_bounds = array<i64: 64, 64>}, {pipeline_mode = #tpu.pipeline_mode<synchronous>, transform_indices = @transform_5, window_bounds = array<i64: 1, 64>}, {pipeline_mode = #tpu.pipeline_mode<synchronous>, transform_indices = @transform_6, window_bounds = array<i64: 64, 64>}, {pipeline_mode = #tpu.pipeline_mode<synchronous>, transform_indices = @transform_7, window_bounds = array<i64: 64, 64>}, {pipeline_mode = #tpu.pipeline_mode<synchronous>, transform_indices = @transform_8, window_bounds = array<i64: 1, 64>}, {pipeline_mode = #tpu.pipeline_mode<synchronous>, transform_indices = @transform_9, window_bounds = array<i64: 3, 64>}, {pipeline_mode = #tpu.pipeline_mode<synchronous>, transform_indices = @transform_10, window_bounds = array<i64: 1, 64>}, {transform_indices = @transform_11, window_bounds = array<i64: 1000, 576>}]} {
    %get3A = arith.constant 0 : index
    %get3A_0 = arith.constant 0 : index
    %get3A_1 = vector.load %arg1[%get3A, %get3A_0] : memref<1000x576xf32, #tpu.memory_space<vmem>>, vector<1000x576xf32>
    %get3A_2 = arith.constant 0 : index
    %get3A_3 = arith.constant 0 : index
    %get3A_4 = vector.load %arg2[%get3A_2, %get3A_3] : memref<1000x640xf32, #tpu.memory_space<vmem>>, vector<1000x576xf32>
    %add3A = arith.addf %get3A_1, %get3A_4 : vector<1000x576xf32>
    %slice3A = vector.extract_strided_slice %add3A {offsets = [0, 0], sizes = [1000, 64], strides = [1, 1]} : vector<1000x576xf32> to vector<1000x64xf32>
    %reduce_sum3A = arith.constant dense<0.000000e+00> : vector<1000xf32>
    %reduce_sum3A_5 = vector.multi_reduction <add>, %slice3A, %reduce_sum3A [1] : vector<1000x64xf32> to vector<1000xf32>
    %broadcast_in_dim3A = vector.shape_cast %reduce_sum3A_5 : vector<1000xf32> to vector<1000x1xf32>
    %div3A = arith.constant 6.400000e+01 : f32
    %div3A_6 = vector.broadcast %div3A : f32 to vector<1000x1xf32>
    %div3A_7 = arith.divf %broadcast_in_dim3A, %div3A_6 : vector<1000x1xf32>
    %sub3A = vector.broadcast %div3A_7 : vector<1000x1xf32> to vector<1000x64xf32>
    %sub3A_8 = arith.subf %slice3A, %sub3A : vector<1000x64xf32>
    %integer_pow3A = arith.mulf %sub3A_8, %sub3A_8 : vector<1000x64xf32>
    %reduce_sum3A_9 = arith.constant dense<0.000000e+00> : vector<1000xf32>
    %reduce_sum3A_10 = vector.multi_reduction <add>, %integer_pow3A, %reduce_sum3A_9 [1] : vector<1000x64xf32> to vector<1000xf32>
    %broadcast_in_dim3A_11 = vector.shape_cast %reduce_sum3A_10 : vector<1000xf32> to vector<1000x1xf32>
    %div3A_12 = arith.constant 6.400000e+01 : f32
    %div3A_13 = vector.broadcast %div3A_12 : f32 to vector<1000x1xf32>
    %div3A_14 = arith.divf %broadcast_in_dim3A_11, %div3A_13 : vector<1000x1xf32>
    %sub3A_15 = vector.broadcast %div3A_7 : vector<1000x1xf32> to vector<1000x64xf32>
    %sub3A_16 = arith.subf %slice3A, %sub3A_15 : vector<1000x64xf32>
    %add3A_17 = arith.constant 9.99999974E-6 : f32
    %add3A_18 = vector.broadcast %add3A_17 : f32 to vector<1000x1xf32>
    %add3A_19 = arith.addf %div3A_14, %add3A_18 : vector<1000x1xf32>
    %rsqrt3A = math.rsqrt %add3A_19 : vector<1000x1xf32>
    %mul3A = vector.broadcast %rsqrt3A : vector<1000x1xf32> to vector<1000x64xf32>
    %mul3A_20 = arith.mulf %sub3A_16, %mul3A : vector<1000x64xf32>
    %get3A_21 = arith.constant 0 : index
    %get3A_22 = arith.constant 0 : index
    %get3A_23 = vector.load %arg3[%get3A_21, %get3A_22] : memref<3x64xf32, #tpu.memory_space<vmem>>, vector<1x64xf32>
    %mul3A_24 = vector.broadcast %get3A_23 : vector<1x64xf32> to vector<1000x64xf32>
    %mul3A_25 = arith.mulf %mul3A_20, %mul3A_24 : vector<1000x64xf32>
    %get3A_26 = arith.constant 0 : index
    %get3A_27 = arith.constant 0 : index
    %get3A_28 = vector.load %arg4[%get3A_26, %get3A_27] : memref<1x64xf32, #tpu.memory_space<vmem>>, vector<1x64xf32>
    %add3A_29 = vector.broadcast %get3A_28 : vector<1x64xf32> to vector<1000x64xf32>
    %add3A_30 = arith.addf %mul3A_25, %add3A_29 : vector<1000x64xf32>
    %slice3A_31 = vector.extract_strided_slice %add3A {offsets = [0, 64], sizes = [1000, 192], strides = [1, 1]} : vector<1000x576xf32> to vector<1000x192xf32>
    %mul3A_32 = arith.mulf %slice3A_31, %slice3A_31 : vector<1000x192xf32>
    %reduce_sum3A_33 = arith.constant dense<0.000000e+00> : vector<1000xf32>
    %reduce_sum3A_34 = vector.multi_reduction <add>, %mul3A_32, %reduce_sum3A_33 [1] : vector<1000x192xf32> to vector<1000xf32>
    %broadcast_in_dim3A_35 = vector.shape_cast %reduce_sum3A_34 : vector<1000xf32> to vector<1000x1xf32>
    %div3A_36 = arith.constant 1.920000e+02 : f32
    %div3A_37 = vector.broadcast %div3A_36 : f32 to vector<1000x1xf32>
    %div3A_38 = arith.divf %broadcast_in_dim3A_35, %div3A_37 : vector<1000x1xf32>
    %add3A_39 = arith.constant 9.99999974E-6 : f32
    %add3A_40 = vector.broadcast %add3A_39 : f32 to vector<1000x1xf32>
    %add3A_41 = arith.addf %div3A_38, %add3A_40 : vector<1000x1xf32>
    %rsqrt3A_42 = math.rsqrt %add3A_41 : vector<1000x1xf32>
    %mul3A_43 = vector.broadcast %rsqrt3A_42 : vector<1000x1xf32> to vector<1000x192xf32>
    %mul3A_44 = arith.mulf %slice3A_31, %mul3A_43 : vector<1000x192xf32>
    %get3A_45 = arith.constant 1 : index
    %get3A_46 = arith.constant 0 : index
    %get3A_47 = vector.load %arg3[%get3A_45, %get3A_46] : memref<3x64xf32, #tpu.memory_space<vmem>>, vector<1x64xf32>
    %tile3A = tpu.concatenate %get3A_47, %get3A_47, %get3A_47 in 1 : vector<1x64xf32>, vector<1x64xf32>, vector<1x64xf32> -> vector<1x192xf32>
    %mul3A_48 = vector.broadcast %tile3A : vector<1x192xf32> to vector<1000x192xf32>
    %mul3A_49 = arith.mulf %mul3A_44, %mul3A_48 : vector<1000x192xf32>
    %slice3A_50 = vector.extract_strided_slice %add3A {offsets = [0, 256], sizes = [1000, 320], strides = [1, 1]} : vector<1000x576xf32> to vector<1000x320xf32>
    %mul3A_51 = arith.mulf %slice3A_50, %slice3A_50 : vector<1000x320xf32>
    %reduce_sum3A_52 = arith.constant dense<0.000000e+00> : vector<1000xf32>
    %reduce_sum3A_53 = vector.multi_reduction <add>, %mul3A_51, %reduce_sum3A_52 [1] : vector<1000x320xf32> to vector<1000xf32>
    %broadcast_in_dim3A_54 = vector.shape_cast %reduce_sum3A_53 : vector<1000xf32> to vector<1000x1xf32>
    %div3A_55 = arith.constant 3.200000e+02 : f32
    %div3A_56 = vector.broadcast %div3A_55 : f32 to vector<1000x1xf32>
    %div3A_57 = arith.divf %broadcast_in_dim3A_54, %div3A_56 : vector<1000x1xf32>
    %add3A_58 = arith.constant 9.99999974E-6 : f32
    %add3A_59 = vector.broadcast %add3A_58 : f32 to vector<1000x1xf32>
    %add3A_60 = arith.addf %div3A_57, %add3A_59 : vector<1000x1xf32>
    %rsqrt3A_61 = math.rsqrt %add3A_60 : vector<1000x1xf32>
    %mul3A_62 = vector.broadcast %rsqrt3A_61 : vector<1000x1xf32> to vector<1000x320xf32>
    %mul3A_63 = arith.mulf %slice3A_50, %mul3A_62 : vector<1000x320xf32>
    %get3A_64 = arith.constant 2 : index
    %get3A_65 = arith.constant 0 : index
    %get3A_66 = vector.load %arg3[%get3A_64, %get3A_65] : memref<3x64xf32, #tpu.memory_space<vmem>>, vector<1x64xf32>
    %tile3A_67 = tpu.concatenate %get3A_66, %get3A_66, %get3A_66, %get3A_66, %get3A_66 in 1 : vector<1x64xf32>, vector<1x64xf32>, vector<1x64xf32>, vector<1x64xf32>, vector<1x64xf32> -> vector<1x320xf32>
    %mul3A_68 = vector.broadcast %tile3A_67 : vector<1x320xf32> to vector<1000x320xf32>
    %mul3A_69 = arith.mulf %mul3A_63, %mul3A_68 : vector<1000x320xf32>
    %concatenate3A = tpu.concatenate %add3A_30, %mul3A_49, %mul3A_69 in 1 : vector<1000x64xf32>, vector<1000x192xf32>, vector<1000x320xf32> -> vector<1000x576xf32>
    %slice3A_70 = vector.extract_strided_slice %concatenate3A {offsets = [0, 0], sizes = [1000, 64], strides = [1, 1]} : vector<1000x576xf32> to vector<1000x64xf32>
    %slice3A_71 = vector.extract_strided_slice %concatenate3A {offsets = [0, 64], sizes = [1000, 64], strides = [1, 1]} : vector<1000x576xf32> to vector<1000x64xf32>
    %slice3A_72 = vector.extract_strided_slice %concatenate3A {offsets = [0, 128], sizes = [1000, 64], strides = [1, 1]} : vector<1000x576xf32> to vector<1000x64xf32>
    %slice3A_73 = vector.extract_strided_slice %concatenate3A {offsets = [0, 192], sizes = [1000, 64], strides = [1, 1]} : vector<1000x576xf32> to vector<1000x64xf32>
    %slice3A_74 = vector.extract_strided_slice %concatenate3A {offsets = [0, 256], sizes = [1000, 64], strides = [1, 1]} : vector<1000x576xf32> to vector<1000x64xf32>
    %slice3A_75 = vector.extract_strided_slice %concatenate3A {offsets = [0, 320], sizes = [1000, 64], strides = [1, 1]} : vector<1000x576xf32> to vector<1000x64xf32>
    %slice3A_76 = vector.extract_strided_slice %concatenate3A {offsets = [0, 384], sizes = [1000, 64], strides = [1, 1]} : vector<1000x576xf32> to vector<1000x64xf32>
    %slice3A_77 = vector.extract_strided_slice %concatenate3A {offsets = [0, 448], sizes = [1000, 64], strides = [1, 1]} : vector<1000x576xf32> to vector<1000x64xf32>
    %slice3A_78 = vector.extract_strided_slice %concatenate3A {offsets = [0, 512], sizes = [1000, 64], strides = [1, 1]} : vector<1000x576xf32> to vector<1000x64xf32>
    %concatenate3A_79 = tpu.concatenate %slice3A_70, %slice3A_71, %slice3A_72, %slice3A_73, %slice3A_74, %slice3A_75, %slice3A_76, %slice3A_77, %slice3A_78 in 0 : vector<1000x64xf32>, vector<1000x64xf32>, vector<1000x64xf32>, vector<1000x64xf32>, vector<1000x64xf32>, vector<1000x64xf32>, vector<1000x64xf32>, vector<1000x64xf32>, vector<1000x64xf32> -> vector<9000x64xf32>
    %get3A_80 = arith.constant 0 : index
    %get3A_81 = arith.constant 0 : index
    %get3A_82 = vector.load %arg5[%get3A_80, %get3A_81] : memref<64x64xf32, #tpu.memory_space<vmem>>, vector<64x64xf32>
    %dot_general3A = arith.constant dense<0.000000e+00> : vector<9000x64xf32>
    %dot_general3A_83 = tpu.matmul %concatenate3A_79, %get3A_82, %dot_general3A {dimension_numbers = #tpu.dot_dimension_numbers<[1], [0], [0], [1], [0, 0, 1, 1], [], []>, transpose_lhs_hint = false} : vector<9000x64xf32>, vector<64x64xf32>, vector<9000x64xf32> -> vector<9000x64xf32>
    %get3A_84 = arith.constant 0 : index
    %get3A_85 = arith.constant 0 : index
    %get3A_86 = vector.load %arg6[%get3A_84, %get3A_85] : memref<1x64xf32, #tpu.memory_space<vmem>>, vector<1x64xf32>
    %add3A_87 = vector.broadcast %get3A_86 : vector<1x64xf32> to vector<9000x64xf32>
    %add3A_88 = arith.addf %dot_general3A_83, %add3A_87 : vector<9000x64xf32>
    %slice3A_89 = vector.extract_strided_slice %add3A_88 {offsets = [0, 0], sizes = [1000, 64], strides = [1, 1]} : vector<9000x64xf32> to vector<1000x64xf32>
    %get3A_90 = arith.constant 0 : index
    %get3A_91 = arith.constant 0 : index
    %get3A_92 = vector.load %arg7[%get3A_90, %get3A_91] : memref<64x64xf32, #tpu.memory_space<vmem>>, vector<64x64xf32>
    %dot_general3A_93 = arith.constant dense<0.000000e+00> : vector<1000x64xf32>
    %dot_general3A_94 = tpu.matmul %slice3A_89, %get3A_92, %dot_general3A_93 {dimension_numbers = #tpu.dot_dimension_numbers<[1], [0], [0], [1], [0, 0, 1, 1], [], []>, transpose_lhs_hint = false} : vector<1000x64xf32>, vector<64x64xf32>, vector<1000x64xf32> -> vector<1000x64xf32>
    %logistic3A = arith.negf %dot_general3A_94 : vector<1000x64xf32>
    %logistic3A_95 = math.exp %logistic3A : vector<1000x64xf32>
    %logistic3A_96 = arith.constant 1.000000e+00 : f32
    %logistic3A_97 = vector.broadcast %logistic3A_96 : f32 to vector<1000x64xf32>
    %logistic3A_98 = arith.addf %logistic3A_97, %logistic3A_95 : vector<1000x64xf32>
    %logistic3A_99 = arith.divf %logistic3A_97, %logistic3A_98 : vector<1000x64xf32>
    %logistic3A_100 = arith.negf %slice3A_89 : vector<1000x64xf32>
    %logistic3A_101 = math.exp %logistic3A_100 : vector<1000x64xf32>
    %logistic3A_102 = arith.constant 1.000000e+00 : f32
    %logistic3A_103 = vector.broadcast %logistic3A_102 : f32 to vector<1000x64xf32>
    %logistic3A_104 = arith.addf %logistic3A_103, %logistic3A_101 : vector<1000x64xf32>
    %logistic3A_105 = arith.divf %logistic3A_103, %logistic3A_104 : vector<1000x64xf32>
    %mul3A_106 = arith.mulf %slice3A_89, %logistic3A_105 : vector<1000x64xf32>
    %slice3A_107 = vector.extract_strided_slice %add3A_88 {offsets = [1000, 0], sizes = [8000, 64], strides = [1, 1]} : vector<9000x64xf32> to vector<8000x64xf32>
    %tile3A_108 = tpu.concatenate %logistic3A_99, %logistic3A_99, %logistic3A_99, %logistic3A_99, %logistic3A_99, %logistic3A_99, %logistic3A_99, %logistic3A_99 in 0 : vector<1000x64xf32>, vector<1000x64xf32>, vector<1000x64xf32>, vector<1000x64xf32>, vector<1000x64xf32>, vector<1000x64xf32>, vector<1000x64xf32>, vector<1000x64xf32> -> vector<8000x64xf32>
    %mul3A_109 = arith.mulf %slice3A_107, %tile3A_108 : vector<8000x64xf32>
    %concatenate3A_110 = tpu.concatenate %mul3A_106, %mul3A_109 in 0 : vector<1000x64xf32>, vector<8000x64xf32> -> vector<9000x64xf32>
    %get3A_111 = arith.constant 0 : index
    %get3A_112 = arith.constant 0 : index
    %get3A_113 = vector.load %arg8[%get3A_111, %get3A_112] : memref<64x64xf32, #tpu.memory_space<vmem>>, vector<64x64xf32>
    %dot_general3A_114 = arith.constant dense<0.000000e+00> : vector<9000x64xf32>
    %dot_general3A_115 = tpu.matmul %concatenate3A_110, %get3A_113, %dot_general3A_114 {dimension_numbers = #tpu.dot_dimension_numbers<[1], [0], [0], [1], [0, 0, 1, 1], [], []>, transpose_lhs_hint = false} : vector<9000x64xf32>, vector<64x64xf32>, vector<9000x64xf32> -> vector<9000x64xf32>
    %get3A_116 = arith.constant 0 : index
    %get3A_117 = arith.constant 0 : index
    %get3A_118 = vector.load %arg9[%get3A_116, %get3A_117] : memref<1x64xf32, #tpu.memory_space<vmem>>, vector<1x64xf32>
    %add3A_119 = vector.broadcast %get3A_118 : vector<1x64xf32> to vector<9000x64xf32>
    %add3A_120 = arith.addf %dot_general3A_115, %add3A_119 : vector<9000x64xf32>
    %slice3A_121 = vector.extract_strided_slice %add3A_120 {offsets = [0, 0], sizes = [1000, 64], strides = [1, 1]} : vector<9000x64xf32> to vector<1000x64xf32>
    %slice3A_122 = vector.extract_strided_slice %add3A_120 {offsets = [1000, 0], sizes = [1000, 64], strides = [1, 1]} : vector<9000x64xf32> to vector<1000x64xf32>
    %slice3A_123 = vector.extract_strided_slice %add3A_120 {offsets = [2000, 0], sizes = [1000, 64], strides = [1, 1]} : vector<9000x64xf32> to vector<1000x64xf32>
    %slice3A_124 = vector.extract_strided_slice %add3A_120 {offsets = [3000, 0], sizes = [1000, 64], strides = [1, 1]} : vector<9000x64xf32> to vector<1000x64xf32>
    %slice3A_125 = vector.extract_strided_slice %add3A_120 {offsets = [4000, 0], sizes = [1000, 64], strides = [1, 1]} : vector<9000x64xf32> to vector<1000x64xf32>
    %slice3A_126 = vector.extract_strided_slice %add3A_120 {offsets = [5000, 0], sizes = [1000, 64], strides = [1, 1]} : vector<9000x64xf32> to vector<1000x64xf32>
    %slice3A_127 = vector.extract_strided_slice %add3A_120 {offsets = [6000, 0], sizes = [1000, 64], strides = [1, 1]} : vector<9000x64xf32> to vector<1000x64xf32>
    %slice3A_128 = vector.extract_strided_slice %add3A_120 {offsets = [7000, 0], sizes = [1000, 64], strides = [1, 1]} : vector<9000x64xf32> to vector<1000x64xf32>
    %slice3A_129 = vector.extract_strided_slice %add3A_120 {offsets = [8000, 0], sizes = [1000, 64], strides = [1, 1]} : vector<9000x64xf32> to vector<1000x64xf32>
    %concatenate3A_130 = tpu.concatenate %slice3A_121, %slice3A_122, %slice3A_123, %slice3A_124, %slice3A_125, %slice3A_126, %slice3A_127, %slice3A_128, %slice3A_129 in 1 : vector<1000x64xf32>, vector<1000x64xf32>, vector<1000x64xf32>, vector<1000x64xf32>, vector<1000x64xf32>, vector<1000x64xf32>, vector<1000x64xf32>, vector<1000x64xf32>, vector<1000x64xf32> -> vector<1000x576xf32>
    %add3A_131 = arith.addf %add3A, %concatenate3A_130 : vector<1000x576xf32>
    %slice3A_132 = vector.extract_strided_slice %add3A_131 {offsets = [0, 0], sizes = [1000, 64], strides = [1, 1]} : vector<1000x576xf32> to vector<1000x64xf32>
    %reduce_sum3A_133 = arith.constant dense<0.000000e+00> : vector<1000xf32>
    %reduce_sum3A_134 = vector.multi_reduction <add>, %slice3A_132, %reduce_sum3A_133 [1] : vector<1000x64xf32> to vector<1000xf32>
    %broadcast_in_dim3A_135 = vector.shape_cast %reduce_sum3A_134 : vector<1000xf32> to vector<1000x1xf32>
    %div3A_136 = arith.constant 6.400000e+01 : f32
    %div3A_137 = vector.broadcast %div3A_136 : f32 to vector<1000x1xf32>
    %div3A_138 = arith.divf %broadcast_in_dim3A_135, %div3A_137 : vector<1000x1xf32>
    %sub3A_139 = vector.broadcast %div3A_138 : vector<1000x1xf32> to vector<1000x64xf32>
    %sub3A_140 = arith.subf %slice3A_132, %sub3A_139 : vector<1000x64xf32>
    %integer_pow3A_141 = arith.mulf %sub3A_140, %sub3A_140 : vector<1000x64xf32>
    %reduce_sum3A_142 = arith.constant dense<0.000000e+00> : vector<1000xf32>
    %reduce_sum3A_143 = vector.multi_reduction <add>, %integer_pow3A_141, %reduce_sum3A_142 [1] : vector<1000x64xf32> to vector<1000xf32>
    %broadcast_in_dim3A_144 = vector.shape_cast %reduce_sum3A_143 : vector<1000xf32> to vector<1000x1xf32>
    %div3A_145 = arith.constant 6.400000e+01 : f32
    %div3A_146 = vector.broadcast %div3A_145 : f32 to vector<1000x1xf32>
    %div3A_147 = arith.divf %broadcast_in_dim3A_144, %div3A_146 : vector<1000x1xf32>
    %sub3A_148 = vector.broadcast %div3A_138 : vector<1000x1xf32> to vector<1000x64xf32>
    %sub3A_149 = arith.subf %slice3A_132, %sub3A_148 : vector<1000x64xf32>
    %add3A_150 = arith.constant 9.99999974E-6 : f32
    %add3A_151 = vector.broadcast %add3A_150 : f32 to vector<1000x1xf32>
    %add3A_152 = arith.addf %div3A_147, %add3A_151 : vector<1000x1xf32>
    %rsqrt3A_153 = math.rsqrt %add3A_152 : vector<1000x1xf32>
    %mul3A_154 = vector.broadcast %rsqrt3A_153 : vector<1000x1xf32> to vector<1000x64xf32>
    %mul3A_155 = arith.mulf %sub3A_149, %mul3A_154 : vector<1000x64xf32>
    %get3A_156 = arith.constant 0 : index
    %get3A_157 = arith.constant 0 : index
    %get3A_158 = vector.load %arg10[%get3A_156, %get3A_157] : memref<3x64xf32, #tpu.memory_space<vmem>>, vector<1x64xf32>
    %mul3A_159 = vector.broadcast %get3A_158 : vector<1x64xf32> to vector<1000x64xf32>
    %mul3A_160 = arith.mulf %mul3A_155, %mul3A_159 : vector<1000x64xf32>
    %get3A_161 = arith.constant 0 : index
    %get3A_162 = arith.constant 0 : index
    %get3A_163 = vector.load %arg11[%get3A_161, %get3A_162] : memref<1x64xf32, #tpu.memory_space<vmem>>, vector<1x64xf32>
    %add3A_164 = vector.broadcast %get3A_163 : vector<1x64xf32> to vector<1000x64xf32>
    %add3A_165 = arith.addf %mul3A_160, %add3A_164 : vector<1000x64xf32>
    %slice3A_166 = vector.extract_strided_slice %add3A_131 {offsets = [0, 64], sizes = [1000, 192], strides = [1, 1]} : vector<1000x576xf32> to vector<1000x192xf32>
    %mul3A_167 = arith.mulf %slice3A_166, %slice3A_166 : vector<1000x192xf32>
    %reduce_sum3A_168 = arith.constant dense<0.000000e+00> : vector<1000xf32>
    %reduce_sum3A_169 = vector.multi_reduction <add>, %mul3A_167, %reduce_sum3A_168 [1] : vector<1000x192xf32> to vector<1000xf32>
    %broadcast_in_dim3A_170 = vector.shape_cast %reduce_sum3A_169 : vector<1000xf32> to vector<1000x1xf32>
    %div3A_171 = arith.constant 1.920000e+02 : f32
    %div3A_172 = vector.broadcast %div3A_171 : f32 to vector<1000x1xf32>
    %div3A_173 = arith.divf %broadcast_in_dim3A_170, %div3A_172 : vector<1000x1xf32>
    %add3A_174 = arith.constant 9.99999974E-6 : f32
    %add3A_175 = vector.broadcast %add3A_174 : f32 to vector<1000x1xf32>
    %add3A_176 = arith.addf %div3A_173, %add3A_175 : vector<1000x1xf32>
    %rsqrt3A_177 = math.rsqrt %add3A_176 : vector<1000x1xf32>
    %mul3A_178 = vector.broadcast %rsqrt3A_177 : vector<1000x1xf32> to vector<1000x192xf32>
    %mul3A_179 = arith.mulf %slice3A_166, %mul3A_178 : vector<1000x192xf32>
    %get3A_180 = arith.constant 1 : index
    %get3A_181 = arith.constant 0 : index
    %get3A_182 = vector.load %arg10[%get3A_180, %get3A_181] : memref<3x64xf32, #tpu.memory_space<vmem>>, vector<1x64xf32>
    %tile3A_183 = tpu.concatenate %get3A_182, %get3A_182, %get3A_182 in 1 : vector<1x64xf32>, vector<1x64xf32>, vector<1x64xf32> -> vector<1x192xf32>
    %mul3A_184 = vector.broadcast %tile3A_183 : vector<1x192xf32> to vector<1000x192xf32>
    %mul3A_185 = arith.mulf %mul3A_179, %mul3A_184 : vector<1000x192xf32>
    %slice3A_186 = vector.extract_strided_slice %add3A_131 {offsets = [0, 256], sizes = [1000, 320], strides = [1, 1]} : vector<1000x576xf32> to vector<1000x320xf32>
    %mul3A_187 = arith.mulf %slice3A_186, %slice3A_186 : vector<1000x320xf32>
    %reduce_sum3A_188 = arith.constant dense<0.000000e+00> : vector<1000xf32>
    %reduce_sum3A_189 = vector.multi_reduction <add>, %mul3A_187, %reduce_sum3A_188 [1] : vector<1000x320xf32> to vector<1000xf32>
    %broadcast_in_dim3A_190 = vector.shape_cast %reduce_sum3A_189 : vector<1000xf32> to vector<1000x1xf32>
    %div3A_191 = arith.constant 3.200000e+02 : f32
    %div3A_192 = vector.broadcast %div3A_191 : f32 to vector<1000x1xf32>
    %div3A_193 = arith.divf %broadcast_in_dim3A_190, %div3A_192 : vector<1000x1xf32>
    %add3A_194 = arith.constant 9.99999974E-6 : f32
    %add3A_195 = vector.broadcast %add3A_194 : f32 to vector<1000x1xf32>
    %add3A_196 = arith.addf %div3A_193, %add3A_195 : vector<1000x1xf32>
    %rsqrt3A_197 = math.rsqrt %add3A_196 : vector<1000x1xf32>
    %mul3A_198 = vector.broadcast %rsqrt3A_197 : vector<1000x1xf32> to vector<1000x320xf32>
    %mul3A_199 = arith.mulf %slice3A_186, %mul3A_198 : vector<1000x320xf32>
    %get3A_200 = arith.constant 2 : index
    %get3A_201 = arith.constant 0 : index
    %get3A_202 = vector.load %arg10[%get3A_200, %get3A_201] : memref<3x64xf32, #tpu.memory_space<vmem>>, vector<1x64xf32>
    %tile3A_203 = tpu.concatenate %get3A_202, %get3A_202, %get3A_202, %get3A_202, %get3A_202 in 1 : vector<1x64xf32>, vector<1x64xf32>, vector<1x64xf32>, vector<1x64xf32>, vector<1x64xf32> -> vector<1x320xf32>
    %mul3A_204 = vector.broadcast %tile3A_203 : vector<1x320xf32> to vector<1000x320xf32>
    %mul3A_205 = arith.mulf %mul3A_199, %mul3A_204 : vector<1000x320xf32>
    %concatenate3A_206 = tpu.concatenate %add3A_165, %mul3A_185, %mul3A_205 in 1 : vector<1000x64xf32>, vector<1000x192xf32>, vector<1000x320xf32> -> vector<1000x576xf32>
    %swap3A = arith.constant 0 : index
    %swap3A_207 = arith.constant 0 : index
    %swap3A_208 = vector.load %arg12[%swap3A, %swap3A_207] : memref<1000x576xf32, #tpu.memory_space<vmem>>, vector<1000x576xf32>
    tpu.vector_store %arg12[%swap3A, %swap3A_207], %concatenate3A_206 {strides = array<i32>} : memref<1000x576xf32, #tpu.memory_space<vmem>>, vector<1000x576xf32>,
    return
  }
  func.func @transform_0(%arg0: i32) -> (i32, i32) {
    %c0_i32 = arith.constant 0 : i32
    %c0_i32_0 = arith.constant 0 : i32
    return %arg0, %c0_i32 : i32, i32
  }
  func.func @transform_1(%arg0: i32) -> (i32, i32) {
    %c0_i32 = arith.constant 0 : i32
    %c0_i32_0 = arith.constant 0 : i32
    return %arg0, %c0_i32 : i32, i32
  }
  func.func @transform_2(%arg0: i32) -> (i32, i32) {
    %c0_i32 = arith.constant 0 : i32
    %c0_i32_0 = arith.constant 0 : i32
    %c0_i32_1 = arith.constant 0 : i32
    return %c0_i32, %c0_i32_0 : i32, i32
  }
  func.func @transform_3(%arg0: i32) -> (i32, i32) {
    %c0_i32 = arith.constant 0 : i32
    %c0_i32_0 = arith.constant 0 : i32
    %c0_i32_1 = arith.constant 0 : i32
    return %c0_i32, %c0_i32_0 : i32, i32
  }
  func.func @transform_4(%arg0: i32) -> (i32, i32) {
    %c0_i32 = arith.constant 0 : i32
    %c0_i32_0 = arith.constant 0 : i32
    %c0_i32_1 = arith.constant 0 : i32
    return %c0_i32, %c0_i32_0 : i32, i32
  }
  func.func @transform_5(%arg0: i32) -> (i32, i32) {
    %c0_i32 = arith.constant 0 : i32
    %c0_i32_0 = arith.constant 0 : i32
    %c0_i32_1 = arith.constant 0 : i32
    return %c0_i32, %c0_i32_0 : i32, i32
  }
  func.func @transform_6(%arg0: i32) -> (i32, i32) {
    %c0_i32 = arith.constant 0 : i32
    %c0_i32_0 = arith.constant 0 : i32
    %c0_i32_1 = arith.constant 0 : i32
    return %c0_i32, %c0_i32_0 : i32, i32
  }
  func.func @transform_7(%arg0: i32) -> (i32, i32) {
    %c0_i32 = arith.constant 0 : i32
    %c0_i32_0 = arith.constant 0 : i32
    %c0_i32_1 = arith.constant 0 : i32
    return %c0_i32, %c0_i32_0 : i32, i32
  }
  func.func @transform_8(%arg0: i32) -> (i32, i32) {
    %c0_i32 = arith.constant 0 : i32
    %c0_i32_0 = arith.constant 0 : i32
    %c0_i32_1 = arith.constant 0 : i32
    return %c0_i32, %c0_i32_0 : i32, i32
  }
  func.func @transform_9(%arg0: i32) -> (i32, i32) {
    %c0_i32 = arith.constant 0 : i32
    %c0_i32_0 = arith.constant 0 : i32
    %c0_i32_1 = arith.constant 0 : i32
    return %c0_i32, %c0_i32_0 : i32, i32
  }
  func.func @transform_10(%arg0: i32) -> (i32, i32) {
    %c0_i32 = arith.constant 0 : i32
    %c0_i32_0 = arith.constant 0 : i32
    %c0_i32_1 = arith.constant 0 : i32
    return %c0_i32, %c0_i32_0 : i32, i32
  }
  func.func @transform_11(%arg0: i32) -> (i32, i32) {
    %c0_i32 = arith.constant 0 : i32
    %c0_i32_0 = arith.constant 0 : i32
    return %arg0, %c0_i32 : i32, i32
  }
}

</mosaic_0001>

<sc_bundles>
// kernel: kernel.11.cloned.1.call-start
scs
__scs_entry_jumppad:
0x0: {  	(pc) =	sbr.rel $0x88, $3  }
0x1: {  	(tag) =	ssettag $0x0;
	lr =	simm.s32 $0x1  }
0x2: {  	[smem:$0x3F82] =	sst lr;
	_ =	strace $0xD0000000  }
0x3: {  	_ = 	snop  }
0x4: {  	_ = 	snop  }
0x5: {  	_ = 	snop  }
0x6: {  	_ = 	snop  }
0x7: {  	_ = 	snop  }
__scs_overlays_trampoline_lowered:
0x8: {  	[smem:$0x3F91] =	sst s0  }
0x9: {  	[smem:$0x3F92] =	sst s1  }
0xa: {  	[smem:$0x3F93] =	sst s2  }
0xb: {  	[smem:$0x3F94] =	sst s3  }
0xc: {  	[smem:$0x3F95] =	sst s4  }
0xd: {  	[smem:$0x3F96] =	sst s5  }
0xe: {  	[smem:$0x3F97] =	sst s6  }
0xf: {  	[smem:$0x3F98] =	sst s7  }
0x10: {  	[smem:$0x3F99] =	sst s8  }
0x11: {  	[smem:$0x3F9A] =	sst s9;
	s0 =	simm.s32 @!p0 $0x0  }
0x12: {  	s1 =	sld [smem:$0x3F80];
	s0 =	simm.s32 @p0 $0x1  }
0x13: {  	[smem:$0x3F9B] =	sst s0;
	s0 =	simm.s32 @!p1 $0x0  }
0x14: {  	s2 =	sld [smem:$0x3F7F];
	s0 =	simm.s32 @p1 $0x1  }
0x15: {  	[smem:$0x3F9C] =	sst s0;
	s0 =	simm.s32 @!p2 $0x0  }
0x16: {  	s3 =	sld [smem:$0x3FDB];
	s0 =	simm.s32 @p2 $0x1  }
0x17: {  	s4 =	simm.s32 $0x1BF5;
	[smem:$0x3F9E] =	sst s0  }
0x18: {  	s0 =	sld [smem:$0x3F81];
	_ =	swait.ge [sflag:s4], $0x0  }
0x19: {  	s7 =	sld [smem:$0x3F82]  }
0x1a: {  	s8 =	sadd.s32 $0xFFFFE003, lr  }
0x1b: {  	s9 =	sadd.s32 $0xFFFFFEF7, lr;
	s5 =	simm.s32 $0xFFFFFFFF;
	p2 =	slt.u32 s8, $0xFFFFF086  }
0x1c: {  	p1 =	slt.u32 s9, $0xF7A;
	s5 =	simm.s32 @!p2 $0x0  }
0x1d: {  	s5 =	simm.s32 @p1 $0x1;
	p0 =	seq.s32 s7, s2  }
0x1e: {  	s7 =	smul.u32 @!p0 $0xF7A, s2;
	p2 =	seq.s32 @!p0 s5, $0x0  }
0x1f: {  	s9 =	smul.u32 $0xF7A, s1;
	s8 =	simm.s32 @!p0 $0x1BF5;
	p2 =	por !p2, p0  }
0x20: {  	[sflag:s8] =	ssyncset.s32 @!p0 $0xFFFFF086;
	s6 =	sadd.s32 @!p0 s3, s7;
	s7 =	simm.s32 @!p0 $0x108  }
0x21: {  	s3 =	sadd.s32 s3, s9;
	s6 =	sadd.s32 @!p0 $0x88, s6;
	s7 =	simm.s32 @p2 $0x1082  }
0x22: {  	[simem:s7], [sflag:s8] =	dma.local @!p0 [hbm:s6], $0xF7A  }
0x23: {  	s9 =	sor.u32 $0xD0000000, s2;
	s6 =	simm.s32 $0x108;
	_ =	swait.ge @!p0 [sflag:s8], $0x0  }
0x24: {  	s3 =	sadd.s32 $0x88, s3;
	s6 =	simm.s32 @!p1 $0x1082;
	[sflag:s4] =	ssyncset.s32 $0xFFFFF086  }
0x25: {  	[simem:s6], [sflag:s4] =	dma.local [hbm:s3], $0xF7A  }
0x26: {  	[smem:$0x3F82] =	sst s1;
	(tag) =	ssettag s2;
	_ =	strace s9  }
0x27: {  	s1 =	sld [smem:$0x3F92]  }
0x28: {  	s2 =	sld [smem:$0x3F93]  }
0x29: {  	s4 =	sld [smem:$0x3F95]  }
0x2a: {  	p0 =	seq.s32 s5, $0x0;
	s5 =	sld [smem:$0x3F96]  }
0x2b: {  	s6 =	sld [smem:$0x3F97]  }
0x2c: {  	s7 =	sld [smem:$0x3F98]  }
0x2d: {  	s3 =	simm.s32 $0x108;
	s8 =	sld [smem:$0x3F99]  }
0x2e: {  	s3 =	simm.s32 @!p0 $0x1082;
	s9 =	sld [smem:$0x3F9A]  }
0x2f: {  	lr =	sadd.s32 s0, s3;
	s0 =	sld [smem:$0x3F91]  }
0x30: {  	s3 =	sld [smem:$0x3F94]  }
0x31: {  	[smem:$0x3F9D] =	sst s10  }
0x32: {  	s10 =	sld [smem:$0x3F9B];
	_ =	sdelay $0x3  }
0x33: {  	p0 =	seq.s32 s10, $0x1;
	s10 =	sld [smem:$0x3F9D];
	_ =	sdelay $0x3  }
0x34: {  	[smem:$0x3F9D] =	sst s10  }
0x35: {  	s10 =	sld [smem:$0x3F9C];
	_ =	sdelay $0x3  }
0x36: {  	p1 =	seq.s32 s10, $0x1;
	s10 =	sld [smem:$0x3F9D];
	_ =	sdelay $0x3  }
0x37: {  	[smem:$0x3F9D] =	sst s10  }
0x38: {  	s10 =	sld [smem:$0x3F9E]  }
0x39: {  	_ = 	snop;
	(pc) =	sbr.ind lr, $3  }
0x3a: {  	_ = 	snop  }
0x3b: {  	_ = 	snop  }
0x3c: {  	p2 =	seq.s32 s10, $0x1;
	s10 =	sld [smem:$0x3F9D]  }
0x3d: {  	_ =	shalt  }
0x3e: {  	_ =	shalt  }
0x3f: {  	_ =	shalt  }
0x40: {  	_ =	shalt  }
0x41: {  	_ =	shalt  }
0x42: {  	_ =	shalt  }
0x43: {  	_ =	shalt  }
0x44: {  	_ =	shalt  }
0x45: {  	_ =	shalt  }
0x46: {  	_ =	shalt  }
0x47: {  	_ =	shalt  }
0x48: {  	_ =	shalt  }
0x49: {  	_ =	shalt  }
0x4a: {  	_ =	shalt  }
0x4b: {  	_ =	shalt  }
0x4c: {  	_ =	shalt  }
0x4d: {  	_ =	shalt  }
0x4e: {  	_ =	shalt  }
0x4f: {  	_ =	shalt  }
0x50: {  	_ =	shalt  }
0x51: {  	_ =	shalt  }
0x52: {  	_ =	shalt  }
0x53: {  	_ =	shalt  }
0x54: {  	_ =	shalt  }
0x55: {  	_ =	shalt  }
0x56: {  	_ =	shalt  }
0x57: {  	_ =	shalt  }
0x58: {  	_ =	shalt  }
0x59: {  	_ =	shalt  }
0x5a: {  	_ =	shalt  }
0x5b: {  	_ =	shalt  }
0x5c: {  	_ =	shalt  }
0x5d: {  	_ =	shalt  }
0x5e: {  	_ =	shalt  }
0x5f: {  	_ =	shalt  }
0x60: {  	_ =	shalt  }
0x61: {  	_ =	shalt  }
0x62: {  	_ =	shalt  }
0x63: {  	_ =	shalt  }
0x64: {  	_ =	shalt  }
0x65: {  	_ =	shalt  }
0x66: {  	_ =	shalt  }
0x67: {  	_ =	shalt  }
0x68: {  	_ =	shalt  }
0x69: {  	_ =	shalt  }
0x6a: {  	_ =	shalt  }
0x6b: {  	_ =	shalt  }
0x6c: {  	_ =	shalt  }
0x6d: {  	_ =	shalt  }
0x6e: {  	_ =	shalt  }
0x6f: {  	_ =	shalt  }
0x70: {  	_ =	shalt  }
0x71: {  	_ =	shalt  }
0x72: {  	_ =	shalt  }
0x73: {  	_ =	shalt  }
0x74: {  	_ =	shalt  }
0x75: {  	_ =	shalt  }
0x76: {  	_ =	shalt  }
0x77: {  	_ =	shalt  }
0x78: {  	_ =	shalt  }
0x79: {  	_ =	shalt  }
0x7a: {  	_ =	shalt  }
0x7b: {  	_ =	shalt  }
0x7c: {  	_ =	shalt  }
0x7d: {  	_ =	shalt  }
0x7e: {  	_ =	shalt  }
0x7f: {  	_ =	shalt  }
0x80: {  	_ =	shalt  }
0x81: {  	_ =	shalt  }
0x82: {  	_ =	shalt  }
0x83: {  	_ =	shalt  }
0x84: {  	_ =	shalt  }
0x85: {  	_ =	shalt  }
0x86: {  	_ =	shalt  }
0x87: {  	_ =	shalt  }
.Lfunc_end0:
.L_simem_size_0:
called_computation_lowered:
.L_overlay_start_0:
0x88: {  	s2 =	sld [smem:$0x3FD9]  }
0x89: {  	s3 =	sld [smem:$0x3FFE];
	_ =	sdelay $0x1  }
0x8a: {  	s1 =	srdreg.scid  }
0x8b: {  	s0 =	sand.u32 $0x1, s1  }
0x8c: {  	s17 =	sshll.u32 s0, $0xA;
	s2 =	sadd.s32 s3, s2  }
0x8d: {  	s2 =	sadd.s32 s2, s17  }
0x8e: {  	[smem:$0x3FA9] =	sst s2  }
0x8f: {  	_ = 	snop  }
0x90: {  	s2 =	sld [smem:$0x3FAC]  }
0x91: {  	s18 =	sld [smem:$0x3FAB];
	(tm) =	ssettm $0x1  }
0x92: {  	s4 =	sld [smem:$0x3FFB];
	_ =	sdelay $0x3  }
0x93: {  	_ =	strace s4  }
0x94: {  	s4 =	sld [smem:$0x3FFC];
	_ =	sdelay $0x3  }
0x95: {  	_ =	strace s4  }
0x96: {  	s4 =	sld [smem:$0x3FFD];
	_ =	sdelay $0x3  }
0x97: {  	_ =	strace s4  }
0x98: {  	_ =	strace $0x8FFFFFFF  }
0x99: {  	s19 =	sld [smem:$0x3FDB];
	_ =	sdelay $0x1  }
0x9a: {  	s5 =	simm.s32 $_scs_section_size  }
0x9b: {  	s6 =	simm.s32 $_size__tile_overlayer_lowered;
	s7 =	simm.s32 $_tile_overlayer_lowered  }
0x9c: {  	s22 =	simm.s32 $0x1BFF;
	s21 =	sshll.u32 s7, $0x1;
	s4 =	sadd.s32 s5, s19  }
0x9d: {  	s8 =	simm.s32 $0x0;
	s20 =	sshll.u32 s6, $0x1;
	s6 =	sadd.s32 s21, s4  }
0x9e: {  	[timem:s8], [sflag:s22] =	dma.local [hbm:s6], s20  }
0x9f: {  	_ =	swait.ge [sflag:s22], s20  }
0xa0: {  	s5 =	ssub.s32 $0x0, s20;
	[sflag:s22] =	ssyncset.done $0x0  }
0xa1: {  	[sflag:s22] =	ssyncadd.s32 s5;
	_ =	sdelay $0x1  }
0xa2: {  	s23 =	simm.s32 $0x1B8B  }
0xa3: {  	_ =	swait.ge [sflag:s23], $0x1  }
0xa4: {  	[sflag:s23] =	ssyncset.done $0x0  }
0xa5: {  	s25 =	simm.s32 $0x1B8E;
	s24 =	sld [smem:$0x3FFE];
	[sflag:s23] =	ssyncadd.s32 $0xFFFFFFFF  }
0xa6: {  	s26 =	simm.s32 $execute0_lowered;
	[smem:$0x3FD2] =	sst s25  }
0xa7: {  	s6 =	sshll.u32 s26, $0x1;
	_ =	strace $0x80000046;
	[dreg:$0x1] =	wrdreg $0xFFFFFFFF  }
0xa8: {  	s28 =	simm.s32 $_size_execute0_lowered;
	s4 =	sadd.s32 s4, s6;
	[dreg:$0x0] =	wrdreg $0x0  }
0xa9: {  	s6 =	sshll.u32 s28, $0x1;
	[dreg:$0x2] =	wrdreg s4  }
0xaa: {  	[dreg:$0x3] =	wrdreg s6  }
0xab: {  	[dreg:$0x4] =	wrdreg $0xC0  }
0xac: {  	_ =	task [dreg:s8], $0x5FFFF  }
0xad: {  	[dreg:$0x1] =	wrdreg $0xFFFFFFFF  }
0xae: {  	[dreg:$0x0] =	wrdreg $0x60  }
0xaf: {  	[dreg:$0x2] =	wrdreg s24  }
0xb0: {  	[dreg:$0x3] =	wrdreg s2  }
0xb1: {  	[dreg:$0x4] =	wrdreg s18  }
0xb2: {  	[dreg:$0x5] =	wrdreg $0x9  }
0xb3: {  	_ =	task.clear_ibuf [dreg:s8], $0x6FFFF;
	_ =	strace $0x90000046  }
0xb4: {  	s29 =	simm.s32 $0x9;
	_ =	strace $0x80000048  }
0xb5: {  	_ =	swait.ge [sflag:s29], $0x1  }
0xb6: {  	[sflag:s29] =	ssyncadd.s32 $0xFFFFFFFF  }
0xb7: {  	_ =	strace $0x90000048  }
0xb8: {  	_ =	sfence  }
0xb9: {  	s30 =	sld [smem:$0x0];
	_ =	sdelay $0x2  }
0xba: {  	s31 =	sshll.u32 s1, $0xD;
	s1 =	sshrl.u32 s1, $0x2  }
0xbb: {  	s3 =	sand.u32 $0x4000, s31;
	s1 =	sadd.s32 s1, s30  }
0xbc: {  	s0 =	sor.u32 s3, s0;
	s1 =	sshll.u32 s1, $0x11  }
0xbd: {  	s0 =	sor.u32 s1, s0  }
0xbe: {  	s0 =	sadd.s32 $0x8F2B, s0  }
0xbf: {  	[sflag:s0] =	ssyncadd.remote.s32 $0x1  }
0xc0: {  	_ =	sfence.sel $0xFFFF  }
0xc1: {  	[dreg:$0x0] =	wrdreg $0xFFFFFFFF;
	(pc) =	sbr.abs _section_cstart, $3  }
0xc2: {  	[dreg:$0x1] =	wrdreg $0xFFFFFFFF  }
0xc3: {  	_ =	task.clear_ibuf [dreg:s8], $0x2FFFF;
	_ =	strace $0x9FFFFFFF  }
0xc4: {  	(tm) =	ssettm $0x7FFFFFFF  }
0xc5: {  	_ =	shalt  }
tec
execute0_lowered:
.L_overlay_start_1:
0x0: {  	(tag) =	ssettag $0x1  }
0x1: {  	s8 =	rddreg [dreg:$0x0]  }
0x2: {  	s1 =	rddreg [dreg:$0x1]  }
0x3: {  	s2 =	rddreg [dreg:$0x2]  }
0x4: {  	s0 =	rddreg [dreg:$0x3];
	s3 =	simm.s32 $0x0;
	s4 =	srdreg.scid  }
0x5: {  	[smem:$0x7FF] =	sst s3;
	s9 =	sand.u32 $0x1, s4  }
0x6: {  	s4 =	stileid.u32;
	s5 =	sadd.s32 $0x5600, s8;
	_ =	strace $0x80000047  }
0x7: {  	s6 =	sshll.u32 s9, $0x4;
	s10 =	sshll.u32 s9, $0xF;
	s11 =	ssub.s32 $0x2, s9  }
0x8: {  	s12 =	sshll.u32 s4, $0x4;
	s30 =	sshll.u32 s9, $0x8;
	s15 =	sshll.u32 s4, $0xB  }
0x9: {  	s6 =	sor.u32 s4, s6;
	s13 =	sshrl.u32 s11, $0x1;
	s10 =	sadd.s32 s10, s8  }
0xa: {  	s7 =	sshll.u32 s6, $0x4;
	s11 =	ssub.s32 s11, s13;
	s31 =	sadd.s32 s15, s10  }
0xb: {  	s15 =	simm.s32 $0x0;
	s14 =	sand.u32 $0x180, s7;
	s7 =	sand.u32 $0x70, s12  }
0xc: {  	s12 =	sor.u32 s12, s30;
	s10 =	smax.u32 s11, $0x1;
	s13 =	sadd.s32 $0x2C800, s31  }
0xd: {  	s29 =	sor.u32 s7, s14;
	s11 =	sor.u32 $0x200, s12;
	s12 =	sadd.s32 $0x29D800, s31  }
0xe: {  	s14 =	simm.s32 $0x80;
	s8 =	sadd.s32 s1, s29;
	s9 =	sadd.s32 s2, s29  }
.LBB2_1:
0xf: {  	[tilespmem:s3], [sflag:$0x1] =	stream.linear.gather [hbm4b:s8+s3], $0x80, $0x38;
	[tilespmem:$0x8100] =	vst v63  }
0x10: {  	p1 =	sgt.u32 s6, $0x4E1  }
0x11: {  	p0 =	por p1, p1  }
0x12: {  	[tilespmem:s14], [sflag:$0x2] =	stream.linear.gather [hbm4b:s9+s3], $0x80, $0x38;
	[tilespmem:$0x8100] =	vst v63  }
0x13: {  	s16 =	simm.s32 @!p0 $0x1  }
0x14: {  	_ =	swait.ge @!p0 [sflag:s16], $0x80  }
0x15: {  	[sflag:s16] =	ssyncset.done @!p0 $0x0  }
0x16: {  	[sflag:s16] =	ssyncadd.s32 @!p0 $0xFFFFFF80;
	s16 =	simm.s32 @!p0 $0x2  }
0x17: {  	_ =	swait.ge @!p0 [sflag:s16], $0x80  }
0x18: {  	s17 =	simm.s32 @!p0 $0x100;
	[sflag:s16] =	ssyncset.done @!p0 $0x0  }
0x19: {  	s18 =	simm.s32 @!p0 $0x0;
	[sflag:s16] =	ssyncadd.s32 @!p0 $0xFFFFFF80;
	s16 =	simm.s32 @!p0 $0x80  }
0x1a: {  	[tilespmem:s17], [sflag:$0x3] =	stream.indirect.gather @!p0 [hbm4b:s5+s16], $0x80, s18, s16, $0xb8;
	[tilespmem:$0x8100] =	vst v63  }
0x1b: {  	s19 =	simm.s32 @!p0 $0x4100;
	s20 =	simm.s32 @!p0 $0x3  }
0x1c: {  	[tilespmem:s19], [sflag:$0x4] =	stream.indirect.gather @!p0 [hbm4b:s5+s16], $0x80, s16, s16, $0xb8;
	[tilespmem:$0x8100] =	vst v63  }
0x1d: {  	_ =	swait.ge @!p0 [sflag:s20], $0x4000  }
0x1e: {  	[sflag:s20] =	ssyncset.done @!p0 $0x0  }
0x1f: {  	s21 =	simm.s32 @!p0 $0x5;
	s16 =	sadd.s32 @!p0 $0x0, s13;
	[sflag:s20] =	ssyncadd.s32 @!p0 $0xFFFFC000  }
0x20: {  	[hbm4b:s16+s18] =	stream.linear.scatter @!p0 [tilespmem:s17], [sflag:$0x5], $0x4000, $0x38;
	[tilespmem:$0x8100] =	vst v63  }
0x21: {  	_ =	swait.ge @!p0 [sflag:s21], $0x4000  }
0x22: {  	[sflag:s21] =	ssyncset.done @!p0 $0x0  }
0x23: {  	p1 =	sgt.u32 @!p1 s6, $0x4C1;
	s17 =	simm.s32 @!p0 $0x4;
	[sflag:s21] =	ssyncadd.s32 @!p0 $0xFFFFC000  }
0x24: {  	p1 =	por p1, p1;
	_ =	swait.ge @!p0 [sflag:s17], $0x4000  }
0x25: {  	p4 =	por p1, p0;
	[sflag:s17] =	ssyncset.done @!p0 $0x0  }
0x26: {  	s22 =	simm.s32 @!p4 $0x80;
	[sflag:s17] =	ssyncadd.s32 @!p0 $0xFFFFC000;
	s17 =	sadd.s32 @!p0 $0x0, s12  }
0x27: {  	[hbm4b:s17+s18] =	stream.linear.scatter @!p0 [tilespmem:s19], [sflag:$0x5], $0x4000, $0x38;
	[tilespmem:$0x8100] =	vst v63  }
0x28: {  	s20 =	simm.s32 @!p4 $0x0;
	s16 =	simm.s32 $0x10000;
	s18 =	sand.u32 @!p4 $0xFF80, s11  }
0x29: {  	s17 =	sadd.s32 $0x20, s6;
	_ =	swait.ge @!p0 [sflag:s21], $0x4000;
	s19 =	sor.u32 @!p4 s7, s18  }
0x2a: {  	p1 =	sgt.u32 s17, $0x4E1;
	[sflag:s21] =	ssyncset.done @!p0 $0x0;
	s18 =	sadd.s32 @!p4 s1, s19  }
0x2b: {  	[sflag:s21] =	ssyncadd.s32 @!p0 $0xFFFFC000;
	p0 =	sgt.u32 @!p1 s17, $0x4C1;
	s21 =	sadd.s32 @!p4 s2, s19  }
0x2c: {  	[tilespmem:s20], [sflag:$0x1] =	stream.linear.gather @!p4 [hbm4b:s18+s20], $0x80, $0x38;
	[tilespmem:$0x8100] =	vst v63  }
0x2d: {  	s19 =	sadd.s32 $0x20, s17;
	s17 =	sadd.s32 $0x200, s11;
	s18 =	simm.s32 $0x20000  }
.LBB2_2:
0x2e: {  	[tilespmem:s22], [sflag:$0x2] =	stream.linear.gather @!p4 [hbm4b:s21+s20], $0x80, $0x38;
	[tilespmem:$0x8100] =	vst v63  }
0x2f: {  	s20 =	smov.u32 s16  }
0x30: {  	s16 =	smov.u32 s18;
	p3 =	por p1, p1;
	p4 =	por p0, p0  }
0x31: {  	p1 =	sgt.u32 s19, $0x4E1;
	s18 =	sadd.s32 $0x10000, s18;
	s21 =	simm.s32 @!p3 $0x1  }
0x32: {  	p0 =	sgt.u32 @!p1 s19, $0x4C1;
	p2 =	sne.s32 s18, $0x280000;
	_ =	swait.ge @!p3 [sflag:s21], $0x80  }
0x33: {  	[sflag:s21] =	ssyncset.done @!p3 $0x0  }
0x34: {  	[sflag:s21] =	ssyncadd.s32 @!p3 $0xFFFFFF80;
	s21 =	simm.s32 @!p3 $0x2  }
0x35: {  	_ =	swait.ge @!p3 [sflag:s21], $0x80  }
0x36: {  	s22 =	simm.s32 @!p3 $0x100;
	[sflag:s21] =	ssyncset.done @!p3 $0x0  }
0x37: {  	s23 =	simm.s32 @!p3 $0x0;
	[sflag:s21] =	ssyncadd.s32 @!p3 $0xFFFFFF80;
	s21 =	simm.s32 @!p3 $0x80  }
0x38: {  	[tilespmem:s22], [sflag:$0x3] =	stream.indirect.gather @!p3 [hbm4b:s5+s21], $0x80, s23, s21, $0xb8;
	[tilespmem:$0x8100] =	vst v63  }
0x39: {  	s24 =	simm.s32 @!p3 $0x4100;
	s25 =	simm.s32 @!p3 $0x3  }
0x3a: {  	[tilespmem:s24], [sflag:$0x4] =	stream.indirect.gather @!p3 [hbm4b:s5+s21], $0x80, s21, s21, $0xb8;
	[tilespmem:$0x8100] =	vst v63  }
0x3b: {  	_ =	swait.ge @!p3 [sflag:s25], $0x4000  }
0x3c: {  	[sflag:s25] =	ssyncset.done @!p3 $0x0  }
0x3d: {  	s21 =	sadd.s32 @!p3 s20, s13;
	[sflag:s25] =	ssyncadd.s32 @!p3 $0xFFFFC000;
	s25 =	simm.s32 @!p3 $0x5  }
0x3e: {  	[hbm4b:s21+s23] =	stream.linear.scatter @!p3 [tilespmem:s22], [sflag:$0x5], $0x4000, $0x38;
	[tilespmem:$0x8100] =	vst v63  }
0x3f: {  	_ =	swait.ge @!p3 [sflag:s25], $0x4000  }
0x40: {  	[sflag:s25] =	ssyncset.done @!p3 $0x0  }
0x41: {  	s21 =	simm.s32 @!p3 $0x4;
	[sflag:s25] =	ssyncadd.s32 @!p3 $0xFFFFC000  }
0x42: {  	_ =	swait.ge @!p3 [sflag:s21], $0x4000  }
0x43: {  	[sflag:s21] =	ssyncset.done @!p3 $0x0  }
0x44: {  	p4 =	por p4, p3;
	s20 =	sadd.s32 @!p3 s20, s12;
	[sflag:s21] =	ssyncadd.s32 @!p3 $0xFFFFC000  }
0x45: {  	[hbm4b:s20+s23] =	stream.linear.scatter @!p3 [tilespmem:s24], [sflag:$0x5], $0x4000, $0x38;
	[tilespmem:$0x8100] =	vst v63  }
.Ltmp0:
0x46: {  	s20 =	sand.u32 @!p4 $0xFF80, s17;
	_ =	swait.ge @!p3 [sflag:s25], $0x4000;
	(pc) =	sbr.rel @p2 .LBB2_2-.Ltmp0, $4  }
0x47: {  	s21 =	sor.u32 @!p4 s7, s20;
	s20 =	simm.s32 @!p4 $0x0;
	[sflag:s25] =	ssyncset.done @!p3 $0x0  }
0x48: {  	s22 =	sadd.s32 @!p4 s1, s21;
	s21 =	sadd.s32 @!p4 s2, s21;
	[sflag:s25] =	ssyncadd.s32 @!p3 $0xFFFFC000  }
0x49: {  	[tilespmem:s20], [sflag:$0x1] =	stream.linear.gather @!p4 [hbm4b:s22+s20], $0x80, $0x38;
	[tilespmem:$0x8100] =	vst v63  }
0x4a: {  	s19 =	sadd.s32 $0x20, s19;
	s17 =	sadd.s32 $0x200, s17;
	s22 =	simm.s32 @!p4 $0x80  }
0x4b: {  	[tilespmem:s22], [sflag:$0x2] =	stream.linear.gather @!p4 [hbm4b:s21+s20], $0x80, $0x38;
	[tilespmem:$0x8100] =	vst v63  }
0x4c: {  	p1 =	por p1, p1  }
0x4d: {  	s18 =	simm.s32 @!p1 $0x1  }
0x4e: {  	_ =	swait.ge @!p1 [sflag:s18], $0x80  }
0x4f: {  	[sflag:s18] =	ssyncset.done @!p1 $0x0  }
0x50: {  	[sflag:s18] =	ssyncadd.s32 @!p1 $0xFFFFFF80;
	s18 =	simm.s32 @!p1 $0x2  }
0x51: {  	_ =	swait.ge @!p1 [sflag:s18], $0x80  }
0x52: {  	s19 =	simm.s32 @!p1 $0x100;
	[sflag:s18] =	ssyncset.done @!p1 $0x0  }
0x53: {  	s20 =	simm.s32 @!p1 $0x0;
	[sflag:s18] =	ssyncadd.s32 @!p1 $0xFFFFFF80;
	s18 =	simm.s32 @!p1 $0x80  }
0x54: {  	[tilespmem:s19], [sflag:$0x3] =	stream.indirect.gather @!p1 [hbm4b:s5+s18], $0x80, s20, s18, $0xb8;
	[tilespmem:$0x8100] =	vst v63  }
0x55: {  	s21 =	simm.s32 @!p1 $0x4100;
	s22 =	simm.s32 @!p1 $0x3  }
0x56: {  	[tilespmem:s21], [sflag:$0x4] =	stream.indirect.gather @!p1 [hbm4b:s5+s18], $0x80, s18, s18, $0xb8;
	[tilespmem:$0x8100] =	vst v63  }
0x57: {  	_ =	swait.ge @!p1 [sflag:s22], $0x4000  }
0x58: {  	[sflag:s22] =	ssyncset.done @!p1 $0x0  }
0x59: {  	s18 =	sadd.s32 @!p1 s16, s13;
	[sflag:s22] =	ssyncadd.s32 @!p1 $0xFFFFC000;
	s22 =	simm.s32 @!p1 $0x5  }
0x5a: {  	[hbm4b:s18+s20] =	stream.linear.scatter @!p1 [tilespmem:s19], [sflag:$0x5], $0x4000, $0x38;
	[tilespmem:$0x8100] =	vst v63  }
0x5b: {  	_ =	swait.ge @!p1 [sflag:s22], $0x4000  }
0x5c: {  	[sflag:s22] =	ssyncset.done @!p1 $0x0  }
0x5d: {  	s18 =	simm.s32 @!p1 $0x4;
	[sflag:s22] =	ssyncadd.s32 @!p1 $0xFFFFC000  }
0x5e: {  	_ =	swait.ge @!p1 [sflag:s18], $0x4000  }
0x5f: {  	p0 =	por p0, p0;
	[sflag:s18] =	ssyncset.done @!p1 $0x0  }
0x60: {  	p0 =	por p0, p1;
	s16 =	sadd.s32 @!p1 s16, s12;
	[sflag:s18] =	ssyncadd.s32 @!p1 $0xFFFFC000  }
0x61: {  	[hbm4b:s16+s20] =	stream.linear.scatter @!p1 [tilespmem:s21], [sflag:$0x5], $0x4000, $0x38;
	[tilespmem:$0x8100] =	vst v63  }
0x62: {  	s16 =	sand.u32 @!p0 $0xFF80, s17;
	_ =	swait.ge @!p1 [sflag:s22], $0x4000  }
0x63: {  	s16 =	sor.u32 @!p0 s7, s16;
	[sflag:s22] =	ssyncset.done @!p1 $0x0  }
0x64: {  	s17 =	simm.s32 @!p0 $0x0;
	s18 =	sadd.s32 @!p0 s1, s16;
	[sflag:s22] =	ssyncadd.s32 @!p1 $0xFFFFC000  }
0x65: {  	[tilespmem:s17], [sflag:$0x1] =	stream.linear.gather @!p0 [hbm4b:s18+s17], $0x80, $0x38;
	[tilespmem:$0x8100] =	vst v63  }
0x66: {  	s15 =	sadd.s32 $0x1, s15;
	s16 =	sadd.s32 @!p0 s2, s16;
	s18 =	simm.s32 @!p0 $0x80  }
0x67: {  	[tilespmem:s18], [sflag:$0x2] =	stream.linear.gather @!p0 [hbm4b:s16+s17], $0x80, $0x38;
	[tilespmem:$0x8100] =	vst v63  }
0x68: {  	p0 =	sne.s32 s15, s10  }
.Ltmp1:
0x69: {  	_ = 	snop;
	(pc) =	sbr.rel @p0 .LBB2_1-.Ltmp1, $1  }
0x6a: {  	_ =	sdelay $0x3  }
0x6b: {  	_ =	sfence.sel $0x180000  }
0x6c: {  	[bflag:$0x0] =	sbarrier.arrive $0xFFFF  }
0x6d: {  	p0 =	sne.s32 s4, $0x0;
	_ =	strace $0x90000047  }
0x6e: {  	s0 =	sadd.s32 @!p0 $0x100000, s0;
	[bflag:$0x2] =	sbarrier.arrive $0xFFFF  }
0x6f: {  	[sflag:s0] =	ssyncadd.tile.s32 @!p0 $0x1;
	_ =	shalt  }
.Lfunc_end2:
_tile_overlayer_lowered:
.L_overlay_start_2:
0x70: {  	(tag) =	ssettag $0x2  }
0x71: {  	s0 =	rddreg [dreg:$0x0];
	s2 =	stileid.u32  }
0x72: {  	s1 =	rddreg [dreg:$0x1];
	p0 =	sne.s32 s2, $0x0  }
0x73: {  	s3 =	rddreg [dreg:$0x2];
	[bflag:$0x3] =	sbarrier.arrive $0xFFFF;
	s2 =	simm.s32 @!p0 $0x1C05  }
0x74: {  	[timem:s3], [sflag:s2] =	dma.local @!p0 [hbm:s0], s1  }
0x75: {  	s0 =	simm.s32 @!p0 $0x5  }
0x76: {  	_ =	swait.ge @!p0 [sflag:s0], s1  }
0x77: {  	s1 =	ssub.s32 @!p0 $0x0, s1;
	[sflag:s0] =	ssyncset.done @!p0 $0x0  }
0x78: {  	[sflag:s0] =	ssyncadd.s32 @!p0 s1  }
0x79: {  	[bflag:$0x3] =	sbarrier.arrive $0xFFFF  }
0x7a: {  	_ =	shalt  }

// kernel: kernel.14.cloned.1.call-start
scs
__scs_entry_jumppad:
0x0: {  	(pc) =	sbr.rel $0x88, $3  }
0x1: {  	(tag) =	ssettag $0x0;
	lr =	simm.s32 $0x1  }
0x2: {  	[smem:$0x3F82] =	sst lr;
	_ =	strace $0xD0000000  }
0x3: {  	_ = 	snop  }
0x4: {  	_ = 	snop  }
0x5: {  	_ = 	snop  }
0x6: {  	_ = 	snop  }
0x7: {  	_ = 	snop  }
__scs_overlays_trampoline_lowered:
0x8: {  	[smem:$0x3F91] =	sst s0  }
0x9: {  	[smem:$0x3F92] =	sst s1  }
0xa: {  	[smem:$0x3F93] =	sst s2  }
0xb: {  	[smem:$0x3F94] =	sst s3  }
0xc: {  	[smem:$0x3F95] =	sst s4  }
0xd: {  	[smem:$0x3F96] =	sst s5  }
0xe: {  	[smem:$0x3F97] =	sst s6  }
0xf: {  	[smem:$0x3F98] =	sst s7  }
0x10: {  	[smem:$0x3F99] =	sst s8  }
0x11: {  	[smem:$0x3F9A] =	sst s9;
	s0 =	simm.s32 @!p0 $0x0  }
0x12: {  	s1 =	sld [smem:$0x3F80];
	s0 =	simm.s32 @p0 $0x1  }
0x13: {  	[smem:$0x3F9B] =	sst s0;
	s0 =	simm.s32 @!p1 $0x0  }
0x14: {  	s2 =	sld [smem:$0x3F7F];
	s0 =	simm.s32 @p1 $0x1  }
0x15: {  	[smem:$0x3F9C] =	sst s0;
	s0 =	simm.s32 @!p2 $0x0  }
0x16: {  	s3 =	sld [smem:$0x3FDB];
	s0 =	simm.s32 @p2 $0x1  }
0x17: {  	s4 =	simm.s32 $0x1BF5;
	[smem:$0x3F9E] =	sst s0  }
0x18: {  	s0 =	sld [smem:$0x3F81];
	_ =	swait.ge [sflag:s4], $0x0  }
0x19: {  	s7 =	sld [smem:$0x3F82]  }
0x1a: {  	s8 =	sadd.s32 $0xFFFFE003, lr  }
0x1b: {  	s9 =	sadd.s32 $0xFFFFFEF7, lr;
	s5 =	simm.s32 $0xFFFFFFFF;
	p2 =	slt.u32 s8, $0xFFFFF086  }
0x1c: {  	p1 =	slt.u32 s9, $0xF7A;
	s5 =	simm.s32 @!p2 $0x0  }
0x1d: {  	s5 =	simm.s32 @p1 $0x1;
	p0 =	seq.s32 s7, s2  }
0x1e: {  	s7 =	smul.u32 @!p0 $0xF7A, s2;
	p2 =	seq.s32 @!p0 s5, $0x0  }
0x1f: {  	s9 =	smul.u32 $0xF7A, s1;
	s8 =	simm.s32 @!p0 $0x1BF5;
	p2 =	por !p2, p0  }
0x20: {  	[sflag:s8] =	ssyncset.s32 @!p0 $0xFFFFF086;
	s6 =	sadd.s32 @!p0 s3, s7;
	s7 =	simm.s32 @!p0 $0x108  }
0x21: {  	s3 =	sadd.s32 s3, s9;
	s6 =	sadd.s32 @!p0 $0x88, s6;
	s7 =	simm.s32 @p2 $0x1082  }
0x22: {  	[simem:s7], [sflag:s8] =	dma.local @!p0 [hbm:s6], $0xF7A  }
0x23: {  	s9 =	sor.u32 $0xD0000000, s2;
	s6 =	simm.s32 $0x108;
	_ =	swait.ge @!p0 [sflag:s8], $0x0  }
0x24: {  	s3 =	sadd.s32 $0x88, s3;
	s6 =	simm.s32 @!p1 $0x1082;
	[sflag:s4] =	ssyncset.s32 $0xFFFFF086  }
0x25: {  	[simem:s6], [sflag:s4] =	dma.local [hbm:s3], $0xF7A  }
0x26: {  	[smem:$0x3F82] =	sst s1;
	(tag) =	ssettag s2;
	_ =	strace s9  }
0x27: {  	s1 =	sld [smem:$0x3F92]  }
0x28: {  	s2 =	sld [smem:$0x3F93]  }
0x29: {  	s4 =	sld [smem:$0x3F95]  }
0x2a: {  	p0 =	seq.s32 s5, $0x0;
	s5 =	sld [smem:$0x3F96]  }
0x2b: {  	s6 =	sld [smem:$0x3F97]  }
0x2c: {  	s7 =	sld [smem:$0x3F98]  }
0x2d: {  	s3 =	simm.s32 $0x108;
	s8 =	sld [smem:$0x3F99]  }
0x2e: {  	s3 =	simm.s32 @!p0 $0x1082;
	s9 =	sld [smem:$0x3F9A]  }
0x2f: {  	lr =	sadd.s32 s0, s3;
	s0 =	sld [smem:$0x3F91]  }
0x30: {  	s3 =	sld [smem:$0x3F94]  }
0x31: {  	[smem:$0x3F9D] =	sst s10  }
0x32: {  	s10 =	sld [smem:$0x3F9B];
	_ =	sdelay $0x3  }
0x33: {  	p0 =	seq.s32 s10, $0x1;
	s10 =	sld [smem:$0x3F9D];
	_ =	sdelay $0x3  }
0x34: {  	[smem:$0x3F9D] =	sst s10  }
0x35: {  	s10 =	sld [smem:$0x3F9C];
	_ =	sdelay $0x3  }
0x36: {  	p1 =	seq.s32 s10, $0x1;
	s10 =	sld [smem:$0x3F9D];
	_ =	sdelay $0x3  }
0x37: {  	[smem:$0x3F9D] =	sst s10  }
0x38: {  	s10 =	sld [smem:$0x3F9E]  }
0x39: {  	_ = 	snop;
	(pc) =	sbr.ind lr, $3  }
0x3a: {  	_ = 	snop  }
0x3b: {  	_ = 	snop  }
0x3c: {  	p2 =	seq.s32 s10, $0x1;
	s10 =	sld [smem:$0x3F9D]  }
0x3d: {  	_ =	shalt  }
0x3e: {  	_ =	shalt  }
0x3f: {  	_ =	shalt  }
0x40: {  	_ =	shalt  }
0x41: {  	_ =	shalt  }
0x42: {  	_ =	shalt  }
0x43: {  	_ =	shalt  }
0x44: {  	_ =	shalt  }
0x45: {  	_ =	shalt  }
0x46: {  	_ =	shalt  }
0x47: {  	_ =	shalt  }
0x48: {  	_ =	shalt  }
0x49: {  	_ =	shalt  }
0x4a: {  	_ =	shalt  }
0x4b: {  	_ =	shalt  }
0x4c: {  	_ =	shalt  }
0x4d: {  	_ =	shalt  }
0x4e: {  	_ =	shalt  }
0x4f: {  	_ =	shalt  }
0x50: {  	_ =	shalt  }
0x51: {  	_ =	shalt  }
0x52: {  	_ =	shalt  }
0x53: {  	_ =	shalt  }
0x54: {  	_ =	shalt  }
0x55: {  	_ =	shalt  }
0x56: {  	_ =	shalt  }
0x57: {  	_ =	shalt  }
0x58: {  	_ =	shalt  }
0x59: {  	_ =	shalt  }
0x5a: {  	_ =	shalt  }
0x5b: {  	_ =	shalt  }
0x5c: {  	_ =	shalt  }
0x5d: {  	_ =	shalt  }
0x5e: {  	_ =	shalt  }
0x5f: {  	_ =	shalt  }
0x60: {  	_ =	shalt  }
0x61: {  	_ =	shalt  }
0x62: {  	_ =	shalt  }
0x63: {  	_ =	shalt  }
0x64: {  	_ =	shalt  }
0x65: {  	_ =	shalt  }
0x66: {  	_ =	shalt  }
0x67: {  	_ =	shalt  }
0x68: {  	_ =	shalt  }
0x69: {  	_ =	shalt  }
0x6a: {  	_ =	shalt  }
0x6b: {  	_ =	shalt  }
0x6c: {  	_ =	shalt  }
0x6d: {  	_ =	shalt  }
0x6e: {  	_ =	shalt  }
0x6f: {  	_ =	shalt  }
0x70: {  	_ =	shalt  }
0x71: {  	_ =	shalt  }
0x72: {  	_ =	shalt  }
0x73: {  	_ =	shalt  }
0x74: {  	_ =	shalt  }
0x75: {  	_ =	shalt  }
0x76: {  	_ =	shalt  }
0x77: {  	_ =	shalt  }
0x78: {  	_ =	shalt  }
0x79: {  	_ =	shalt  }
0x7a: {  	_ =	shalt  }
0x7b: {  	_ =	shalt  }
0x7c: {  	_ =	shalt  }
0x7d: {  	_ =	shalt  }
0x7e: {  	_ =	shalt  }
0x7f: {  	_ =	shalt  }
0x80: {  	_ =	shalt  }
0x81: {  	_ =	shalt  }
0x82: {  	_ =	shalt  }
0x83: {  	_ =	shalt  }
0x84: {  	_ =	shalt  }
0x85: {  	_ =	shalt  }
0x86: {  	_ =	shalt  }
0x87: {  	_ =	shalt  }
.Lfunc_end0:
.L_simem_size_0:
called_computation.1_lowered:
.L_overlay_start_0:
0x88: {  	s2 =	sld [smem:$0x3FD9]  }
0x89: {  	s3 =	sld [smem:$0x3FFE];
	_ =	sdelay $0x1  }
0x8a: {  	s1 =	srdreg.scid  }
0x8b: {  	s0 =	sand.u32 $0x1, s1  }
0x8c: {  	s17 =	sshll.u32 s0, $0xA;
	s2 =	sadd.s32 s3, s2  }
0x8d: {  	s2 =	sadd.s32 s2, s17  }
0x8e: {  	[smem:$0x3FA9] =	sst s2  }
0x8f: {  	_ = 	snop  }
0x90: {  	s2 =	sld [smem:$0x3FAB];
	(tm) =	ssettm $0x1  }
0x91: {  	s18 =	sld [smem:$0x3FFB];
	_ =	sdelay $0x3  }
0x92: {  	_ =	strace s18  }
0x93: {  	s3 =	sld [smem:$0x3FFC];
	_ =	sdelay $0x3  }
0x94: {  	_ =	strace s3  }
0x95: {  	s3 =	sld [smem:$0x3FFD];
	_ =	sdelay $0x3  }
0x96: {  	_ =	strace s3  }
0x97: {  	_ =	strace $0x8FFFFFFF  }
0x98: {  	s19 =	sld [smem:$0x3FDB];
	_ =	sdelay $0x1  }
0x99: {  	s4 =	simm.s32 $_scs_section_size  }
0x9a: {  	s5 =	simm.s32 $_size__tile_overlayer_lowered;
	s6 =	simm.s32 $_tile_overlayer_lowered  }
0x9b: {  	s22 =	simm.s32 $0x1BFF;
	s21 =	sshll.u32 s6, $0x1;
	s3 =	sadd.s32 s4, s19  }
0x9c: {  	s7 =	simm.s32 $0x0;
	s20 =	sshll.u32 s5, $0x1;
	s5 =	sadd.s32 s21, s3  }
0x9d: {  	[timem:s7], [sflag:s22] =	dma.local [hbm:s5], s20  }
0x9e: {  	_ =	swait.ge [sflag:s22], s20  }
0x9f: {  	s4 =	ssub.s32 $0x0, s20;
	[sflag:s22] =	ssyncset.done $0x0  }
0xa0: {  	[sflag:s22] =	ssyncadd.s32 s4;
	_ =	sdelay $0x1  }
0xa1: {  	s23 =	simm.s32 $0x1B8B  }
0xa2: {  	_ =	swait.ge [sflag:s23], $0x1  }
0xa3: {  	[sflag:s23] =	ssyncset.done $0x0  }
0xa4: {  	s25 =	simm.s32 $0x1B8E;
	s24 =	sld [smem:$0x3FFE];
	[sflag:s23] =	ssyncadd.s32 $0xFFFFFFFF  }
0xa5: {  	s26 =	simm.s32 $execute0_lowered;
	[smem:$0x3FD2] =	sst s25  }
0xa6: {  	s5 =	sshll.u32 s26, $0x1;
	_ =	strace $0x80000049;
	[dreg:$0x1] =	wrdreg $0xFFFFFFFF  }
0xa7: {  	s28 =	simm.s32 $_size_execute0_lowered;
	s3 =	sadd.s32 s3, s5;
	[dreg:$0x0] =	wrdreg $0x0  }
0xa8: {  	s5 =	sshll.u32 s28, $0x1;
	[dreg:$0x2] =	wrdreg s3  }
0xa9: {  	[dreg:$0x3] =	wrdreg s5  }
0xaa: {  	[dreg:$0x4] =	wrdreg $0xC0  }
0xab: {  	_ =	task [dreg:s7], $0x5FFFF  }
0xac: {  	[dreg:$0x1] =	wrdreg $0xFFFFFFFF  }
0xad: {  	[dreg:$0x0] =	wrdreg $0x60  }
0xae: {  	[dreg:$0x2] =	wrdreg s24  }
0xaf: {  	[dreg:$0x3] =	wrdreg s2  }
0xb0: {  	[dreg:$0x4] =	wrdreg $0x81000  }
0xb1: {  	[dreg:$0x5] =	wrdreg $0x9  }
0xb2: {  	_ =	task.clear_ibuf [dreg:s7], $0x6FFFF;
	_ =	strace $0x90000049  }
0xb3: {  	s29 =	simm.s32 $0x9;
	_ =	strace $0x8000004B  }
0xb4: {  	_ =	swait.ge [sflag:s29], $0x1  }
0xb5: {  	[sflag:s29] =	ssyncadd.s32 $0xFFFFFFFF  }
0xb6: {  	_ =	strace $0x9000004B  }
0xb7: {  	_ =	sfence  }
0xb8: {  	s30 =	sld [smem:$0x0];
	_ =	sdelay $0x2  }
0xb9: {  	s31 =	sshll.u32 s1, $0xD;
	s1 =	sshrl.u32 s1, $0x2  }
0xba: {  	s3 =	sand.u32 $0x4000, s31;
	s1 =	sadd.s32 s1, s30  }
0xbb: {  	s0 =	sor.u32 s3, s0;
	s1 =	sshll.u32 s1, $0x11  }
0xbc: {  	s0 =	sor.u32 s1, s0  }
0xbd: {  	s0 =	sadd.s32 $0x8F2B, s0  }
0xbe: {  	[sflag:s0] =	ssyncadd.remote.s32 $0x1  }
0xbf: {  	_ =	sfence.sel $0xFFFF  }
0xc0: {  	[dreg:$0x0] =	wrdreg $0xFFFFFFFF;
	(pc) =	sbr.abs _section_cstart, $3  }
0xc1: {  	[dreg:$0x1] =	wrdreg $0xFFFFFFFF  }
0xc2: {  	_ =	task.clear_ibuf [dreg:s7], $0x2FFFF;
	_ =	strace $0x9FFFFFFF  }
0xc3: {  	(tm) =	ssettm $0x7FFFFFFF  }
tec
execute0_lowered:
.L_overlay_start_1:
0x0: {  	(tag) =	ssettag $0x1  }
0x1: {  	s0 =	rddreg [dreg:$0x0]  }
0x2: {  	s6 =	rddreg [dreg:$0x1]  }
0x3: {  	s1 =	rddreg [dreg:$0x2]  }
0x4: {  	s2 =	srdreg.scid;
	s23 =	stileid.u32  }
0x5: {  	s3 =	simm.s32 $0x0;
	s12 =	sand.u32 $0x1, s2;
	s10 =	smul.u32 $0x50000, s23  }
0x6: {  	[smem:$0x7FF] =	sst s3;
	s7 =	sadd.s32 $0x7E00, s0;
	s8 =	smul.u32 $0x14000, s23  }
0x7: {  	s9 =	sshll.u32 s23, $0x4;
	s14 =	sor.u32 $0x10, s23;
	s17 =	smul.u32 $0x64000, s23  }
0x8: {  	s21 =	smul.u32 $0xC800, s23;
	s2 =	ssub.s32 $0x2, s12;
	_ =	strace $0x8000004A  }
0x9: {  	s11 =	smul.u32 $0xC00, s12;
	s13 =	sand.u32 $0x70, s9;
	s20 =	sshll.u32 s14, $0x4  }
0xa: {  	s15 =	smul.u32 $0x14000, s14;
	s25 =	sor.u32 $0x300, s9;
	s31 =	sor.u32 $0x200, s9  }
0xb: {  	p1 =	sne.s32 s12, $0x0;
	s4 =	sshrl.u32 s2, $0x1;
	s16 =	sadd.s32 s6, s13  }
0xc: {  	s26 =	sand.u32 $0x380, s25;
	s25 =	sor.u32 $0x4C0, s23;
	s2 =	ssub.s32 s2, s4  }
0xd: {  	s4 =	sand.u32 $0x180, s20;
	s5 =	sor.u32 s11, s8;
	s18 =	sadd.s32 $0x400, s11  }
0xe: {  	s19 =	sor.u32 s11, s15;
	s20 =	sor.u32 s11, s17;
	p0 =	sgt.u32 s25, $0x4C1  }
0xf: {  	s4 =	sadd.s32 s4, s16;
	s17 =	sor.u32 s17, s18;
	s20 =	sshrl.u32 s20, $0x3  }
0x10: {  	s22 =	sor.u32 s8, s18;
	s15 =	sor.u32 s18, s15;
	s8 =	sadd.s32 s6, s9  }
0x11: {  	s9 =	sadd.s32 $0x50E800, s0;
	s12 =	sshrl.u32 s5, $0x3;
	s19 =	sshrl.u32 s19, $0x3  }
0x12: {  	s28 =	sadd.s32 $0x280000, s5;
	s17 =	sshrl.u32 s17, $0x3;
	s20 =	sadd.s32 s7, s20  }
0x13: {  	s25 =	sshrl.u32 s15, $0x3;
	[dreg:$0x4] =	wrdreg s20;
	s17 =	sadd.s32 s7, s17  }
0x14: {  	s15 =	smul.u32 $0x2800, s23;
	[dreg:$0x5] =	wrdreg s17;
	s17 =	sor.u32 $0x4E0, s23  }
0x15: {  	s20 =	sadd.s32 s21, s7;
	s21 =	sshll.u32 s17, $0x4;
	s24 =	smul.u32 $0x14000, s17  }
0x16: {  	p2 =	sgt.u32 s17, $0x4E1;
	s7 =	sand.u32 $0x4E80, s21;
	s21 =	sand.u32 $0x280, s31  }
0x17: {  	s31 =	sshll.u32 s23, $0x6;
	s7 =	sadd.s32 s7, s16;
	s16 =	sor.u32 s11, s24  }
0x18: {  	s18 =	sor.u32 s18, s24;
	s11 =	sadd.s32 s26, s6;
	s6 =	sadd.s32 s21, s6  }
0x19: {  	s24 =	sshrl.u32 s10, $0x2;
	s21 =	sshrl.u32 s22, $0x3;
	s10 =	sadd.s32 s13, s11  }
0x1a: {  	s11 =	sadd.s32 s13, s6;
	s26 =	sadd.s32 s24, s1;
	s13 =	sor.u32 $0x1C03, s31  }
0x1b: {  	s6 =	sadd.s32 s9, s12;
	s22 =	sadd.s32 s9, s21;
	s24 =	smul.u32 $0x2800, s14  }
0x1c: {  	s12 =	sadd.s32 s9, s25;
	s14 =	smax.u32 s2, $0x1;
	[dreg:$0x6] =	wrdreg s26  }
0x1d: {  	s21 =	sadd.s32 $0x3C0000, s5;
	[dreg:$0x7] =	wrdreg s6;
	s6 =	sadd.s32 s9, s19  }
0x1e: {  	[dreg:$0x9] =	wrdreg s22;
	s26 =	smul.u32 $0x2800, s17;
	s17 =	sadd.s32 $0x5600, s0  }
0x1f: {  	s0 =	sadd.s32 $0x50E900, s0;
	[dreg:$0xa] =	wrdreg s12;
	s12 =	sadd.s32 $0x100, s20  }
0x20: {  	[dreg:$0xf] =	wrdreg s14;
	s19 =	sshrl.u32 s16, $0x3;
	s20 =	sshrl.u32 s18, $0x3  }
0x21: {  	s23 =	sshrl.u32 s21, $0x3;
	s21 =	simm.s32 $0x80;
	[dreg:$0x8] =	wrdreg s6  }
0x22: {  	s6 =	sadd.s32 s24, s0;
	[dreg:$0xe] =	wrdreg s12;
	s22 =	sadd.s32 s9, s20  }
0x23: {  	s25 =	sadd.s32 s23, s9;
	s24 =	sadd.s32 $0x3C0400, s5;
	s20 =	simm.s32 $0x100  }
0x24: {  	[dreg:$0xb] =	wrdreg s6;
	s31 =	sadd.s32 s26, s0;
	s0 =	sadd.s32 s15, s0  }
0x25: {  	[dreg:$0x11] =	wrdreg s22;
	s26 =	sadd.s32 $0x280400, s5;
	s22 =	simm.s32 $0x4100  }
0x26: {  	s5 =	simm.s32 $0x1;
	s6 =	simm.s32 $0x2;
	[dreg:$0xc] =	wrdreg s31  }
.Ltmp0:
0x27: {  	[dreg:$0xd] =	wrdreg s0;
	s0 =	sadd.s32 s9, s19;
	(pc) =	sbr.rel .LBB2_1-.Ltmp0, $4  }
0x28: {  	s2 =	sshrl.u32 s26, $0x3;
	s31 =	sadd.s32 s15, s9;
	s19 =	simm.s32 $0x1400  }
0x29: {  	s15 =	simm.s32 $0x0;
	[dreg:$0x10] =	wrdreg s0;
	s0 =	sshrl.u32 s24, $0x3  }
0x2a: {  	s30 =	sadd.s32 s2, s9;
	s29 =	sadd.s32 s0, s9;
	s0 =	sadd.s32 $0x78100, s31  }
0x2b: {  	s2 =	simm.s32 $0x400;
	[dreg:$0x12] =	wrdreg s0;
	s0 =	simm.s32 $0x3  }
.LBB2_8:
0x2c: {  	[tilespmem:s22], [sflag:$0x2] =	stream.strided.gather [hbm4b:s24+s2], $0x4000, s19, s2, $0x38;
	[tilespmem:$0x1C100] =	vst v63  }
0x2d: {  	_ =	swait.ge [sflag:s5], $0x80  }
0x2e: {  	[sflag:s5] =	ssyncset.done $0x0  }
0x2f: {  	[sflag:s5] =	ssyncadd.s32 $0xFFFFFF80  }
0x30: {  	_ =	swait.ge [sflag:s5], $0x4000  }
0x31: {  	[sflag:s5] =	ssyncset.done $0x0  }
0x32: {  	[sflag:s5] =	ssyncadd.s32 $0xFFFFC000  }
0x33: {  	[spmem:s1] =	stream.indirect.scatter.add.f32 [tilespmem:s20], [sflag:$0x3], $0x80, s3, s21, $0xb8;
	[tilespmem:$0x1C100] =	vst v63  }
0x34: {  	_ =	swait.ge [sflag:s0], $0x4000  }
0x35: {  	[sflag:s0] =	ssyncset.done $0x0  }
0x36: {  	s12 =	simm.s32 @!p0 $0x0;
	s14 =	simm.s32 @!p0 $0x1400;
	[sflag:s0] =	ssyncadd.s32 $0xFFFFC000  }
0x37: {  	[tilespmem:s12], [sflag:$0x1] =	stream.linear.gather @!p0 [hbm4b:s7+s12], $0x80, $0x38;
	[tilespmem:$0x1C100] =	vst v63  }
0x38: {  	s18 =	simm.s32 @!p0 $0x100;
	s23 =	rddreg [dreg:$0xc];
	s12 =	simm.s32 @!p0 $0x400  }
0x39: {  	[tilespmem:s18], [sflag:$0x1] =	stream.strided.gather @!p0 [hbm4b:s23+s12], $0x4000, s14, s12, $0x38;
	[tilespmem:$0x1C100] =	vst v63  }
0x3a: {  	_ =	swait.ge [sflag:s6], $0x80  }
0x3b: {  	[sflag:s6] =	ssyncset.done $0x0  }
0x3c: {  	[sflag:s6] =	ssyncadd.s32 $0xFFFFFF80  }
0x3d: {  	_ =	swait.ge [sflag:s6], $0x4000  }
0x3e: {  	[sflag:s6] =	ssyncset.done $0x0  }
0x3f: {  	[sflag:s6] =	ssyncadd.s32 $0xFFFFC000  }
0x40: {  	[spmem:s1] =	stream.indirect.scatter.add.f32 [tilespmem:s22], [sflag:$0x3], $0x80, s21, s21, $0xb8;
	[tilespmem:$0x1C100] =	vst v63  }
0x41: {  	_ =	swait.ge [sflag:s0], $0x4000  }
0x42: {  	[sflag:s0] =	ssyncset.done $0x0  }
0x43: {  	s12 =	simm.s32 @!p2 $0x1;
	[sflag:s0] =	ssyncadd.s32 $0xFFFFC000  }
0x44: {  	_ =	swait.ge @!p2 [sflag:s12], $0x80  }
0x45: {  	[sflag:s12] =	ssyncset.done @!p2 $0x0  }
0x46: {  	[sflag:s12] =	ssyncadd.s32 @!p2 $0xFFFFFF80  }
0x47: {  	_ =	swait.ge @!p2 [sflag:s12], $0x4000  }
0x48: {  	s14 =	simm.s32 @!p2 $0x0;
	[sflag:s12] =	ssyncset.done @!p2 $0x0  }
0x49: {  	s18 =	simm.s32 @!p2 $0x100;
	[sflag:s12] =	ssyncadd.s32 @!p2 $0xFFFFC000;
	s12 =	simm.s32 @!p2 $0x80  }
0x4a: {  	[spmem:s1] =	stream.indirect.scatter.add.f32 @!p2 [tilespmem:s18], [sflag:$0x3], $0x80, s14, s12, $0xb8;
	[tilespmem:$0x1C100] =	vst v63  }
0x4b: {  	s12 =	simm.s32 @!p2 $0x3  }
0x4c: {  	_ =	swait.ge @!p2 [sflag:s12], $0x4000  }
0x4d: {  	[sflag:s12] =	ssyncset.done @!p2 $0x0  }
0x4e: {  	[sflag:s12] =	ssyncadd.s32 @!p2 $0xFFFFC000  }
0x4f: {  	[bflag:$0x0] =	sbarrier.arrive $0xFFFF  }
0x50: {  	s26 =	simm.s32 $0x280;
	s24 =	rddreg [dreg:$0xe]  }
0x51: {  	[hbm:s24@s26], [sflag:s13] =	dma.strided [spmem:s16@s21], $0x2800, s31, $0x10   }
0x52: {  	_ =	swait.ge [sflag:s0], $0x2800  }
0x53: {  	[sflag:s0] =	ssyncset.done $0x0  }
0x54: {  	[sflag:s0] =	ssyncadd.s32 $0xFFFFD800  }
0x55: {  	[bflag:$0x0] =	sbarrier.arrive $0xFFFF  }
.LBB2_9:
0x56: {  	s15 =	sadd.s32 $0x1, s15;
	s12 =	rddreg [dreg:$0xf]  }
0x57: {  	p3 =	sne.s32 s15, s12  }
.Ltmp1:
0x58: {  	_ = 	snop;
	(pc) =	sbr.rel @!p3 .LBB2_10-.Ltmp1, $1  }
0x59: {  	_ =	sdelay $0x3  }
.LBB2_1:
0x5a: {  	s12 =	rddreg [dreg:$0x6]  }
0x5b: {  	s16 =	sshrl.u32 s12, $0x3  }
0x5c: {  	[spmem:s16], [sflag:s13] =	dma.local [hbm:s17], $0x2800  }
0x5d: {  	_ =	swait.ge [sflag:s0], $0x2800  }
0x5e: {  	[sflag:s0] =	ssyncset.done $0x0  }
0x5f: {  	[sflag:s0] =	ssyncadd.s32 $0xFFFFD800  }
0x60: {  	[bflag:$0x0] =	sbarrier.arrive $0xFFFF  }
0x61: {  	[tilespmem:s3], [sflag:$0x1] =	stream.linear.gather [hbm4b:s8+s3], $0x80, $0x38;
	[tilespmem:$0x1C100] =	vst v63  }
0x62: {  	s23 =	rddreg [dreg:$0x7]  }
0x63: {  	[tilespmem:s20], [sflag:$0x1] =	stream.strided.gather [hbm4b:s23+s2], $0x4000, s19, s2, $0x38;
	[tilespmem:$0x1C100] =	vst v63  }
0x64: {  	_ = 	snop  }
0x65: {  	[tilespmem:s21], [sflag:$0x2] =	stream.linear.gather [hbm4b:s4+s3], $0x80, $0x38;
	[tilespmem:$0x1C100] =	vst v63  }
0x66: {  	s24 =	rddreg [dreg:$0x8]  }
0x67: {  	[tilespmem:s22], [sflag:$0x2] =	stream.strided.gather [hbm4b:s24+s2], $0x4000, s19, s2, $0x38;
	[tilespmem:$0x1C100] =	vst v63  }
0x68: {  	_ =	swait.ge [sflag:s5], $0x80  }
0x69: {  	[sflag:s5] =	ssyncset.done $0x0  }
0x6a: {  	[sflag:s5] =	ssyncadd.s32 $0xFFFFFF80  }
0x6b: {  	_ =	swait.ge [sflag:s5], $0x4000  }
0x6c: {  	[sflag:s5] =	ssyncset.done $0x0  }
0x6d: {  	[sflag:s5] =	ssyncadd.s32 $0xFFFFC000  }
0x6e: {  	[spmem:s1] =	stream.indirect.scatter.add.f32 [tilespmem:s20], [sflag:$0x3], $0x80, s3, s21, $0xb8;
	[tilespmem:$0x1C100] =	vst v63  }
0x6f: {  	_ =	swait.ge [sflag:s0], $0x4000  }
0x70: {  	[sflag:s0] =	ssyncset.done $0x0  }
0x71: {  	s18 =	sadd.s32 $0x0, s11;
	s23 =	sshrl.u32 s28, $0x3;
	[sflag:s0] =	ssyncadd.s32 $0xFFFFC000  }
0x72: {  	[tilespmem:s3], [sflag:$0x1] =	stream.linear.gather [hbm4b:s18+s3], $0x80, $0x38;
	[tilespmem:$0x1C100] =	vst v63  }
0x73: {  	s26 =	sadd.s32 s9, s23  }
0x74: {  	[tilespmem:s20], [sflag:$0x1] =	stream.strided.gather [hbm4b:s26+s2], $0x4000, s19, s2, $0x38;
	[tilespmem:$0x1C100] =	vst v63  }
0x75: {  	_ =	swait.ge [sflag:s6], $0x80  }
0x76: {  	[sflag:s6] =	ssyncset.done $0x0  }
0x77: {  	[sflag:s6] =	ssyncadd.s32 $0xFFFFFF80  }
0x78: {  	_ =	swait.ge [sflag:s6], $0x4000  }
0x79: {  	[sflag:s6] =	ssyncset.done $0x0  }
0x7a: {  	[sflag:s6] =	ssyncadd.s32 $0xFFFFC000  }
0x7b: {  	[spmem:s1] =	stream.indirect.scatter.add.f32 [tilespmem:s22], [sflag:$0x3], $0x80, s21, s21, $0xb8;
	[tilespmem:$0x1C100] =	vst v63  }
0x7c: {  	s31 =	sadd.s32 $0x0, s10;
	_ =	swait.ge [sflag:s0], $0x4000  }
0x7d: {  	s23 =	sadd.s32 $0x50000, s25;
	s24 =	sadd.s32 $0x280000, s28;
	[sflag:s0] =	ssyncset.done $0x0  }
0x7e: {  	s18 =	simm.s32 $0x200;
	s26 =	smov.u32 s25;
	[sflag:s0] =	ssyncadd.s32 $0xFFFFC000  }
0x7f: {  	[tilespmem:s21], [sflag:$0x2] =	stream.linear.gather [hbm4b:s31+s3], $0x80, $0x38;
	[tilespmem:$0x1C100] =	vst v63  }
.LBB2_2:
0x80: {  	[tilespmem:s22], [sflag:$0x2] =	stream.strided.gather [hbm4b:s26+s2], $0x4000, s19, s2, $0x38;
	[tilespmem:$0x1C100] =	vst v63  }
0x81: {  	s12 =	smov.u32 s18;
	s26 =	smov.u32 s23  }
0x82: {  	p3 =	sne.s32 s18, $0x4A00;
	s18 =	sadd.s32 $0x200, s18;
	_ =	swait.ge [sflag:s5], $0x80  }
0x83: {  	[sflag:s5] =	ssyncset.done $0x0  }
0x84: {  	[sflag:s5] =	ssyncadd.s32 $0xFFFFFF80  }
0x85: {  	_ =	swait.ge [sflag:s5], $0x4000  }
0x86: {  	[sflag:s5] =	ssyncset.done $0x0  }
0x87: {  	[sflag:s5] =	ssyncadd.s32 $0xFFFFC000  }
0x88: {  	[spmem:s1] =	stream.indirect.scatter.add.f32 [tilespmem:s20], [sflag:$0x3], $0x80, s3, s21, $0xb8;
	[tilespmem:$0x1C100] =	vst v63  }
0x89: {  	_ =	swait.ge [sflag:s0], $0x4000  }
0x8a: {  	[sflag:s0] =	ssyncset.done $0x0  }
0x8b: {  	s31 =	sshrl.u32 s24, $0x3;
	s14 =	sadd.s32 s12, s11;
	[sflag:s0] =	ssyncadd.s32 $0xFFFFC000  }
0x8c: {  	[tilespmem:s3], [sflag:$0x1] =	stream.linear.gather [hbm4b:s14+s3], $0x80, $0x38;
	[tilespmem:$0x1C100] =	vst v63  }
0x8d: {  	s14 =	sadd.s32 s9, s31  }
0x8e: {  	[tilespmem:s20], [sflag:$0x1] =	stream.strided.gather [hbm4b:s14+s2], $0x4000, s19, s2, $0x38;
	[tilespmem:$0x1C100] =	vst v63  }
0x8f: {  	_ =	swait.ge [sflag:s6], $0x80  }
0x90: {  	[sflag:s6] =	ssyncset.done $0x0  }
0x91: {  	[sflag:s6] =	ssyncadd.s32 $0xFFFFFF80  }
0x92: {  	_ =	swait.ge [sflag:s6], $0x4000  }
0x93: {  	[sflag:s6] =	ssyncset.done $0x0  }
0x94: {  	[sflag:s6] =	ssyncadd.s32 $0xFFFFC000  }
0x95: {  	[spmem:s1] =	stream.indirect.scatter.add.f32 [tilespmem:s22], [sflag:$0x3], $0x80, s21, s21, $0xb8;
	[tilespmem:$0x1C100] =	vst v63  }
.Ltmp2:
0x96: {  	_ =	swait.ge [sflag:s0], $0x4000;
	(pc) =	sbr.rel @p3 .LBB2_2-.Ltmp2, $4  }
0x97: {  	[sflag:s0] =	ssyncset.done $0x0  }
0x98: {  	s12 =	sadd.s32 s12, s10;
	[sflag:s0] =	ssyncadd.s32 $0xFFFFC000  }
0x99: {  	[tilespmem:s21], [sflag:$0x2] =	stream.linear.gather [hbm4b:s12+s3], $0x80, $0x38;
	[tilespmem:$0x1C100] =	vst v63  }
0x9a: {  	s23 =	sadd.s32 $0x50000, s23;
	s24 =	sadd.s32 $0x280000, s24  }
0x9b: {  	[tilespmem:s22], [sflag:$0x2] =	stream.strided.gather [hbm4b:s26+s2], $0x4000, s19, s2, $0x38;
	[tilespmem:$0x1C100] =	vst v63  }
0x9c: {  	_ =	swait.ge [sflag:s5], $0x80  }
0x9d: {  	[sflag:s5] =	ssyncset.done $0x0  }
0x9e: {  	[sflag:s5] =	ssyncadd.s32 $0xFFFFFF80  }
0x9f: {  	_ =	swait.ge [sflag:s5], $0x4000  }
0xa0: {  	[sflag:s5] =	ssyncset.done $0x0  }
0xa1: {  	[sflag:s5] =	ssyncadd.s32 $0xFFFFC000  }
0xa2: {  	[spmem:s1] =	stream.indirect.scatter.add.f32 [tilespmem:s20], [sflag:$0x3], $0x80, s3, s21, $0xb8;
	[tilespmem:$0x1C100] =	vst v63  }
0xa3: {  	_ =	swait.ge [sflag:s0], $0x4000  }
0xa4: {  	[sflag:s0] =	ssyncset.done $0x0  }
0xa5: {  	s12 =	simm.s32 @!p0 $0x0;
	s14 =	simm.s32 @!p0 $0x1400;
	[sflag:s0] =	ssyncadd.s32 $0xFFFFC000  }
0xa6: {  	[tilespmem:s12], [sflag:$0x1] =	stream.linear.gather @!p0 [hbm4b:s7+s12], $0x80, $0x38;
	[tilespmem:$0x1C100] =	vst v63  }
0xa7: {  	s18 =	simm.s32 @!p0 $0x100;
	s23 =	rddreg [dreg:$0x10];
	s12 =	simm.s32 @!p0 $0x400  }
0xa8: {  	[tilespmem:s18], [sflag:$0x1] =	stream.strided.gather @!p0 [hbm4b:s23+s12], $0x4000, s14, s12, $0x38;
	[tilespmem:$0x1C100] =	vst v63  }
0xa9: {  	_ =	swait.ge [sflag:s6], $0x80  }
0xaa: {  	[sflag:s6] =	ssyncset.done $0x0  }
0xab: {  	[sflag:s6] =	ssyncadd.s32 $0xFFFFFF80  }
0xac: {  	_ =	swait.ge [sflag:s6], $0x4000  }
0xad: {  	[sflag:s6] =	ssyncset.done $0x0  }
0xae: {  	[sflag:s6] =	ssyncadd.s32 $0xFFFFC000  }
0xaf: {  	[spmem:s1] =	stream.indirect.scatter.add.f32 [tilespmem:s22], [sflag:$0x3], $0x80, s21, s21, $0xb8;
	[tilespmem:$0x1C100] =	vst v63  }
0xb0: {  	_ =	swait.ge [sflag:s0], $0x4000  }
0xb1: {  	[sflag:s0] =	ssyncset.done $0x0  }
0xb2: {  	s12 =	simm.s32 @!p2 $0x1;
	[sflag:s0] =	ssyncadd.s32 $0xFFFFC000  }
0xb3: {  	_ =	swait.ge @!p2 [sflag:s12], $0x80  }
0xb4: {  	[sflag:s12] =	ssyncset.done @!p2 $0x0  }
0xb5: {  	[sflag:s12] =	ssyncadd.s32 @!p2 $0xFFFFFF80  }
0xb6: {  	_ =	swait.ge @!p2 [sflag:s12], $0x4000  }
0xb7: {  	s14 =	simm.s32 @!p2 $0x0;
	[sflag:s12] =	ssyncset.done @!p2 $0x0  }
0xb8: {  	s18 =	simm.s32 @!p2 $0x100;
	[sflag:s12] =	ssyncadd.s32 @!p2 $0xFFFFC000;
	s12 =	simm.s32 @!p2 $0x80  }
0xb9: {  	[spmem:s1] =	stream.indirect.scatter.add.f32 @!p2 [tilespmem:s18], [sflag:$0x3], $0x80, s14, s12, $0xb8;
	[tilespmem:$0x1C100] =	vst v63  }
0xba: {  	s12 =	simm.s32 @!p2 $0x3  }
0xbb: {  	_ =	swait.ge @!p2 [sflag:s12], $0x4000  }
0xbc: {  	[sflag:s12] =	ssyncset.done @!p2 $0x0  }
0xbd: {  	[sflag:s12] =	ssyncadd.s32 @!p2 $0xFFFFC000  }
0xbe: {  	[bflag:$0x0] =	sbarrier.arrive $0xFFFF  }
0xbf: {  	s31 =	simm.s32 $0x8;
	s24 =	simm.s32 $0x280;
	s23 =	rddreg [dreg:$0x4]  }
0xc0: {  	[hbm:s23@s24], [sflag:s13] =	dma.strided [spmem:s16@s21], $0x2800, s31, $0x10   }
0xc1: {  	_ =	swait.ge [sflag:s0], $0x2800  }
0xc2: {  	[sflag:s0] =	ssyncset.done $0x0  }
0xc3: {  	[sflag:s0] =	ssyncadd.s32 $0xFFFFD800  }
0xc4: {  	[bflag:$0x0] =	sbarrier.arrive $0xFFFF  }
0xc5: {  	[spmem:s16], [sflag:s13] =	dma.local [hbm:s17], $0x2800  }
0xc6: {  	_ =	swait.ge [sflag:s0], $0x2800  }
0xc7: {  	[sflag:s0] =	ssyncset.done $0x0  }
0xc8: {  	[sflag:s0] =	ssyncadd.s32 $0xFFFFD800  }
0xc9: {  	s26 =	simm.s32 $0x0;
	[bflag:$0x0] =	sbarrier.arrive $0xFFFF  }
0xca: {  	[tilespmem:s26], [sflag:$0x1] =	stream.linear.gather [hbm4b:s8+s26], $0x80, $0x38;
	[tilespmem:$0x1C100] =	vst v63  }
0xcb: {  	s18 =	rddreg [dreg:$0x9]  }
0xcc: {  	[tilespmem:s20], [sflag:$0x1] =	stream.strided.gather [hbm4b:s18+s2], $0x4000, s19, s2, $0x38;
	[tilespmem:$0x1C100] =	vst v63  }
0xcd: {  	_ = 	snop  }
0xce: {  	[tilespmem:s21], [sflag:$0x2] =	stream.linear.gather [hbm4b:s4+s26], $0x80, $0x38;
	[tilespmem:$0x1C100] =	vst v63  }
0xcf: {  	s23 =	rddreg [dreg:$0xa]  }
0xd0: {  	[tilespmem:s22], [sflag:$0x2] =	stream.strided.gather [hbm4b:s23+s2], $0x4000, s19, s2, $0x38;
	[tilespmem:$0x1C100] =	vst v63  }
0xd1: {  	_ =	swait.ge [sflag:s5], $0x80  }
0xd2: {  	[sflag:s5] =	ssyncset.done $0x0  }
0xd3: {  	[sflag:s5] =	ssyncadd.s32 $0xFFFFFF80  }
0xd4: {  	_ =	swait.ge [sflag:s5], $0x4000  }
0xd5: {  	[sflag:s5] =	ssyncset.done $0x0  }
0xd6: {  	[sflag:s5] =	ssyncadd.s32 $0xFFFFC000  }
0xd7: {  	[spmem:s1] =	stream.indirect.scatter.add.f32 [tilespmem:s20], [sflag:$0x3], $0x80, s3, s21, $0xb8;
	[tilespmem:$0x1C100] =	vst v63  }
0xd8: {  	_ =	swait.ge [sflag:s0], $0x4000  }
0xd9: {  	[sflag:s0] =	ssyncset.done $0x0  }
0xda: {  	s24 =	sadd.s32 $0x0, s11;
	[sflag:s0] =	ssyncadd.s32 $0xFFFFC000  }
0xdb: {  	[tilespmem:s3], [sflag:$0x1] =	stream.linear.gather [hbm4b:s24+s3], $0x80, $0x38;
	[tilespmem:$0x1C100] =	vst v63  }
0xdc: {  	_ = 	snop  }
0xdd: {  	[tilespmem:s20], [sflag:$0x1] =	stream.strided.gather [hbm4b:s30+s2], $0x4000, s19, s2, $0x38;
	[tilespmem:$0x1C100] =	vst v63  }
0xde: {  	_ =	swait.ge [sflag:s6], $0x80  }
0xdf: {  	[sflag:s6] =	ssyncset.done $0x0  }
0xe0: {  	[sflag:s6] =	ssyncadd.s32 $0xFFFFFF80  }
0xe1: {  	_ =	swait.ge [sflag:s6], $0x4000  }
0xe2: {  	[sflag:s6] =	ssyncset.done $0x0  }
0xe3: {  	[sflag:s6] =	ssyncadd.s32 $0xFFFFC000  }
0xe4: {  	[spmem:s1] =	stream.indirect.scatter.add.f32 [tilespmem:s22], [sflag:$0x3], $0x80, s21, s21, $0xb8;
	[tilespmem:$0x1C100] =	vst v63  }
0xe5: {  	_ =	swait.ge [sflag:s0], $0x4000  }
0xe6: {  	[sflag:s0] =	ssyncset.done $0x0  }
0xe7: {  	s18 =	simm.s32 $0x200;
	s26 =	sadd.s32 $0x0, s10;
	[sflag:s0] =	ssyncadd.s32 $0xFFFFC000  }
0xe8: {  	[tilespmem:s21], [sflag:$0x2] =	stream.linear.gather [hbm4b:s26+s3], $0x80, $0x38;
	[tilespmem:$0x1C100] =	vst v63  }
0xe9: {  	s23 =	sadd.s32 $0x50000, s29;
	s24 =	sadd.s32 $0x50000, s30;
	s26 =	smov.u32 s29  }
.LBB2_4:
0xea: {  	[tilespmem:s22], [sflag:$0x2] =	stream.strided.gather [hbm4b:s26+s2], $0x4000, s19, s2, $0x38;
	[tilespmem:$0x1C100] =	vst v63  }
0xeb: {  	s12 =	smov.u32 s18;
	s26 =	smov.u32 s23  }
0xec: {  	p3 =	sne.s32 s18, $0x4A00;
	s18 =	sadd.s32 $0x200, s18;
	_ =	swait.ge [sflag:s5], $0x80  }
0xed: {  	[sflag:s5] =	ssyncset.done $0x0  }
0xee: {  	[sflag:s5] =	ssyncadd.s32 $0xFFFFFF80  }
0xef: {  	_ =	swait.ge [sflag:s5], $0x4000  }
0xf0: {  	[sflag:s5] =	ssyncset.done $0x0  }
0xf1: {  	[sflag:s5] =	ssyncadd.s32 $0xFFFFC000  }
0xf2: {  	[spmem:s1] =	stream.indirect.scatter.add.f32 [tilespmem:s20], [sflag:$0x3], $0x80, s3, s21, $0xb8;
	[tilespmem:$0x1C100] =	vst v63  }
0xf3: {  	_ =	swait.ge [sflag:s0], $0x4000  }
0xf4: {  	[sflag:s0] =	ssyncset.done $0x0  }
0xf5: {  	s14 =	sadd.s32 s12, s11;
	[sflag:s0] =	ssyncadd.s32 $0xFFFFC000  }
0xf6: {  	[tilespmem:s3], [sflag:$0x1] =	stream.linear.gather [hbm4b:s14+s3], $0x80, $0x38;
	[tilespmem:$0x1C100] =	vst v63  }
0xf7: {  	_ = 	snop  }
0xf8: {  	[tilespmem:s20], [sflag:$0x1] =	stream.strided.gather [hbm4b:s24+s2], $0x4000, s19, s2, $0x38;
	[tilespmem:$0x1C100] =	vst v63  }
0xf9: {  	_ =	swait.ge [sflag:s6], $0x80  }
0xfa: {  	[sflag:s6] =	ssyncset.done $0x0  }
0xfb: {  	[sflag:s6] =	ssyncadd.s32 $0xFFFFFF80  }
0xfc: {  	_ =	swait.ge [sflag:s6], $0x4000  }
0xfd: {  	[sflag:s6] =	ssyncset.done $0x0  }
0xfe: {  	[sflag:s6] =	ssyncadd.s32 $0xFFFFC000  }
0xff: {  	[spmem:s1] =	stream.indirect.scatter.add.f32 [tilespmem:s22], [sflag:$0x3], $0x80, s21, s21, $0xb8;
	[tilespmem:$0x1C100] =	vst v63  }
.Ltmp3:
0x100: {  	_ =	swait.ge [sflag:s0], $0x4000;
	(pc) =	sbr.rel @p3 .LBB2_4-.Ltmp3, $4  }
0x101: {  	[sflag:s0] =	ssyncset.done $0x0  }
0x102: {  	s12 =	sadd.s32 s12, s10;
	[sflag:s0] =	ssyncadd.s32 $0xFFFFC000  }
0x103: {  	[tilespmem:s21], [sflag:$0x2] =	stream.linear.gather [hbm4b:s12+s3], $0x80, $0x38;
	[tilespmem:$0x1C100] =	vst v63  }
0x104: {  	s23 =	sadd.s32 $0x50000, s23;
	s24 =	sadd.s32 $0x50000, s24  }
0x105: {  	[tilespmem:s22], [sflag:$0x2] =	stream.strided.gather [hbm4b:s26+s2], $0x4000, s19, s2, $0x38;
	[tilespmem:$0x1C100] =	vst v63  }
0x106: {  	_ =	swait.ge [sflag:s5], $0x80  }
0x107: {  	[sflag:s5] =	ssyncset.done $0x0  }
0x108: {  	[sflag:s5] =	ssyncadd.s32 $0xFFFFFF80  }
0x109: {  	_ =	swait.ge [sflag:s5], $0x4000  }
0x10a: {  	[sflag:s5] =	ssyncset.done $0x0  }
0x10b: {  	[sflag:s5] =	ssyncadd.s32 $0xFFFFC000  }
0x10c: {  	[spmem:s1] =	stream.indirect.scatter.add.f32 [tilespmem:s20], [sflag:$0x3], $0x80, s3, s21, $0xb8;
	[tilespmem:$0x1C100] =	vst v63  }
0x10d: {  	_ =	swait.ge [sflag:s0], $0x4000  }
0x10e: {  	[sflag:s0] =	ssyncset.done $0x0  }
0x10f: {  	s12 =	simm.s32 @!p0 $0x0;
	s14 =	simm.s32 @!p0 $0x1400;
	[sflag:s0] =	ssyncadd.s32 $0xFFFFC000  }
0x110: {  	[tilespmem:s12], [sflag:$0x1] =	stream.linear.gather @!p0 [hbm4b:s7+s12], $0x80, $0x38;
	[tilespmem:$0x1C100] =	vst v63  }
0x111: {  	s18 =	simm.s32 @!p0 $0x100;
	s23 =	rddreg [dreg:$0x11];
	s12 =	simm.s32 @!p0 $0x400  }
0x112: {  	[tilespmem:s18], [sflag:$0x1] =	stream.strided.gather @!p0 [hbm4b:s23+s12], $0x4000, s14, s12, $0x38;
	[tilespmem:$0x1C100] =	vst v63  }
0x113: {  	_ =	swait.ge [sflag:s6], $0x80  }
0x114: {  	[sflag:s6] =	ssyncset.done $0x0  }
0x115: {  	[sflag:s6] =	ssyncadd.s32 $0xFFFFFF80  }
0x116: {  	_ =	swait.ge [sflag:s6], $0x4000  }
0x117: {  	[sflag:s6] =	ssyncset.done $0x0  }
0x118: {  	[sflag:s6] =	ssyncadd.s32 $0xFFFFC000  }
0x119: {  	[spmem:s1] =	stream.indirect.scatter.add.f32 [tilespmem:s22], [sflag:$0x3], $0x80, s21, s21, $0xb8;
	[tilespmem:$0x1C100] =	vst v63  }
0x11a: {  	_ =	swait.ge [sflag:s0], $0x4000  }
0x11b: {  	[sflag:s0] =	ssyncset.done $0x0  }
0x11c: {  	s12 =	simm.s32 @!p2 $0x1;
	[sflag:s0] =	ssyncadd.s32 $0xFFFFC000  }
0x11d: {  	_ =	swait.ge @!p2 [sflag:s12], $0x80  }
0x11e: {  	[sflag:s12] =	ssyncset.done @!p2 $0x0  }
0x11f: {  	[sflag:s12] =	ssyncadd.s32 @!p2 $0xFFFFFF80  }
0x120: {  	_ =	swait.ge @!p2 [sflag:s12], $0x4000  }
0x121: {  	s14 =	simm.s32 @!p2 $0x0;
	[sflag:s12] =	ssyncset.done @!p2 $0x0  }
0x122: {  	s18 =	simm.s32 @!p2 $0x100;
	[sflag:s12] =	ssyncadd.s32 @!p2 $0xFFFFC000;
	s12 =	simm.s32 @!p2 $0x80  }
0x123: {  	[spmem:s1] =	stream.indirect.scatter.add.f32 @!p2 [tilespmem:s18], [sflag:$0x3], $0x80, s14, s12, $0xb8;
	[tilespmem:$0x1C100] =	vst v63  }
0x124: {  	s12 =	simm.s32 @!p2 $0x3  }
0x125: {  	_ =	swait.ge @!p2 [sflag:s12], $0x4000  }
0x126: {  	[sflag:s12] =	ssyncset.done @!p2 $0x0  }
0x127: {  	[sflag:s12] =	ssyncadd.s32 @!p2 $0xFFFFC000  }
0x128: {  	[bflag:$0x0] =	sbarrier.arrive $0xFFFF  }
0x129: {  	s26 =	simm.s32 $0x280;
	s24 =	rddreg [dreg:$0x5]  }
0x12a: {  	[hbm:s24@s26], [sflag:s13] =	dma.strided [spmem:s16@s21], $0x2800, s31, $0x10   }
.Ltmp4:
0x12b: {  	_ =	swait.ge [sflag:s0], $0x2800;
	(pc) =	sbr.rel @p1 .LBB2_9-.Ltmp4, $3  }
0x12c: {  	[sflag:s0] =	ssyncset.done $0x0  }
0x12d: {  	[sflag:s0] =	ssyncadd.s32 $0xFFFFD800  }
0x12e: {  	[bflag:$0x0] =	sbarrier.arrive $0xFFFF;
	_ =	sdelay $0x1  }
0x12f: {  	[spmem:s16], [sflag:s13] =	dma.local [hbm:s17], $0x2800  }
0x130: {  	_ =	swait.ge [sflag:s0], $0x2800  }
0x131: {  	[sflag:s0] =	ssyncset.done $0x0  }
0x132: {  	[sflag:s0] =	ssyncadd.s32 $0xFFFFD800  }
0x133: {  	s12 =	simm.s32 $0x0;
	[bflag:$0x0] =	sbarrier.arrive $0xFFFF  }
0x134: {  	[tilespmem:s12], [sflag:$0x1] =	stream.linear.gather [hbm4b:s8+s12], $0x80, $0x38;
	[tilespmem:$0x1C100] =	vst v63  }
0x135: {  	s14 =	rddreg [dreg:$0xd]  }
0x136: {  	[tilespmem:s20], [sflag:$0x1] =	stream.strided.gather [hbm4b:s14+s2], $0x4000, s19, s2, $0x38;
	[tilespmem:$0x1C100] =	vst v63  }
0x137: {  	_ = 	snop  }
0x138: {  	[tilespmem:s21], [sflag:$0x2] =	stream.linear.gather [hbm4b:s4+s12], $0x80, $0x38;
	[tilespmem:$0x1C100] =	vst v63  }
0x139: {  	s14 =	rddreg [dreg:$0xb]  }
0x13a: {  	[tilespmem:s22], [sflag:$0x2] =	stream.strided.gather [hbm4b:s14+s2], $0x4000, s19, s2, $0x38;
	[tilespmem:$0x1C100] =	vst v63  }
0x13b: {  	_ =	swait.ge [sflag:s5], $0x80  }
0x13c: {  	[sflag:s5] =	ssyncset.done $0x0  }
0x13d: {  	[sflag:s5] =	ssyncadd.s32 $0xFFFFFF80  }
0x13e: {  	_ =	swait.ge [sflag:s5], $0x4000  }
0x13f: {  	[sflag:s5] =	ssyncset.done $0x0  }
0x140: {  	[sflag:s5] =	ssyncadd.s32 $0xFFFFC000  }
0x141: {  	[spmem:s1] =	stream.indirect.scatter.add.f32 [tilespmem:s20], [sflag:$0x3], $0x80, s3, s21, $0xb8;
	[tilespmem:$0x1C100] =	vst v63  }
0x142: {  	_ =	swait.ge [sflag:s0], $0x4000  }
0x143: {  	[sflag:s0] =	ssyncset.done $0x0  }
0x144: {  	s18 =	sadd.s32 $0x0, s11;
	s24 =	rddreg [dreg:$0x12];
	[sflag:s0] =	ssyncadd.s32 $0xFFFFC000  }
0x145: {  	[tilespmem:s3], [sflag:$0x1] =	stream.linear.gather [hbm4b:s18+s3], $0x80, $0x38;
	[tilespmem:$0x1C100] =	vst v63  }
0x146: {  	s23 =	sadd.s32 $0xFFFD8000, s24  }
0x147: {  	[tilespmem:s20], [sflag:$0x1] =	stream.strided.gather [hbm4b:s23+s2], $0x4000, s19, s2, $0x38;
	[tilespmem:$0x1C100] =	vst v63  }
0x148: {  	_ =	swait.ge [sflag:s6], $0x80  }
0x149: {  	[sflag:s6] =	ssyncset.done $0x0  }
0x14a: {  	[sflag:s6] =	ssyncadd.s32 $0xFFFFFF80  }
0x14b: {  	_ =	swait.ge [sflag:s6], $0x4000  }
0x14c: {  	[sflag:s6] =	ssyncset.done $0x0  }
0x14d: {  	[sflag:s6] =	ssyncadd.s32 $0xFFFFC000  }
0x14e: {  	[spmem:s1] =	stream.indirect.scatter.add.f32 [tilespmem:s22], [sflag:$0x3], $0x80, s21, s21, $0xb8;
	[tilespmem:$0x1C100] =	vst v63  }
0x14f: {  	_ =	swait.ge [sflag:s0], $0x4000  }
0x150: {  	s26 =	sadd.s32 $0x0, s10;
	[sflag:s0] =	ssyncset.done $0x0  }
0x151: {  	s18 =	simm.s32 $0x200;
	s23 =	sadd.s32 $0x50000, s24;
	[sflag:s0] =	ssyncadd.s32 $0xFFFFC000  }
0x152: {  	[tilespmem:s21], [sflag:$0x2] =	stream.linear.gather [hbm4b:s26+s3], $0x80, $0x38;
	[tilespmem:$0x1C100] =	vst v63  }
.LBB2_7:
0x153: {  	[tilespmem:s22], [sflag:$0x2] =	stream.strided.gather [hbm4b:s24+s2], $0x4000, s19, s2, $0x38;
	[tilespmem:$0x1C100] =	vst v63  }
0x154: {  	s12 =	smov.u32 s18;
	s24 =	smov.u32 s23  }
0x155: {  	p3 =	sne.s32 s18, $0x4A00;
	s18 =	sadd.s32 $0x200, s18;
	_ =	swait.ge [sflag:s5], $0x80  }
0x156: {  	[sflag:s5] =	ssyncset.done $0x0  }
0x157: {  	[sflag:s5] =	ssyncadd.s32 $0xFFFFFF80  }
0x158: {  	_ =	swait.ge [sflag:s5], $0x4000  }
0x159: {  	[sflag:s5] =	ssyncset.done $0x0  }
0x15a: {  	[sflag:s5] =	ssyncadd.s32 $0xFFFFC000  }
0x15b: {  	[spmem:s1] =	stream.indirect.scatter.add.f32 [tilespmem:s20], [sflag:$0x3], $0x80, s3, s21, $0xb8;
	[tilespmem:$0x1C100] =	vst v63  }
0x15c: {  	_ =	swait.ge [sflag:s0], $0x4000  }
0x15d: {  	[sflag:s0] =	ssyncset.done $0x0  }
0x15e: {  	s14 =	sadd.s32 s12, s11;
	[sflag:s0] =	ssyncadd.s32 $0xFFFFC000  }
0x15f: {  	[tilespmem:s3], [sflag:$0x1] =	stream.linear.gather [hbm4b:s14+s3], $0x80, $0x38;
	[tilespmem:$0x1C100] =	vst v63  }
0x160: {  	s14 =	sadd.s32 $0xFFFD8000, s23  }
0x161: {  	[tilespmem:s20], [sflag:$0x1] =	stream.strided.gather [hbm4b:s14+s2], $0x4000, s19, s2, $0x38;
	[tilespmem:$0x1C100] =	vst v63  }
0x162: {  	_ =	swait.ge [sflag:s6], $0x80  }
0x163: {  	[sflag:s6] =	ssyncset.done $0x0  }
0x164: {  	[sflag:s6] =	ssyncadd.s32 $0xFFFFFF80  }
0x165: {  	_ =	swait.ge [sflag:s6], $0x4000  }
0x166: {  	[sflag:s6] =	ssyncset.done $0x0  }
0x167: {  	[sflag:s6] =	ssyncadd.s32 $0xFFFFC000  }
0x168: {  	[spmem:s1] =	stream.indirect.scatter.add.f32 [tilespmem:s22], [sflag:$0x3], $0x80, s21, s21, $0xb8;
	[tilespmem:$0x1C100] =	vst v63  }
.Ltmp5:
0x169: {  	_ =	swait.ge [sflag:s0], $0x4000;
	(pc) =	sbr.rel @p3 .LBB2_7-.Ltmp5, $4  }
0x16a: {  	[sflag:s0] =	ssyncset.done $0x0  }
0x16b: {  	s12 =	sadd.s32 s12, s10;
	[sflag:s0] =	ssyncadd.s32 $0xFFFFC000  }
0x16c: {  	[tilespmem:s21], [sflag:$0x2] =	stream.linear.gather [hbm4b:s12+s3], $0x80, $0x38;
	[tilespmem:$0x1C100] =	vst v63  }
0x16d: {  	s23 =	sadd.s32 $0x50000, s23  }
.Ltmp6:
0x16e: {  	_ = 	snop;
	(pc) =	sbr.rel .LBB2_8-.Ltmp6, $1  }
0x16f: {  	_ =	sdelay $0x3  }
.LBB2_10:
0x170: {  	_ =	sfence.sel $0x180000  }
0x171: {  	[bflag:$0x0] =	sbarrier.arrive $0xFFFF  }
0x172: {  	_ =	strace $0x9000004A  }
0x173: {  	s0 =	stileid.u32;
	[bflag:$0x2] =	sbarrier.arrive $0xFFFF  }
0x174: {  	p0 =	sne.s32 s0, $0x0;
	s0 =	rddreg [dreg:$0x3]  }
0x175: {  	s0 =	sadd.s32 @!p0 $0x100000, s0  }
0x176: {  	[sflag:s0] =	ssyncadd.tile.s32 @!p0 $0x1;
	_ =	shalt  }
.Lfunc_end2:
_tile_overlayer_lowered:
.L_overlay_start_2:
0x177: {  	(tag) =	ssettag $0x2  }
0x178: {  	s0 =	rddreg [dreg:$0x0];
	s2 =	stileid.u32  }
0x179: {  	s1 =	rddreg [dreg:$0x1];
	p0 =	sne.s32 s2, $0x0  }
0x17a: {  	s3 =	rddreg [dreg:$0x2];
	[bflag:$0x3] =	sbarrier.arrive $0xFFFF;
	s2 =	simm.s32 @!p0 $0x1C03  }
0x17b: {  	[timem:s3], [sflag:s2] =	dma.local @!p0 [hbm:s0], s1  }
0x17c: {  	s0 =	simm.s32 @!p0 $0x3  }
0x17d: {  	_ =	swait.ge @!p0 [sflag:s0], s1  }
0x17e: {  	s1 =	ssub.s32 @!p0 $0x0, s1;
	[sflag:s0] =	ssyncset.done @!p0 $0x0  }
0x17f: {  	[sflag:s0] =	ssyncadd.s32 @!p0 s1  }
0x180: {  	[bflag:$0x3] =	sbarrier.arrive $0xFFFF  }
0x181: {  	_ =	shalt  }

// kernel: kernel.17.cloned.1.call-start
scs
__scs_entry_jumppad:
0x0: {  	(pc) =	sbr.rel $0x88, $3  }
0x1: {  	(tag) =	ssettag $0x0;
	lr =	simm.s32 $0x1  }
0x2: {  	[smem:$0x3F82] =	sst lr;
	_ =	strace $0xD0000000  }
0x3: {  	_ = 	snop  }
0x4: {  	_ = 	snop  }
0x5: {  	_ = 	snop  }
0x6: {  	_ = 	snop  }
0x7: {  	_ = 	snop  }
__scs_overlays_trampoline_lowered:
0x8: {  	[smem:$0x3F91] =	sst s0  }
0x9: {  	[smem:$0x3F92] =	sst s1  }
0xa: {  	[smem:$0x3F93] =	sst s2  }
0xb: {  	[smem:$0x3F94] =	sst s3  }
0xc: {  	[smem:$0x3F95] =	sst s4  }
0xd: {  	[smem:$0x3F96] =	sst s5  }
0xe: {  	[smem:$0x3F97] =	sst s6  }
0xf: {  	[smem:$0x3F98] =	sst s7  }
0x10: {  	[smem:$0x3F99] =	sst s8  }
0x11: {  	[smem:$0x3F9A] =	sst s9;
	s0 =	simm.s32 @!p0 $0x0  }
0x12: {  	s1 =	sld [smem:$0x3F80];
	s0 =	simm.s32 @p0 $0x1  }
0x13: {  	[smem:$0x3F9B] =	sst s0;
	s0 =	simm.s32 @!p1 $0x0  }
0x14: {  	s2 =	sld [smem:$0x3F7F];
	s0 =	simm.s32 @p1 $0x1  }
0x15: {  	[smem:$0x3F9C] =	sst s0;
	s0 =	simm.s32 @!p2 $0x0  }
0x16: {  	s3 =	sld [smem:$0x3FDB];
	s0 =	simm.s32 @p2 $0x1  }
0x17: {  	s4 =	simm.s32 $0x1BF5;
	[smem:$0x3F9E] =	sst s0  }
0x18: {  	s0 =	sld [smem:$0x3F81];
	_ =	swait.ge [sflag:s4], $0x0  }
0x19: {  	s7 =	sld [smem:$0x3F82]  }
0x1a: {  	s8 =	sadd.s32 $0xFFFFE003, lr  }
0x1b: {  	s9 =	sadd.s32 $0xFFFFFEF7, lr;
	s5 =	simm.s32 $0xFFFFFFFF;
	p2 =	slt.u32 s8, $0xFFFFF086  }
0x1c: {  	p1 =	slt.u32 s9, $0xF7A;
	s5 =	simm.s32 @!p2 $0x0  }
0x1d: {  	s5 =	simm.s32 @p1 $0x1;
	p0 =	seq.s32 s7, s2  }
0x1e: {  	s7 =	smul.u32 @!p0 $0xF7A, s2;
	p2 =	seq.s32 @!p0 s5, $0x0  }
0x1f: {  	s9 =	smul.u32 $0xF7A, s1;
	s8 =	simm.s32 @!p0 $0x1BF5;
	p2 =	por !p2, p0  }
0x20: {  	[sflag:s8] =	ssyncset.s32 @!p0 $0xFFFFF086;
	s6 =	sadd.s32 @!p0 s3, s7;
	s7 =	simm.s32 @!p0 $0x108  }
0x21: {  	s3 =	sadd.s32 s3, s9;
	s6 =	sadd.s32 @!p0 $0x88, s6;
	s7 =	simm.s32 @p2 $0x1082  }
0x22: {  	[simem:s7], [sflag:s8] =	dma.local @!p0 [hbm:s6], $0xF7A  }
0x23: {  	s9 =	sor.u32 $0xD0000000, s2;
	s6 =	simm.s32 $0x108;
	_ =	swait.ge @!p0 [sflag:s8], $0x0  }
0x24: {  	s3 =	sadd.s32 $0x88, s3;
	s6 =	simm.s32 @!p1 $0x1082;
	[sflag:s4] =	ssyncset.s32 $0xFFFFF086  }
0x25: {  	[simem:s6], [sflag:s4] =	dma.local [hbm:s3], $0xF7A  }
0x26: {  	[smem:$0x3F82] =	sst s1;
	(tag) =	ssettag s2;
	_ =	strace s9  }
0x27: {  	s1 =	sld [smem:$0x3F92]  }
0x28: {  	s2 =	sld [smem:$0x3F93]  }
0x29: {  	s4 =	sld [smem:$0x3F95]  }
0x2a: {  	p0 =	seq.s32 s5, $0x0;
	s5 =	sld [smem:$0x3F96]  }
0x2b: {  	s6 =	sld [smem:$0x3F97]  }
0x2c: {  	s7 =	sld [smem:$0x3F98]  }
0x2d: {  	s3 =	simm.s32 $0x108;
	s8 =	sld [smem:$0x3F99]  }
0x2e: {  	s3 =	simm.s32 @!p0 $0x1082;
	s9 =	sld [smem:$0x3F9A]  }
0x2f: {  	lr =	sadd.s32 s0, s3;
	s0 =	sld [smem:$0x3F91]  }
0x30: {  	s3 =	sld [smem:$0x3F94]  }
0x31: {  	[smem:$0x3F9D] =	sst s10  }
0x32: {  	s10 =	sld [smem:$0x3F9B];
	_ =	sdelay $0x3  }
0x33: {  	p0 =	seq.s32 s10, $0x1;
	s10 =	sld [smem:$0x3F9D];
	_ =	sdelay $0x3  }
0x34: {  	[smem:$0x3F9D] =	sst s10  }
0x35: {  	s10 =	sld [smem:$0x3F9C];
	_ =	sdelay $0x3  }
0x36: {  	p1 =	seq.s32 s10, $0x1;
	s10 =	sld [smem:$0x3F9D];
	_ =	sdelay $0x3  }
0x37: {  	[smem:$0x3F9D] =	sst s10  }
0x38: {  	s10 =	sld [smem:$0x3F9E]  }
0x39: {  	_ = 	snop;
	(pc) =	sbr.ind lr, $3  }
0x3a: {  	_ = 	snop  }
0x3b: {  	_ = 	snop  }
0x3c: {  	p2 =	seq.s32 s10, $0x1;
	s10 =	sld [smem:$0x3F9D]  }
0x3d: {  	_ =	shalt  }
0x3e: {  	_ =	shalt  }
0x3f: {  	_ =	shalt  }
0x40: {  	_ =	shalt  }
0x41: {  	_ =	shalt  }
0x42: {  	_ =	shalt  }
0x43: {  	_ =	shalt  }
0x44: {  	_ =	shalt  }
0x45: {  	_ =	shalt  }
0x46: {  	_ =	shalt  }
0x47: {  	_ =	shalt  }
0x48: {  	_ =	shalt  }
0x49: {  	_ =	shalt  }
0x4a: {  	_ =	shalt  }
0x4b: {  	_ =	shalt  }
0x4c: {  	_ =	shalt  }
0x4d: {  	_ =	shalt  }
0x4e: {  	_ =	shalt  }
0x4f: {  	_ =	shalt  }
0x50: {  	_ =	shalt  }
0x51: {  	_ =	shalt  }
0x52: {  	_ =	shalt  }
0x53: {  	_ =	shalt  }
0x54: {  	_ =	shalt  }
0x55: {  	_ =	shalt  }
0x56: {  	_ =	shalt  }
0x57: {  	_ =	shalt  }
0x58: {  	_ =	shalt  }
0x59: {  	_ =	shalt  }
0x5a: {  	_ =	shalt  }
0x5b: {  	_ =	shalt  }
0x5c: {  	_ =	shalt  }
0x5d: {  	_ =	shalt  }
0x5e: {  	_ =	shalt  }
0x5f: {  	_ =	shalt  }
0x60: {  	_ =	shalt  }
0x61: {  	_ =	shalt  }
0x62: {  	_ =	shalt  }
0x63: {  	_ =	shalt  }
0x64: {  	_ =	shalt  }
0x65: {  	_ =	shalt  }
0x66: {  	_ =	shalt  }
0x67: {  	_ =	shalt  }
0x68: {  	_ =	shalt  }
0x69: {  	_ =	shalt  }
0x6a: {  	_ =	shalt  }
0x6b: {  	_ =	shalt  }
0x6c: {  	_ =	shalt  }
0x6d: {  	_ =	shalt  }
0x6e: {  	_ =	shalt  }
0x6f: {  	_ =	shalt  }
0x70: {  	_ =	shalt  }
0x71: {  	_ =	shalt  }
0x72: {  	_ =	shalt  }
0x73: {  	_ =	shalt  }
0x74: {  	_ =	shalt  }
0x75: {  	_ =	shalt  }
0x76: {  	_ =	shalt  }
0x77: {  	_ =	shalt  }
0x78: {  	_ =	shalt  }
0x79: {  	_ =	shalt  }
0x7a: {  	_ =	shalt  }
0x7b: {  	_ =	shalt  }
0x7c: {  	_ =	shalt  }
0x7d: {  	_ =	shalt  }
0x7e: {  	_ =	shalt  }
0x7f: {  	_ =	shalt  }
0x80: {  	_ =	shalt  }
0x81: {  	_ =	shalt  }
0x82: {  	_ =	shalt  }
0x83: {  	_ =	shalt  }
0x84: {  	_ =	shalt  }
0x85: {  	_ =	shalt  }
0x86: {  	_ =	shalt  }
0x87: {  	_ =	shalt  }
.Lfunc_end0:
.L_simem_size_0:
called_computation.2_lowered:
.L_overlay_start_0:
0x88: {  	s2 =	sld [smem:$0x3FD9]  }
0x89: {  	s3 =	sld [smem:$0x3FFE];
	_ =	sdelay $0x1  }
0x8a: {  	s1 =	srdreg.scid  }
0x8b: {  	s0 =	sand.u32 $0x1, s1  }
0x8c: {  	s17 =	sshll.u32 s0, $0xA;
	s2 =	sadd.s32 s3, s2  }
0x8d: {  	s2 =	sadd.s32 s2, s17  }
0x8e: {  	[smem:$0x3FA9] =	sst s2  }
0x8f: {  	_ = 	snop  }
0x90: {  	s2 =	sld [smem:$0x3FAC]  }
0x91: {  	s18 =	sld [smem:$0x3FAB]  }
0x92: {  	s4 =	sld [smem:$0x3FD0];
	(tm) =	ssettm $0x1  }
0x93: {  	s5 =	sld [smem:$0x3FFB];
	_ =	sdelay $0x3  }
0x94: {  	_ =	strace s5  }
0x95: {  	s5 =	sld [smem:$0x3FFC];
	_ =	sdelay $0x3  }
0x96: {  	_ =	strace s5  }
0x97: {  	s5 =	sld [smem:$0x3FFD];
	_ =	sdelay $0x3  }
0x98: {  	_ =	strace s5  }
0x99: {  	_ =	strace $0x8FFFFFFF  }
0x9a: {  	s19 =	sld [smem:$0x3FDB];
	_ =	sdelay $0x1  }
0x9b: {  	s6 =	simm.s32 $_scs_section_size  }
0x9c: {  	s7 =	simm.s32 $_size__tile_overlayer_lowered;
	s8 =	simm.s32 $_tile_overlayer_lowered  }
0x9d: {  	s22 =	simm.s32 $0x1BFF;
	s21 =	sshll.u32 s8, $0x1;
	s5 =	sadd.s32 s6, s19  }
0x9e: {  	s9 =	simm.s32 $0x0;
	s20 =	sshll.u32 s7, $0x1;
	s7 =	sadd.s32 s21, s5  }
0x9f: {  	[timem:s9], [sflag:s22] =	dma.local [hbm:s7], s20  }
0xa0: {  	_ =	swait.ge [sflag:s22], s20  }
0xa1: {  	s6 =	ssub.s32 $0x0, s20;
	[sflag:s22] =	ssyncset.done $0x0  }
0xa2: {  	[sflag:s22] =	ssyncadd.s32 s6;
	_ =	sdelay $0x1  }
0xa3: {  	s23 =	simm.s32 $0x1B8B  }
0xa4: {  	_ =	swait.ge [sflag:s23], $0x1  }
0xa5: {  	[sflag:s23] =	ssyncset.done $0x0  }
0xa6: {  	s25 =	simm.s32 $0x1B8E;
	s24 =	sld [smem:$0x3FFE];
	[sflag:s23] =	ssyncadd.s32 $0xFFFFFFFF  }
0xa7: {  	s26 =	simm.s32 $execute0_lowered;
	[smem:$0x3FD2] =	sst s25  }
0xa8: {  	s7 =	sshll.u32 s26, $0x1;
	_ =	strace $0x8000004C;
	[dreg:$0x1] =	wrdreg $0xFFFFFFFF  }
0xa9: {  	s28 =	simm.s32 $_size_execute0_lowered;
	s5 =	sadd.s32 s5, s7;
	[dreg:$0x0] =	wrdreg $0x0  }
0xaa: {  	s7 =	sshll.u32 s28, $0x1;
	[dreg:$0x2] =	wrdreg s5  }
0xab: {  	[dreg:$0x3] =	wrdreg s7  }
0xac: {  	[dreg:$0x4] =	wrdreg $0xC0  }
0xad: {  	_ =	task [dreg:s9], $0x5FFFF  }
0xae: {  	[dreg:$0x1] =	wrdreg $0xFFFFFFFF  }
0xaf: {  	[dreg:$0x0] =	wrdreg $0x60  }
0xb0: {  	[dreg:$0x2] =	wrdreg s4  }
0xb1: {  	[dreg:$0x3] =	wrdreg s2  }
0xb2: {  	[dreg:$0x4] =	wrdreg s18  }
0xb3: {  	[dreg:$0x5] =	wrdreg s24  }
0xb4: {  	[dreg:$0x6] =	wrdreg $0x9  }
0xb5: {  	_ =	task.clear_ibuf [dreg:s9], $0x7FFFF;
	_ =	strace $0x9000004C  }
0xb6: {  	s29 =	simm.s32 $0x9;
	_ =	strace $0x8000004E  }
0xb7: {  	_ =	swait.ge [sflag:s29], $0x1  }
0xb8: {  	[sflag:s29] =	ssyncadd.s32 $0xFFFFFFFF  }
0xb9: {  	_ =	strace $0x9000004E  }
0xba: {  	_ =	sfence  }
0xbb: {  	s30 =	sld [smem:$0x0];
	_ =	sdelay $0x2  }
0xbc: {  	s31 =	sshll.u32 s1, $0xD;
	s1 =	sshrl.u32 s1, $0x2  }
0xbd: {  	s3 =	sand.u32 $0x4000, s31;
	s1 =	sadd.s32 s1, s30  }
0xbe: {  	s0 =	sor.u32 s3, s0;
	s1 =	sshll.u32 s1, $0x11  }
0xbf: {  	s0 =	sor.u32 s1, s0  }
0xc0: {  	s0 =	sadd.s32 $0x8F2B, s0  }
0xc1: {  	[sflag:s0] =	ssyncadd.remote.s32 $0x1  }
0xc2: {  	_ =	sfence.sel $0xFFFF  }
0xc3: {  	[dreg:$0x0] =	wrdreg $0xFFFFFFFF;
	(pc) =	sbr.abs _section_cstart, $3  }
0xc4: {  	[dreg:$0x1] =	wrdreg $0xFFFFFFFF  }
0xc5: {  	_ =	task.clear_ibuf [dreg:s9], $0x2FFFF;
	_ =	strace $0x9FFFFFFF  }
0xc6: {  	(tm) =	ssettm $0x7FFFFFFF  }
0xc7: {  	_ =	shalt  }
tec
execute0_lowered:
.L_overlay_start_1:
0x0: {  	(tag) =	ssettag $0x1  }
0x1: {  	s1 =	rddreg [dreg:$0x0]  }
0x2: {  	s9 =	rddreg [dreg:$0x1]  }
0x3: {  	s10 =	rddreg [dreg:$0x2]  }
0x4: {  	s0 =	srdreg.scid;
	s2 =	rddreg [dreg:$0x3]  }
0x5: {  	s5 =	simm.s32 $0x0;
	s11 =	stileid.u32;
	s16 =	simm.s32 $0x1  }
0x6: {  	s17 =	simm.s32 $0x2;
	s18 =	simm.s32 $0x100;
	s29 =	simm.s32 $0xC100  }
0x7: {  	s28 =	simm.s32 $0x14100;
	s30 =	simm.s32 $0x14500;
	s31 =	simm.s32 $0x14D00  }
0x8: {  	s15 =	simm.s32 $0x15D00;
	s12 =	simm.s32 $0x17D00;
	s19 =	simm.s32 $0x4  }
0x9: {  	s21 =	simm.s32 $0x0;
	s0 =	sand.u32 $0x1, s0;
	s26 =	smul.u32 $0x1800, s11  }
0xa: {  	[smem:$0x7FF] =	sst s5;
	s6 =	sshll.u32 s11, $0x4;
	s3 =	smul.u32 $0x18000, s0  }
0xb: {  	s4 =	sshll.u32 s0, $0x4;
	_ =	strace $0x8000004D;
	s25 =	ssub.s32 $0x2, s0  }
0xc: {  	s7 =	sand.u32 $0x70, s6;
	s0 =	sshll.u32 s0, $0x8;
	s4 =	sor.u32 s11, s4  }
0xd: {  	s8 =	sshrl.u32 s25, $0x1;
	s0 =	sor.u32 s6, s0;
	s6 =	simm.s32 $0x17100  }
0xe: {  	s11 =	simm.s32 $0x17500;
	s2 =	sadd.s32 s3, s2;
	[dreg:$0x5] =	wrdreg s4  }
0xf: {  	s4 =	sshll.u32 s4, $0x4;
	s3 =	ssub.s32 s25, s8;
	s0 =	sor.u32 $0x200, s0  }
0x10: {  	s8 =	simm.s32 $0x16500;
	s4 =	sand.u32 $0x180, s4;
	s2 =	sadd.s32 s26, s2  }
0x11: {  	s3 =	smax.u32 s3, $0x1;
	[dreg:$0x9] =	wrdreg s0;
	s26 =	simm.s32 $0x13900  }
.Ltmp0:
0x12: {  	s0 =	simm.s32 $0x15100;
	s4 =	sor.u32 s7, s4;
	(pc) =	sbr.rel .LBB2_1-.Ltmp0, $4  }
0x13: {  	[dreg:$0x8] =	wrdreg s3;
	s13 =	sadd.s32 $0x81E400, s2;
	s14 =	sadd.s32 $0xCB400, s2  }
0x14: {  	v2 =	vlaneseq.u32;
	s2 =	simm.s32 $0x3;
	s3 =	simm.s32 $0x5;
	s9 =	sadd.s32 s9, s4  }
0x15: {  	vm0 =	vmmov $0xffff;
	vm1 =	vmmov $0xff;
	v1 =	vshrl.u32 v2, $0x3;
	s4 =	sadd.s32 s10, s4;
	s10 =	sadd.s32 $0x100, s1;
	[dreg:$0x6] =	wrdreg s9  }
0x16: {  	v0 =	vand.u32 $0x7, v2;
	v2 =	vor.u32 $0x8, v2;
	v1 =	vmul.u32 $0x8, v1;
	[dreg:$0x7] =	wrdreg s4;
	s4 =	simm.s32 $0x15900;
	s9 =	simm.s32 $0x16900  }
.LBB2_5:
0x17: {  	s21 =	rddreg [dreg:$0xa]  }
0x18: {  	s20 =	rddreg [dreg:$0x8];
	s21 =	sadd.s32 $0x1, s21  }
0x19: {  	p0 =	sne.s32 s21, s20  }
.Ltmp1:
0x1a: {  	_ = 	snop;
	(pc) =	sbr.rel @!p0 .LBB2_6-.Ltmp1, $1  }
0x1b: {  	_ =	sdelay $0x3  }
.LBB2_1:
0x1c: {  	[dreg:$0xa] =	wrdreg s21  }
0x1d: {  	s20 =	rddreg [dreg:$0x6]  }
.Ltmp2:
0x1e: {  	s24 =	rddreg [dreg:$0x7];
	(pc) =	sbr.rel .LBB2_2-.Ltmp2, $4  }
0x1f: {  	s21 =	rddreg [dreg:$0x9]  }
0x20: {  	[tilespmem:s5], [sflag:$0x1] =	stream.linear.gather [hbm4b:s20+s5], $0x80, $0x38;
	[tilespmem:$0x18100] =	vst v63  }
0x21: {  	s25 =	simm.s32 $0x80;
	s22 =	simm.s32 $0x0;
	s20 =	rddreg [dreg:$0x5]  }
0x22: {  	[tilespmem:s25], [sflag:$0x2] =	stream.linear.gather [hbm4b:s24+s5], $0x80, $0x38;
	[tilespmem:$0x18100] =	vst v63  }
.LBB2_4:
0x23: {  	s22 =	sadd.s32 $0x30000, s22  }
0x24: {  	p0 =	sne.s32 s22, $0x780000  }
.Ltmp3:
0x25: {  	_ = 	snop;
	(pc) =	sbr.rel @!p0 .LBB2_5-.Ltmp3, $2  }
0x26: {  	_ =	sdelay $0x2  }
0x27: {  	s21 =	sadd.s32 $0x200, s21;
	s20 =	sadd.s32 $0x20, s20  }
.LBB2_2:
0x28: {  	p0 =	sgt.u32 s20, $0x4E1  }
.Ltmp4:
0x29: {  	_ = 	snop;
	(pc) =	sbr.rel @p0 .LBB2_4-.Ltmp4, $1  }
0x2a: {  	_ =	sdelay $0x3  }
0x2b: {  	_ =	swait.ge [sflag:s16], $0x80  }
0x2c: {  	[sflag:s16] =	ssyncset.done $0x0  }
0x2d: {  	[sflag:s16] =	ssyncadd.s32 $0xFFFFFF80  }
0x2e: {  	_ =	swait.ge [sflag:s17], $0x80  }
0x2f: {  	[sflag:s17] =	ssyncset.done $0x0  }
0x30: {  	[sflag:s17] =	ssyncadd.s32 $0xFFFFFF80  }
0x31: {  	v3 =	vld [tilespmem:$0x0];
	_ =	sdelay $0x4  }
0x32: {  	v4 =	vshrl.u32 v3, $0x3  }
0x33: {  	v4 =	vmul.u32 $0x18, v4  }
0x34: {  	v3 =	vand.u32 $0x7, v3  }
0x35: {  	v3 =	vor.u32 v3, v4  }
0x36: {  	v4 =	vperm.xlane v3, v0;
	_ =	sdelay $0x1  }
0x37: {  	v4 =	vadd.s32 v1, v4;
	_ =	sdelay $0x1  }
0x38: {  	v3 =	vperm.xlane v3, v2;
	_ =	sdelay $0x1  }
0x39: {  	v3 =	vadd.s32 v1, v3  }
0x3a: {  	[tilespmem:s18], [sflag:$0x3] =	stream.indirect_vreg.gather [hbm4b:s1+s5], $0x80, v4, vm0, $0xb8;
	[tilespmem:$0x18100] =	vst v63  }
0x3b: {  	s23 =	simm.s32 $0x900  }
0x3c: {  	[tilespmem:s23], [sflag:$0x3] =	stream.indirect_vreg.gather [hbm4b:s10+s5], $0x80, v4, vm1, $0xb8;
	[tilespmem:$0x18100] =	vst v63  }
0x3d: {  	s25 =	simm.s32 $0xD00  }
0x3e: {  	[tilespmem:s25], [sflag:$0x3] =	stream.indirect_vreg.gather [hbm4b:s1+s5], $0x80, v3, vm0, $0xb8;
	[tilespmem:$0x18100] =	vst v63  }
0x3f: {  	s24 =	simm.s32 $0x1500  }
0x40: {  	[tilespmem:s24], [sflag:$0x3] =	stream.indirect_vreg.gather [hbm4b:s10+s5], $0x80, v3, vm1, $0xb8;
	[tilespmem:$0x18100] =	vst v63  }
0x41: {  	v3 =	vld [tilespmem:$0x10];
	_ =	sdelay $0x4  }
0x42: {  	v49 =	vshrl.u32 v3, $0x3  }
0x43: {  	v4 =	vmul.u32 $0x18, v49  }
0x44: {  	v3 =	vand.u32 $0x7, v3  }
0x45: {  	v3 =	vor.u32 v3, v4  }
0x46: {  	v4 =	vperm.xlane v3, v0;
	_ =	sdelay $0x1  }
0x47: {  	v4 =	vadd.s32 v1, v4;
	_ =	sdelay $0x1  }
0x48: {  	v3 =	vperm.xlane v3, v2;
	_ =	sdelay $0x1  }
0x49: {  	s25 =	simm.s32 $0x1900;
	v3 =	vadd.s32 v1, v3  }
0x4a: {  	[tilespmem:s25], [sflag:$0x3] =	stream.indirect_vreg.gather [hbm4b:s1+s5], $0x80, v4, vm0, $0xb8;
	[tilespmem:$0x18100] =	vst v63  }
0x4b: {  	s24 =	simm.s32 $0x2100  }
0x4c: {  	[tilespmem:s24], [sflag:$0x3] =	stream.indirect_vreg.gather [hbm4b:s10+s5], $0x80, v4, vm1, $0xb8;
	[tilespmem:$0x18100] =	vst v63  }
0x4d: {  	s25 =	simm.s32 $0x2500  }
0x4e: {  	[tilespmem:s25], [sflag:$0x3] =	stream.indirect_vreg.gather [hbm4b:s1+s5], $0x80, v3, vm0, $0xb8;
	[tilespmem:$0x18100] =	vst v63  }
0x4f: {  	s24 =	simm.s32 $0x2D00  }
0x50: {  	[tilespmem:s24], [sflag:$0x3] =	stream.indirect_vreg.gather [hbm4b:s10+s5], $0x80, v3, vm1, $0xb8;
	[tilespmem:$0x18100] =	vst v63  }
0x51: {  	v3 =	vld [tilespmem:$0x20];
	_ =	sdelay $0x4  }
0x52: {  	v50 =	vshrl.u32 v3, $0x3  }
0x53: {  	v4 =	vmul.u32 $0x18, v50  }
0x54: {  	v3 =	vand.u32 $0x7, v3  }
0x55: {  	v3 =	vor.u32 v3, v4  }
0x56: {  	v4 =	vperm.xlane v3, v0;
	_ =	sdelay $0x1  }
0x57: {  	v4 =	vadd.s32 v1, v4;
	_ =	sdelay $0x1  }
0x58: {  	v3 =	vperm.xlane v3, v2;
	_ =	sdelay $0x1  }
0x59: {  	s25 =	simm.s32 $0x3100;
	v3 =	vadd.s32 v1, v3  }
0x5a: {  	[tilespmem:s25], [sflag:$0x3] =	stream.indirect_vreg.gather [hbm4b:s1+s5], $0x80, v4, vm0, $0xb8;
	[tilespmem:$0x18100] =	vst v63  }
0x5b: {  	s24 =	simm.s32 $0x3900  }
0x5c: {  	[tilespmem:s24], [sflag:$0x3] =	stream.indirect_vreg.gather [hbm4b:s10+s5], $0x80, v4, vm1, $0xb8;
	[tilespmem:$0x18100] =	vst v63  }
0x5d: {  	s25 =	simm.s32 $0x3D00  }
0x5e: {  	[tilespmem:s25], [sflag:$0x3] =	stream.indirect_vreg.gather [hbm4b:s1+s5], $0x80, v3, vm0, $0xb8;
	[tilespmem:$0x18100] =	vst v63  }
0x5f: {  	s24 =	simm.s32 $0x4500  }
0x60: {  	[tilespmem:s24], [sflag:$0x3] =	stream.indirect_vreg.gather [hbm4b:s10+s5], $0x80, v3, vm1, $0xb8;
	[tilespmem:$0x18100] =	vst v63  }
0x61: {  	v3 =	vld [tilespmem:$0x30];
	_ =	sdelay $0x4  }
0x62: {  	v51 =	vshrl.u32 v3, $0x3  }
0x63: {  	v4 =	vmul.u32 $0x18, v51  }
0x64: {  	v3 =	vand.u32 $0x7, v3  }
0x65: {  	v3 =	vor.u32 v3, v4  }
0x66: {  	v4 =	vperm.xlane v3, v0;
	_ =	sdelay $0x1  }
0x67: {  	v4 =	vadd.s32 v1, v4;
	_ =	sdelay $0x1  }
0x68: {  	v3 =	vperm.xlane v3, v2;
	_ =	sdelay $0x1  }
0x69: {  	s25 =	simm.s32 $0x4900;
	v3 =	vadd.s32 v1, v3  }
0x6a: {  	[tilespmem:s25], [sflag:$0x3] =	stream.indirect_vreg.gather [hbm4b:s1+s5], $0x80, v4, vm0, $0xb8;
	[tilespmem:$0x18100] =	vst v63  }
0x6b: {  	s24 =	simm.s32 $0x5100  }
0x6c: {  	[tilespmem:s24], [sflag:$0x3] =	stream.indirect_vreg.gather [hbm4b:s10+s5], $0x80, v4, vm1, $0xb8;
	[tilespmem:$0x18100] =	vst v63  }
0x6d: {  	s25 =	simm.s32 $0x5500  }
0x6e: {  	[tilespmem:s25], [sflag:$0x3] =	stream.indirect_vreg.gather [hbm4b:s1+s5], $0x80, v3, vm0, $0xb8;
	[tilespmem:$0x18100] =	vst v63  }
0x6f: {  	s24 =	simm.s32 $0x5D00  }
0x70: {  	[tilespmem:s24], [sflag:$0x3] =	stream.indirect_vreg.gather [hbm4b:s10+s5], $0x80, v3, vm1, $0xb8;
	[tilespmem:$0x18100] =	vst v63  }
0x71: {  	v3 =	vld [tilespmem:$0x40];
	_ =	sdelay $0x4  }
0x72: {  	v52 =	vshrl.u32 v3, $0x3  }
0x73: {  	v4 =	vmul.u32 $0x18, v52  }
0x74: {  	v3 =	vand.u32 $0x7, v3  }
0x75: {  	v3 =	vor.u32 v3, v4  }
0x76: {  	v4 =	vperm.xlane v3, v0;
	_ =	sdelay $0x1  }
0x77: {  	v4 =	vadd.s32 v1, v4;
	_ =	sdelay $0x1  }
0x78: {  	v3 =	vperm.xlane v3, v2;
	_ =	sdelay $0x1  }
0x79: {  	s25 =	simm.s32 $0x6100;
	v3 =	vadd.s32 v1, v3  }
0x7a: {  	[tilespmem:s25], [sflag:$0x3] =	stream.indirect_vreg.gather [hbm4b:s1+s5], $0x80, v4, vm0, $0xb8;
	[tilespmem:$0x18100] =	vst v63  }
0x7b: {  	s24 =	simm.s32 $0x6900  }
0x7c: {  	[tilespmem:s24], [sflag:$0x3] =	stream.indirect_vreg.gather [hbm4b:s10+s5], $0x80, v4, vm1, $0xb8;
	[tilespmem:$0x18100] =	vst v63  }
0x7d: {  	s25 =	simm.s32 $0x6D00  }
0x7e: {  	[tilespmem:s25], [sflag:$0x3] =	stream.indirect_vreg.gather [hbm4b:s1+s5], $0x80, v3, vm0, $0xb8;
	[tilespmem:$0x18100] =	vst v63  }
0x7f: {  	s24 =	simm.s32 $0x7500  }
0x80: {  	[tilespmem:s24], [sflag:$0x3] =	stream.indirect_vreg.gather [hbm4b:s10+s5], $0x80, v3, vm1, $0xb8;
	[tilespmem:$0x18100] =	vst v63  }
0x81: {  	v3 =	vld [tilespmem:$0x50];
	_ =	sdelay $0x4  }
0x82: {  	v53 =	vshrl.u32 v3, $0x3  }
0x83: {  	v4 =	vmul.u32 $0x18, v53  }
0x84: {  	v3 =	vand.u32 $0x7, v3  }
0x85: {  	v3 =	vor.u32 v3, v4  }
0x86: {  	v4 =	vperm.xlane v3, v0;
	_ =	sdelay $0x1  }
0x87: {  	v4 =	vadd.s32 v1, v4;
	_ =	sdelay $0x1  }
0x88: {  	v3 =	vperm.xlane v3, v2;
	_ =	sdelay $0x1  }
0x89: {  	s25 =	simm.s32 $0x7900;
	v3 =	vadd.s32 v1, v3  }
0x8a: {  	[tilespmem:s25], [sflag:$0x3] =	stream.indirect_vreg.gather [hbm4b:s1+s5], $0x80, v4, vm0, $0xb8;
	[tilespmem:$0x18100] =	vst v63  }
0x8b: {  	s24 =	simm.s32 $0x8100  }
0x8c: {  	[tilespmem:s24], [sflag:$0x3] =	stream.indirect_vreg.gather [hbm4b:s10+s5], $0x80, v4, vm1, $0xb8;
	[tilespmem:$0x18100] =	vst v63  }
0x8d: {  	s25 =	simm.s32 $0x8500  }
0x8e: {  	[tilespmem:s25], [sflag:$0x3] =	stream.indirect_vreg.gather [hbm4b:s1+s5], $0x80, v3, vm0, $0xb8;
	[tilespmem:$0x18100] =	vst v63  }
0x8f: {  	s24 =	simm.s32 $0x8D00  }
0x90: {  	[tilespmem:s24], [sflag:$0x3] =	stream.indirect_vreg.gather [hbm4b:s10+s5], $0x80, v3, vm1, $0xb8;
	[tilespmem:$0x18100] =	vst v63  }
0x91: {  	v3 =	vld [tilespmem:$0x60];
	_ =	sdelay $0x4  }
0x92: {  	v54 =	vshrl.u32 v3, $0x3  }
0x93: {  	v4 =	vmul.u32 $0x18, v54  }
0x94: {  	v3 =	vand.u32 $0x7, v3  }
0x95: {  	v3 =	vor.u32 v3, v4  }
0x96: {  	v4 =	vperm.xlane v3, v0;
	_ =	sdelay $0x1  }
0x97: {  	v4 =	vadd.s32 v1, v4;
	_ =	sdelay $0x1  }
0x98: {  	v3 =	vperm.xlane v3, v2;
	_ =	sdelay $0x1  }
0x99: {  	s25 =	simm.s32 $0x9100;
	v3 =	vadd.s32 v1, v3  }
0x9a: {  	[tilespmem:s25], [sflag:$0x3] =	stream.indirect_vreg.gather [hbm4b:s1+s5], $0x80, v4, vm0, $0xb8;
	[tilespmem:$0x18100] =	vst v63  }
0x9b: {  	s24 =	simm.s32 $0x9900  }
0x9c: {  	[tilespmem:s24], [sflag:$0x3] =	stream.indirect_vreg.gather [hbm4b:s10+s5], $0x80, v4, vm1, $0xb8;
	[tilespmem:$0x18100] =	vst v63  }
0x9d: {  	s25 =	simm.s32 $0x9D00  }
0x9e: {  	[tilespmem:s25], [sflag:$0x3] =	stream.indirect_vreg.gather [hbm4b:s1+s5], $0x80, v3, vm0, $0xb8;
	[tilespmem:$0x18100] =	vst v63  }
0x9f: {  	s24 =	simm.s32 $0xA500  }
0xa0: {  	[tilespmem:s24], [sflag:$0x3] =	stream.indirect_vreg.gather [hbm4b:s10+s5], $0x80, v3, vm1, $0xb8;
	[tilespmem:$0x18100] =	vst v63  }
0xa1: {  	v3 =	vld [tilespmem:$0x70];
	_ =	sdelay $0x4  }
0xa2: {  	v55 =	vshrl.u32 v3, $0x3  }
0xa3: {  	v4 =	vmul.u32 $0x18, v55  }
0xa4: {  	v3 =	vand.u32 $0x7, v3  }
0xa5: {  	v3 =	vor.u32 v3, v4  }
0xa6: {  	v4 =	vperm.xlane v3, v0;
	_ =	sdelay $0x1  }
0xa7: {  	v4 =	vadd.s32 v1, v4;
	_ =	sdelay $0x1  }
0xa8: {  	v3 =	vperm.xlane v3, v2;
	_ =	sdelay $0x1  }
0xa9: {  	s25 =	simm.s32 $0xA900;
	v3 =	vadd.s32 v1, v3  }
0xaa: {  	[tilespmem:s25], [sflag:$0x3] =	stream.indirect_vreg.gather [hbm4b:s1+s5], $0x80, v4, vm0, $0xb8;
	[tilespmem:$0x18100] =	vst v63  }
0xab: {  	s24 =	simm.s32 $0xB100  }
0xac: {  	[tilespmem:s24], [sflag:$0x3] =	stream.indirect_vreg.gather [hbm4b:s10+s5], $0x80, v4, vm1, $0xb8;
	[tilespmem:$0x18100] =	vst v63  }
0xad: {  	s25 =	simm.s32 $0xB500  }
0xae: {  	[tilespmem:s25], [sflag:$0x3] =	stream.indirect_vreg.gather [hbm4b:s1+s5], $0x80, v3, vm0, $0xb8;
	[tilespmem:$0x18100] =	vst v63  }
0xaf: {  	s24 =	simm.s32 $0xBD00  }
0xb0: {  	[tilespmem:s24], [sflag:$0x3] =	stream.indirect_vreg.gather [hbm4b:s10+s5], $0x80, v3, vm1, $0xb8;
	[tilespmem:$0x18100] =	vst v63  }
0xb1: {  	v3 =	vld [tilespmem:$0x80];
	_ =	sdelay $0x4  }
0xb2: {  	v56 =	vshrl.u32 v3, $0x3  }
0xb3: {  	v4 =	vmul.u32 $0x18, v56  }
0xb4: {  	v3 =	vand.u32 $0x7, v3  }
0xb5: {  	v3 =	vor.u32 v3, v4  }
0xb6: {  	v4 =	vperm.xlane v3, v0;
	_ =	sdelay $0x1  }
0xb7: {  	v4 =	vadd.s32 v1, v4;
	_ =	sdelay $0x1  }
0xb8: {  	v3 =	vperm.xlane v3, v2;
	_ =	sdelay $0x1  }
0xb9: {  	v3 =	vadd.s32 v1, v3  }
0xba: {  	[tilespmem:s29], [sflag:$0x4] =	stream.indirect_vreg.gather [hbm4b:s1+s5], $0x80, v4, vm0, $0xb8;
	[tilespmem:$0x18100] =	vst v63  }
0xbb: {  	s25 =	simm.s32 $0xC900  }
0xbc: {  	[tilespmem:s25], [sflag:$0x4] =	stream.indirect_vreg.gather [hbm4b:s10+s5], $0x80, v4, vm1, $0xb8;
	[tilespmem:$0x18100] =	vst v63  }
0xbd: {  	s24 =	simm.s32 $0xCD00  }
0xbe: {  	[tilespmem:s24], [sflag:$0x4] =	stream.indirect_vreg.gather [hbm4b:s1+s5], $0x80, v3, vm0, $0xb8;
	[tilespmem:$0x18100] =	vst v63  }
0xbf: {  	s25 =	simm.s32 $0xD500  }
0xc0: {  	[tilespmem:s25], [sflag:$0x4] =	stream.indirect_vreg.gather [hbm4b:s10+s5], $0x80, v3, vm1, $0xb8;
	[tilespmem:$0x18100] =	vst v63  }
0xc1: {  	v3 =	vld [tilespmem:$0x90];
	_ =	sdelay $0x4  }
0xc2: {  	v57 =	vshrl.u32 v3, $0x3  }
0xc3: {  	v4 =	vmul.u32 $0x18, v57  }
0xc4: {  	v3 =	vand.u32 $0x7, v3  }
0xc5: {  	v3 =	vor.u32 v3, v4  }
0xc6: {  	v4 =	vperm.xlane v3, v0;
	_ =	sdelay $0x1  }
0xc7: {  	v4 =	vadd.s32 v1, v4;
	_ =	sdelay $0x1  }
0xc8: {  	v3 =	vperm.xlane v3, v2;
	_ =	sdelay $0x1  }
0xc9: {  	s24 =	simm.s32 $0xD900;
	v3 =	vadd.s32 v1, v3  }
0xca: {  	[tilespmem:s24], [sflag:$0x4] =	stream.indirect_vreg.gather [hbm4b:s1+s5], $0x80, v4, vm0, $0xb8;
	[tilespmem:$0x18100] =	vst v63  }
0xcb: {  	s25 =	simm.s32 $0xE100  }
0xcc: {  	[tilespmem:s25], [sflag:$0x4] =	stream.indirect_vreg.gather [hbm4b:s10+s5], $0x80, v4, vm1, $0xb8;
	[tilespmem:$0x18100] =	vst v63  }
0xcd: {  	s24 =	simm.s32 $0xE500  }
0xce: {  	[tilespmem:s24], [sflag:$0x4] =	stream.indirect_vreg.gather [hbm4b:s1+s5], $0x80, v3, vm0, $0xb8;
	[tilespmem:$0x18100] =	vst v63  }
0xcf: {  	s25 =	simm.s32 $0xED00  }
0xd0: {  	[tilespmem:s25], [sflag:$0x4] =	stream.indirect_vreg.gather [hbm4b:s10+s5], $0x80, v3, vm1, $0xb8;
	[tilespmem:$0x18100] =	vst v63  }
0xd1: {  	v3 =	vld [tilespmem:$0xA0];
	_ =	sdelay $0x4  }
0xd2: {  	v58 =	vshrl.u32 v3, $0x3  }
0xd3: {  	v4 =	vmul.u32 $0x18, v58  }
0xd4: {  	v3 =	vand.u32 $0x7, v3  }
0xd5: {  	v3 =	vor.u32 v3, v4  }
0xd6: {  	v4 =	vperm.xlane v3, v0;
	_ =	sdelay $0x1  }
0xd7: {  	v4 =	vadd.s32 v1, v4;
	_ =	sdelay $0x1  }
0xd8: {  	v3 =	vperm.xlane v3, v2;
	_ =	sdelay $0x1  }
0xd9: {  	s24 =	simm.s32 $0xF100;
	v3 =	vadd.s32 v1, v3  }
0xda: {  	[tilespmem:s24], [sflag:$0x4] =	stream.indirect_vreg.gather [hbm4b:s1+s5], $0x80, v4, vm0, $0xb8;
	[tilespmem:$0x18100] =	vst v63  }
0xdb: {  	s25 =	simm.s32 $0xF900  }
0xdc: {  	[tilespmem:s25], [sflag:$0x4] =	stream.indirect_vreg.gather [hbm4b:s10+s5], $0x80, v4, vm1, $0xb8;
	[tilespmem:$0x18100] =	vst v63  }
0xdd: {  	s24 =	simm.s32 $0xFD00  }
0xde: {  	[tilespmem:s24], [sflag:$0x4] =	stream.indirect_vreg.gather [hbm4b:s1+s5], $0x80, v3, vm0, $0xb8;
	[tilespmem:$0x18100] =	vst v63  }
0xdf: {  	s25 =	simm.s32 $0x10500  }
0xe0: {  	[tilespmem:s25], [sflag:$0x4] =	stream.indirect_vreg.gather [hbm4b:s10+s5], $0x80, v3, vm1, $0xb8;
	[tilespmem:$0x18100] =	vst v63  }
0xe1: {  	v3 =	vld [tilespmem:$0xB0];
	_ =	sdelay $0x4  }
0xe2: {  	v59 =	vshrl.u32 v3, $0x3  }
0xe3: {  	v4 =	vmul.u32 $0x18, v59  }
0xe4: {  	v3 =	vand.u32 $0x7, v3  }
0xe5: {  	v3 =	vor.u32 v3, v4  }
0xe6: {  	v4 =	vperm.xlane v3, v0;
	_ =	sdelay $0x1  }
0xe7: {  	v4 =	vadd.s32 v1, v4;
	_ =	sdelay $0x1  }
0xe8: {  	v3 =	vperm.xlane v3, v2;
	_ =	sdelay $0x1  }
0xe9: {  	s24 =	simm.s32 $0x10900;
	v3 =	vadd.s32 v1, v3  }
0xea: {  	[tilespmem:s24], [sflag:$0x4] =	stream.indirect_vreg.gather [hbm4b:s1+s5], $0x80, v4, vm0, $0xb8;
	[tilespmem:$0x18100] =	vst v63  }
0xeb: {  	s25 =	simm.s32 $0x11100  }
0xec: {  	[tilespmem:s25], [sflag:$0x4] =	stream.indirect_vreg.gather [hbm4b:s10+s5], $0x80, v4, vm1, $0xb8;
	[tilespmem:$0x18100] =	vst v63  }
0xed: {  	s24 =	simm.s32 $0x11500  }
0xee: {  	[tilespmem:s24], [sflag:$0x4] =	stream.indirect_vreg.gather [hbm4b:s1+s5], $0x80, v3, vm0, $0xb8;
	[tilespmem:$0x18100] =	vst v63  }
0xef: {  	s25 =	simm.s32 $0x11D00  }
0xf0: {  	[tilespmem:s25], [sflag:$0x4] =	stream.indirect_vreg.gather [hbm4b:s10+s5], $0x80, v3, vm1, $0xb8;
	[tilespmem:$0x18100] =	vst v63  }
0xf1: {  	v3 =	vld [tilespmem:$0xC0];
	_ =	sdelay $0x4  }
0xf2: {  	v60 =	vshrl.u32 v3, $0x3  }
0xf3: {  	v4 =	vmul.u32 $0x18, v60  }
0xf4: {  	v3 =	vand.u32 $0x7, v3  }
0xf5: {  	v3 =	vor.u32 v3, v4  }
0xf6: {  	v4 =	vperm.xlane v3, v0;
	_ =	sdelay $0x1  }
0xf7: {  	v4 =	vadd.s32 v1, v4;
	_ =	sdelay $0x1  }
0xf8: {  	v3 =	vperm.xlane v3, v2;
	_ =	sdelay $0x1  }
0xf9: {  	s24 =	simm.s32 $0x12100;
	v3 =	vadd.s32 v1, v3  }
0xfa: {  	[tilespmem:s24], [sflag:$0x4] =	stream.indirect_vreg.gather [hbm4b:s1+s5], $0x80, v4, vm0, $0xb8;
	[tilespmem:$0x18100] =	vst v63  }
0xfb: {  	s25 =	simm.s32 $0x12900  }
0xfc: {  	[tilespmem:s25], [sflag:$0x4] =	stream.indirect_vreg.gather [hbm4b:s10+s5], $0x80, v4, vm1, $0xb8;
	[tilespmem:$0x18100] =	vst v63  }
0xfd: {  	s24 =	simm.s32 $0x12D00  }
0xfe: {  	[tilespmem:s24], [sflag:$0x4] =	stream.indirect_vreg.gather [hbm4b:s1+s5], $0x80, v3, vm0, $0xb8;
	[tilespmem:$0x18100] =	vst v63  }
0xff: {  	s25 =	simm.s32 $0x13500  }
0x100: {  	[tilespmem:s25], [sflag:$0x4] =	stream.indirect_vreg.gather [hbm4b:s10+s5], $0x80, v3, vm1, $0xb8;
	[tilespmem:$0x18100] =	vst v63  }
0x101: {  	v3 =	vld [tilespmem:$0xD0];
	_ =	sdelay $0x4  }
0x102: {  	v61 =	vshrl.u32 v3, $0x3  }
0x103: {  	v4 =	vmul.u32 $0x18, v61  }
0x104: {  	v3 =	vand.u32 $0x7, v3  }
0x105: {  	v3 =	vor.u32 v3, v4  }
0x106: {  	v4 =	vperm.xlane v3, v0;
	_ =	sdelay $0x1  }
0x107: {  	v4 =	vadd.s32 v1, v4;
	_ =	sdelay $0x1  }
0x108: {  	v3 =	vperm.xlane v3, v2;
	_ =	sdelay $0x1  }
0x109: {  	v3 =	vadd.s32 v1, v3  }
0x10a: {  	[tilespmem:s26], [sflag:$0x4] =	stream.indirect_vreg.gather [hbm4b:s1+s5], $0x80, v4, vm0, $0xb8;
	[tilespmem:$0x18100] =	vst v63  }
0x10b: {  	_ = 	snop  }
0x10c: {  	[tilespmem:s28], [sflag:$0x4] =	stream.indirect_vreg.gather [hbm4b:s10+s5], $0x80, v4, vm1, $0xb8;
	[tilespmem:$0x18100] =	vst v63  }
0x10d: {  	_ = 	snop  }
0x10e: {  	[tilespmem:s30], [sflag:$0x4] =	stream.indirect_vreg.gather [hbm4b:s1+s5], $0x80, v3, vm0, $0xb8;
	[tilespmem:$0x18100] =	vst v63  }
0x10f: {  	_ = 	snop  }
0x110: {  	[tilespmem:s31], [sflag:$0x4] =	stream.indirect_vreg.gather [hbm4b:s10+s5], $0x80, v3, vm1, $0xb8;
	[tilespmem:$0x18100] =	vst v63  }
0x111: {  	v3 =	vld [tilespmem:$0xE0];
	_ =	sdelay $0x4  }
0x112: {  	v62 =	vshrl.u32 v3, $0x3  }
0x113: {  	v4 =	vmul.u32 $0x18, v62  }
0x114: {  	v3 =	vand.u32 $0x7, v3  }
0x115: {  	v3 =	vor.u32 v3, v4  }
0x116: {  	v4 =	vperm.xlane v3, v0;
	_ =	sdelay $0x1  }
0x117: {  	v4 =	vadd.s32 v1, v4;
	_ =	sdelay $0x1  }
0x118: {  	v3 =	vperm.xlane v3, v2;
	_ =	sdelay $0x1  }
0x119: {  	v3 =	vadd.s32 v1, v3  }
0x11a: {  	[tilespmem:s0], [sflag:$0x4] =	stream.indirect_vreg.gather [hbm4b:s1+s5], $0x80, v4, vm0, $0xb8;
	[tilespmem:$0x18100] =	vst v63  }
0x11b: {  	_ = 	snop  }
0x11c: {  	[tilespmem:s4], [sflag:$0x4] =	stream.indirect_vreg.gather [hbm4b:s10+s5], $0x80, v4, vm1, $0xb8;
	[tilespmem:$0x18100] =	vst v63  }
0x11d: {  	_ = 	snop  }
0x11e: {  	[tilespmem:s15], [sflag:$0x4] =	stream.indirect_vreg.gather [hbm4b:s1+s5], $0x80, v3, vm0, $0xb8;
	[tilespmem:$0x18100] =	vst v63  }
0x11f: {  	_ = 	snop  }
0x120: {  	[tilespmem:s8], [sflag:$0x4] =	stream.indirect_vreg.gather [hbm4b:s10+s5], $0x80, v3, vm1, $0xb8;
	[tilespmem:$0x18100] =	vst v63  }
0x121: {  	v3 =	vld [tilespmem:$0xF0];
	_ =	sdelay $0x4  }
0x122: {  	v63 =	vshrl.u32 v3, $0x3  }
0x123: {  	v4 =	vmul.u32 $0x18, v63  }
0x124: {  	v3 =	vand.u32 $0x7, v3  }
0x125: {  	v3 =	vor.u32 v3, v4  }
0x126: {  	v4 =	vperm.xlane v3, v0;
	_ =	sdelay $0x1  }
0x127: {  	v4 =	vadd.s32 v1, v4;
	_ =	sdelay $0x1  }
0x128: {  	v3 =	vperm.xlane v3, v2;
	_ =	sdelay $0x1  }
0x129: {  	v3 =	vadd.s32 v1, v3  }
0x12a: {  	[tilespmem:s9], [sflag:$0x4] =	stream.indirect_vreg.gather [hbm4b:s1+s5], $0x80, v4, vm0, $0xb8;
	[tilespmem:$0x18100] =	vst v63  }
0x12b: {  	_ = 	snop  }
0x12c: {  	[tilespmem:s6], [sflag:$0x4] =	stream.indirect_vreg.gather [hbm4b:s10+s5], $0x80, v4, vm1, $0xb8;
	[tilespmem:$0x18100] =	vst v63  }
0x12d: {  	_ = 	snop  }
0x12e: {  	[tilespmem:s11], [sflag:$0x4] =	stream.indirect_vreg.gather [hbm4b:s1+s5], $0x80, v3, vm0, $0xb8;
	[tilespmem:$0x18100] =	vst v63  }
0x12f: {  	_ = 	snop  }
0x130: {  	[tilespmem:s12], [sflag:$0x4] =	stream.indirect_vreg.gather [hbm4b:s10+s5], $0x80, v3, vm1, $0xb8;
	[tilespmem:$0x18100] =	vst v63  }
0x131: {  	_ =	swait.ge [sflag:s2], $0xC000  }
0x132: {  	[sflag:s2] =	ssyncset.done $0x0  }
0x133: {  	s24 =	sadd.s32 s22, s14;
	[sflag:s2] =	ssyncadd.s32 $0xFFFF4000  }
0x134: {  	[hbm4b:s24+s5] =	stream.linear.scatter [tilespmem:s18], [sflag:$0x5], $0xC000, $0x38;
	[tilespmem:$0x18100] =	vst v63  }
0x135: {  	_ =	swait.ge [sflag:s3], $0xC000  }
0x136: {  	[sflag:s3] =	ssyncset.done $0x0  }
0x137: {  	[sflag:s3] =	ssyncadd.s32 $0xFFFF4000  }
0x138: {  	_ =	swait.ge [sflag:s19], $0xC000  }
0x139: {  	[sflag:s19] =	ssyncset.done $0x0  }
0x13a: {  	s25 =	sadd.s32 s22, s13;
	[sflag:s19] =	ssyncadd.s32 $0xFFFF4000  }
0x13b: {  	[hbm4b:s25+s5] =	stream.linear.scatter [tilespmem:s29], [sflag:$0x5], $0xC000, $0x38;
	[tilespmem:$0x18100] =	vst v63  }
0x13c: {  	_ =	swait.ge [sflag:s3], $0xC000  }
0x13d: {  	p0 =	sgt.u32 s20, $0x4C1;
	[sflag:s3] =	ssyncset.done $0x0  }
0x13e: {  	s23 =	sand.u32 @!p0 $0xFF80, s21;
	[sflag:s3] =	ssyncadd.s32 $0xFFFF4000  }
0x13f: {  	s23 =	sor.u32 @!p0 s7, s23;
	s24 =	rddreg [dreg:$0x1]  }
.Ltmp5:
0x140: {  	s25 =	simm.s32 @!p0 $0x0;
	s24 =	sadd.s32 @!p0 s24, s23;
	(pc) =	sbr.rel .LBB2_4-.Ltmp5, $4  }
0x141: {  	[tilespmem:s25], [sflag:$0x1] =	stream.linear.gather @!p0 [hbm4b:s24+s25], $0x80, $0x38;
	[tilespmem:$0x18100] =	vst v63  }
0x142: {  	s24 =	rddreg [dreg:$0x2]  }
0x143: {  	s23 =	sadd.s32 @!p0 s24, s23;
	s24 =	simm.s32 @!p0 $0x80  }
0x144: {  	[tilespmem:s24], [sflag:$0x2] =	stream.linear.gather @!p0 [hbm4b:s23+s25], $0x80, $0x38;
	[tilespmem:$0x18100] =	vst v63  }
.LBB2_6:
0x145: {  	_ =	sfence.sel $0x180000  }
0x146: {  	[bflag:$0x0] =	sbarrier.arrive $0xFFFF  }
0x147: {  	_ =	strace $0x9000004D  }
0x148: {  	s0 =	stileid.u32;
	[bflag:$0x2] =	sbarrier.arrive $0xFFFF  }
0x149: {  	p0 =	sne.s32 s0, $0x0;
	s0 =	rddreg [dreg:$0x4]  }
0x14a: {  	s0 =	sadd.s32 @!p0 $0x100000, s0  }
0x14b: {  	[sflag:s0] =	ssyncadd.tile.s32 @!p0 $0x1;
	_ =	shalt  }
.Lfunc_end2:
_tile_overlayer_lowered:
.L_overlay_start_2:
0x14c: {  	(tag) =	ssettag $0x2  }
0x14d: {  	s0 =	rddreg [dreg:$0x0];
	s2 =	stileid.u32  }
0x14e: {  	s1 =	rddreg [dreg:$0x1];
	p0 =	sne.s32 s2, $0x0  }
0x14f: {  	s3 =	rddreg [dreg:$0x2];
	[bflag:$0x3] =	sbarrier.arrive $0xFFFF;
	s2 =	simm.s32 @!p0 $0x1C05  }
0x150: {  	[timem:s3], [sflag:s2] =	dma.local @!p0 [hbm:s0], s1  }
0x151: {  	s0 =	simm.s32 @!p0 $0x5  }
0x152: {  	_ =	swait.ge @!p0 [sflag:s0], s1  }
0x153: {  	s1 =	ssub.s32 @!p0 $0x0, s1;
	[sflag:s0] =	ssyncset.done @!p0 $0x0  }
0x154: {  	[sflag:s0] =	ssyncadd.s32 @!p0 s1  }
0x155: {  	[bflag:$0x3] =	sbarrier.arrive $0xFFFF  }
0x156: {  	_ =	shalt  }

// kernel: kernel.20.cloned.1.call-start
scs
__scs_entry_jumppad:
0x0: {  	(pc) =	sbr.rel $0x88, $3  }
0x1: {  	(tag) =	ssettag $0x0;
	lr =	simm.s32 $0x1  }
0x2: {  	[smem:$0x3F82] =	sst lr;
	_ =	strace $0xD0000000  }
0x3: {  	_ = 	snop  }
0x4: {  	_ = 	snop  }
0x5: {  	_ = 	snop  }
0x6: {  	_ = 	snop  }
0x7: {  	_ = 	snop  }
__scs_overlays_trampoline_lowered:
0x8: {  	[smem:$0x3F91] =	sst s0  }
0x9: {  	[smem:$0x3F92] =	sst s1  }
0xa: {  	[smem:$0x3F93] =	sst s2  }
0xb: {  	[smem:$0x3F94] =	sst s3  }
0xc: {  	[smem:$0x3F95] =	sst s4  }
0xd: {  	[smem:$0x3F96] =	sst s5  }
0xe: {  	[smem:$0x3F97] =	sst s6  }
0xf: {  	[smem:$0x3F98] =	sst s7  }
0x10: {  	[smem:$0x3F99] =	sst s8  }
0x11: {  	[smem:$0x3F9A] =	sst s9;
	s0 =	simm.s32 @!p0 $0x0  }
0x12: {  	s1 =	sld [smem:$0x3F80];
	s0 =	simm.s32 @p0 $0x1  }
0x13: {  	[smem:$0x3F9B] =	sst s0;
	s0 =	simm.s32 @!p1 $0x0  }
0x14: {  	s2 =	sld [smem:$0x3F7F];
	s0 =	simm.s32 @p1 $0x1  }
0x15: {  	[smem:$0x3F9C] =	sst s0;
	s0 =	simm.s32 @!p2 $0x0  }
0x16: {  	s3 =	sld [smem:$0x3FDB];
	s0 =	simm.s32 @p2 $0x1  }
0x17: {  	s4 =	simm.s32 $0x1BF5;
	[smem:$0x3F9E] =	sst s0  }
0x18: {  	s0 =	sld [smem:$0x3F81];
	_ =	swait.ge [sflag:s4], $0x0  }
0x19: {  	s7 =	sld [smem:$0x3F82]  }
0x1a: {  	s8 =	sadd.s32 $0xFFFFE003, lr  }
0x1b: {  	s9 =	sadd.s32 $0xFFFFFEF7, lr;
	s5 =	simm.s32 $0xFFFFFFFF;
	p2 =	slt.u32 s8, $0xFFFFF086  }
0x1c: {  	p1 =	slt.u32 s9, $0xF7A;
	s5 =	simm.s32 @!p2 $0x0  }
0x1d: {  	s5 =	simm.s32 @p1 $0x1;
	p0 =	seq.s32 s7, s2  }
0x1e: {  	s7 =	smul.u32 @!p0 $0xF7A, s2;
	p2 =	seq.s32 @!p0 s5, $0x0  }
0x1f: {  	s9 =	smul.u32 $0xF7A, s1;
	s8 =	simm.s32 @!p0 $0x1BF5;
	p2 =	por !p2, p0  }
0x20: {  	[sflag:s8] =	ssyncset.s32 @!p0 $0xFFFFF086;
	s6 =	sadd.s32 @!p0 s3, s7;
	s7 =	simm.s32 @!p0 $0x108  }
0x21: {  	s3 =	sadd.s32 s3, s9;
	s6 =	sadd.s32 @!p0 $0x88, s6;
	s7 =	simm.s32 @p2 $0x1082  }
0x22: {  	[simem:s7], [sflag:s8] =	dma.local @!p0 [hbm:s6], $0xF7A  }
0x23: {  	s9 =	sor.u32 $0xD0000000, s2;
	s6 =	simm.s32 $0x108;
	_ =	swait.ge @!p0 [sflag:s8], $0x0  }
0x24: {  	s3 =	sadd.s32 $0x88, s3;
	s6 =	simm.s32 @!p1 $0x1082;
	[sflag:s4] =	ssyncset.s32 $0xFFFFF086  }
0x25: {  	[simem:s6], [sflag:s4] =	dma.local [hbm:s3], $0xF7A  }
0x26: {  	[smem:$0x3F82] =	sst s1;
	(tag) =	ssettag s2;
	_ =	strace s9  }
0x27: {  	s1 =	sld [smem:$0x3F92]  }
0x28: {  	s2 =	sld [smem:$0x3F93]  }
0x29: {  	s4 =	sld [smem:$0x3F95]  }
0x2a: {  	p0 =	seq.s32 s5, $0x0;
	s5 =	sld [smem:$0x3F96]  }
0x2b: {  	s6 =	sld [smem:$0x3F97]  }
0x2c: {  	s7 =	sld [smem:$0x3F98]  }
0x2d: {  	s3 =	simm.s32 $0x108;
	s8 =	sld [smem:$0x3F99]  }
0x2e: {  	s3 =	simm.s32 @!p0 $0x1082;
	s9 =	sld [smem:$0x3F9A]  }
0x2f: {  	lr =	sadd.s32 s0, s3;
	s0 =	sld [smem:$0x3F91]  }
0x30: {  	s3 =	sld [smem:$0x3F94]  }
0x31: {  	[smem:$0x3F9D] =	sst s10  }
0x32: {  	s10 =	sld [smem:$0x3F9B];
	_ =	sdelay $0x3  }
0x33: {  	p0 =	seq.s32 s10, $0x1;
	s10 =	sld [smem:$0x3F9D];
	_ =	sdelay $0x3  }
0x34: {  	[smem:$0x3F9D] =	sst s10  }
0x35: {  	s10 =	sld [smem:$0x3F9C];
	_ =	sdelay $0x3  }
0x36: {  	p1 =	seq.s32 s10, $0x1;
	s10 =	sld [smem:$0x3F9D];
	_ =	sdelay $0x3  }
0x37: {  	[smem:$0x3F9D] =	sst s10  }
0x38: {  	s10 =	sld [smem:$0x3F9E]  }
0x39: {  	_ = 	snop;
	(pc) =	sbr.ind lr, $3  }
0x3a: {  	_ = 	snop  }
0x3b: {  	_ = 	snop  }
0x3c: {  	p2 =	seq.s32 s10, $0x1;
	s10 =	sld [smem:$0x3F9D]  }
0x3d: {  	_ =	shalt  }
0x3e: {  	_ =	shalt  }
0x3f: {  	_ =	shalt  }
0x40: {  	_ =	shalt  }
0x41: {  	_ =	shalt  }
0x42: {  	_ =	shalt  }
0x43: {  	_ =	shalt  }
0x44: {  	_ =	shalt  }
0x45: {  	_ =	shalt  }
0x46: {  	_ =	shalt  }
0x47: {  	_ =	shalt  }
0x48: {  	_ =	shalt  }
0x49: {  	_ =	shalt  }
0x4a: {  	_ =	shalt  }
0x4b: {  	_ =	shalt  }
0x4c: {  	_ =	shalt  }
0x4d: {  	_ =	shalt  }
0x4e: {  	_ =	shalt  }
0x4f: {  	_ =	shalt  }
0x50: {  	_ =	shalt  }
0x51: {  	_ =	shalt  }
0x52: {  	_ =	shalt  }
0x53: {  	_ =	shalt  }
0x54: {  	_ =	shalt  }
0x55: {  	_ =	shalt  }
0x56: {  	_ =	shalt  }
0x57: {  	_ =	shalt  }
0x58: {  	_ =	shalt  }
0x59: {  	_ =	shalt  }
0x5a: {  	_ =	shalt  }
0x5b: {  	_ =	shalt  }
0x5c: {  	_ =	shalt  }
0x5d: {  	_ =	shalt  }
0x5e: {  	_ =	shalt  }
0x5f: {  	_ =	shalt  }
0x60: {  	_ =	shalt  }
0x61: {  	_ =	shalt  }
0x62: {  	_ =	shalt  }
0x63: {  	_ =	shalt  }
0x64: {  	_ =	shalt  }
0x65: {  	_ =	shalt  }
0x66: {  	_ =	shalt  }
0x67: {  	_ =	shalt  }
0x68: {  	_ =	shalt  }
0x69: {  	_ =	shalt  }
0x6a: {  	_ =	shalt  }
0x6b: {  	_ =	shalt  }
0x6c: {  	_ =	shalt  }
0x6d: {  	_ =	shalt  }
0x6e: {  	_ =	shalt  }
0x6f: {  	_ =	shalt  }
0x70: {  	_ =	shalt  }
0x71: {  	_ =	shalt  }
0x72: {  	_ =	shalt  }
0x73: {  	_ =	shalt  }
0x74: {  	_ =	shalt  }
0x75: {  	_ =	shalt  }
0x76: {  	_ =	shalt  }
0x77: {  	_ =	shalt  }
0x78: {  	_ =	shalt  }
0x79: {  	_ =	shalt  }
0x7a: {  	_ =	shalt  }
0x7b: {  	_ =	shalt  }
0x7c: {  	_ =	shalt  }
0x7d: {  	_ =	shalt  }
0x7e: {  	_ =	shalt  }
0x7f: {  	_ =	shalt  }
0x80: {  	_ =	shalt  }
0x81: {  	_ =	shalt  }
0x82: {  	_ =	shalt  }
0x83: {  	_ =	shalt  }
0x84: {  	_ =	shalt  }
0x85: {  	_ =	shalt  }
0x86: {  	_ =	shalt  }
0x87: {  	_ =	shalt  }
.Lfunc_end0:
.L_simem_size_0:
called_computation.3_lowered:
.L_overlay_start_0:
0x88: {  	s2 =	sld [smem:$0x3FD9]  }
0x89: {  	s3 =	sld [smem:$0x3FFE];
	_ =	sdelay $0x1  }
0x8a: {  	s1 =	srdreg.scid  }
0x8b: {  	s0 =	sand.u32 $0x1, s1  }
0x8c: {  	s17 =	sshll.u32 s0, $0xA;
	s2 =	sadd.s32 s3, s2  }
0x8d: {  	s2 =	sadd.s32 s2, s17  }
0x8e: {  	[smem:$0x3FA9] =	sst s2  }
0x8f: {  	_ = 	snop  }
0x90: {  	s2 =	sld [smem:$0x3FAB];
	(tm) =	ssettm $0x1  }
0x91: {  	s18 =	sld [smem:$0x3FFB];
	_ =	sdelay $0x3  }
0x92: {  	_ =	strace s18  }
0x93: {  	s3 =	sld [smem:$0x3FFC];
	_ =	sdelay $0x3  }
0x94: {  	_ =	strace s3  }
0x95: {  	s3 =	sld [smem:$0x3FFD];
	_ =	sdelay $0x3  }
0x96: {  	_ =	strace s3  }
0x97: {  	_ =	strace $0x8FFFFFFF  }
0x98: {  	s19 =	sld [smem:$0x3FDB];
	_ =	sdelay $0x1  }
0x99: {  	s4 =	simm.s32 $_scs_section_size  }
0x9a: {  	s5 =	simm.s32 $_size__tile_overlayer_lowered;
	s6 =	simm.s32 $_tile_overlayer_lowered  }
0x9b: {  	s22 =	simm.s32 $0x1BFF;
	s21 =	sshll.u32 s6, $0x1;
	s3 =	sadd.s32 s4, s19  }
0x9c: {  	s7 =	simm.s32 $0x0;
	s20 =	sshll.u32 s5, $0x1;
	s5 =	sadd.s32 s21, s3  }
0x9d: {  	[timem:s7], [sflag:s22] =	dma.local [hbm:s5], s20  }
0x9e: {  	_ =	swait.ge [sflag:s22], s20  }
0x9f: {  	s4 =	ssub.s32 $0x0, s20;
	[sflag:s22] =	ssyncset.done $0x0  }
0xa0: {  	[sflag:s22] =	ssyncadd.s32 s4;
	_ =	sdelay $0x1  }
0xa1: {  	s23 =	simm.s32 $0x1B8B  }
0xa2: {  	_ =	swait.ge [sflag:s23], $0x1  }
0xa3: {  	[sflag:s23] =	ssyncset.done $0x0  }
0xa4: {  	s25 =	simm.s32 $0x1B8E;
	s24 =	sld [smem:$0x3FFE];
	[sflag:s23] =	ssyncadd.s32 $0xFFFFFFFF  }
0xa5: {  	s26 =	simm.s32 $execute0_lowered;
	[smem:$0x3FD2] =	sst s25  }
0xa6: {  	s5 =	sshll.u32 s26, $0x1;
	_ =	strace $0x8000004F;
	[dreg:$0x1] =	wrdreg $0xFFFFFFFF  }
0xa7: {  	s28 =	simm.s32 $_size_execute0_lowered;
	s3 =	sadd.s32 s3, s5;
	[dreg:$0x0] =	wrdreg $0x0  }
0xa8: {  	s5 =	sshll.u32 s28, $0x1;
	[dreg:$0x2] =	wrdreg s3  }
0xa9: {  	[dreg:$0x3] =	wrdreg s5  }
0xaa: {  	[dreg:$0x4] =	wrdreg $0xC0  }
0xab: {  	_ =	task [dreg:s7], $0x5FFFF  }
0xac: {  	[dreg:$0x1] =	wrdreg $0xFFFFFFFF  }
0xad: {  	[dreg:$0x0] =	wrdreg $0x60  }
0xae: {  	[dreg:$0x2] =	wrdreg s24  }
0xaf: {  	[dreg:$0x3] =	wrdreg s2  }
0xb0: {  	[dreg:$0x4] =	wrdreg $0x81000  }
0xb1: {  	[dreg:$0x5] =	wrdreg $0x9  }
0xb2: {  	_ =	task.clear_ibuf [dreg:s7], $0x6FFFF;
	_ =	strace $0x9000004F  }
0xb3: {  	s29 =	simm.s32 $0x9;
	_ =	strace $0x80000051  }
0xb4: {  	_ =	swait.ge [sflag:s29], $0x1  }
0xb5: {  	[sflag:s29] =	ssyncadd.s32 $0xFFFFFFFF  }
0xb6: {  	_ =	strace $0x90000051  }
0xb7: {  	_ =	sfence  }
0xb8: {  	s30 =	sld [smem:$0x0];
	_ =	sdelay $0x2  }
0xb9: {  	s31 =	sshll.u32 s1, $0xD;
	s1 =	sshrl.u32 s1, $0x2  }
0xba: {  	s3 =	sand.u32 $0x4000, s31;
	s1 =	sadd.s32 s1, s30  }
0xbb: {  	s0 =	sor.u32 s3, s0;
	s1 =	sshll.u32 s1, $0x11  }
0xbc: {  	s0 =	sor.u32 s1, s0  }
0xbd: {  	s0 =	sadd.s32 $0x8F2B, s0  }
0xbe: {  	[sflag:s0] =	ssyncadd.remote.s32 $0x1  }
0xbf: {  	_ =	sfence.sel $0xFFFF  }
0xc0: {  	[dreg:$0x0] =	wrdreg $0xFFFFFFFF;
	(pc) =	sbr.abs _section_cstart, $3  }
0xc1: {  	[dreg:$0x1] =	wrdreg $0xFFFFFFFF  }
0xc2: {  	_ =	task.clear_ibuf [dreg:s7], $0x2FFFF;
	_ =	strace $0x9FFFFFFF  }
0xc3: {  	(tm) =	ssettm $0x7FFFFFFF  }
tec
execute0_lowered:
.L_overlay_start_1:
0x0: {  	(tag) =	ssettag $0x1  }
0x1: {  	s0 =	rddreg [dreg:$0x0]  }
0x2: {  	s6 =	rddreg [dreg:$0x1]  }
0x3: {  	s1 =	rddreg [dreg:$0x2]  }
0x4: {  	s2 =	srdreg.scid;
	s23 =	stileid.u32  }
0x5: {  	s3 =	simm.s32 $0x0;
	s12 =	sand.u32 $0x1, s2;
	s10 =	smul.u32 $0x50000, s23  }
0x6: {  	[smem:$0x7FF] =	sst s3;
	s7 =	sadd.s32 $0xCB400, s0;
	s8 =	smul.u32 $0x14000, s23  }
0x7: {  	s9 =	sshll.u32 s23, $0x4;
	s14 =	sor.u32 $0x10, s23;
	s17 =	smul.u32 $0x64000, s23  }
0x8: {  	s21 =	smul.u32 $0xC800, s23;
	s2 =	ssub.s32 $0x2, s12;
	_ =	strace $0x80000050  }
0x9: {  	s11 =	smul.u32 $0xC00, s12;
	s13 =	sand.u32 $0x70, s9;
	s20 =	sshll.u32 s14, $0x4  }
0xa: {  	s15 =	smul.u32 $0x14000, s14;
	s25 =	sor.u32 $0x300, s9;
	s31 =	sor.u32 $0x200, s9  }
0xb: {  	p1 =	sne.s32 s12, $0x0;
	s4 =	sshrl.u32 s2, $0x1;
	s16 =	sadd.s32 s6, s13  }
0xc: {  	s26 =	sand.u32 $0x380, s25;
	s25 =	sor.u32 $0x4C0, s23;
	s2 =	ssub.s32 s2, s4  }
0xd: {  	s4 =	sand.u32 $0x180, s20;
	s5 =	sor.u32 s11, s8;
	s18 =	sadd.s32 $0x400, s11  }
0xe: {  	s19 =	sor.u32 s11, s15;
	s20 =	sor.u32 s11, s17;
	p0 =	sgt.u32 s25, $0x4C1  }
0xf: {  	s4 =	sadd.s32 s4, s16;
	s17 =	sor.u32 s17, s18;
	s20 =	sshrl.u32 s20, $0x3  }
0x10: {  	s22 =	sor.u32 s8, s18;
	s15 =	sor.u32 s18, s15;
	s8 =	sadd.s32 s6, s9  }
0x11: {  	s9 =	sadd.s32 $0x1477E00, s0;
	s12 =	sshrl.u32 s5, $0x3;
	s19 =	sshrl.u32 s19, $0x3  }
0x12: {  	s28 =	sadd.s32 $0x280000, s5;
	s17 =	sshrl.u32 s17, $0x3;
	s20 =	sadd.s32 s7, s20  }
0x13: {  	s25 =	sshrl.u32 s15, $0x3;
	[dreg:$0x4] =	wrdreg s20;
	s17 =	sadd.s32 s7, s17  }
0x14: {  	s15 =	smul.u32 $0x2800, s23;
	[dreg:$0x5] =	wrdreg s17;
	s17 =	sor.u32 $0x4E0, s23  }
0x15: {  	s20 =	sadd.s32 s21, s7;
	s21 =	sshll.u32 s17, $0x4;
	s24 =	smul.u32 $0x14000, s17  }
0x16: {  	p2 =	sgt.u32 s17, $0x4E1;
	s7 =	sand.u32 $0x4E80, s21;
	s21 =	sand.u32 $0x280, s31  }
0x17: {  	s31 =	sshll.u32 s23, $0x6;
	s7 =	sadd.s32 s7, s16;
	s16 =	sor.u32 s11, s24  }
0x18: {  	s18 =	sor.u32 s18, s24;
	s11 =	sadd.s32 s26, s6;
	s6 =	sadd.s32 s21, s6  }
0x19: {  	s24 =	sshrl.u32 s10, $0x2;
	s21 =	sshrl.u32 s22, $0x3;
	s10 =	sadd.s32 s13, s11  }
0x1a: {  	s11 =	sadd.s32 s13, s6;
	s26 =	sadd.s32 s24, s1;
	s13 =	sor.u32 $0x1C03, s31  }
0x1b: {  	s6 =	sadd.s32 s9, s12;
	s22 =	sadd.s32 s9, s21;
	s24 =	smul.u32 $0x2800, s14  }
0x1c: {  	s12 =	sadd.s32 s9, s25;
	s14 =	smax.u32 s2, $0x1;
	[dreg:$0x6] =	wrdreg s26  }
0x1d: {  	s21 =	sadd.s32 $0x3C0000, s5;
	[dreg:$0x7] =	wrdreg s6;
	s6 =	sadd.s32 s9, s19  }
0x1e: {  	[dreg:$0x9] =	wrdreg s22;
	s26 =	smul.u32 $0x2800, s17;
	s17 =	sadd.s32 $0x5600, s0  }
0x1f: {  	s0 =	sadd.s32 $0x1477F00, s0;
	[dreg:$0xa] =	wrdreg s12;
	s12 =	sadd.s32 $0x100, s20  }
0x20: {  	[dreg:$0xf] =	wrdreg s14;
	s19 =	sshrl.u32 s16, $0x3;
	s20 =	sshrl.u32 s18, $0x3  }
0x21: {  	s23 =	sshrl.u32 s21, $0x3;
	s21 =	simm.s32 $0x80;
	[dreg:$0x8] =	wrdreg s6  }
0x22: {  	s6 =	sadd.s32 s24, s0;
	[dreg:$0xe] =	wrdreg s12;
	s22 =	sadd.s32 s9, s20  }
0x23: {  	s25 =	sadd.s32 s23, s9;
	s24 =	sadd.s32 $0x3C0400, s5;
	s20 =	simm.s32 $0x100  }
0x24: {  	[dreg:$0xb] =	wrdreg s6;
	s31 =	sadd.s32 s26, s0;
	s0 =	sadd.s32 s15, s0  }
0x25: {  	[dreg:$0x11] =	wrdreg s22;
	s26 =	sadd.s32 $0x280400, s5;
	s22 =	simm.s32 $0x4100  }
0x26: {  	s5 =	simm.s32 $0x1;
	s6 =	simm.s32 $0x2;
	[dreg:$0xc] =	wrdreg s31  }
.Ltmp0:
0x27: {  	[dreg:$0xd] =	wrdreg s0;
	s0 =	sadd.s32 s9, s19;
	(pc) =	sbr.rel .LBB2_1-.Ltmp0, $4  }
0x28: {  	s2 =	sshrl.u32 s26, $0x3;
	s31 =	sadd.s32 s15, s9;
	s19 =	simm.s32 $0x1400  }
0x29: {  	s15 =	simm.s32 $0x0;
	[dreg:$0x10] =	wrdreg s0;
	s0 =	sshrl.u32 s24, $0x3  }
0x2a: {  	s30 =	sadd.s32 s2, s9;
	s29 =	sadd.s32 s0, s9;
	s0 =	sadd.s32 $0x78100, s31  }
0x2b: {  	s2 =	simm.s32 $0x400;
	[dreg:$0x12] =	wrdreg s0;
	s0 =	simm.s32 $0x3  }
.LBB2_8:
0x2c: {  	[tilespmem:s22], [sflag:$0x2] =	stream.strided.gather [hbm4b:s24+s2], $0x4000, s19, s2, $0x38;
	[tilespmem:$0x1C100] =	vst v63  }
0x2d: {  	_ =	swait.ge [sflag:s5], $0x80  }
0x2e: {  	[sflag:s5] =	ssyncset.done $0x0  }
0x2f: {  	[sflag:s5] =	ssyncadd.s32 $0xFFFFFF80  }
0x30: {  	_ =	swait.ge [sflag:s5], $0x4000  }
0x31: {  	[sflag:s5] =	ssyncset.done $0x0  }
0x32: {  	[sflag:s5] =	ssyncadd.s32 $0xFFFFC000  }
0x33: {  	[spmem:s1] =	stream.indirect.scatter.add.f32 [tilespmem:s20], [sflag:$0x3], $0x80, s3, s21, $0xb8;
	[tilespmem:$0x1C100] =	vst v63  }
0x34: {  	_ =	swait.ge [sflag:s0], $0x4000  }
0x35: {  	[sflag:s0] =	ssyncset.done $0x0  }
0x36: {  	s12 =	simm.s32 @!p0 $0x0;
	s14 =	simm.s32 @!p0 $0x1400;
	[sflag:s0] =	ssyncadd.s32 $0xFFFFC000  }
0x37: {  	[tilespmem:s12], [sflag:$0x1] =	stream.linear.gather @!p0 [hbm4b:s7+s12], $0x80, $0x38;
	[tilespmem:$0x1C100] =	vst v63  }
0x38: {  	s18 =	simm.s32 @!p0 $0x100;
	s23 =	rddreg [dreg:$0xc];
	s12 =	simm.s32 @!p0 $0x400  }
0x39: {  	[tilespmem:s18], [sflag:$0x1] =	stream.strided.gather @!p0 [hbm4b:s23+s12], $0x4000, s14, s12, $0x38;
	[tilespmem:$0x1C100] =	vst v63  }
0x3a: {  	_ =	swait.ge [sflag:s6], $0x80  }
0x3b: {  	[sflag:s6] =	ssyncset.done $0x0  }
0x3c: {  	[sflag:s6] =	ssyncadd.s32 $0xFFFFFF80  }
0x3d: {  	_ =	swait.ge [sflag:s6], $0x4000  }
0x3e: {  	[sflag:s6] =	ssyncset.done $0x0  }
0x3f: {  	[sflag:s6] =	ssyncadd.s32 $0xFFFFC000  }
0x40: {  	[spmem:s1] =	stream.indirect.scatter.add.f32 [tilespmem:s22], [sflag:$0x3], $0x80, s21, s21, $0xb8;
	[tilespmem:$0x1C100] =	vst v63  }
0x41: {  	_ =	swait.ge [sflag:s0], $0x4000  }
0x42: {  	[sflag:s0] =	ssyncset.done $0x0  }
0x43: {  	s12 =	simm.s32 @!p2 $0x1;
	[sflag:s0] =	ssyncadd.s32 $0xFFFFC000  }
0x44: {  	_ =	swait.ge @!p2 [sflag:s12], $0x80  }
0x45: {  	[sflag:s12] =	ssyncset.done @!p2 $0x0  }
0x46: {  	[sflag:s12] =	ssyncadd.s32 @!p2 $0xFFFFFF80  }
0x47: {  	_ =	swait.ge @!p2 [sflag:s12], $0x4000  }
0x48: {  	s14 =	simm.s32 @!p2 $0x0;
	[sflag:s12] =	ssyncset.done @!p2 $0x0  }
0x49: {  	s18 =	simm.s32 @!p2 $0x100;
	[sflag:s12] =	ssyncadd.s32 @!p2 $0xFFFFC000;
	s12 =	simm.s32 @!p2 $0x80  }
0x4a: {  	[spmem:s1] =	stream.indirect.scatter.add.f32 @!p2 [tilespmem:s18], [sflag:$0x3], $0x80, s14, s12, $0xb8;
	[tilespmem:$0x1C100] =	vst v63  }
0x4b: {  	s12 =	simm.s32 @!p2 $0x3  }
0x4c: {  	_ =	swait.ge @!p2 [sflag:s12], $0x4000  }
0x4d: {  	[sflag:s12] =	ssyncset.done @!p2 $0x0  }
0x4e: {  	[sflag:s12] =	ssyncadd.s32 @!p2 $0xFFFFC000  }
0x4f: {  	[bflag:$0x0] =	sbarrier.arrive $0xFFFF  }
0x50: {  	s26 =	simm.s32 $0x280;
	s24 =	rddreg [dreg:$0xe]  }
0x51: {  	[hbm:s24@s26], [sflag:s13] =	dma.strided [spmem:s16@s21], $0x2800, s31, $0x10   }
0x52: {  	_ =	swait.ge [sflag:s0], $0x2800  }
0x53: {  	[sflag:s0] =	ssyncset.done $0x0  }
0x54: {  	[sflag:s0] =	ssyncadd.s32 $0xFFFFD800  }
0x55: {  	[bflag:$0x0] =	sbarrier.arrive $0xFFFF  }
.LBB2_9:
0x56: {  	s15 =	sadd.s32 $0x1, s15;
	s12 =	rddreg [dreg:$0xf]  }
0x57: {  	p3 =	sne.s32 s15, s12  }
.Ltmp1:
0x58: {  	_ = 	snop;
	(pc) =	sbr.rel @!p3 .LBB2_10-.Ltmp1, $1  }
0x59: {  	_ =	sdelay $0x3  }
.LBB2_1:
0x5a: {  	s12 =	rddreg [dreg:$0x6]  }
0x5b: {  	s16 =	sshrl.u32 s12, $0x3  }
0x5c: {  	[spmem:s16], [sflag:s13] =	dma.local [hbm:s17], $0x2800  }
0x5d: {  	_ =	swait.ge [sflag:s0], $0x2800  }
0x5e: {  	[sflag:s0] =	ssyncset.done $0x0  }
0x5f: {  	[sflag:s0] =	ssyncadd.s32 $0xFFFFD800  }
0x60: {  	[bflag:$0x0] =	sbarrier.arrive $0xFFFF  }
0x61: {  	[tilespmem:s3], [sflag:$0x1] =	stream.linear.gather [hbm4b:s8+s3], $0x80, $0x38;
	[tilespmem:$0x1C100] =	vst v63  }
0x62: {  	s23 =	rddreg [dreg:$0x7]  }
0x63: {  	[tilespmem:s20], [sflag:$0x1] =	stream.strided.gather [hbm4b:s23+s2], $0x4000, s19, s2, $0x38;
	[tilespmem:$0x1C100] =	vst v63  }
0x64: {  	_ = 	snop  }
0x65: {  	[tilespmem:s21], [sflag:$0x2] =	stream.linear.gather [hbm4b:s4+s3], $0x80, $0x38;
	[tilespmem:$0x1C100] =	vst v63  }
0x66: {  	s24 =	rddreg [dreg:$0x8]  }
0x67: {  	[tilespmem:s22], [sflag:$0x2] =	stream.strided.gather [hbm4b:s24+s2], $0x4000, s19, s2, $0x38;
	[tilespmem:$0x1C100] =	vst v63  }
0x68: {  	_ =	swait.ge [sflag:s5], $0x80  }
0x69: {  	[sflag:s5] =	ssyncset.done $0x0  }
0x6a: {  	[sflag:s5] =	ssyncadd.s32 $0xFFFFFF80  }
0x6b: {  	_ =	swait.ge [sflag:s5], $0x4000  }
0x6c: {  	[sflag:s5] =	ssyncset.done $0x0  }
0x6d: {  	[sflag:s5] =	ssyncadd.s32 $0xFFFFC000  }
0x6e: {  	[spmem:s1] =	stream.indirect.scatter.add.f32 [tilespmem:s20], [sflag:$0x3], $0x80, s3, s21, $0xb8;
	[tilespmem:$0x1C100] =	vst v63  }
0x6f: {  	_ =	swait.ge [sflag:s0], $0x4000  }
0x70: {  	[sflag:s0] =	ssyncset.done $0x0  }
0x71: {  	s18 =	sadd.s32 $0x0, s11;
	s23 =	sshrl.u32 s28, $0x3;
	[sflag:s0] =	ssyncadd.s32 $0xFFFFC000  }
0x72: {  	[tilespmem:s3], [sflag:$0x1] =	stream.linear.gather [hbm4b:s18+s3], $0x80, $0x38;
	[tilespmem:$0x1C100] =	vst v63  }
0x73: {  	s26 =	sadd.s32 s9, s23  }
0x74: {  	[tilespmem:s20], [sflag:$0x1] =	stream.strided.gather [hbm4b:s26+s2], $0x4000, s19, s2, $0x38;
	[tilespmem:$0x1C100] =	vst v63  }
0x75: {  	_ =	swait.ge [sflag:s6], $0x80  }
0x76: {  	[sflag:s6] =	ssyncset.done $0x0  }
0x77: {  	[sflag:s6] =	ssyncadd.s32 $0xFFFFFF80  }
0x78: {  	_ =	swait.ge [sflag:s6], $0x4000  }
0x79: {  	[sflag:s6] =	ssyncset.done $0x0  }
0x7a: {  	[sflag:s6] =	ssyncadd.s32 $0xFFFFC000  }
0x7b: {  	[spmem:s1] =	stream.indirect.scatter.add.f32 [tilespmem:s22], [sflag:$0x3], $0x80, s21, s21, $0xb8;
	[tilespmem:$0x1C100] =	vst v63  }
0x7c: {  	s31 =	sadd.s32 $0x0, s10;
	_ =	swait.ge [sflag:s0], $0x4000  }
0x7d: {  	s23 =	sadd.s32 $0x50000, s25;
	s24 =	sadd.s32 $0x280000, s28;
	[sflag:s0] =	ssyncset.done $0x0  }
0x7e: {  	s18 =	simm.s32 $0x200;
	s26 =	smov.u32 s25;
	[sflag:s0] =	ssyncadd.s32 $0xFFFFC000  }
0x7f: {  	[tilespmem:s21], [sflag:$0x2] =	stream.linear.gather [hbm4b:s31+s3], $0x80, $0x38;
	[tilespmem:$0x1C100] =	vst v63  }
.LBB2_2:
0x80: {  	[tilespmem:s22], [sflag:$0x2] =	stream.strided.gather [hbm4b:s26+s2], $0x4000, s19, s2, $0x38;
	[tilespmem:$0x1C100] =	vst v63  }
0x81: {  	s12 =	smov.u32 s18;
	s26 =	smov.u32 s23  }
0x82: {  	p3 =	sne.s32 s18, $0x4A00;
	s18 =	sadd.s32 $0x200, s18;
	_ =	swait.ge [sflag:s5], $0x80  }
0x83: {  	[sflag:s5] =	ssyncset.done $0x0  }
0x84: {  	[sflag:s5] =	ssyncadd.s32 $0xFFFFFF80  }
0x85: {  	_ =	swait.ge [sflag:s5], $0x4000  }
0x86: {  	[sflag:s5] =	ssyncset.done $0x0  }
0x87: {  	[sflag:s5] =	ssyncadd.s32 $0xFFFFC000  }
0x88: {  	[spmem:s1] =	stream.indirect.scatter.add.f32 [tilespmem:s20], [sflag:$0x3], $0x80, s3, s21, $0xb8;
	[tilespmem:$0x1C100] =	vst v63  }
0x89: {  	_ =	swait.ge [sflag:s0], $0x4000  }
0x8a: {  	[sflag:s0] =	ssyncset.done $0x0  }
0x8b: {  	s31 =	sshrl.u32 s24, $0x3;
	s14 =	sadd.s32 s12, s11;
	[sflag:s0] =	ssyncadd.s32 $0xFFFFC000  }
0x8c: {  	[tilespmem:s3], [sflag:$0x1] =	stream.linear.gather [hbm4b:s14+s3], $0x80, $0x38;
	[tilespmem:$0x1C100] =	vst v63  }
0x8d: {  	s14 =	sadd.s32 s9, s31  }
0x8e: {  	[tilespmem:s20], [sflag:$0x1] =	stream.strided.gather [hbm4b:s14+s2], $0x4000, s19, s2, $0x38;
	[tilespmem:$0x1C100] =	vst v63  }
0x8f: {  	_ =	swait.ge [sflag:s6], $0x80  }
0x90: {  	[sflag:s6] =	ssyncset.done $0x0  }
0x91: {  	[sflag:s6] =	ssyncadd.s32 $0xFFFFFF80  }
0x92: {  	_ =	swait.ge [sflag:s6], $0x4000  }
0x93: {  	[sflag:s6] =	ssyncset.done $0x0  }
0x94: {  	[sflag:s6] =	ssyncadd.s32 $0xFFFFC000  }
0x95: {  	[spmem:s1] =	stream.indirect.scatter.add.f32 [tilespmem:s22], [sflag:$0x3], $0x80, s21, s21, $0xb8;
	[tilespmem:$0x1C100] =	vst v63  }
.Ltmp2:
0x96: {  	_ =	swait.ge [sflag:s0], $0x4000;
	(pc) =	sbr.rel @p3 .LBB2_2-.Ltmp2, $4  }
0x97: {  	[sflag:s0] =	ssyncset.done $0x0  }
0x98: {  	s12 =	sadd.s32 s12, s10;
	[sflag:s0] =	ssyncadd.s32 $0xFFFFC000  }
0x99: {  	[tilespmem:s21], [sflag:$0x2] =	stream.linear.gather [hbm4b:s12+s3], $0x80, $0x38;
	[tilespmem:$0x1C100] =	vst v63  }
0x9a: {  	s23 =	sadd.s32 $0x50000, s23;
	s24 =	sadd.s32 $0x280000, s24  }
0x9b: {  	[tilespmem:s22], [sflag:$0x2] =	stream.strided.gather [hbm4b:s26+s2], $0x4000, s19, s2, $0x38;
	[tilespmem:$0x1C100] =	vst v63  }
0x9c: {  	_ =	swait.ge [sflag:s5], $0x80  }
0x9d: {  	[sflag:s5] =	ssyncset.done $0x0  }
0x9e: {  	[sflag:s5] =	ssyncadd.s32 $0xFFFFFF80  }
0x9f: {  	_ =	swait.ge [sflag:s5], $0x4000  }
0xa0: {  	[sflag:s5] =	ssyncset.done $0x0  }
0xa1: {  	[sflag:s5] =	ssyncadd.s32 $0xFFFFC000  }
0xa2: {  	[spmem:s1] =	stream.indirect.scatter.add.f32 [tilespmem:s20], [sflag:$0x3], $0x80, s3, s21, $0xb8;
	[tilespmem:$0x1C100] =	vst v63  }
0xa3: {  	_ =	swait.ge [sflag:s0], $0x4000  }
0xa4: {  	[sflag:s0] =	ssyncset.done $0x0  }
0xa5: {  	s12 =	simm.s32 @!p0 $0x0;
	s14 =	simm.s32 @!p0 $0x1400;
	[sflag:s0] =	ssyncadd.s32 $0xFFFFC000  }
0xa6: {  	[tilespmem:s12], [sflag:$0x1] =	stream.linear.gather @!p0 [hbm4b:s7+s12], $0x80, $0x38;
	[tilespmem:$0x1C100] =	vst v63  }
0xa7: {  	s18 =	simm.s32 @!p0 $0x100;
	s23 =	rddreg [dreg:$0x10];
	s12 =	simm.s32 @!p0 $0x400  }
0xa8: {  	[tilespmem:s18], [sflag:$0x1] =	stream.strided.gather @!p0 [hbm4b:s23+s12], $0x4000, s14, s12, $0x38;
	[tilespmem:$0x1C100] =	vst v63  }
0xa9: {  	_ =	swait.ge [sflag:s6], $0x80  }
0xaa: {  	[sflag:s6] =	ssyncset.done $0x0  }
0xab: {  	[sflag:s6] =	ssyncadd.s32 $0xFFFFFF80  }
0xac: {  	_ =	swait.ge [sflag:s6], $0x4000  }
0xad: {  	[sflag:s6] =	ssyncset.done $0x0  }
0xae: {  	[sflag:s6] =	ssyncadd.s32 $0xFFFFC000  }
0xaf: {  	[spmem:s1] =	stream.indirect.scatter.add.f32 [tilespmem:s22], [sflag:$0x3], $0x80, s21, s21, $0xb8;
	[tilespmem:$0x1C100] =	vst v63  }
0xb0: {  	_ =	swait.ge [sflag:s0], $0x4000  }
0xb1: {  	[sflag:s0] =	ssyncset.done $0x0  }
0xb2: {  	s12 =	simm.s32 @!p2 $0x1;
	[sflag:s0] =	ssyncadd.s32 $0xFFFFC000  }
0xb3: {  	_ =	swait.ge @!p2 [sflag:s12], $0x80  }
0xb4: {  	[sflag:s12] =	ssyncset.done @!p2 $0x0  }
0xb5: {  	[sflag:s12] =	ssyncadd.s32 @!p2 $0xFFFFFF80  }
0xb6: {  	_ =	swait.ge @!p2 [sflag:s12], $0x4000  }
0xb7: {  	s14 =	simm.s32 @!p2 $0x0;
	[sflag:s12] =	ssyncset.done @!p2 $0x0  }
0xb8: {  	s18 =	simm.s32 @!p2 $0x100;
	[sflag:s12] =	ssyncadd.s32 @!p2 $0xFFFFC000;
	s12 =	simm.s32 @!p2 $0x80  }
0xb9: {  	[spmem:s1] =	stream.indirect.scatter.add.f32 @!p2 [tilespmem:s18], [sflag:$0x3], $0x80, s14, s12, $0xb8;
	[tilespmem:$0x1C100] =	vst v63  }
0xba: {  	s12 =	simm.s32 @!p2 $0x3  }
0xbb: {  	_ =	swait.ge @!p2 [sflag:s12], $0x4000  }
0xbc: {  	[sflag:s12] =	ssyncset.done @!p2 $0x0  }
0xbd: {  	[sflag:s12] =	ssyncadd.s32 @!p2 $0xFFFFC000  }
0xbe: {  	[bflag:$0x0] =	sbarrier.arrive $0xFFFF  }
0xbf: {  	s31 =	simm.s32 $0x8;
	s24 =	simm.s32 $0x280;
	s23 =	rddreg [dreg:$0x4]  }
0xc0: {  	[hbm:s23@s24], [sflag:s13] =	dma.strided [spmem:s16@s21], $0x2800, s31, $0x10   }
0xc1: {  	_ =	swait.ge [sflag:s0], $0x2800  }
0xc2: {  	[sflag:s0] =	ssyncset.done $0x0  }
0xc3: {  	[sflag:s0] =	ssyncadd.s32 $0xFFFFD800  }
0xc4: {  	[bflag:$0x0] =	sbarrier.arrive $0xFFFF  }
0xc5: {  	[spmem:s16], [sflag:s13] =	dma.local [hbm:s17], $0x2800  }
0xc6: {  	_ =	swait.ge [sflag:s0], $0x2800  }
0xc7: {  	[sflag:s0] =	ssyncset.done $0x0  }
0xc8: {  	[sflag:s0] =	ssyncadd.s32 $0xFFFFD800  }
0xc9: {  	s26 =	simm.s32 $0x0;
	[bflag:$0x0] =	sbarrier.arrive $0xFFFF  }
0xca: {  	[tilespmem:s26], [sflag:$0x1] =	stream.linear.gather [hbm4b:s8+s26], $0x80, $0x38;
	[tilespmem:$0x1C100] =	vst v63  }
0xcb: {  	s18 =	rddreg [dreg:$0x9]  }
0xcc: {  	[tilespmem:s20], [sflag:$0x1] =	stream.strided.gather [hbm4b:s18+s2], $0x4000, s19, s2, $0x38;
	[tilespmem:$0x1C100] =	vst v63  }
0xcd: {  	_ = 	snop  }
0xce: {  	[tilespmem:s21], [sflag:$0x2] =	stream.linear.gather [hbm4b:s4+s26], $0x80, $0x38;
	[tilespmem:$0x1C100] =	vst v63  }
0xcf: {  	s23 =	rddreg [dreg:$0xa]  }
0xd0: {  	[tilespmem:s22], [sflag:$0x2] =	stream.strided.gather [hbm4b:s23+s2], $0x4000, s19, s2, $0x38;
	[tilespmem:$0x1C100] =	vst v63  }
0xd1: {  	_ =	swait.ge [sflag:s5], $0x80  }
0xd2: {  	[sflag:s5] =	ssyncset.done $0x0  }
0xd3: {  	[sflag:s5] =	ssyncadd.s32 $0xFFFFFF80  }
0xd4: {  	_ =	swait.ge [sflag:s5], $0x4000  }
0xd5: {  	[sflag:s5] =	ssyncset.done $0x0  }
0xd6: {  	[sflag:s5] =	ssyncadd.s32 $0xFFFFC000  }
0xd7: {  	[spmem:s1] =	stream.indirect.scatter.add.f32 [tilespmem:s20], [sflag:$0x3], $0x80, s3, s21, $0xb8;
	[tilespmem:$0x1C100] =	vst v63  }
0xd8: {  	_ =	swait.ge [sflag:s0], $0x4000  }
0xd9: {  	[sflag:s0] =	ssyncset.done $0x0  }
0xda: {  	s24 =	sadd.s32 $0x0, s11;
	[sflag:s0] =	ssyncadd.s32 $0xFFFFC000  }
0xdb: {  	[tilespmem:s3], [sflag:$0x1] =	stream.linear.gather [hbm4b:s24+s3], $0x80, $0x38;
	[tilespmem:$0x1C100] =	vst v63  }
0xdc: {  	_ = 	snop  }
0xdd: {  	[tilespmem:s20], [sflag:$0x1] =	stream.strided.gather [hbm4b:s30+s2], $0x4000, s19, s2, $0x38;
	[tilespmem:$0x1C100] =	vst v63  }
0xde: {  	_ =	swait.ge [sflag:s6], $0x80  }
0xdf: {  	[sflag:s6] =	ssyncset.done $0x0  }
0xe0: {  	[sflag:s6] =	ssyncadd.s32 $0xFFFFFF80  }
0xe1: {  	_ =	swait.ge [sflag:s6], $0x4000  }
0xe2: {  	[sflag:s6] =	ssyncset.done $0x0  }
0xe3: {  	[sflag:s6] =	ssyncadd.s32 $0xFFFFC000  }
0xe4: {  	[spmem:s1] =	stream.indirect.scatter.add.f32 [tilespmem:s22], [sflag:$0x3], $0x80, s21, s21, $0xb8;
	[tilespmem:$0x1C100] =	vst v63  }
0xe5: {  	_ =	swait.ge [sflag:s0], $0x4000  }
0xe6: {  	[sflag:s0] =	ssyncset.done $0x0  }
0xe7: {  	s18 =	simm.s32 $0x200;
	s26 =	sadd.s32 $0x0, s10;
	[sflag:s0] =	ssyncadd.s32 $0xFFFFC000  }
0xe8: {  	[tilespmem:s21], [sflag:$0x2] =	stream.linear.gather [hbm4b:s26+s3], $0x80, $0x38;
	[tilespmem:$0x1C100] =	vst v63  }
0xe9: {  	s23 =	sadd.s32 $0x50000, s29;
	s24 =	sadd.s32 $0x50000, s30;
	s26 =	smov.u32 s29  }
.LBB2_4:
0xea: {  	[tilespmem:s22], [sflag:$0x2] =	stream.strided.gather [hbm4b:s26+s2], $0x4000, s19, s2, $0x38;
	[tilespmem:$0x1C100] =	vst v63  }
0xeb: {  	s12 =	smov.u32 s18;
	s26 =	smov.u32 s23  }
0xec: {  	p3 =	sne.s32 s18, $0x4A00;
	s18 =	sadd.s32 $0x200, s18;
	_ =	swait.ge [sflag:s5], $0x80  }
0xed: {  	[sflag:s5] =	ssyncset.done $0x0  }
0xee: {  	[sflag:s5] =	ssyncadd.s32 $0xFFFFFF80  }
0xef: {  	_ =	swait.ge [sflag:s5], $0x4000  }
0xf0: {  	[sflag:s5] =	ssyncset.done $0x0  }
0xf1: {  	[sflag:s5] =	ssyncadd.s32 $0xFFFFC000  }
0xf2: {  	[spmem:s1] =	stream.indirect.scatter.add.f32 [tilespmem:s20], [sflag:$0x3], $0x80, s3, s21, $0xb8;
	[tilespmem:$0x1C100] =	vst v63  }
0xf3: {  	_ =	swait.ge [sflag:s0], $0x4000  }
0xf4: {  	[sflag:s0] =	ssyncset.done $0x0  }
0xf5: {  	s14 =	sadd.s32 s12, s11;
	[sflag:s0] =	ssyncadd.s32 $0xFFFFC000  }
0xf6: {  	[tilespmem:s3], [sflag:$0x1] =	stream.linear.gather [hbm4b:s14+s3], $0x80, $0x38;
	[tilespmem:$0x1C100] =	vst v63  }
0xf7: {  	_ = 	snop  }
0xf8: {  	[tilespmem:s20], [sflag:$0x1] =	stream.strided.gather [hbm4b:s24+s2], $0x4000, s19, s2, $0x38;
	[tilespmem:$0x1C100] =	vst v63  }
0xf9: {  	_ =	swait.ge [sflag:s6], $0x80  }
0xfa: {  	[sflag:s6] =	ssyncset.done $0x0  }
0xfb: {  	[sflag:s6] =	ssyncadd.s32 $0xFFFFFF80  }
0xfc: {  	_ =	swait.ge [sflag:s6], $0x4000  }
0xfd: {  	[sflag:s6] =	ssyncset.done $0x0  }
0xfe: {  	[sflag:s6] =	ssyncadd.s32 $0xFFFFC000  }
0xff: {  	[spmem:s1] =	stream.indirect.scatter.add.f32 [tilespmem:s22], [sflag:$0x3], $0x80, s21, s21, $0xb8;
	[tilespmem:$0x1C100] =	vst v63  }
.Ltmp3:
0x100: {  	_ =	swait.ge [sflag:s0], $0x4000;
	(pc) =	sbr.rel @p3 .LBB2_4-.Ltmp3, $4  }
0x101: {  	[sflag:s0] =	ssyncset.done $0x0  }
0x102: {  	s12 =	sadd.s32 s12, s10;
	[sflag:s0] =	ssyncadd.s32 $0xFFFFC000  }
0x103: {  	[tilespmem:s21], [sflag:$0x2] =	stream.linear.gather [hbm4b:s12+s3], $0x80, $0x38;
	[tilespmem:$0x1C100] =	vst v63  }
0x104: {  	s23 =	sadd.s32 $0x50000, s23;
	s24 =	sadd.s32 $0x50000, s24  }
0x105: {  	[tilespmem:s22], [sflag:$0x2] =	stream.strided.gather [hbm4b:s26+s2], $0x4000, s19, s2, $0x38;
	[tilespmem:$0x1C100] =	vst v63  }
0x106: {  	_ =	swait.ge [sflag:s5], $0x80  }
0x107: {  	[sflag:s5] =	ssyncset.done $0x0  }
0x108: {  	[sflag:s5] =	ssyncadd.s32 $0xFFFFFF80  }
0x109: {  	_ =	swait.ge [sflag:s5], $0x4000  }
0x10a: {  	[sflag:s5] =	ssyncset.done $0x0  }
0x10b: {  	[sflag:s5] =	ssyncadd.s32 $0xFFFFC000  }
0x10c: {  	[spmem:s1] =	stream.indirect.scatter.add.f32 [tilespmem:s20], [sflag:$0x3], $0x80, s3, s21, $0xb8;
	[tilespmem:$0x1C100] =	vst v63  }
0x10d: {  	_ =	swait.ge [sflag:s0], $0x4000  }
0x10e: {  	[sflag:s0] =	ssyncset.done $0x0  }
0x10f: {  	s12 =	simm.s32 @!p0 $0x0;
	s14 =	simm.s32 @!p0 $0x1400;
	[sflag:s0] =	ssyncadd.s32 $0xFFFFC000  }
0x110: {  	[tilespmem:s12], [sflag:$0x1] =	stream.linear.gather @!p0 [hbm4b:s7+s12], $0x80, $0x38;
	[tilespmem:$0x1C100] =	vst v63  }
0x111: {  	s18 =	simm.s32 @!p0 $0x100;
	s23 =	rddreg [dreg:$0x11];
	s12 =	simm.s32 @!p0 $0x400  }
0x112: {  	[tilespmem:s18], [sflag:$0x1] =	stream.strided.gather @!p0 [hbm4b:s23+s12], $0x4000, s14, s12, $0x38;
	[tilespmem:$0x1C100] =	vst v63  }
0x113: {  	_ =	swait.ge [sflag:s6], $0x80  }
0x114: {  	[sflag:s6] =	ssyncset.done $0x0  }
0x115: {  	[sflag:s6] =	ssyncadd.s32 $0xFFFFFF80  }
0x116: {  	_ =	swait.ge [sflag:s6], $0x4000  }
0x117: {  	[sflag:s6] =	ssyncset.done $0x0  }
0x118: {  	[sflag:s6] =	ssyncadd.s32 $0xFFFFC000  }
0x119: {  	[spmem:s1] =	stream.indirect.scatter.add.f32 [tilespmem:s22], [sflag:$0x3], $0x80, s21, s21, $0xb8;
	[tilespmem:$0x1C100] =	vst v63  }
0x11a: {  	_ =	swait.ge [sflag:s0], $0x4000  }
0x11b: {  	[sflag:s0] =	ssyncset.done $0x0  }
0x11c: {  	s12 =	simm.s32 @!p2 $0x1;
	[sflag:s0] =	ssyncadd.s32 $0xFFFFC000  }
0x11d: {  	_ =	swait.ge @!p2 [sflag:s12], $0x80  }
0x11e: {  	[sflag:s12] =	ssyncset.done @!p2 $0x0  }
0x11f: {  	[sflag:s12] =	ssyncadd.s32 @!p2 $0xFFFFFF80  }
0x120: {  	_ =	swait.ge @!p2 [sflag:s12], $0x4000  }
0x121: {  	s14 =	simm.s32 @!p2 $0x0;
	[sflag:s12] =	ssyncset.done @!p2 $0x0  }
0x122: {  	s18 =	simm.s32 @!p2 $0x100;
	[sflag:s12] =	ssyncadd.s32 @!p2 $0xFFFFC000;
	s12 =	simm.s32 @!p2 $0x80  }
0x123: {  	[spmem:s1] =	stream.indirect.scatter.add.f32 @!p2 [tilespmem:s18], [sflag:$0x3], $0x80, s14, s12, $0xb8;
	[tilespmem:$0x1C100] =	vst v63  }
0x124: {  	s12 =	simm.s32 @!p2 $0x3  }
0x125: {  	_ =	swait.ge @!p2 [sflag:s12], $0x4000  }
0x126: {  	[sflag:s12] =	ssyncset.done @!p2 $0x0  }
0x127: {  	[sflag:s12] =	ssyncadd.s32 @!p2 $0xFFFFC000  }
0x128: {  	[bflag:$0x0] =	sbarrier.arrive $0xFFFF  }
0x129: {  	s26 =	simm.s32 $0x280;
	s24 =	rddreg [dreg:$0x5]  }
0x12a: {  	[hbm:s24@s26], [sflag:s13] =	dma.strided [spmem:s16@s21], $0x2800, s31, $0x10   }
.Ltmp4:
0x12b: {  	_ =	swait.ge [sflag:s0], $0x2800;
	(pc) =	sbr.rel @p1 .LBB2_9-.Ltmp4, $3  }
0x12c: {  	[sflag:s0] =	ssyncset.done $0x0  }
0x12d: {  	[sflag:s0] =	ssyncadd.s32 $0xFFFFD800  }
0x12e: {  	[bflag:$0x0] =	sbarrier.arrive $0xFFFF;
	_ =	sdelay $0x1  }
0x12f: {  	[spmem:s16], [sflag:s13] =	dma.local [hbm:s17], $0x2800  }
0x130: {  	_ =	swait.ge [sflag:s0], $0x2800  }
0x131: {  	[sflag:s0] =	ssyncset.done $0x0  }
0x132: {  	[sflag:s0] =	ssyncadd.s32 $0xFFFFD800  }
0x133: {  	s12 =	simm.s32 $0x0;
	[bflag:$0x0] =	sbarrier.arrive $0xFFFF  }
0x134: {  	[tilespmem:s12], [sflag:$0x1] =	stream.linear.gather [hbm4b:s8+s12], $0x80, $0x38;
	[tilespmem:$0x1C100] =	vst v63  }
0x135: {  	s14 =	rddreg [dreg:$0xd]  }
0x136: {  	[tilespmem:s20], [sflag:$0x1] =	stream.strided.gather [hbm4b:s14+s2], $0x4000, s19, s2, $0x38;
	[tilespmem:$0x1C100] =	vst v63  }
0x137: {  	_ = 	snop  }
0x138: {  	[tilespmem:s21], [sflag:$0x2] =	stream.linear.gather [hbm4b:s4+s12], $0x80, $0x38;
	[tilespmem:$0x1C100] =	vst v63  }
0x139: {  	s14 =	rddreg [dreg:$0xb]  }
0x13a: {  	[tilespmem:s22], [sflag:$0x2] =	stream.strided.gather [hbm4b:s14+s2], $0x4000, s19, s2, $0x38;
	[tilespmem:$0x1C100] =	vst v63  }
0x13b: {  	_ =	swait.ge [sflag:s5], $0x80  }
0x13c: {  	[sflag:s5] =	ssyncset.done $0x0  }
0x13d: {  	[sflag:s5] =	ssyncadd.s32 $0xFFFFFF80  }
0x13e: {  	_ =	swait.ge [sflag:s5], $0x4000  }
0x13f: {  	[sflag:s5] =	ssyncset.done $0x0  }
0x140: {  	[sflag:s5] =	ssyncadd.s32 $0xFFFFC000  }
0x141: {  	[spmem:s1] =	stream.indirect.scatter.add.f32 [tilespmem:s20], [sflag:$0x3], $0x80, s3, s21, $0xb8;
	[tilespmem:$0x1C100] =	vst v63  }
0x142: {  	_ =	swait.ge [sflag:s0], $0x4000  }
0x143: {  	[sflag:s0] =	ssyncset.done $0x0  }
0x144: {  	s18 =	sadd.s32 $0x0, s11;
	s24 =	rddreg [dreg:$0x12];
	[sflag:s0] =	ssyncadd.s32 $0xFFFFC000  }
0x145: {  	[tilespmem:s3], [sflag:$0x1] =	stream.linear.gather [hbm4b:s18+s3], $0x80, $0x38;
	[tilespmem:$0x1C100] =	vst v63  }
0x146: {  	s23 =	sadd.s32 $0xFFFD8000, s24  }
0x147: {  	[tilespmem:s20], [sflag:$0x1] =	stream.strided.gather [hbm4b:s23+s2], $0x4000, s19, s2, $0x38;
	[tilespmem:$0x1C100] =	vst v63  }
0x148: {  	_ =	swait.ge [sflag:s6], $0x80  }
0x149: {  	[sflag:s6] =	ssyncset.done $0x0  }
0x14a: {  	[sflag:s6] =	ssyncadd.s32 $0xFFFFFF80  }
0x14b: {  	_ =	swait.ge [sflag:s6], $0x4000  }
0x14c: {  	[sflag:s6] =	ssyncset.done $0x0  }
0x14d: {  	[sflag:s6] =	ssyncadd.s32 $0xFFFFC000  }
0x14e: {  	[spmem:s1] =	stream.indirect.scatter.add.f32 [tilespmem:s22], [sflag:$0x3], $0x80, s21, s21, $0xb8;
	[tilespmem:$0x1C100] =	vst v63  }
0x14f: {  	_ =	swait.ge [sflag:s0], $0x4000  }
0x150: {  	s26 =	sadd.s32 $0x0, s10;
	[sflag:s0] =	ssyncset.done $0x0  }
0x151: {  	s18 =	simm.s32 $0x200;
	s23 =	sadd.s32 $0x50000, s24;
	[sflag:s0] =	ssyncadd.s32 $0xFFFFC000  }
0x152: {  	[tilespmem:s21], [sflag:$0x2] =	stream.linear.gather [hbm4b:s26+s3], $0x80, $0x38;
	[tilespmem:$0x1C100] =	vst v63  }
.LBB2_7:
0x153: {  	[tilespmem:s22], [sflag:$0x2] =	stream.strided.gather [hbm4b:s24+s2], $0x4000, s19, s2, $0x38;
	[tilespmem:$0x1C100] =	vst v63  }
0x154: {  	s12 =	smov.u32 s18;
	s24 =	smov.u32 s23  }
0x155: {  	p3 =	sne.s32 s18, $0x4A00;
	s18 =	sadd.s32 $0x200, s18;
	_ =	swait.ge [sflag:s5], $0x80  }
0x156: {  	[sflag:s5] =	ssyncset.done $0x0  }
0x157: {  	[sflag:s5] =	ssyncadd.s32 $0xFFFFFF80  }
0x158: {  	_ =	swait.ge [sflag:s5], $0x4000  }
0x159: {  	[sflag:s5] =	ssyncset.done $0x0  }
0x15a: {  	[sflag:s5] =	ssyncadd.s32 $0xFFFFC000  }
0x15b: {  	[spmem:s1] =	stream.indirect.scatter.add.f32 [tilespmem:s20], [sflag:$0x3], $0x80, s3, s21, $0xb8;
	[tilespmem:$0x1C100] =	vst v63  }
0x15c: {  	_ =	swait.ge [sflag:s0], $0x4000  }
0x15d: {  	[sflag:s0] =	ssyncset.done $0x0  }
0x15e: {  	s14 =	sadd.s32 s12, s11;
	[sflag:s0] =	ssyncadd.s32 $0xFFFFC000  }
0x15f: {  	[tilespmem:s3], [sflag:$0x1] =	stream.linear.gather [hbm4b:s14+s3], $0x80, $0x38;
	[tilespmem:$0x1C100] =	vst v63  }
0x160: {  	s14 =	sadd.s32 $0xFFFD8000, s23  }
0x161: {  	[tilespmem:s20], [sflag:$0x1] =	stream.strided.gather [hbm4b:s14+s2], $0x4000, s19, s2, $0x38;
	[tilespmem:$0x1C100] =	vst v63  }
0x162: {  	_ =	swait.ge [sflag:s6], $0x80  }
0x163: {  	[sflag:s6] =	ssyncset.done $0x0  }
0x164: {  	[sflag:s6] =	ssyncadd.s32 $0xFFFFFF80  }
0x165: {  	_ =	swait.ge [sflag:s6], $0x4000  }
0x166: {  	[sflag:s6] =	ssyncset.done $0x0  }
0x167: {  	[sflag:s6] =	ssyncadd.s32 $0xFFFFC000  }
0x168: {  	[spmem:s1] =	stream.indirect.scatter.add.f32 [tilespmem:s22], [sflag:$0x3], $0x80, s21, s21, $0xb8;
	[tilespmem:$0x1C100] =	vst v63  }
.Ltmp5:
0x169: {  	_ =	swait.ge [sflag:s0], $0x4000;
	(pc) =	sbr.rel @p3 .LBB2_7-.Ltmp5, $4  }
0x16a: {  	[sflag:s0] =	ssyncset.done $0x0  }
0x16b: {  	s12 =	sadd.s32 s12, s10;
	[sflag:s0] =	ssyncadd.s32 $0xFFFFC000  }
0x16c: {  	[tilespmem:s21], [sflag:$0x2] =	stream.linear.gather [hbm4b:s12+s3], $0x80, $0x38;
	[tilespmem:$0x1C100] =	vst v63  }
0x16d: {  	s23 =	sadd.s32 $0x50000, s23  }
.Ltmp6:
0x16e: {  	_ = 	snop;
	(pc) =	sbr.rel .LBB2_8-.Ltmp6, $1  }
0x16f: {  	_ =	sdelay $0x3  }
.LBB2_10:
0x170: {  	_ =	sfence.sel $0x180000  }
0x171: {  	[bflag:$0x0] =	sbarrier.arrive $0xFFFF  }
0x172: {  	_ =	strace $0x90000050  }
0x173: {  	s0 =	stileid.u32;
	[bflag:$0x2] =	sbarrier.arrive $0xFFFF  }
0x174: {  	p0 =	sne.s32 s0, $0x0;
	s0 =	rddreg [dreg:$0x3]  }
0x175: {  	s0 =	sadd.s32 @!p0 $0x100000, s0  }
0x176: {  	[sflag:s0] =	ssyncadd.tile.s32 @!p0 $0x1;
	_ =	shalt  }
.Lfunc_end2:
_tile_overlayer_lowered:
.L_overlay_start_2:
0x177: {  	(tag) =	ssettag $0x2  }
0x178: {  	s0 =	rddreg [dreg:$0x0];
	s2 =	stileid.u32  }
0x179: {  	s1 =	rddreg [dreg:$0x1];
	p0 =	sne.s32 s2, $0x0  }
0x17a: {  	s3 =	rddreg [dreg:$0x2];
	[bflag:$0x3] =	sbarrier.arrive $0xFFFF;
	s2 =	simm.s32 @!p0 $0x1C03  }
0x17b: {  	[timem:s3], [sflag:s2] =	dma.local @!p0 [hbm:s0], s1  }
0x17c: {  	s0 =	simm.s32 @!p0 $0x3  }
0x17d: {  	_ =	swait.ge @!p0 [sflag:s0], s1  }
0x17e: {  	s1 =	ssub.s32 @!p0 $0x0, s1;
	[sflag:s0] =	ssyncset.done @!p0 $0x0  }
0x17f: {  	[sflag:s0] =	ssyncadd.s32 @!p0 s1  }
0x180: {  	[bflag:$0x3] =	sbarrier.arrive $0xFFFF  }
0x181: {  	_ =	shalt  }

</sc_bundles>
